<compile_context>
chip_gen: v7x
topology: tpu7x:2x2x1
jax: 0.10.2.dev20260603
libtpu: 0.0.44.dev20260713+nightly
codegen_flags: <defaults>
</compile_context>

<pallas_src>
import functools

import jax
import jax.numpy as jnp
from jax import lax
from jax.experimental import pallas as pl
from jax.experimental.pallas import tpu as pltpu
from jax.experimental.pallas import tpu_sc as plsc

N, C, H, W = 4, 32, 384, 384
HW = H * W
NP = N * HW
NWORK = 32
PW = NP // NWORK
B = 288
NCHUNK = PW // B
L = 16


def _reflect_floor(v, size):
    span = float(size - 1)
    a = jnp.abs(v)
    extra = jnp.mod(a, span)
    flips = (a / span).astype(jnp.int32)
    r = jnp.where((flips & 1) == 0, extra, span - extra)
    r = jnp.clip(r, 0.0, span)
    i0 = r.astype(jnp.int32)
    frac = r - i0.astype(jnp.float32)
    return i0, frac


def _sc_body(table, gxh, gyh, outh,
             gx_v, gy_v, idx_v, wgt_v, rows_v, out_v,
             sem0, sem1, gsem0, gsem1, osem0, osem1):
    wid = lax.axis_index("s") * 2 + lax.axis_index("c")
    base_row = (wid // 8) * HW
    n = wid // 8
    sems = (sem0, sem1)
    gsems = (gsem0, gsem1)
    osems = (osem0, osem1)

    def fire_grid(b, t):
        p0 = wid * PW + t * B
        pltpu.async_copy(gxh.at[pl.ds(p0, B)], gx_v.at[b], gsems[b])
        pltpu.async_copy(gyh.at[pl.ds(p0, B)], gy_v.at[b], gsems[b])

    def drain_grid(b):
        pltpu.make_async_copy(gxh.at[pl.ds(0, B)], gx_v.at[b],
                              gsems[b]).wait()
        pltpu.make_async_copy(gyh.at[pl.ds(0, B)], gy_v.at[b],
                              gsems[b]).wait()

    def stage(b, t):

        @pl.when(t + 1 < NCHUNK)
        def _():
            fire_grid(1 - b, t + 1)

        drain_grid(b)

        @plsc.parallel_loop(0, B // L, unroll=3)
        def idx_body(g):
            sl = pl.ds(g * L, L)
            ix = (gx_v[b, sl] + 1.0) * 0.5 * (W - 1)
            iy = (gy_v[b, sl] + 1.0) * 0.5 * (H - 1)
            ix0, wx1 = _reflect_floor(ix, W)
            iy0, wy1 = _reflect_floor(iy, H)
            ix0c = jnp.minimum(ix0, W - 1)
            ix1c = jnp.minimum(ix0 + 1, W - 1)
            iy0c = jnp.minimum(iy0, H - 1)
            iy1c = jnp.minimum(iy0 + 1, H - 1)
            r0 = base_row + iy0c * W
            r1 = base_row + iy1c * W
            idx_v[b, pl.ds(0 * B + g * L, L)] = r0 + ix0c
            idx_v[b, pl.ds(1 * B + g * L, L)] = r0 + ix1c
            idx_v[b, pl.ds(2 * B + g * L, L)] = r1 + ix0c
            idx_v[b, pl.ds(3 * B + g * L, L)] = r1 + ix1c
            wx0 = 1.0 - wx1
            wy0 = 1.0 - wy1
            wgt_v[b, pl.ds(0 * B + g * L, L)] = wy0 * wx0
            wgt_v[b, pl.ds(1 * B + g * L, L)] = wy0 * wx1
            wgt_v[b, pl.ds(2 * B + g * L, L)] = wy1 * wx0
            wgt_v[b, pl.ds(3 * B + g * L, L)] = wy1 * wx1

        return pltpu.async_copy(table.at[idx_v.at[b]], rows_v.at[b], sems[b])

    chv = [lax.iota(jnp.int32, L) + h * L for h in range(C // L)]

    def out_slice(t):
        lp0 = (wid % 8) * PW + t * B
        return outh.at[n, :, pl.ds(lp0, B)]

    def blend(b, t):

        @pl.when(t >= 2)
        def _():
            pltpu.make_async_copy(out_v.at[b, :, pl.ds(0, B)],
                                  out_slice(t), osems[b]).wait()

        @plsc.parallel_loop(0, B // L, unroll=3)
        def blend_body(g):
            sl = pl.ds(g * L, L)
            w00v = wgt_v[b, pl.ds(0 * B + g * L, L)]
            w01v = wgt_v[b, pl.ds(1 * B + g * L, L)]
            w10v = wgt_v[b, pl.ds(2 * B + g * L, L)]
            w11v = wgt_v[b, pl.ds(3 * B + g * L, L)]
            pb = jnp.full((L,), g * L, dtype=jnp.int32)
            for i in range(L):
                ci = jnp.full((L,), i, dtype=jnp.int32)
                w00 = w00v.at[ci].get(mode="promise_in_bounds")
                w01 = w01v.at[ci].get(mode="promise_in_bounds")
                w10 = w10v.at[ci].get(mode="promise_in_bounds")
                w11 = w11v.at[ci].get(mode="promise_in_bounds")
                p = g * L + i
                for h in range(C // L):
                    cs = pl.ds(h * L, L)
                    acc = ((rows_v[b, 0 * B + p, cs] * w00 +
                            rows_v[b, 1 * B + p, cs] * w01) +
                           (rows_v[b, 2 * B + p, cs] * w10 +
                            rows_v[b, 3 * B + p, cs] * w11))
                    plsc.store_scatter(out_v.at[b], [chv[h], pb + i], acc)

        pltpu.async_copy(out_v.at[b, :, pl.ds(0, B)], out_slice(t), osems[b])

    fire_grid(0, 0)
    stage(0, 0)

    def outer_body(to, carry):
        for b in range(2):
            t = to * 2 + b

            @pl.when(t + 1 < NCHUNK)
            def _():
                stage(1 - b, t + 1)

            pltpu.make_async_copy(
                table.at[idx_v.at[b]], rows_v.at[b], sems[b]).wait()
            blend(b, t)
        return carry

    lax.fori_loop(0, NCHUNK // 2, outer_body, 0)

    pltpu.make_async_copy(out_v.at[0, :, pl.ds(0, B)],
                          out_slice(NCHUNK - 2), osems[0]).wait()
    pltpu.make_async_copy(out_v.at[1, :, pl.ds(0, B)],
                          out_slice(NCHUNK - 1), osems[1]).wait()


TB = 512
NTCH = PW // TB


def _tr_body(inp, tab, in_v, tr_v, sem0, sem1, osem0, osem1):
    wid = lax.axis_index("s") * 2 + lax.axis_index("c")
    n = wid // 8
    sems = (sem0, sem1)
    osems = (osem0, osem1)

    def fire(b, t):
        lp0 = (wid % 8) * PW + t * TB
        return pltpu.async_copy(inp.at[n, :, pl.ds(lp0, TB)], in_v.at[b],
                                sems[b])

    def tab_slice(t):
        gp0 = wid * PW + t * TB
        return tab.at[pl.ds(gp0, TB)]

    pix = lax.iota(jnp.int32, L)

    def transpose_chunk(b, t):
        pltpu.make_async_copy(
            inp.at[n, :, pl.ds(0, TB)], in_v.at[b], sems[b]).wait()

        @pl.when(t >= 2)
        def _():
            pltpu.make_async_copy(tr_v.at[b, :, pl.ds(0, C)],
                                  tab_slice(t), osems[b]).wait()

        @plsc.parallel_loop(0, C, unroll=4)
        def tr_loop(c):
            cv = jnp.full((L,), c, dtype=jnp.int32)
            for g in range(TB // L):
                v = in_v[b, c, pl.ds(g * L, L)]
                plsc.store_scatter(tr_v.at[b], [pix + g * L, cv], v)

        pltpu.async_copy(tr_v.at[b, :, pl.ds(0, C)], tab_slice(t), osems[b])

    fire(0, 0)

    def outer_body(to, carry):
        for b in range(2):
            t = to * 2 + b

            @pl.when(t + 1 < NTCH)
            def _():
                fire(1 - b, t + 1)

            transpose_chunk(b, t)
        return carry

    lax.fori_loop(0, NTCH // 2, outer_body, 0)
    pltpu.make_async_copy(tr_v.at[0, :, pl.ds(0, C)],
                          tab_slice(NTCH - 2), osems[0]).wait()
    pltpu.make_async_copy(tr_v.at[1, :, pl.ds(0, C)],
                          tab_slice(NTCH - 1), osems[1]).wait()


@jax.jit
def _transpose_sc(inp):
    mesh = plsc.VectorSubcoreMesh(core_axis_name="c", subcore_axis_name="s")
    kfn = functools.partial(
        pl.kernel,
        mesh=mesh,
        compiler_params=pltpu.CompilerParams(
            use_tc_tiling_on_sc=False, needs_layout_passes=False),
        out_type=jax.ShapeDtypeStruct((NP, C), jnp.float32),
        scratch_types=[
            pltpu.VMEM((2, C, TB), jnp.float32),
            pltpu.VMEM((2, TB, C + 1), jnp.float32),
            pltpu.SemaphoreType.DMA,
            pltpu.SemaphoreType.DMA,
            pltpu.SemaphoreType.DMA,
            pltpu.SemaphoreType.DMA,
        ],
    )(_tr_body)
    return kfn(inp)


@jax.jit
def _grid_sample_sc(tableT, gx, gy):
    mesh = plsc.VectorSubcoreMesh(core_axis_name="c", subcore_axis_name="s")
    kfn = functools.partial(
        pl.kernel,
        mesh=mesh,
        compiler_params=pltpu.CompilerParams(
            use_tc_tiling_on_sc=False, needs_layout_passes=False),
        out_type=jax.ShapeDtypeStruct((N, C, HW), jnp.float32),
        scratch_types=[
            pltpu.VMEM((2, B), jnp.float32),
            pltpu.VMEM((2, B), jnp.float32),
            pltpu.VMEM((2, 4 * B), jnp.int32),
            pltpu.VMEM((2, 4 * B), jnp.float32),
            pltpu.VMEM((2, 4 * B, C), jnp.float32),
            pltpu.VMEM((2, C, B + 1), jnp.float32),
            pltpu.SemaphoreType.DMA,
            pltpu.SemaphoreType.DMA,
            pltpu.SemaphoreType.DMA,
            pltpu.SemaphoreType.DMA,
            pltpu.SemaphoreType.DMA,
            pltpu.SemaphoreType.DMA,
        ],
    )(_sc_body)
    return kfn(tableT, gx, gy)


def kernel(input, grid):
    tableT = _transpose_sc(input.reshape(N, C, HW))
    gx = grid[..., 0].reshape(NP)
    gy = grid[..., 1].reshape(NP)
    out = _grid_sample_sc(tableT, gx, gy)
    return out.reshape(N, C, H, W)

# --- scband reference (transcript-rebuilt; emitter-appended) ---
"""Pipeline reference for scband-my-model-29454885716586 (READ-ONLY COPY).

The authoritative reference and input builder live on the scoring server;
editing this copy changes nothing except your own understanding.
"""

import jax, jax.numpy as jnp
import numpy as np


def _reflect(x, size):
    # padding_mode='reflection' with align_corners=True: reflect about [0, size-1]
    span = float(size - 1)
    x = jnp.abs(x)
    extra = jnp.mod(x, span)
    flips = jnp.floor(x / span)
    x = jnp.where(jnp.mod(flips, 2.0) == 0.0, extra, span - extra)
    return jnp.clip(x, 0.0, span)


def setup_inputs(seed: int = 0):
    key = jax.random.key(seed)
    k1, k2 = jax.random.split(key)
    inp = jax.random.normal(k1, (4, 32, 384, 384), dtype=jnp.float32)
    grid = jax.random.normal(k2, (4, 384, 384, 2), dtype=jnp.float32)
    return {"input": inp, "grid": grid}


def _grid_sample(inp, grid):
    # F.grid_sample(input, grid, mode='bilinear', padding_mode='reflection', align_corners=True)
    N, C, H, W = inp.shape
    Hout, Wout = grid.shape[1], grid.shape[2]
    gx = grid[..., 0]
    gy = grid[..., 1]
    # unnormalize with align_corners=True
    ix = (gx + 1.0) * 0.5 * (W - 1)
    iy = (gy + 1.0) * 0.5 * (H - 1)
    # reflection padding on unnormalized coords
    ix = _reflect(ix, W)
    iy = _reflect(iy, H)
    ix0 = jnp.floor(ix)
    iy0 = jnp.floor(iy)
    ix1 = ix0 + 1.0
    iy1 = iy0 + 1.0
    wx1 = ix - ix0
    wx0 = 1.0 - wx1
    wy1 = iy - iy0
    wy0 = 1.0 - wy1
    ix0c = jnp.clip(ix0, 0, W - 1).astype(jnp.int32)
    ix1c = jnp.clip(ix1, 0, W - 1).astype(jnp.int32)
    iy0c = jnp.clip(iy0, 0, H - 1).astype(jnp.int32)
    iy1c = jnp.clip(iy1, 0, H - 1).astype(jnp.int32)
    flat = inp.reshape(N, C, H * W)

    def gather(iy_idx, ix_idx):
        lin = (iy_idx * W + ix_idx).reshape(N, 1, Hout * Wout)
        vals = jnp.take_along_axis(flat, jnp.broadcast_to(lin, (N, C, Hout * Wout)), axis=2)
        return vals.reshape(N, C, Hout, Wout)

    w00 = (wy0 * wx0)[:, None, :, :]
    w01 = (wy0 * wx1)[:, None, :, :]
    w10 = (wy1 * wx0)[:, None, :, :]
    w11 = (wy1 * wx1)[:, None, :, :]
    out = (gather(iy0c, ix0c) * w00 + gather(iy0c, ix1c) * w01 +
           gather(iy1c, ix0c) * w10 + gather(iy1c, ix1c) * w11)
    return out


def reference(input, grid):
    return _grid_sample(input, grid)

if __name__ == "__main__":
    import jax
    _d = setup_inputs()
    print(jax.jit(kernel)(*tuple(_d.values())))

</pallas_src>

<mosaic_0001>
#map = affine_map<(d0, d1) -> (0, 0, 0)>
#map1 = affine_map<(d0, d1) -> (0, 0)>
module attributes {stable_mosaic.version = 14 : i64} {
  func.func @_tr_body(%arg0: i32, %arg1: i32, %arg2: memref<4x32x147456xf32, #tpu.memory_space<hbm>>, %arg3: memref<589824x32xf32, #tpu.memory_space<hbm>>, %arg4: memref<2x32x512xf32, #tpu.memory_space<vmem>>, %arg5: memref<2x512x33xf32, #tpu.memory_space<vmem>>, %arg6: memref<!tpu.dma_semaphore, #tpu.memory_space<semaphore_mem>>, %arg7: memref<!tpu.dma_semaphore, #tpu.memory_space<semaphore_mem>>, %arg8: memref<!tpu.dma_semaphore, #tpu.memory_space<semaphore_mem>>, %arg9: memref<!tpu.dma_semaphore, #tpu.memory_space<semaphore_mem>>) attributes {dimension_semantics = [#tpu.dimension_semantics<core_parallel>, #tpu.dimension_semantics<subcore_parallel>], iteration_bounds = array<i64: 2, 16>, scalar_prefetch = 0 : i64, scratch_operands = 6 : i64, tpu.core_type = #tpu.core_type<sc_vector_subcore>, window_params = [{transform_indices = #map}, {transform_indices = #map1}]} {
    %mul3A = arith.constant 2 : i32
    %mul3A_0 = arith.muli %arg1, %mul3A : i32
    %add3A = arith.addi %mul3A_0, %arg0 : i32
    %jit3A = arith.constant 8 : i32
    %div3A = arith.divsi %add3A, %jit3A : i32
    %sign3A = arith.constant 0 : i32
    %sign3A_1 = arith.cmpi sgt, %add3A, %sign3A : i32
    %sign3A_2 = arith.extui %sign3A_1 : i1 to i32
    %sign3A_3 = arith.constant 0 : i32
    %sign3A_4 = arith.cmpi slt, %add3A, %sign3A_3 : i32
    %sign3A_5 = arith.extui %sign3A_4 : i1 to i32
    %sign3A_6 = arith.subi %sign3A_2, %sign3A_5 : i32
    %sign3A_7 = arith.constant 0 : i32
    %sign3A_8 = arith.cmpi sgt, %jit3A, %sign3A_7 : i32
    %sign3A_9 = arith.extui %sign3A_8 : i1 to i32
    %sign3A_10 = arith.constant 0 : i32
    %sign3A_11 = arith.cmpi slt, %jit3A, %sign3A_10 : i32
    %sign3A_12 = arith.extui %sign3A_11 : i1 to i32
    %sign3A_13 = arith.subi %sign3A_9, %sign3A_12 : i32
    %ne3A = arith.cmpi ne, %sign3A_6, %sign3A_13 : i32
    %rem3A = arith.remsi %add3A, %jit3A : i32
    %ne3A_14 = arith.constant 0 : i32
    %ne3A_15 = arith.cmpi ne, %rem3A, %ne3A_14 : i32
    %and3A = arith.andi %ne3A, %ne3A_15 : i1
    %sub3A = arith.constant 1 : i32
    %sub3A_16 = arith.subi %div3A, %sub3A : i32
    %select_n3A = arith.select %and3A, %sub3A_16, %div3A : i32
    %iota3A = tpu.iota {dimensions = array<i32: 0>} : vector<16xi32>
    %jit3A_17 = arith.constant 8 : i32
    %eq3A = arith.constant 0 : i32
    %eq3A_18 = arith.cmpi eq, %jit3A_17, %eq3A : i32
    %jit3A_19 = arith.constant 1 : i32
    %select_n3A_20 = arith.select %eq3A_18, %jit3A_19, %jit3A_17 : i32
    %rem3A_21 = arith.remsi %add3A, %select_n3A_20 : i32
    %ne3A_22 = arith.constant 0 : i32
    %ne3A_23 = arith.cmpi ne, %rem3A_21, %ne3A_22 : i32
    %lt3A = arith.constant 0 : i32
    %lt3A_24 = arith.cmpi slt, %rem3A_21, %lt3A : i32
    %lt3A_25 = arith.constant 0 : i32
    %lt3A_26 = arith.cmpi slt, %select_n3A_20, %lt3A_25 : i32
    %ne3A_27 = arith.xori %lt3A_24, %lt3A_26 : i1
    %and3A_28 = arith.andi %ne3A_27, %ne3A_23 : i1
    %add3A_29 = arith.addi %rem3A_21, %select_n3A_20 : i32
    %select_n3A_30 = arith.select %and3A_28, %add3A_29, %rem3A_21 : i32
    %mul3A_31 = arith.constant 18432 : i32
    %mul3A_32 = arith.muli %select_n3A_30, %mul3A_31 : i32
    %add3A_33 = arith.constant 0 : i32
    %add3A_34 = arith.addi %mul3A_32, %add3A_33 : i32
    %dma_start3A = arith.constant 0 : i32
    %dma_start3A_35 = arith.constant 0 : i32
    %dma_start3A_36 = arith.constant 0 : i32
    %dma_start3A_37 = tpu.memref_slice %arg4[%dma_start3A, %dma_start3A_35, %dma_start3A_36] : memref<2x32x512xf32, #tpu.memory_space<vmem>> -> memref<1x32x512xf32, #tpu.memory_space<vmem>>
    %dma_start3A_38 = tpu.memref_squeeze %dma_start3A_37 : memref<1x32x512xf32, #tpu.memory_space<vmem>> -> memref<32x512xf32, #tpu.memory_space<vmem>>
    %dma_start3A_39 = arith.constant 0 : i32
    %dma_start3A_40 = tpu.memref_slice %arg2[%select_n3A, %dma_start3A_39, %add3A_34] : memref<4x32x147456xf32, #tpu.memory_space<hbm>> -> memref<1x32x512xf32, #tpu.memory_space<hbm>>
    %dma_start3A_41 = tpu.memref_squeeze %dma_start3A_40 : memref<1x32x512xf32, #tpu.memory_space<hbm>> -> memref<32x512xf32, #tpu.memory_space<hbm>>
    %dma_start3A_42 = arith.constant 0 : i32
    %dma_start3A_43 = arith.constant 0 : i32
    %dma_start3A_44 = tpu.memref_slice %arg4[%dma_start3A, %dma_start3A_42, %dma_start3A_43] : memref<2x32x512xf32, #tpu.memory_space<vmem>> -> memref<1x32x512xf32, #tpu.memory_space<vmem>>
    %dma_start3A_45 = tpu.memref_squeeze %dma_start3A_44 : memref<1x32x512xf32, #tpu.memory_space<vmem>> -> memref<32x512xf32, #tpu.memory_space<vmem>>
    %dma_start3A_46 = arith.constant 0 : i32
    %dma_start3A_47 = tpu.memref_slice %arg2[%select_n3A, %dma_start3A_46, %add3A_34] : memref<4x32x147456xf32, #tpu.memory_space<hbm>> -> memref<1x32x512xf32, #tpu.memory_space<hbm>>
    %dma_start3A_48 = tpu.memref_squeeze %dma_start3A_47 : memref<1x32x512xf32, #tpu.memory_space<hbm>> -> memref<32x512xf32, #tpu.memory_space<hbm>>
    tpu.enqueue_dma source(%dma_start3A_48 : memref<32x512xf32, #tpu.memory_space<hbm>>) target(%dma_start3A_45 : memref<32x512xf32, #tpu.memory_space<vmem>>) target_semaphore(%arg6 : memref<!tpu.dma_semaphore, #tpu.memory_space<semaphore_mem>>)
    %scan3A = arith.constant 0 : i32
    %scan3A_49 = arith.constant 0 : i32
    %scan3A_50 = arith.constant 18 : i32
    %scan3A_51 = arith.addi %scan3A_49, %scan3A_50 : i32
    %scan3A_52 = arith.constant 1 : i32
    scf.for %scan3A_87 = %scan3A_49 to %scan3A_51 step %scan3A_52  : i32 {
      %mul3A_88 = arith.constant 2 : i32
      %mul3A_89 = arith.muli %scan3A_87, %mul3A_88 : i32
      %add3A_90 = arith.constant 0 : i32
      %add3A_91 = arith.addi %mul3A_89, %add3A_90 : i32
      %add3A_92 = arith.constant 1 : i32
      %add3A_93 = arith.addi %add3A_91, %add3A_92 : i32
      %lt3A_94 = arith.constant 36 : i32
      %lt3A_95 = arith.cmpi slt, %add3A_93, %lt3A_94 : i32
      %convert_element_type3A = arith.extui %lt3A_95 : i1 to i32
      %cond3A = arith.constant 0 : i32
      %cond3A_96 = arith.cmpi ne, %convert_element_type3A, %cond3A : i32
      scf.if %cond3A_96 {
        %add3A_192 = arith.constant 1 : i32
        %add3A_193 = arith.addi %add3A_91, %add3A_192 : i32
        %jit3A_194 = arith.constant 8 : i32
        %eq3A_195 = arith.constant 0 : i32
        %eq3A_196 = arith.cmpi eq, %jit3A_194, %eq3A_195 : i32
        %jit3A_197 = arith.constant 1 : i32
        %select_n3A_198 = arith.select %eq3A_196, %jit3A_197, %jit3A_194 : i32
        %rem3A_199 = arith.remsi %add3A, %select_n3A_198 : i32
        %ne3A_200 = arith.constant 0 : i32
        %ne3A_201 = arith.cmpi ne, %rem3A_199, %ne3A_200 : i32
        %lt3A_202 = arith.constant 0 : i32
        %lt3A_203 = arith.cmpi slt, %rem3A_199, %lt3A_202 : i32
        %lt3A_204 = arith.constant 0 : i32
        %lt3A_205 = arith.cmpi slt, %select_n3A_198, %lt3A_204 : i32
        %ne3A_206 = arith.xori %lt3A_203, %lt3A_205 : i1
        %and3A_207 = arith.andi %ne3A_206, %ne3A_201 : i1
        %add3A_208 = arith.addi %rem3A_199, %select_n3A_198 : i32
        %select_n3A_209 = arith.select %and3A_207, %add3A_208, %rem3A_199 : i32
        %mul3A_210 = arith.constant 18432 : i32
        %mul3A_211 = arith.muli %select_n3A_209, %mul3A_210 : i32
        %mul3A_212 = arith.constant 512 : i32
        %mul3A_213 = arith.muli %add3A_193, %mul3A_212 : i32
        %add3A_214 = arith.addi %mul3A_211, %mul3A_213 : i32
        %dma_start3A_215 = arith.constant 1 : i32
        %dma_start3A_216 = arith.constant 0 : i32
        %dma_start3A_217 = arith.constant 0 : i32
        %dma_start3A_218 = tpu.memref_slice %arg4[%dma_start3A_215, %dma_start3A_216, %dma_start3A_217] : memref<2x32x512xf32, #tpu.memory_space<vmem>> -> memref<1x32x512xf32, #tpu.memory_space<vmem>>
        %dma_start3A_219 = tpu.memref_squeeze %dma_start3A_218 : memref<1x32x512xf32, #tpu.memory_space<vmem>> -> memref<32x512xf32, #tpu.memory_space<vmem>>
        %dma_start3A_220 = arith.constant 0 : i32
        %dma_start3A_221 = tpu.memref_slice %arg2[%select_n3A, %dma_start3A_220, %add3A_214] : memref<4x32x147456xf32, #tpu.memory_space<hbm>> -> memref<1x32x512xf32, #tpu.memory_space<hbm>>
        %dma_start3A_222 = tpu.memref_squeeze %dma_start3A_221 : memref<1x32x512xf32, #tpu.memory_space<hbm>> -> memref<32x512xf32, #tpu.memory_space<hbm>>
        %dma_start3A_223 = arith.constant 0 : i32
        %dma_start3A_224 = arith.constant 0 : i32
        %dma_start3A_225 = tpu.memref_slice %arg4[%dma_start3A_215, %dma_start3A_223, %dma_start3A_224] : memref<2x32x512xf32, #tpu.memory_space<vmem>> -> memref<1x32x512xf32, #tpu.memory_space<vmem>>
        %dma_start3A_226 = tpu.memref_squeeze %dma_start3A_225 : memref<1x32x512xf32, #tpu.memory_space<vmem>> -> memref<32x512xf32, #tpu.memory_space<vmem>>
        %dma_start3A_227 = arith.constant 0 : i32
        %dma_start3A_228 = tpu.memref_slice %arg2[%select_n3A, %dma_start3A_227, %add3A_214] : memref<4x32x147456xf32, #tpu.memory_space<hbm>> -> memref<1x32x512xf32, #tpu.memory_space<hbm>>
        %dma_start3A_229 = tpu.memref_squeeze %dma_start3A_228 : memref<1x32x512xf32, #tpu.memory_space<hbm>> -> memref<32x512xf32, #tpu.memory_space<hbm>>
        tpu.enqueue_dma source(%dma_start3A_229 : memref<32x512xf32, #tpu.memory_space<hbm>>) target(%dma_start3A_226 : memref<32x512xf32, #tpu.memory_space<vmem>>) target_semaphore(%arg7 : memref<!tpu.dma_semaphore, #tpu.memory_space<semaphore_mem>>)
      } else {
      }
      %dma_wait3A_97 = arith.constant 0 : i32
      %dma_wait3A_98 = arith.constant 0 : i32
      %dma_wait3A_99 = arith.constant 0 : i32
      %dma_wait3A_100 = tpu.memref_slice %arg4[%dma_wait3A_97, %dma_wait3A_98, %dma_wait3A_99] : memref<2x32x512xf32, #tpu.memory_space<vmem>> -> memref<1x32x512xf32, #tpu.memory_space<vmem>>
      %dma_wait3A_101 = tpu.memref_squeeze %dma_wait3A_100 : memref<1x32x512xf32, #tpu.memory_space<vmem>> -> memref<32x512xf32, #tpu.memory_space<vmem>>
      %dma_wait3A_102 = arith.constant 0 : i32
      %dma_wait3A_103 = arith.constant 0 : i32
      %dma_wait3A_104 = tpu.memref_slice %arg2[%select_n3A, %dma_wait3A_102, %dma_wait3A_103] : memref<4x32x147456xf32, #tpu.memory_space<hbm>> -> memref<1x32x512xf32, #tpu.memory_space<hbm>>
      %dma_wait3A_105 = tpu.memref_squeeze %dma_wait3A_104 : memref<1x32x512xf32, #tpu.memory_space<hbm>> -> memref<32x512xf32, #tpu.memory_space<hbm>>
      %dma_wait3A_106 = arith.constant 0 : i32
      %dma_wait3A_107 = arith.constant 0 : i32
      %dma_wait3A_108 = tpu.memref_slice %arg4[%dma_wait3A_97, %dma_wait3A_106, %dma_wait3A_107] : memref<2x32x512xf32, #tpu.memory_space<vmem>> -> memref<1x32x512xf32, #tpu.memory_space<vmem>>
      %dma_wait3A_109 = tpu.memref_squeeze %dma_wait3A_108 : memref<1x32x512xf32, #tpu.memory_space<vmem>> -> memref<32x512xf32, #tpu.memory_space<vmem>>
      %dma_wait3A_110 = arith.constant 0 : i32
      %dma_wait3A_111 = arith.constant 0 : i32
      %dma_wait3A_112 = tpu.memref_slice %arg2[%select_n3A, %dma_wait3A_110, %dma_wait3A_111] : memref<4x32x147456xf32, #tpu.memory_space<hbm>> -> memref<1x32x512xf32, #tpu.memory_space<hbm>>
      %dma_wait3A_113 = tpu.memref_squeeze %dma_wait3A_112 : memref<1x32x512xf32, #tpu.memory_space<hbm>> -> memref<32x512xf32, #tpu.memory_space<hbm>>
      tpu.wait_dma2 semaphore(%arg6 : memref<!tpu.dma_semaphore, #tpu.memory_space<semaphore_mem>>) src(%dma_wait3A_113 : memref<32x512xf32, #tpu.memory_space<hbm>>) dst(%dma_wait3A_109 : memref<32x512xf32, #tpu.memory_space<vmem>>)
      %ge3A = arith.constant 2 : i32
      %ge3A_114 = arith.cmpi sge, %add3A_91, %ge3A : i32
      %convert_element_type3A_115 = arith.extui %ge3A_114 : i1 to i32
      %cond3A_116 = arith.constant 0 : i32
      %cond3A_117 = arith.cmpi ne, %convert_element_type3A_115, %cond3A_116 : i32
      scf.if %cond3A_117 {
        %mul3A_192 = arith.constant 18432 : i32
        %mul3A_193 = arith.muli %add3A, %mul3A_192 : i32
        %mul3A_194 = arith.constant 512 : i32
        %mul3A_195 = arith.muli %add3A_91, %mul3A_194 : i32
        %add3A_196 = arith.addi %mul3A_193, %mul3A_195 : i32
        %dma_wait3A_197 = arith.constant 0 : i32
        %dma_wait3A_198 = arith.constant 0 : i32
        %dma_wait3A_199 = arith.constant 0 : i32
        %dma_wait3A_200 = tpu.memref_slice %arg5[%dma_wait3A_197, %dma_wait3A_198, %dma_wait3A_199] : memref<2x512x33xf32, #tpu.memory_space<vmem>> -> memref<1x512x32xf32, #tpu.memory_space<vmem>>
        %dma_wait3A_201 = tpu.memref_squeeze %dma_wait3A_200 : memref<1x512x32xf32, #tpu.memory_space<vmem>> -> memref<512x32xf32, #tpu.memory_space<vmem>>
        %dma_wait3A_202 = arith.constant 0 : i32
        %dma_wait3A_203 = tpu.memref_slice %arg3[%add3A_196, %dma_wait3A_202] : memref<589824x32xf32, #tpu.memory_space<hbm>> -> memref<512x32xf32, #tpu.memory_space<hbm>>
        %dma_wait3A_204 = arith.constant 0 : i32
        %dma_wait3A_205 = tpu.memref_slice %arg3[%add3A_196, %dma_wait3A_204] : memref<589824x32xf32, #tpu.memory_space<hbm>> -> memref<512x32xf32, #tpu.memory_space<hbm>>
        %dma_wait3A_206 = arith.constant 0 : i32
        %dma_wait3A_207 = arith.constant 0 : i32
        %dma_wait3A_208 = tpu.memref_slice %arg5[%dma_wait3A_197, %dma_wait3A_206, %dma_wait3A_207] : memref<2x512x33xf32, #tpu.memory_space<vmem>> -> memref<1x512x32xf32, #tpu.memory_space<vmem>>
        %dma_wait3A_209 = tpu.memref_squeeze %dma_wait3A_208 : memref<1x512x32xf32, #tpu.memory_space<vmem>> -> memref<512x32xf32, #tpu.memory_space<vmem>>
        tpu.wait_dma2 semaphore(%arg8 : memref<!tpu.dma_semaphore, #tpu.memory_space<semaphore_mem>>) src(%dma_wait3A_209 : memref<512x32xf32, #tpu.memory_space<vmem>>) dst(%dma_wait3A_205 : memref<512x32xf32, #tpu.memory_space<hbm>>)
      } else {
      }
      %parallel_loop3A = arith.constant 0 : i32
      %parallel_loop3A_118 = arith.constant 32 : i32
      %parallel_loop3A_119 = arith.constant 1 : i32
      scf.for %parallel_loop3A_192 = %parallel_loop3A to %parallel_loop3A_118 step %parallel_loop3A_119  : i32 {
        %parallel_loop3A_193 = vector.broadcast %parallel_loop3A_192 : i32 to vector<16xi32>
        %parallel_loop3A_194 = arith.constant 0 : i32
        %parallel_loop3A_195 = arith.index_cast %parallel_loop3A_194 : i32 to index
        %parallel_loop3A_196 = arith.index_cast %parallel_loop3A_192 : i32 to index
        %parallel_loop3A_197 = arith.constant 0 : index
        %parallel_loop3A_198 = tpu.vector_load %arg4[%parallel_loop3A_195, %parallel_loop3A_196, %parallel_loop3A_197] {strides = array<i32>} : memref<2x32x512xf32, #tpu.memory_space<vmem>>, vector<16xf32>,
        %parallel_loop3A_199 = arith.constant 0 : i32
        %parallel_loop3A_200 = vector.broadcast %parallel_loop3A_199 : i32 to vector<16xi32>
        %parallel_loop3A_201 = arith.addi %iota3A, %parallel_loop3A_200 : vector<16xi32>
        %parallel_loop3A_202 = arith.constant 0 : i32
        %parallel_loop3A_203 = arith.constant 0 : i32
        %parallel_loop3A_204 = arith.constant 0 : i32
        %parallel_loop3A_205 = tpu.memref_slice %arg5[%parallel_loop3A_202, %parallel_loop3A_203, %parallel_loop3A_204] : memref<2x512x33xf32, #tpu.memory_space<vmem>> -> memref<1x512x33xf32, #tpu.memory_space<vmem>>
        %parallel_loop3A_206 = tpu.memref_squeeze %parallel_loop3A_205 : memref<1x512x33xf32, #tpu.memory_space<vmem>> -> memref<512x33xf32, #tpu.memory_space<vmem>>
        tpu.vector_store_idx %parallel_loop3A_206[%parallel_loop3A_201, %parallel_loop3A_193], %parallel_loop3A_198 : memref<512x33xf32, #tpu.memory_space<vmem>>[vector<16xi32>, vector<16xi32>], vector<16xf32>,
        %parallel_loop3A_207 = arith.constant 0 : i32
        %parallel_loop3A_208 = arith.index_cast %parallel_loop3A_207 : i32 to index
        %parallel_loop3A_209 = arith.index_cast %parallel_loop3A_192 : i32 to index
        %parallel_loop3A_210 = arith.constant 16 : index
        %parallel_loop3A_211 = tpu.vector_load %arg4[%parallel_loop3A_208, %parallel_loop3A_209, %parallel_loop3A_210] {strides = array<i32>} : memref<2x32x512xf32, #tpu.memory_space<vmem>>, vector<16xf32>,
        %parallel_loop3A_212 = arith.constant 16 : i32
        %parallel_loop3A_213 = vector.broadcast %parallel_loop3A_212 : i32 to vector<16xi32>
        %parallel_loop3A_214 = arith.addi %iota3A, %parallel_loop3A_213 : vector<16xi32>
        %parallel_loop3A_215 = arith.constant 0 : i32
        %parallel_loop3A_216 = arith.constant 0 : i32
        %parallel_loop3A_217 = arith.constant 0 : i32
        %parallel_loop3A_218 = tpu.memref_slice %arg5[%parallel_loop3A_215, %parallel_loop3A_216, %parallel_loop3A_217] : memref<2x512x33xf32, #tpu.memory_space<vmem>> -> memref<1x512x33xf32, #tpu.memory_space<vmem>>
        %parallel_loop3A_219 = tpu.memref_squeeze %parallel_loop3A_218 : memref<1x512x33xf32, #tpu.memory_space<vmem>> -> memref<512x33xf32, #tpu.memory_space<vmem>>
        tpu.vector_store_idx %parallel_loop3A_219[%parallel_loop3A_214, %parallel_loop3A_193], %parallel_loop3A_211 : memref<512x33xf32, #tpu.memory_space<vmem>>[vector<16xi32>, vector<16xi32>], vector<16xf32>,
        %parallel_loop3A_220 = arith.constant 0 : i32
        %parallel_loop3A_221 = arith.index_cast %parallel_loop3A_220 : i32 to index
        %parallel_loop3A_222 = arith.index_cast %parallel_loop3A_192 : i32 to index
        %parallel_loop3A_223 = arith.constant 32 : index
        %parallel_loop3A_224 = tpu.vector_load %arg4[%parallel_loop3A_221, %parallel_loop3A_222, %parallel_loop3A_223] {strides = array<i32>} : memref<2x32x512xf32, #tpu.memory_space<vmem>>, vector<16xf32>,
        %parallel_loop3A_225 = arith.constant 32 : i32
        %parallel_loop3A_226 = vector.broadcast %parallel_loop3A_225 : i32 to vector<16xi32>
        %parallel_loop3A_227 = arith.addi %iota3A, %parallel_loop3A_226 : vector<16xi32>
        %parallel_loop3A_228 = arith.constant 0 : i32
        %parallel_loop3A_229 = arith.constant 0 : i32
        %parallel_loop3A_230 = arith.constant 0 : i32
        %parallel_loop3A_231 = tpu.memref_slice %arg5[%parallel_loop3A_228, %parallel_loop3A_229, %parallel_loop3A_230] : memref<2x512x33xf32, #tpu.memory_space<vmem>> -> memref<1x512x33xf32, #tpu.memory_space<vmem>>
        %parallel_loop3A_232 = tpu.memref_squeeze %parallel_loop3A_231 : memref<1x512x33xf32, #tpu.memory_space<vmem>> -> memref<512x33xf32, #tpu.memory_space<vmem>>
        tpu.vector_store_idx %parallel_loop3A_232[%parallel_loop3A_227, %parallel_loop3A_193], %parallel_loop3A_224 : memref<512x33xf32, #tpu.memory_space<vmem>>[vector<16xi32>, vector<16xi32>], vector<16xf32>,
        %parallel_loop3A_233 = arith.constant 0 : i32
        %parallel_loop3A_234 = arith.index_cast %parallel_loop3A_233 : i32 to index
        %parallel_loop3A_235 = arith.index_cast %parallel_loop3A_192 : i32 to index
        %parallel_loop3A_236 = arith.constant 48 : index
        %parallel_loop3A_237 = tpu.vector_load %arg4[%parallel_loop3A_234, %parallel_loop3A_235, %parallel_loop3A_236] {strides = array<i32>} : memref<2x32x512xf32, #tpu.memory_space<vmem>>, vector<16xf32>,
        %parallel_loop3A_238 = arith.constant 48 : i32
        %parallel_loop3A_239 = vector.broadcast %parallel_loop3A_238 : i32 to vector<16xi32>
        %parallel_loop3A_240 = arith.addi %iota3A, %parallel_loop3A_239 : vector<16xi32>
        %parallel_loop3A_241 = arith.constant 0 : i32
        %parallel_loop3A_242 = arith.constant 0 : i32
        %parallel_loop3A_243 = arith.constant 0 : i32
        %parallel_loop3A_244 = tpu.memref_slice %arg5[%parallel_loop3A_241, %parallel_loop3A_242, %parallel_loop3A_243] : memref<2x512x33xf32, #tpu.memory_space<vmem>> -> memref<1x512x33xf32, #tpu.memory_space<vmem>>
        %parallel_loop3A_245 = tpu.memref_squeeze %parallel_loop3A_244 : memref<1x512x33xf32, #tpu.memory_space<vmem>> -> memref<512x33xf32, #tpu.memory_space<vmem>>
        tpu.vector_store_idx %parallel_loop3A_245[%parallel_loop3A_240, %parallel_loop3A_193], %parallel_loop3A_237 : memref<512x33xf32, #tpu.memory_space<vmem>>[vector<16xi32>, vector<16xi32>], vector<16xf32>,
        %parallel_loop3A_246 = arith.constant 0 : i32
        %parallel_loop3A_247 = arith.index_cast %parallel_loop3A_246 : i32 to index
        %parallel_loop3A_248 = arith.index_cast %parallel_loop3A_192 : i32 to index
        %parallel_loop3A_249 = arith.constant 64 : index
        %parallel_loop3A_250 = tpu.vector_load %arg4[%parallel_loop3A_247, %parallel_loop3A_248, %parallel_loop3A_249] {strides = array<i32>} : memref<2x32x512xf32, #tpu.memory_space<vmem>>, vector<16xf32>,
        %parallel_loop3A_251 = arith.constant 64 : i32
        %parallel_loop3A_252 = vector.broadcast %parallel_loop3A_251 : i32 to vector<16xi32>
        %parallel_loop3A_253 = arith.addi %iota3A, %parallel_loop3A_252 : vector<16xi32>
        %parallel_loop3A_254 = arith.constant 0 : i32
        %parallel_loop3A_255 = arith.constant 0 : i32
        %parallel_loop3A_256 = arith.constant 0 : i32
        %parallel_loop3A_257 = tpu.memref_slice %arg5[%parallel_loop3A_254, %parallel_loop3A_255, %parallel_loop3A_256] : memref<2x512x33xf32, #tpu.memory_space<vmem>> -> memref<1x512x33xf32, #tpu.memory_space<vmem>>
        %parallel_loop3A_258 = tpu.memref_squeeze %parallel_loop3A_257 : memref<1x512x33xf32, #tpu.memory_space<vmem>> -> memref<512x33xf32, #tpu.memory_space<vmem>>
        tpu.vector_store_idx %parallel_loop3A_258[%parallel_loop3A_253, %parallel_loop3A_193], %parallel_loop3A_250 : memref<512x33xf32, #tpu.memory_space<vmem>>[vector<16xi32>, vector<16xi32>], vector<16xf32>,
        %parallel_loop3A_259 = arith.constant 0 : i32
        %parallel_loop3A_260 = arith.index_cast %parallel_loop3A_259 : i32 to index
        %parallel_loop3A_261 = arith.index_cast %parallel_loop3A_192 : i32 to index
        %parallel_loop3A_262 = arith.constant 80 : index
        %parallel_loop3A_263 = tpu.vector_load %arg4[%parallel_loop3A_260, %parallel_loop3A_261, %parallel_loop3A_262] {strides = array<i32>} : memref<2x32x512xf32, #tpu.memory_space<vmem>>, vector<16xf32>,
        %parallel_loop3A_264 = arith.constant 80 : i32
        %parallel_loop3A_265 = vector.broadcast %parallel_loop3A_264 : i32 to vector<16xi32>
        %parallel_loop3A_266 = arith.addi %iota3A, %parallel_loop3A_265 : vector<16xi32>
        %parallel_loop3A_267 = arith.constant 0 : i32
        %parallel_loop3A_268 = arith.constant 0 : i32
        %parallel_loop3A_269 = arith.constant 0 : i32
        %parallel_loop3A_270 = tpu.memref_slice %arg5[%parallel_loop3A_267, %parallel_loop3A_268, %parallel_loop3A_269] : memref<2x512x33xf32, #tpu.memory_space<vmem>> -> memref<1x512x33xf32, #tpu.memory_space<vmem>>
        %parallel_loop3A_271 = tpu.memref_squeeze %parallel_loop3A_270 : memref<1x512x33xf32, #tpu.memory_space<vmem>> -> memref<512x33xf32, #tpu.memory_space<vmem>>
        tpu.vector_store_idx %parallel_loop3A_271[%parallel_loop3A_266, %parallel_loop3A_193], %parallel_loop3A_263 : memref<512x33xf32, #tpu.memory_space<vmem>>[vector<16xi32>, vector<16xi32>], vector<16xf32>,
        %parallel_loop3A_272 = arith.constant 0 : i32
        %parallel_loop3A_273 = arith.index_cast %parallel_loop3A_272 : i32 to index
        %parallel_loop3A_274 = arith.index_cast %parallel_loop3A_192 : i32 to index
        %parallel_loop3A_275 = arith.constant 96 : index
        %parallel_loop3A_276 = tpu.vector_load %arg4[%parallel_loop3A_273, %parallel_loop3A_274, %parallel_loop3A_275] {strides = array<i32>} : memref<2x32x512xf32, #tpu.memory_space<vmem>>, vector<16xf32>,
        %parallel_loop3A_277 = arith.constant 96 : i32
        %parallel_loop3A_278 = vector.broadcast %parallel_loop3A_277 : i32 to vector<16xi32>
        %parallel_loop3A_279 = arith.addi %iota3A, %parallel_loop3A_278 : vector<16xi32>
        %parallel_loop3A_280 = arith.constant 0 : i32
        %parallel_loop3A_281 = arith.constant 0 : i32
        %parallel_loop3A_282 = arith.constant 0 : i32
        %parallel_loop3A_283 = tpu.memref_slice %arg5[%parallel_loop3A_280, %parallel_loop3A_281, %parallel_loop3A_282] : memref<2x512x33xf32, #tpu.memory_space<vmem>> -> memref<1x512x33xf32, #tpu.memory_space<vmem>>
        %parallel_loop3A_284 = tpu.memref_squeeze %parallel_loop3A_283 : memref<1x512x33xf32, #tpu.memory_space<vmem>> -> memref<512x33xf32, #tpu.memory_space<vmem>>
        tpu.vector_store_idx %parallel_loop3A_284[%parallel_loop3A_279, %parallel_loop3A_193], %parallel_loop3A_276 : memref<512x33xf32, #tpu.memory_space<vmem>>[vector<16xi32>, vector<16xi32>], vector<16xf32>,
        %parallel_loop3A_285 = arith.constant 0 : i32
        %parallel_loop3A_286 = arith.index_cast %parallel_loop3A_285 : i32 to index
        %parallel_loop3A_287 = arith.index_cast %parallel_loop3A_192 : i32 to index
        %parallel_loop3A_288 = arith.constant 112 : index
        %parallel_loop3A_289 = tpu.vector_load %arg4[%parallel_loop3A_286, %parallel_loop3A_287, %parallel_loop3A_288] {strides = array<i32>} : memref<2x32x512xf32, #tpu.memory_space<vmem>>, vector<16xf32>,
        %parallel_loop3A_290 = arith.constant 112 : i32
        %parallel_loop3A_291 = vector.broadcast %parallel_loop3A_290 : i32 to vector<16xi32>
        %parallel_loop3A_292 = arith.addi %iota3A, %parallel_loop3A_291 : vector<16xi32>
        %parallel_loop3A_293 = arith.constant 0 : i32
        %parallel_loop3A_294 = arith.constant 0 : i32
        %parallel_loop3A_295 = arith.constant 0 : i32
        %parallel_loop3A_296 = tpu.memref_slice %arg5[%parallel_loop3A_293, %parallel_loop3A_294, %parallel_loop3A_295] : memref<2x512x33xf32, #tpu.memory_space<vmem>> -> memref<1x512x33xf32, #tpu.memory_space<vmem>>
        %parallel_loop3A_297 = tpu.memref_squeeze %parallel_loop3A_296 : memref<1x512x33xf32, #tpu.memory_space<vmem>> -> memref<512x33xf32, #tpu.memory_space<vmem>>
        tpu.vector_store_idx %parallel_loop3A_297[%parallel_loop3A_292, %parallel_loop3A_193], %parallel_loop3A_289 : memref<512x33xf32, #tpu.memory_space<vmem>>[vector<16xi32>, vector<16xi32>], vector<16xf32>,
        %parallel_loop3A_298 = arith.constant 0 : i32
        %parallel_loop3A_299 = arith.index_cast %parallel_loop3A_298 : i32 to index
        %parallel_loop3A_300 = arith.index_cast %parallel_loop3A_192 : i32 to index
        %parallel_loop3A_301 = arith.constant 128 : index
        %parallel_loop3A_302 = tpu.vector_load %arg4[%parallel_loop3A_299, %parallel_loop3A_300, %parallel_loop3A_301] {strides = array<i32>} : memref<2x32x512xf32, #tpu.memory_space<vmem>>, vector<16xf32>,
        %parallel_loop3A_303 = arith.constant 128 : i32
        %parallel_loop3A_304 = vector.broadcast %parallel_loop3A_303 : i32 to vector<16xi32>
        %parallel_loop3A_305 = arith.addi %iota3A, %parallel_loop3A_304 : vector<16xi32>
        %parallel_loop3A_306 = arith.constant 0 : i32
        %parallel_loop3A_307 = arith.constant 0 : i32
        %parallel_loop3A_308 = arith.constant 0 : i32
        %parallel_loop3A_309 = tpu.memref_slice %arg5[%parallel_loop3A_306, %parallel_loop3A_307, %parallel_loop3A_308] : memref<2x512x33xf32, #tpu.memory_space<vmem>> -> memref<1x512x33xf32, #tpu.memory_space<vmem>>
        %parallel_loop3A_310 = tpu.memref_squeeze %parallel_loop3A_309 : memref<1x512x33xf32, #tpu.memory_space<vmem>> -> memref<512x33xf32, #tpu.memory_space<vmem>>
        tpu.vector_store_idx %parallel_loop3A_310[%parallel_loop3A_305, %parallel_loop3A_193], %parallel_loop3A_302 : memref<512x33xf32, #tpu.memory_space<vmem>>[vector<16xi32>, vector<16xi32>], vector<16xf32>,
        %parallel_loop3A_311 = arith.constant 0 : i32
        %parallel_loop3A_312 = arith.index_cast %parallel_loop3A_311 : i32 to index
        %parallel_loop3A_313 = arith.index_cast %parallel_loop3A_192 : i32 to index
        %parallel_loop3A_314 = arith.constant 144 : index
        %parallel_loop3A_315 = tpu.vector_load %arg4[%parallel_loop3A_312, %parallel_loop3A_313, %parallel_loop3A_314] {strides = array<i32>} : memref<2x32x512xf32, #tpu.memory_space<vmem>>, vector<16xf32>,
        %parallel_loop3A_316 = arith.constant 144 : i32
        %parallel_loop3A_317 = vector.broadcast %parallel_loop3A_316 : i32 to vector<16xi32>
        %parallel_loop3A_318 = arith.addi %iota3A, %parallel_loop3A_317 : vector<16xi32>
        %parallel_loop3A_319 = arith.constant 0 : i32
        %parallel_loop3A_320 = arith.constant 0 : i32
        %parallel_loop3A_321 = arith.constant 0 : i32
        %parallel_loop3A_322 = tpu.memref_slice %arg5[%parallel_loop3A_319, %parallel_loop3A_320, %parallel_loop3A_321] : memref<2x512x33xf32, #tpu.memory_space<vmem>> -> memref<1x512x33xf32, #tpu.memory_space<vmem>>
        %parallel_loop3A_323 = tpu.memref_squeeze %parallel_loop3A_322 : memref<1x512x33xf32, #tpu.memory_space<vmem>> -> memref<512x33xf32, #tpu.memory_space<vmem>>
        tpu.vector_store_idx %parallel_loop3A_323[%parallel_loop3A_318, %parallel_loop3A_193], %parallel_loop3A_315 : memref<512x33xf32, #tpu.memory_space<vmem>>[vector<16xi32>, vector<16xi32>], vector<16xf32>,
        %parallel_loop3A_324 = arith.constant 0 : i32
        %parallel_loop3A_325 = arith.index_cast %parallel_loop3A_324 : i32 to index
        %parallel_loop3A_326 = arith.index_cast %parallel_loop3A_192 : i32 to index
        %parallel_loop3A_327 = arith.constant 160 : index
        %parallel_loop3A_328 = tpu.vector_load %arg4[%parallel_loop3A_325, %parallel_loop3A_326, %parallel_loop3A_327] {strides = array<i32>} : memref<2x32x512xf32, #tpu.memory_space<vmem>>, vector<16xf32>,
        %parallel_loop3A_329 = arith.constant 160 : i32
        %parallel_loop3A_330 = vector.broadcast %parallel_loop3A_329 : i32 to vector<16xi32>
        %parallel_loop3A_331 = arith.addi %iota3A, %parallel_loop3A_330 : vector<16xi32>
        %parallel_loop3A_332 = arith.constant 0 : i32
        %parallel_loop3A_333 = arith.constant 0 : i32
        %parallel_loop3A_334 = arith.constant 0 : i32
        %parallel_loop3A_335 = tpu.memref_slice %arg5[%parallel_loop3A_332, %parallel_loop3A_333, %parallel_loop3A_334] : memref<2x512x33xf32, #tpu.memory_space<vmem>> -> memref<1x512x33xf32, #tpu.memory_space<vmem>>
        %parallel_loop3A_336 = tpu.memref_squeeze %parallel_loop3A_335 : memref<1x512x33xf32, #tpu.memory_space<vmem>> -> memref<512x33xf32, #tpu.memory_space<vmem>>
        tpu.vector_store_idx %parallel_loop3A_336[%parallel_loop3A_331, %parallel_loop3A_193], %parallel_loop3A_328 : memref<512x33xf32, #tpu.memory_space<vmem>>[vector<16xi32>, vector<16xi32>], vector<16xf32>,
        %parallel_loop3A_337 = arith.constant 0 : i32
        %parallel_loop3A_338 = arith.index_cast %parallel_loop3A_337 : i32 to index
        %parallel_loop3A_339 = arith.index_cast %parallel_loop3A_192 : i32 to index
        %parallel_loop3A_340 = arith.constant 176 : index
        %parallel_loop3A_341 = tpu.vector_load %arg4[%parallel_loop3A_338, %parallel_loop3A_339, %parallel_loop3A_340] {strides = array<i32>} : memref<2x32x512xf32, #tpu.memory_space<vmem>>, vector<16xf32>,
        %parallel_loop3A_342 = arith.constant 176 : i32
        %parallel_loop3A_343 = vector.broadcast %parallel_loop3A_342 : i32 to vector<16xi32>
        %parallel_loop3A_344 = arith.addi %iota3A, %parallel_loop3A_343 : vector<16xi32>
        %parallel_loop3A_345 = arith.constant 0 : i32
        %parallel_loop3A_346 = arith.constant 0 : i32
        %parallel_loop3A_347 = arith.constant 0 : i32
        %parallel_loop3A_348 = tpu.memref_slice %arg5[%parallel_loop3A_345, %parallel_loop3A_346, %parallel_loop3A_347] : memref<2x512x33xf32, #tpu.memory_space<vmem>> -> memref<1x512x33xf32, #tpu.memory_space<vmem>>
        %parallel_loop3A_349 = tpu.memref_squeeze %parallel_loop3A_348 : memref<1x512x33xf32, #tpu.memory_space<vmem>> -> memref<512x33xf32, #tpu.memory_space<vmem>>
        tpu.vector_store_idx %parallel_loop3A_349[%parallel_loop3A_344, %parallel_loop3A_193], %parallel_loop3A_341 : memref<512x33xf32, #tpu.memory_space<vmem>>[vector<16xi32>, vector<16xi32>], vector<16xf32>,
        %parallel_loop3A_350 = arith.constant 0 : i32
        %parallel_loop3A_351 = arith.index_cast %parallel_loop3A_350 : i32 to index
        %parallel_loop3A_352 = arith.index_cast %parallel_loop3A_192 : i32 to index
        %parallel_loop3A_353 = arith.constant 192 : index
        %parallel_loop3A_354 = tpu.vector_load %arg4[%parallel_loop3A_351, %parallel_loop3A_352, %parallel_loop3A_353] {strides = array<i32>} : memref<2x32x512xf32, #tpu.memory_space<vmem>>, vector<16xf32>,
        %parallel_loop3A_355 = arith.constant 192 : i32
        %parallel_loop3A_356 = vector.broadcast %parallel_loop3A_355 : i32 to vector<16xi32>
        %parallel_loop3A_357 = arith.addi %iota3A, %parallel_loop3A_356 : vector<16xi32>
        %parallel_loop3A_358 = arith.constant 0 : i32
        %parallel_loop3A_359 = arith.constant 0 : i32
        %parallel_loop3A_360 = arith.constant 0 : i32
        %parallel_loop3A_361 = tpu.memref_slice %arg5[%parallel_loop3A_358, %parallel_loop3A_359, %parallel_loop3A_360] : memref<2x512x33xf32, #tpu.memory_space<vmem>> -> memref<1x512x33xf32, #tpu.memory_space<vmem>>
        %parallel_loop3A_362 = tpu.memref_squeeze %parallel_loop3A_361 : memref<1x512x33xf32, #tpu.memory_space<vmem>> -> memref<512x33xf32, #tpu.memory_space<vmem>>
        tpu.vector_store_idx %parallel_loop3A_362[%parallel_loop3A_357, %parallel_loop3A_193], %parallel_loop3A_354 : memref<512x33xf32, #tpu.memory_space<vmem>>[vector<16xi32>, vector<16xi32>], vector<16xf32>,
        %parallel_loop3A_363 = arith.constant 0 : i32
        %parallel_loop3A_364 = arith.index_cast %parallel_loop3A_363 : i32 to index
        %parallel_loop3A_365 = arith.index_cast %parallel_loop3A_192 : i32 to index
        %parallel_loop3A_366 = arith.constant 208 : index
        %parallel_loop3A_367 = tpu.vector_load %arg4[%parallel_loop3A_364, %parallel_loop3A_365, %parallel_loop3A_366] {strides = array<i32>} : memref<2x32x512xf32, #tpu.memory_space<vmem>>, vector<16xf32>,
        %parallel_loop3A_368 = arith.constant 208 : i32
        %parallel_loop3A_369 = vector.broadcast %parallel_loop3A_368 : i32 to vector<16xi32>
        %parallel_loop3A_370 = arith.addi %iota3A, %parallel_loop3A_369 : vector<16xi32>
        %parallel_loop3A_371 = arith.constant 0 : i32
        %parallel_loop3A_372 = arith.constant 0 : i32
        %parallel_loop3A_373 = arith.constant 0 : i32
        %parallel_loop3A_374 = tpu.memref_slice %arg5[%parallel_loop3A_371, %parallel_loop3A_372, %parallel_loop3A_373] : memref<2x512x33xf32, #tpu.memory_space<vmem>> -> memref<1x512x33xf32, #tpu.memory_space<vmem>>
        %parallel_loop3A_375 = tpu.memref_squeeze %parallel_loop3A_374 : memref<1x512x33xf32, #tpu.memory_space<vmem>> -> memref<512x33xf32, #tpu.memory_space<vmem>>
        tpu.vector_store_idx %parallel_loop3A_375[%parallel_loop3A_370, %parallel_loop3A_193], %parallel_loop3A_367 : memref<512x33xf32, #tpu.memory_space<vmem>>[vector<16xi32>, vector<16xi32>], vector<16xf32>,
        %parallel_loop3A_376 = arith.constant 0 : i32
        %parallel_loop3A_377 = arith.index_cast %parallel_loop3A_376 : i32 to index
        %parallel_loop3A_378 = arith.index_cast %parallel_loop3A_192 : i32 to index
        %parallel_loop3A_379 = arith.constant 224 : index
        %parallel_loop3A_380 = tpu.vector_load %arg4[%parallel_loop3A_377, %parallel_loop3A_378, %parallel_loop3A_379] {strides = array<i32>} : memref<2x32x512xf32, #tpu.memory_space<vmem>>, vector<16xf32>,
        %parallel_loop3A_381 = arith.constant 224 : i32
        %parallel_loop3A_382 = vector.broadcast %parallel_loop3A_381 : i32 to vector<16xi32>
        %parallel_loop3A_383 = arith.addi %iota3A, %parallel_loop3A_382 : vector<16xi32>
        %parallel_loop3A_384 = arith.constant 0 : i32
        %parallel_loop3A_385 = arith.constant 0 : i32
        %parallel_loop3A_386 = arith.constant 0 : i32
        %parallel_loop3A_387 = tpu.memref_slice %arg5[%parallel_loop3A_384, %parallel_loop3A_385, %parallel_loop3A_386] : memref<2x512x33xf32, #tpu.memory_space<vmem>> -> memref<1x512x33xf32, #tpu.memory_space<vmem>>
        %parallel_loop3A_388 = tpu.memref_squeeze %parallel_loop3A_387 : memref<1x512x33xf32, #tpu.memory_space<vmem>> -> memref<512x33xf32, #tpu.memory_space<vmem>>
        tpu.vector_store_idx %parallel_loop3A_388[%parallel_loop3A_383, %parallel_loop3A_193], %parallel_loop3A_380 : memref<512x33xf32, #tpu.memory_space<vmem>>[vector<16xi32>, vector<16xi32>], vector<16xf32>,
        %parallel_loop3A_389 = arith.constant 0 : i32
        %parallel_loop3A_390 = arith.index_cast %parallel_loop3A_389 : i32 to index
        %parallel_loop3A_391 = arith.index_cast %parallel_loop3A_192 : i32 to index
        %parallel_loop3A_392 = arith.constant 240 : index
        %parallel_loop3A_393 = tpu.vector_load %arg4[%parallel_loop3A_390, %parallel_loop3A_391, %parallel_loop3A_392] {strides = array<i32>} : memref<2x32x512xf32, #tpu.memory_space<vmem>>, vector<16xf32>,
        %parallel_loop3A_394 = arith.constant 240 : i32
        %parallel_loop3A_395 = vector.broadcast %parallel_loop3A_394 : i32 to vector<16xi32>
        %parallel_loop3A_396 = arith.addi %iota3A, %parallel_loop3A_395 : vector<16xi32>
        %parallel_loop3A_397 = arith.constant 0 : i32
        %parallel_loop3A_398 = arith.constant 0 : i32
        %parallel_loop3A_399 = arith.constant 0 : i32
        %parallel_loop3A_400 = tpu.memref_slice %arg5[%parallel_loop3A_397, %parallel_loop3A_398, %parallel_loop3A_399] : memref<2x512x33xf32, #tpu.memory_space<vmem>> -> memref<1x512x33xf32, #tpu.memory_space<vmem>>
        %parallel_loop3A_401 = tpu.memref_squeeze %parallel_loop3A_400 : memref<1x512x33xf32, #tpu.memory_space<vmem>> -> memref<512x33xf32, #tpu.memory_space<vmem>>
        tpu.vector_store_idx %parallel_loop3A_401[%parallel_loop3A_396, %parallel_loop3A_193], %parallel_loop3A_393 : memref<512x33xf32, #tpu.memory_space<vmem>>[vector<16xi32>, vector<16xi32>], vector<16xf32>,
        %parallel_loop3A_402 = arith.constant 0 : i32
        %parallel_loop3A_403 = arith.index_cast %parallel_loop3A_402 : i32 to index
        %parallel_loop3A_404 = arith.index_cast %parallel_loop3A_192 : i32 to index
        %parallel_loop3A_405 = arith.constant 256 : index
        %parallel_loop3A_406 = tpu.vector_load %arg4[%parallel_loop3A_403, %parallel_loop3A_404, %parallel_loop3A_405] {strides = array<i32>} : memref<2x32x512xf32, #tpu.memory_space<vmem>>, vector<16xf32>,
        %parallel_loop3A_407 = arith.constant 256 : i32
        %parallel_loop3A_408 = vector.broadcast %parallel_loop3A_407 : i32 to vector<16xi32>
        %parallel_loop3A_409 = arith.addi %iota3A, %parallel_loop3A_408 : vector<16xi32>
        %parallel_loop3A_410 = arith.constant 0 : i32
        %parallel_loop3A_411 = arith.constant 0 : i32
        %parallel_loop3A_412 = arith.constant 0 : i32
        %parallel_loop3A_413 = tpu.memref_slice %arg5[%parallel_loop3A_410, %parallel_loop3A_411, %parallel_loop3A_412] : memref<2x512x33xf32, #tpu.memory_space<vmem>> -> memref<1x512x33xf32, #tpu.memory_space<vmem>>
        %parallel_loop3A_414 = tpu.memref_squeeze %parallel_loop3A_413 : memref<1x512x33xf32, #tpu.memory_space<vmem>> -> memref<512x33xf32, #tpu.memory_space<vmem>>
        tpu.vector_store_idx %parallel_loop3A_414[%parallel_loop3A_409, %parallel_loop3A_193], %parallel_loop3A_406 : memref<512x33xf32, #tpu.memory_space<vmem>>[vector<16xi32>, vector<16xi32>], vector<16xf32>,
        %parallel_loop3A_415 = arith.constant 0 : i32
        %parallel_loop3A_416 = arith.index_cast %parallel_loop3A_415 : i32 to index
        %parallel_loop3A_417 = arith.index_cast %parallel_loop3A_192 : i32 to index
        %parallel_loop3A_418 = arith.constant 272 : index
        %parallel_loop3A_419 = tpu.vector_load %arg4[%parallel_loop3A_416, %parallel_loop3A_417, %parallel_loop3A_418] {strides = array<i32>} : memref<2x32x512xf32, #tpu.memory_space<vmem>>, vector<16xf32>,
        %parallel_loop3A_420 = arith.constant 272 : i32
        %parallel_loop3A_421 = vector.broadcast %parallel_loop3A_420 : i32 to vector<16xi32>
        %parallel_loop3A_422 = arith.addi %iota3A, %parallel_loop3A_421 : vector<16xi32>
        %parallel_loop3A_423 = arith.constant 0 : i32
        %parallel_loop3A_424 = arith.constant 0 : i32
        %parallel_loop3A_425 = arith.constant 0 : i32
        %parallel_loop3A_426 = tpu.memref_slice %arg5[%parallel_loop3A_423, %parallel_loop3A_424, %parallel_loop3A_425] : memref<2x512x33xf32, #tpu.memory_space<vmem>> -> memref<1x512x33xf32, #tpu.memory_space<vmem>>
        %parallel_loop3A_427 = tpu.memref_squeeze %parallel_loop3A_426 : memref<1x512x33xf32, #tpu.memory_space<vmem>> -> memref<512x33xf32, #tpu.memory_space<vmem>>
        tpu.vector_store_idx %parallel_loop3A_427[%parallel_loop3A_422, %parallel_loop3A_193], %parallel_loop3A_419 : memref<512x33xf32, #tpu.memory_space<vmem>>[vector<16xi32>, vector<16xi32>], vector<16xf32>,
        %parallel_loop3A_428 = arith.constant 0 : i32
        %parallel_loop3A_429 = arith.index_cast %parallel_loop3A_428 : i32 to index
        %parallel_loop3A_430 = arith.index_cast %parallel_loop3A_192 : i32 to index
        %parallel_loop3A_431 = arith.constant 288 : index
        %parallel_loop3A_432 = tpu.vector_load %arg4[%parallel_loop3A_429, %parallel_loop3A_430, %parallel_loop3A_431] {strides = array<i32>} : memref<2x32x512xf32, #tpu.memory_space<vmem>>, vector<16xf32>,
        %parallel_loop3A_433 = arith.constant 288 : i32
        %parallel_loop3A_434 = vector.broadcast %parallel_loop3A_433 : i32 to vector<16xi32>
        %parallel_loop3A_435 = arith.addi %iota3A, %parallel_loop3A_434 : vector<16xi32>
        %parallel_loop3A_436 = arith.constant 0 : i32
        %parallel_loop3A_437 = arith.constant 0 : i32
        %parallel_loop3A_438 = arith.constant 0 : i32
        %parallel_loop3A_439 = tpu.memref_slice %arg5[%parallel_loop3A_436, %parallel_loop3A_437, %parallel_loop3A_438] : memref<2x512x33xf32, #tpu.memory_space<vmem>> -> memref<1x512x33xf32, #tpu.memory_space<vmem>>
        %parallel_loop3A_440 = tpu.memref_squeeze %parallel_loop3A_439 : memref<1x512x33xf32, #tpu.memory_space<vmem>> -> memref<512x33xf32, #tpu.memory_space<vmem>>
        tpu.vector_store_idx %parallel_loop3A_440[%parallel_loop3A_435, %parallel_loop3A_193], %parallel_loop3A_432 : memref<512x33xf32, #tpu.memory_space<vmem>>[vector<16xi32>, vector<16xi32>], vector<16xf32>,
        %parallel_loop3A_441 = arith.constant 0 : i32
        %parallel_loop3A_442 = arith.index_cast %parallel_loop3A_441 : i32 to index
        %parallel_loop3A_443 = arith.index_cast %parallel_loop3A_192 : i32 to index
        %parallel_loop3A_444 = arith.constant 304 : index
        %parallel_loop3A_445 = tpu.vector_load %arg4[%parallel_loop3A_442, %parallel_loop3A_443, %parallel_loop3A_444] {strides = array<i32>} : memref<2x32x512xf32, #tpu.memory_space<vmem>>, vector<16xf32>,
        %parallel_loop3A_446 = arith.constant 304 : i32
        %parallel_loop3A_447 = vector.broadcast %parallel_loop3A_446 : i32 to vector<16xi32>
        %parallel_loop3A_448 = arith.addi %iota3A, %parallel_loop3A_447 : vector<16xi32>
        %parallel_loop3A_449 = arith.constant 0 : i32
        %parallel_loop3A_450 = arith.constant 0 : i32
        %parallel_loop3A_451 = arith.constant 0 : i32
        %parallel_loop3A_452 = tpu.memref_slice %arg5[%parallel_loop3A_449, %parallel_loop3A_450, %parallel_loop3A_451] : memref<2x512x33xf32, #tpu.memory_space<vmem>> -> memref<1x512x33xf32, #tpu.memory_space<vmem>>
        %parallel_loop3A_453 = tpu.memref_squeeze %parallel_loop3A_452 : memref<1x512x33xf32, #tpu.memory_space<vmem>> -> memref<512x33xf32, #tpu.memory_space<vmem>>
        tpu.vector_store_idx %parallel_loop3A_453[%parallel_loop3A_448, %parallel_loop3A_193], %parallel_loop3A_445 : memref<512x33xf32, #tpu.memory_space<vmem>>[vector<16xi32>, vector<16xi32>], vector<16xf32>,
        %parallel_loop3A_454 = arith.constant 0 : i32
        %parallel_loop3A_455 = arith.index_cast %parallel_loop3A_454 : i32 to index
        %parallel_loop3A_456 = arith.index_cast %parallel_loop3A_192 : i32 to index
        %parallel_loop3A_457 = arith.constant 320 : index
        %parallel_loop3A_458 = tpu.vector_load %arg4[%parallel_loop3A_455, %parallel_loop3A_456, %parallel_loop3A_457] {strides = array<i32>} : memref<2x32x512xf32, #tpu.memory_space<vmem>>, vector<16xf32>,
        %parallel_loop3A_459 = arith.constant 320 : i32
        %parallel_loop3A_460 = vector.broadcast %parallel_loop3A_459 : i32 to vector<16xi32>
        %parallel_loop3A_461 = arith.addi %iota3A, %parallel_loop3A_460 : vector<16xi32>
        %parallel_loop3A_462 = arith.constant 0 : i32
        %parallel_loop3A_463 = arith.constant 0 : i32
        %parallel_loop3A_464 = arith.constant 0 : i32
        %parallel_loop3A_465 = tpu.memref_slice %arg5[%parallel_loop3A_462, %parallel_loop3A_463, %parallel_loop3A_464] : memref<2x512x33xf32, #tpu.memory_space<vmem>> -> memref<1x512x33xf32, #tpu.memory_space<vmem>>
        %parallel_loop3A_466 = tpu.memref_squeeze %parallel_loop3A_465 : memref<1x512x33xf32, #tpu.memory_space<vmem>> -> memref<512x33xf32, #tpu.memory_space<vmem>>
        tpu.vector_store_idx %parallel_loop3A_466[%parallel_loop3A_461, %parallel_loop3A_193], %parallel_loop3A_458 : memref<512x33xf32, #tpu.memory_space<vmem>>[vector<16xi32>, vector<16xi32>], vector<16xf32>,
        %parallel_loop3A_467 = arith.constant 0 : i32
        %parallel_loop3A_468 = arith.index_cast %parallel_loop3A_467 : i32 to index
        %parallel_loop3A_469 = arith.index_cast %parallel_loop3A_192 : i32 to index
        %parallel_loop3A_470 = arith.constant 336 : index
        %parallel_loop3A_471 = tpu.vector_load %arg4[%parallel_loop3A_468, %parallel_loop3A_469, %parallel_loop3A_470] {strides = array<i32>} : memref<2x32x512xf32, #tpu.memory_space<vmem>>, vector<16xf32>,
        %parallel_loop3A_472 = arith.constant 336 : i32
        %parallel_loop3A_473 = vector.broadcast %parallel_loop3A_472 : i32 to vector<16xi32>
        %parallel_loop3A_474 = arith.addi %iota3A, %parallel_loop3A_473 : vector<16xi32>
        %parallel_loop3A_475 = arith.constant 0 : i32
        %parallel_loop3A_476 = arith.constant 0 : i32
        %parallel_loop3A_477 = arith.constant 0 : i32
        %parallel_loop3A_478 = tpu.memref_slice %arg5[%parallel_loop3A_475, %parallel_loop3A_476, %parallel_loop3A_477] : memref<2x512x33xf32, #tpu.memory_space<vmem>> -> memref<1x512x33xf32, #tpu.memory_space<vmem>>
        %parallel_loop3A_479 = tpu.memref_squeeze %parallel_loop3A_478 : memref<1x512x33xf32, #tpu.memory_space<vmem>> -> memref<512x33xf32, #tpu.memory_space<vmem>>
        tpu.vector_store_idx %parallel_loop3A_479[%parallel_loop3A_474, %parallel_loop3A_193], %parallel_loop3A_471 : memref<512x33xf32, #tpu.memory_space<vmem>>[vector<16xi32>, vector<16xi32>], vector<16xf32>,
        %parallel_loop3A_480 = arith.constant 0 : i32
        %parallel_loop3A_481 = arith.index_cast %parallel_loop3A_480 : i32 to index
        %parallel_loop3A_482 = arith.index_cast %parallel_loop3A_192 : i32 to index
        %parallel_loop3A_483 = arith.constant 352 : index
        %parallel_loop3A_484 = tpu.vector_load %arg4[%parallel_loop3A_481, %parallel_loop3A_482, %parallel_loop3A_483] {strides = array<i32>} : memref<2x32x512xf32, #tpu.memory_space<vmem>>, vector<16xf32>,
        %parallel_loop3A_485 = arith.constant 352 : i32
        %parallel_loop3A_486 = vector.broadcast %parallel_loop3A_485 : i32 to vector<16xi32>
        %parallel_loop3A_487 = arith.addi %iota3A, %parallel_loop3A_486 : vector<16xi32>
        %parallel_loop3A_488 = arith.constant 0 : i32
        %parallel_loop3A_489 = arith.constant 0 : i32
        %parallel_loop3A_490 = arith.constant 0 : i32
        %parallel_loop3A_491 = tpu.memref_slice %arg5[%parallel_loop3A_488, %parallel_loop3A_489, %parallel_loop3A_490] : memref<2x512x33xf32, #tpu.memory_space<vmem>> -> memref<1x512x33xf32, #tpu.memory_space<vmem>>
        %parallel_loop3A_492 = tpu.memref_squeeze %parallel_loop3A_491 : memref<1x512x33xf32, #tpu.memory_space<vmem>> -> memref<512x33xf32, #tpu.memory_space<vmem>>
        tpu.vector_store_idx %parallel_loop3A_492[%parallel_loop3A_487, %parallel_loop3A_193], %parallel_loop3A_484 : memref<512x33xf32, #tpu.memory_space<vmem>>[vector<16xi32>, vector<16xi32>], vector<16xf32>,
        %parallel_loop3A_493 = arith.constant 0 : i32
        %parallel_loop3A_494 = arith.index_cast %parallel_loop3A_493 : i32 to index
        %parallel_loop3A_495 = arith.index_cast %parallel_loop3A_192 : i32 to index
        %parallel_loop3A_496 = arith.constant 368 : index
        %parallel_loop3A_497 = tpu.vector_load %arg4[%parallel_loop3A_494, %parallel_loop3A_495, %parallel_loop3A_496] {strides = array<i32>} : memref<2x32x512xf32, #tpu.memory_space<vmem>>, vector<16xf32>,
        %parallel_loop3A_498 = arith.constant 368 : i32
        %parallel_loop3A_499 = vector.broadcast %parallel_loop3A_498 : i32 to vector<16xi32>
        %parallel_loop3A_500 = arith.addi %iota3A, %parallel_loop3A_499 : vector<16xi32>
        %parallel_loop3A_501 = arith.constant 0 : i32
        %parallel_loop3A_502 = arith.constant 0 : i32
        %parallel_loop3A_503 = arith.constant 0 : i32
        %parallel_loop3A_504 = tpu.memref_slice %arg5[%parallel_loop3A_501, %parallel_loop3A_502, %parallel_loop3A_503] : memref<2x512x33xf32, #tpu.memory_space<vmem>> -> memref<1x512x33xf32, #tpu.memory_space<vmem>>
        %parallel_loop3A_505 = tpu.memref_squeeze %parallel_loop3A_504 : memref<1x512x33xf32, #tpu.memory_space<vmem>> -> memref<512x33xf32, #tpu.memory_space<vmem>>
        tpu.vector_store_idx %parallel_loop3A_505[%parallel_loop3A_500, %parallel_loop3A_193], %parallel_loop3A_497 : memref<512x33xf32, #tpu.memory_space<vmem>>[vector<16xi32>, vector<16xi32>], vector<16xf32>,
        %parallel_loop3A_506 = arith.constant 0 : i32
        %parallel_loop3A_507 = arith.index_cast %parallel_loop3A_506 : i32 to index
        %parallel_loop3A_508 = arith.index_cast %parallel_loop3A_192 : i32 to index
        %parallel_loop3A_509 = arith.constant 384 : index
        %parallel_loop3A_510 = tpu.vector_load %arg4[%parallel_loop3A_507, %parallel_loop3A_508, %parallel_loop3A_509] {strides = array<i32>} : memref<2x32x512xf32, #tpu.memory_space<vmem>>, vector<16xf32>,
        %parallel_loop3A_511 = arith.constant 384 : i32
        %parallel_loop3A_512 = vector.broadcast %parallel_loop3A_511 : i32 to vector<16xi32>
        %parallel_loop3A_513 = arith.addi %iota3A, %parallel_loop3A_512 : vector<16xi32>
        %parallel_loop3A_514 = arith.constant 0 : i32
        %parallel_loop3A_515 = arith.constant 0 : i32
        %parallel_loop3A_516 = arith.constant 0 : i32
        %parallel_loop3A_517 = tpu.memref_slice %arg5[%parallel_loop3A_514, %parallel_loop3A_515, %parallel_loop3A_516] : memref<2x512x33xf32, #tpu.memory_space<vmem>> -> memref<1x512x33xf32, #tpu.memory_space<vmem>>
        %parallel_loop3A_518 = tpu.memref_squeeze %parallel_loop3A_517 : memref<1x512x33xf32, #tpu.memory_space<vmem>> -> memref<512x33xf32, #tpu.memory_space<vmem>>
        tpu.vector_store_idx %parallel_loop3A_518[%parallel_loop3A_513, %parallel_loop3A_193], %parallel_loop3A_510 : memref<512x33xf32, #tpu.memory_space<vmem>>[vector<16xi32>, vector<16xi32>], vector<16xf32>,
        %parallel_loop3A_519 = arith.constant 0 : i32
        %parallel_loop3A_520 = arith.index_cast %parallel_loop3A_519 : i32 to index
        %parallel_loop3A_521 = arith.index_cast %parallel_loop3A_192 : i32 to index
        %parallel_loop3A_522 = arith.constant 400 : index
        %parallel_loop3A_523 = tpu.vector_load %arg4[%parallel_loop3A_520, %parallel_loop3A_521, %parallel_loop3A_522] {strides = array<i32>} : memref<2x32x512xf32, #tpu.memory_space<vmem>>, vector<16xf32>,
        %parallel_loop3A_524 = arith.constant 400 : i32
        %parallel_loop3A_525 = vector.broadcast %parallel_loop3A_524 : i32 to vector<16xi32>
        %parallel_loop3A_526 = arith.addi %iota3A, %parallel_loop3A_525 : vector<16xi32>
        %parallel_loop3A_527 = arith.constant 0 : i32
        %parallel_loop3A_528 = arith.constant 0 : i32
        %parallel_loop3A_529 = arith.constant 0 : i32
        %parallel_loop3A_530 = tpu.memref_slice %arg5[%parallel_loop3A_527, %parallel_loop3A_528, %parallel_loop3A_529] : memref<2x512x33xf32, #tpu.memory_space<vmem>> -> memref<1x512x33xf32, #tpu.memory_space<vmem>>
        %parallel_loop3A_531 = tpu.memref_squeeze %parallel_loop3A_530 : memref<1x512x33xf32, #tpu.memory_space<vmem>> -> memref<512x33xf32, #tpu.memory_space<vmem>>
        tpu.vector_store_idx %parallel_loop3A_531[%parallel_loop3A_526, %parallel_loop3A_193], %parallel_loop3A_523 : memref<512x33xf32, #tpu.memory_space<vmem>>[vector<16xi32>, vector<16xi32>], vector<16xf32>,
        %parallel_loop3A_532 = arith.constant 0 : i32
        %parallel_loop3A_533 = arith.index_cast %parallel_loop3A_532 : i32 to index
        %parallel_loop3A_534 = arith.index_cast %parallel_loop3A_192 : i32 to index
        %parallel_loop3A_535 = arith.constant 416 : index
        %parallel_loop3A_536 = tpu.vector_load %arg4[%parallel_loop3A_533, %parallel_loop3A_534, %parallel_loop3A_535] {strides = array<i32>} : memref<2x32x512xf32, #tpu.memory_space<vmem>>, vector<16xf32>,
        %parallel_loop3A_537 = arith.constant 416 : i32
        %parallel_loop3A_538 = vector.broadcast %parallel_loop3A_537 : i32 to vector<16xi32>
        %parallel_loop3A_539 = arith.addi %iota3A, %parallel_loop3A_538 : vector<16xi32>
        %parallel_loop3A_540 = arith.constant 0 : i32
        %parallel_loop3A_541 = arith.constant 0 : i32
        %parallel_loop3A_542 = arith.constant 0 : i32
        %parallel_loop3A_543 = tpu.memref_slice %arg5[%parallel_loop3A_540, %parallel_loop3A_541, %parallel_loop3A_542] : memref<2x512x33xf32, #tpu.memory_space<vmem>> -> memref<1x512x33xf32, #tpu.memory_space<vmem>>
        %parallel_loop3A_544 = tpu.memref_squeeze %parallel_loop3A_543 : memref<1x512x33xf32, #tpu.memory_space<vmem>> -> memref<512x33xf32, #tpu.memory_space<vmem>>
        tpu.vector_store_idx %parallel_loop3A_544[%parallel_loop3A_539, %parallel_loop3A_193], %parallel_loop3A_536 : memref<512x33xf32, #tpu.memory_space<vmem>>[vector<16xi32>, vector<16xi32>], vector<16xf32>,
        %parallel_loop3A_545 = arith.constant 0 : i32
        %parallel_loop3A_546 = arith.index_cast %parallel_loop3A_545 : i32 to index
        %parallel_loop3A_547 = arith.index_cast %parallel_loop3A_192 : i32 to index
        %parallel_loop3A_548 = arith.constant 432 : index
        %parallel_loop3A_549 = tpu.vector_load %arg4[%parallel_loop3A_546, %parallel_loop3A_547, %parallel_loop3A_548] {strides = array<i32>} : memref<2x32x512xf32, #tpu.memory_space<vmem>>, vector<16xf32>,
        %parallel_loop3A_550 = arith.constant 432 : i32
        %parallel_loop3A_551 = vector.broadcast %parallel_loop3A_550 : i32 to vector<16xi32>
        %parallel_loop3A_552 = arith.addi %iota3A, %parallel_loop3A_551 : vector<16xi32>
        %parallel_loop3A_553 = arith.constant 0 : i32
        %parallel_loop3A_554 = arith.constant 0 : i32
        %parallel_loop3A_555 = arith.constant 0 : i32
        %parallel_loop3A_556 = tpu.memref_slice %arg5[%parallel_loop3A_553, %parallel_loop3A_554, %parallel_loop3A_555] : memref<2x512x33xf32, #tpu.memory_space<vmem>> -> memref<1x512x33xf32, #tpu.memory_space<vmem>>
        %parallel_loop3A_557 = tpu.memref_squeeze %parallel_loop3A_556 : memref<1x512x33xf32, #tpu.memory_space<vmem>> -> memref<512x33xf32, #tpu.memory_space<vmem>>
        tpu.vector_store_idx %parallel_loop3A_557[%parallel_loop3A_552, %parallel_loop3A_193], %parallel_loop3A_549 : memref<512x33xf32, #tpu.memory_space<vmem>>[vector<16xi32>, vector<16xi32>], vector<16xf32>,
        %parallel_loop3A_558 = arith.constant 0 : i32
        %parallel_loop3A_559 = arith.index_cast %parallel_loop3A_558 : i32 to index
        %parallel_loop3A_560 = arith.index_cast %parallel_loop3A_192 : i32 to index
        %parallel_loop3A_561 = arith.constant 448 : index
        %parallel_loop3A_562 = tpu.vector_load %arg4[%parallel_loop3A_559, %parallel_loop3A_560, %parallel_loop3A_561] {strides = array<i32>} : memref<2x32x512xf32, #tpu.memory_space<vmem>>, vector<16xf32>,
        %parallel_loop3A_563 = arith.constant 448 : i32
        %parallel_loop3A_564 = vector.broadcast %parallel_loop3A_563 : i32 to vector<16xi32>
        %parallel_loop3A_565 = arith.addi %iota3A, %parallel_loop3A_564 : vector<16xi32>
        %parallel_loop3A_566 = arith.constant 0 : i32
        %parallel_loop3A_567 = arith.constant 0 : i32
        %parallel_loop3A_568 = arith.constant 0 : i32
        %parallel_loop3A_569 = tpu.memref_slice %arg5[%parallel_loop3A_566, %parallel_loop3A_567, %parallel_loop3A_568] : memref<2x512x33xf32, #tpu.memory_space<vmem>> -> memref<1x512x33xf32, #tpu.memory_space<vmem>>
        %parallel_loop3A_570 = tpu.memref_squeeze %parallel_loop3A_569 : memref<1x512x33xf32, #tpu.memory_space<vmem>> -> memref<512x33xf32, #tpu.memory_space<vmem>>
        tpu.vector_store_idx %parallel_loop3A_570[%parallel_loop3A_565, %parallel_loop3A_193], %parallel_loop3A_562 : memref<512x33xf32, #tpu.memory_space<vmem>>[vector<16xi32>, vector<16xi32>], vector<16xf32>,
        %parallel_loop3A_571 = arith.constant 0 : i32
        %parallel_loop3A_572 = arith.index_cast %parallel_loop3A_571 : i32 to index
        %parallel_loop3A_573 = arith.index_cast %parallel_loop3A_192 : i32 to index
        %parallel_loop3A_574 = arith.constant 464 : index
        %parallel_loop3A_575 = tpu.vector_load %arg4[%parallel_loop3A_572, %parallel_loop3A_573, %parallel_loop3A_574] {strides = array<i32>} : memref<2x32x512xf32, #tpu.memory_space<vmem>>, vector<16xf32>,
        %parallel_loop3A_576 = arith.constant 464 : i32
        %parallel_loop3A_577 = vector.broadcast %parallel_loop3A_576 : i32 to vector<16xi32>
        %parallel_loop3A_578 = arith.addi %iota3A, %parallel_loop3A_577 : vector<16xi32>
        %parallel_loop3A_579 = arith.constant 0 : i32
        %parallel_loop3A_580 = arith.constant 0 : i32
        %parallel_loop3A_581 = arith.constant 0 : i32
        %parallel_loop3A_582 = tpu.memref_slice %arg5[%parallel_loop3A_579, %parallel_loop3A_580, %parallel_loop3A_581] : memref<2x512x33xf32, #tpu.memory_space<vmem>> -> memref<1x512x33xf32, #tpu.memory_space<vmem>>
        %parallel_loop3A_583 = tpu.memref_squeeze %parallel_loop3A_582 : memref<1x512x33xf32, #tpu.memory_space<vmem>> -> memref<512x33xf32, #tpu.memory_space<vmem>>
        tpu.vector_store_idx %parallel_loop3A_583[%parallel_loop3A_578, %parallel_loop3A_193], %parallel_loop3A_575 : memref<512x33xf32, #tpu.memory_space<vmem>>[vector<16xi32>, vector<16xi32>], vector<16xf32>,
        %parallel_loop3A_584 = arith.constant 0 : i32
        %parallel_loop3A_585 = arith.index_cast %parallel_loop3A_584 : i32 to index
        %parallel_loop3A_586 = arith.index_cast %parallel_loop3A_192 : i32 to index
        %parallel_loop3A_587 = arith.constant 480 : index
        %parallel_loop3A_588 = tpu.vector_load %arg4[%parallel_loop3A_585, %parallel_loop3A_586, %parallel_loop3A_587] {strides = array<i32>} : memref<2x32x512xf32, #tpu.memory_space<vmem>>, vector<16xf32>,
        %parallel_loop3A_589 = arith.constant 480 : i32
        %parallel_loop3A_590 = vector.broadcast %parallel_loop3A_589 : i32 to vector<16xi32>
        %parallel_loop3A_591 = arith.addi %iota3A, %parallel_loop3A_590 : vector<16xi32>
        %parallel_loop3A_592 = arith.constant 0 : i32
        %parallel_loop3A_593 = arith.constant 0 : i32
        %parallel_loop3A_594 = arith.constant 0 : i32
        %parallel_loop3A_595 = tpu.memref_slice %arg5[%parallel_loop3A_592, %parallel_loop3A_593, %parallel_loop3A_594] : memref<2x512x33xf32, #tpu.memory_space<vmem>> -> memref<1x512x33xf32, #tpu.memory_space<vmem>>
        %parallel_loop3A_596 = tpu.memref_squeeze %parallel_loop3A_595 : memref<1x512x33xf32, #tpu.memory_space<vmem>> -> memref<512x33xf32, #tpu.memory_space<vmem>>
        tpu.vector_store_idx %parallel_loop3A_596[%parallel_loop3A_591, %parallel_loop3A_193], %parallel_loop3A_588 : memref<512x33xf32, #tpu.memory_space<vmem>>[vector<16xi32>, vector<16xi32>], vector<16xf32>,
        %parallel_loop3A_597 = arith.constant 0 : i32
        %parallel_loop3A_598 = arith.index_cast %parallel_loop3A_597 : i32 to index
        %parallel_loop3A_599 = arith.index_cast %parallel_loop3A_192 : i32 to index
        %parallel_loop3A_600 = arith.constant 496 : index
        %parallel_loop3A_601 = tpu.vector_load %arg4[%parallel_loop3A_598, %parallel_loop3A_599, %parallel_loop3A_600] {strides = array<i32>} : memref<2x32x512xf32, #tpu.memory_space<vmem>>, vector<16xf32>,
        %parallel_loop3A_602 = arith.constant 496 : i32
        %parallel_loop3A_603 = vector.broadcast %parallel_loop3A_602 : i32 to vector<16xi32>
        %parallel_loop3A_604 = arith.addi %iota3A, %parallel_loop3A_603 : vector<16xi32>
        %parallel_loop3A_605 = arith.constant 0 : i32
        %parallel_loop3A_606 = arith.constant 0 : i32
        %parallel_loop3A_607 = arith.constant 0 : i32
        %parallel_loop3A_608 = tpu.memref_slice %arg5[%parallel_loop3A_605, %parallel_loop3A_606, %parallel_loop3A_607] : memref<2x512x33xf32, #tpu.memory_space<vmem>> -> memref<1x512x33xf32, #tpu.memory_space<vmem>>
        %parallel_loop3A_609 = tpu.memref_squeeze %parallel_loop3A_608 : memref<1x512x33xf32, #tpu.memory_space<vmem>> -> memref<512x33xf32, #tpu.memory_space<vmem>>
        tpu.vector_store_idx %parallel_loop3A_609[%parallel_loop3A_604, %parallel_loop3A_193], %parallel_loop3A_601 : memref<512x33xf32, #tpu.memory_space<vmem>>[vector<16xi32>, vector<16xi32>], vector<16xf32>,
      } {sc.loop_unroll_factor = 4 : i64, sc.parallel_access}
      %mul3A_120 = arith.constant 18432 : i32
      %mul3A_121 = arith.muli %add3A, %mul3A_120 : i32
      %mul3A_122 = arith.constant 512 : i32
      %mul3A_123 = arith.muli %add3A_91, %mul3A_122 : i32
      %add3A_124 = arith.addi %mul3A_121, %mul3A_123 : i32
      %dma_start3A_125 = arith.constant 0 : i32
      %dma_start3A_126 = arith.constant 0 : i32
      %dma_start3A_127 = arith.constant 0 : i32
      %dma_start3A_128 = tpu.memref_slice %arg5[%dma_start3A_125, %dma_start3A_126, %dma_start3A_127] : memref<2x512x33xf32, #tpu.memory_space<vmem>> -> memref<1x512x32xf32, #tpu.memory_space<vmem>>
      %dma_start3A_129 = tpu.memref_squeeze %dma_start3A_128 : memref<1x512x32xf32, #tpu.memory_space<vmem>> -> memref<512x32xf32, #tpu.memory_space<vmem>>
      %dma_start3A_130 = arith.constant 0 : i32
      %dma_start3A_131 = tpu.memref_slice %arg3[%add3A_124, %dma_start3A_130] : memref<589824x32xf32, #tpu.memory_space<hbm>> -> memref<512x32xf32, #tpu.memory_space<hbm>>
      %dma_start3A_132 = arith.constant 0 : i32
      %dma_start3A_133 = tpu.memref_slice %arg3[%add3A_124, %dma_start3A_132] : memref<589824x32xf32, #tpu.memory_space<hbm>> -> memref<512x32xf32, #tpu.memory_space<hbm>>
      %dma_start3A_134 = arith.constant 0 : i32
      %dma_start3A_135 = arith.constant 0 : i32
      %dma_start3A_136 = tpu.memref_slice %arg5[%dma_start3A_125, %dma_start3A_134, %dma_start3A_135] : memref<2x512x33xf32, #tpu.memory_space<vmem>> -> memref<1x512x32xf32, #tpu.memory_space<vmem>>
      %dma_start3A_137 = tpu.memref_squeeze %dma_start3A_136 : memref<1x512x32xf32, #tpu.memory_space<vmem>> -> memref<512x32xf32, #tpu.memory_space<vmem>>
      tpu.enqueue_dma source(%dma_start3A_137 : memref<512x32xf32, #tpu.memory_space<vmem>>) target(%dma_start3A_133 : memref<512x32xf32, #tpu.memory_space<hbm>>) target_semaphore(%arg8 : memref<!tpu.dma_semaphore, #tpu.memory_space<semaphore_mem>>)
      %mul3A_138 = arith.constant 2 : i32
      %mul3A_139 = arith.muli %scan3A_87, %mul3A_138 : i32
      %add3A_140 = arith.constant 1 : i32
      %add3A_141 = arith.addi %mul3A_139, %add3A_140 : i32
      %add3A_142 = arith.constant 1 : i32
      %add3A_143 = arith.addi %add3A_141, %add3A_142 : i32
      %lt3A_144 = arith.constant 36 : i32
      %lt3A_145 = arith.cmpi slt, %add3A_143, %lt3A_144 : i32
      %convert_element_type3A_146 = arith.extui %lt3A_145 : i1 to i32
      %cond3A_147 = arith.constant 0 : i32
      %cond3A_148 = arith.cmpi ne, %convert_element_type3A_146, %cond3A_147 : i32
      scf.if %cond3A_148 {
        %add3A_192 = arith.constant 1 : i32
        %add3A_193 = arith.addi %add3A_141, %add3A_192 : i32
        %jit3A_194 = arith.constant 8 : i32
        %eq3A_195 = arith.constant 0 : i32
        %eq3A_196 = arith.cmpi eq, %jit3A_194, %eq3A_195 : i32
        %jit3A_197 = arith.constant 1 : i32
        %select_n3A_198 = arith.select %eq3A_196, %jit3A_197, %jit3A_194 : i32
        %rem3A_199 = arith.remsi %add3A, %select_n3A_198 : i32
        %ne3A_200 = arith.constant 0 : i32
        %ne3A_201 = arith.cmpi ne, %rem3A_199, %ne3A_200 : i32
        %lt3A_202 = arith.constant 0 : i32
        %lt3A_203 = arith.cmpi slt, %rem3A_199, %lt3A_202 : i32
        %lt3A_204 = arith.constant 0 : i32
        %lt3A_205 = arith.cmpi slt, %select_n3A_198, %lt3A_204 : i32
        %ne3A_206 = arith.xori %lt3A_203, %lt3A_205 : i1
        %and3A_207 = arith.andi %ne3A_206, %ne3A_201 : i1
        %add3A_208 = arith.addi %rem3A_199, %select_n3A_198 : i32
        %select_n3A_209 = arith.select %and3A_207, %add3A_208, %rem3A_199 : i32
        %mul3A_210 = arith.constant 18432 : i32
        %mul3A_211 = arith.muli %select_n3A_209, %mul3A_210 : i32
        %mul3A_212 = arith.constant 512 : i32
        %mul3A_213 = arith.muli %add3A_193, %mul3A_212 : i32
        %add3A_214 = arith.addi %mul3A_211, %mul3A_213 : i32
        %dma_start3A_215 = arith.constant 0 : i32
        %dma_start3A_216 = arith.constant 0 : i32
        %dma_start3A_217 = arith.constant 0 : i32
        %dma_start3A_218 = tpu.memref_slice %arg4[%dma_start3A_215, %dma_start3A_216, %dma_start3A_217] : memref<2x32x512xf32, #tpu.memory_space<vmem>> -> memref<1x32x512xf32, #tpu.memory_space<vmem>>
        %dma_start3A_219 = tpu.memref_squeeze %dma_start3A_218 : memref<1x32x512xf32, #tpu.memory_space<vmem>> -> memref<32x512xf32, #tpu.memory_space<vmem>>
        %dma_start3A_220 = arith.constant 0 : i32
        %dma_start3A_221 = tpu.memref_slice %arg2[%select_n3A, %dma_start3A_220, %add3A_214] : memref<4x32x147456xf32, #tpu.memory_space<hbm>> -> memref<1x32x512xf32, #tpu.memory_space<hbm>>
        %dma_start3A_222 = tpu.memref_squeeze %dma_start3A_221 : memref<1x32x512xf32, #tpu.memory_space<hbm>> -> memref<32x512xf32, #tpu.memory_space<hbm>>
        %dma_start3A_223 = arith.constant 0 : i32
        %dma_start3A_224 = arith.constant 0 : i32
        %dma_start3A_225 = tpu.memref_slice %arg4[%dma_start3A_215, %dma_start3A_223, %dma_start3A_224] : memref<2x32x512xf32, #tpu.memory_space<vmem>> -> memref<1x32x512xf32, #tpu.memory_space<vmem>>
        %dma_start3A_226 = tpu.memref_squeeze %dma_start3A_225 : memref<1x32x512xf32, #tpu.memory_space<vmem>> -> memref<32x512xf32, #tpu.memory_space<vmem>>
        %dma_start3A_227 = arith.constant 0 : i32
        %dma_start3A_228 = tpu.memref_slice %arg2[%select_n3A, %dma_start3A_227, %add3A_214] : memref<4x32x147456xf32, #tpu.memory_space<hbm>> -> memref<1x32x512xf32, #tpu.memory_space<hbm>>
        %dma_start3A_229 = tpu.memref_squeeze %dma_start3A_228 : memref<1x32x512xf32, #tpu.memory_space<hbm>> -> memref<32x512xf32, #tpu.memory_space<hbm>>
        tpu.enqueue_dma source(%dma_start3A_229 : memref<32x512xf32, #tpu.memory_space<hbm>>) target(%dma_start3A_226 : memref<32x512xf32, #tpu.memory_space<vmem>>) target_semaphore(%arg6 : memref<!tpu.dma_semaphore, #tpu.memory_space<semaphore_mem>>)
      } else {
      }
      %dma_wait3A_149 = arith.constant 1 : i32
      %dma_wait3A_150 = arith.constant 0 : i32
      %dma_wait3A_151 = arith.constant 0 : i32
      %dma_wait3A_152 = tpu.memref_slice %arg4[%dma_wait3A_149, %dma_wait3A_150, %dma_wait3A_151] : memref<2x32x512xf32, #tpu.memory_space<vmem>> -> memref<1x32x512xf32, #tpu.memory_space<vmem>>
      %dma_wait3A_153 = tpu.memref_squeeze %dma_wait3A_152 : memref<1x32x512xf32, #tpu.memory_space<vmem>> -> memref<32x512xf32, #tpu.memory_space<vmem>>
      %dma_wait3A_154 = arith.constant 0 : i32
      %dma_wait3A_155 = arith.constant 0 : i32
      %dma_wait3A_156 = tpu.memref_slice %arg2[%select_n3A, %dma_wait3A_154, %dma_wait3A_155] : memref<4x32x147456xf32, #tpu.memory_space<hbm>> -> memref<1x32x512xf32, #tpu.memory_space<hbm>>
      %dma_wait3A_157 = tpu.memref_squeeze %dma_wait3A_156 : memref<1x32x512xf32, #tpu.memory_space<hbm>> -> memref<32x512xf32, #tpu.memory_space<hbm>>
      %dma_wait3A_158 = arith.constant 0 : i32
      %dma_wait3A_159 = arith.constant 0 : i32
      %dma_wait3A_160 = tpu.memref_slice %arg4[%dma_wait3A_149, %dma_wait3A_158, %dma_wait3A_159] : memref<2x32x512xf32, #tpu.memory_space<vmem>> -> memref<1x32x512xf32, #tpu.memory_space<vmem>>
      %dma_wait3A_161 = tpu.memref_squeeze %dma_wait3A_160 : memref<1x32x512xf32, #tpu.memory_space<vmem>> -> memref<32x512xf32, #tpu.memory_space<vmem>>
      %dma_wait3A_162 = arith.constant 0 : i32
      %dma_wait3A_163 = arith.constant 0 : i32
      %dma_wait3A_164 = tpu.memref_slice %arg2[%select_n3A, %dma_wait3A_162, %dma_wait3A_163] : memref<4x32x147456xf32, #tpu.memory_space<hbm>> -> memref<1x32x512xf32, #tpu.memory_space<hbm>>
      %dma_wait3A_165 = tpu.memref_squeeze %dma_wait3A_164 : memref<1x32x512xf32, #tpu.memory_space<hbm>> -> memref<32x512xf32, #tpu.memory_space<hbm>>
      tpu.wait_dma2 semaphore(%arg7 : memref<!tpu.dma_semaphore, #tpu.memory_space<semaphore_mem>>) src(%dma_wait3A_165 : memref<32x512xf32, #tpu.memory_space<hbm>>) dst(%dma_wait3A_161 : memref<32x512xf32, #tpu.memory_space<vmem>>)
      %ge3A_166 = arith.constant 2 : i32
      %ge3A_167 = arith.cmpi sge, %add3A_141, %ge3A_166 : i32
      %convert_element_type3A_168 = arith.extui %ge3A_167 : i1 to i32
      %cond3A_169 = arith.constant 0 : i32
      %cond3A_170 = arith.cmpi ne, %convert_element_type3A_168, %cond3A_169 : i32
      scf.if %cond3A_170 {
        %mul3A_192 = arith.constant 18432 : i32
        %mul3A_193 = arith.muli %add3A, %mul3A_192 : i32
        %mul3A_194 = arith.constant 512 : i32
        %mul3A_195 = arith.muli %add3A_141, %mul3A_194 : i32
        %add3A_196 = arith.addi %mul3A_193, %mul3A_195 : i32
        %dma_wait3A_197 = arith.constant 1 : i32
        %dma_wait3A_198 = arith.constant 0 : i32
        %dma_wait3A_199 = arith.constant 0 : i32
        %dma_wait3A_200 = tpu.memref_slice %arg5[%dma_wait3A_197, %dma_wait3A_198, %dma_wait3A_199] : memref<2x512x33xf32, #tpu.memory_space<vmem>> -> memref<1x512x32xf32, #tpu.memory_space<vmem>>
        %dma_wait3A_201 = tpu.memref_squeeze %dma_wait3A_200 : memref<1x512x32xf32, #tpu.memory_space<vmem>> -> memref<512x32xf32, #tpu.memory_space<vmem>>
        %dma_wait3A_202 = arith.constant 0 : i32
        %dma_wait3A_203 = tpu.memref_slice %arg3[%add3A_196, %dma_wait3A_202] : memref<589824x32xf32, #tpu.memory_space<hbm>> -> memref<512x32xf32, #tpu.memory_space<hbm>>
        %dma_wait3A_204 = arith.constant 0 : i32
        %dma_wait3A_205 = tpu.memref_slice %arg3[%add3A_196, %dma_wait3A_204] : memref<589824x32xf32, #tpu.memory_space<hbm>> -> memref<512x32xf32, #tpu.memory_space<hbm>>
        %dma_wait3A_206 = arith.constant 0 : i32
        %dma_wait3A_207 = arith.constant 0 : i32
        %dma_wait3A_208 = tpu.memref_slice %arg5[%dma_wait3A_197, %dma_wait3A_206, %dma_wait3A_207] : memref<2x512x33xf32, #tpu.memory_space<vmem>> -> memref<1x512x32xf32, #tpu.memory_space<vmem>>
        %dma_wait3A_209 = tpu.memref_squeeze %dma_wait3A_208 : memref<1x512x32xf32, #tpu.memory_space<vmem>> -> memref<512x32xf32, #tpu.memory_space<vmem>>
        tpu.wait_dma2 semaphore(%arg9 : memref<!tpu.dma_semaphore, #tpu.memory_space<semaphore_mem>>) src(%dma_wait3A_209 : memref<512x32xf32, #tpu.memory_space<vmem>>) dst(%dma_wait3A_205 : memref<512x32xf32, #tpu.memory_space<hbm>>)
      } else {
      }
      %parallel_loop3A_171 = arith.constant 0 : i32
      %parallel_loop3A_172 = arith.constant 32 : i32
      %parallel_loop3A_173 = arith.constant 1 : i32
      scf.for %parallel_loop3A_192 = %parallel_loop3A_171 to %parallel_loop3A_172 step %parallel_loop3A_173  : i32 {
        %parallel_loop3A_193 = vector.broadcast %parallel_loop3A_192 : i32 to vector<16xi32>
        %parallel_loop3A_194 = arith.constant 1 : i32
        %parallel_loop3A_195 = arith.index_cast %parallel_loop3A_194 : i32 to index
        %parallel_loop3A_196 = arith.index_cast %parallel_loop3A_192 : i32 to index
        %parallel_loop3A_197 = arith.constant 0 : index
        %parallel_loop3A_198 = tpu.vector_load %arg4[%parallel_loop3A_195, %parallel_loop3A_196, %parallel_loop3A_197] {strides = array<i32>} : memref<2x32x512xf32, #tpu.memory_space<vmem>>, vector<16xf32>,
        %parallel_loop3A_199 = arith.constant 0 : i32
        %parallel_loop3A_200 = vector.broadcast %parallel_loop3A_199 : i32 to vector<16xi32>
        %parallel_loop3A_201 = arith.addi %iota3A, %parallel_loop3A_200 : vector<16xi32>
        %parallel_loop3A_202 = arith.constant 1 : i32
        %parallel_loop3A_203 = arith.constant 0 : i32
        %parallel_loop3A_204 = arith.constant 0 : i32
        %parallel_loop3A_205 = tpu.memref_slice %arg5[%parallel_loop3A_202, %parallel_loop3A_203, %parallel_loop3A_204] : memref<2x512x33xf32, #tpu.memory_space<vmem>> -> memref<1x512x33xf32, #tpu.memory_space<vmem>>
        %parallel_loop3A_206 = tpu.memref_squeeze %parallel_loop3A_205 : memref<1x512x33xf32, #tpu.memory_space<vmem>> -> memref<512x33xf32, #tpu.memory_space<vmem>>
        tpu.vector_store_idx %parallel_loop3A_206[%parallel_loop3A_201, %parallel_loop3A_193], %parallel_loop3A_198 : memref<512x33xf32, #tpu.memory_space<vmem>>[vector<16xi32>, vector<16xi32>], vector<16xf32>,
        %parallel_loop3A_207 = arith.constant 1 : i32
        %parallel_loop3A_208 = arith.index_cast %parallel_loop3A_207 : i32 to index
        %parallel_loop3A_209 = arith.index_cast %parallel_loop3A_192 : i32 to index
        %parallel_loop3A_210 = arith.constant 16 : index
        %parallel_loop3A_211 = tpu.vector_load %arg4[%parallel_loop3A_208, %parallel_loop3A_209, %parallel_loop3A_210] {strides = array<i32>} : memref<2x32x512xf32, #tpu.memory_space<vmem>>, vector<16xf32>,
        %parallel_loop3A_212 = arith.constant 16 : i32
        %parallel_loop3A_213 = vector.broadcast %parallel_loop3A_212 : i32 to vector<16xi32>
        %parallel_loop3A_214 = arith.addi %iota3A, %parallel_loop3A_213 : vector<16xi32>
        %parallel_loop3A_215 = arith.constant 1 : i32
        %parallel_loop3A_216 = arith.constant 0 : i32
        %parallel_loop3A_217 = arith.constant 0 : i32
        %parallel_loop3A_218 = tpu.memref_slice %arg5[%parallel_loop3A_215, %parallel_loop3A_216, %parallel_loop3A_217] : memref<2x512x33xf32, #tpu.memory_space<vmem>> -> memref<1x512x33xf32, #tpu.memory_space<vmem>>
        %parallel_loop3A_219 = tpu.memref_squeeze %parallel_loop3A_218 : memref<1x512x33xf32, #tpu.memory_space<vmem>> -> memref<512x33xf32, #tpu.memory_space<vmem>>
        tpu.vector_store_idx %parallel_loop3A_219[%parallel_loop3A_214, %parallel_loop3A_193], %parallel_loop3A_211 : memref<512x33xf32, #tpu.memory_space<vmem>>[vector<16xi32>, vector<16xi32>], vector<16xf32>,
        %parallel_loop3A_220 = arith.constant 1 : i32
        %parallel_loop3A_221 = arith.index_cast %parallel_loop3A_220 : i32 to index
        %parallel_loop3A_222 = arith.index_cast %parallel_loop3A_192 : i32 to index
        %parallel_loop3A_223 = arith.constant 32 : index
        %parallel_loop3A_224 = tpu.vector_load %arg4[%parallel_loop3A_221, %parallel_loop3A_222, %parallel_loop3A_223] {strides = array<i32>} : memref<2x32x512xf32, #tpu.memory_space<vmem>>, vector<16xf32>,
        %parallel_loop3A_225 = arith.constant 32 : i32
        %parallel_loop3A_226 = vector.broadcast %parallel_loop3A_225 : i32 to vector<16xi32>
        %parallel_loop3A_227 = arith.addi %iota3A, %parallel_loop3A_226 : vector<16xi32>
        %parallel_loop3A_228 = arith.constant 1 : i32
        %parallel_loop3A_229 = arith.constant 0 : i32
        %parallel_loop3A_230 = arith.constant 0 : i32
        %parallel_loop3A_231 = tpu.memref_slice %arg5[%parallel_loop3A_228, %parallel_loop3A_229, %parallel_loop3A_230] : memref<2x512x33xf32, #tpu.memory_space<vmem>> -> memref<1x512x33xf32, #tpu.memory_space<vmem>>
        %parallel_loop3A_232 = tpu.memref_squeeze %parallel_loop3A_231 : memref<1x512x33xf32, #tpu.memory_space<vmem>> -> memref<512x33xf32, #tpu.memory_space<vmem>>
        tpu.vector_store_idx %parallel_loop3A_232[%parallel_loop3A_227, %parallel_loop3A_193], %parallel_loop3A_224 : memref<512x33xf32, #tpu.memory_space<vmem>>[vector<16xi32>, vector<16xi32>], vector<16xf32>,
        %parallel_loop3A_233 = arith.constant 1 : i32
        %parallel_loop3A_234 = arith.index_cast %parallel_loop3A_233 : i32 to index
        %parallel_loop3A_235 = arith.index_cast %parallel_loop3A_192 : i32 to index
        %parallel_loop3A_236 = arith.constant 48 : index
        %parallel_loop3A_237 = tpu.vector_load %arg4[%parallel_loop3A_234, %parallel_loop3A_235, %parallel_loop3A_236] {strides = array<i32>} : memref<2x32x512xf32, #tpu.memory_space<vmem>>, vector<16xf32>,
        %parallel_loop3A_238 = arith.constant 48 : i32
        %parallel_loop3A_239 = vector.broadcast %parallel_loop3A_238 : i32 to vector<16xi32>
        %parallel_loop3A_240 = arith.addi %iota3A, %parallel_loop3A_239 : vector<16xi32>
        %parallel_loop3A_241 = arith.constant 1 : i32
        %parallel_loop3A_242 = arith.constant 0 : i32
        %parallel_loop3A_243 = arith.constant 0 : i32
        %parallel_loop3A_244 = tpu.memref_slice %arg5[%parallel_loop3A_241, %parallel_loop3A_242, %parallel_loop3A_243] : memref<2x512x33xf32, #tpu.memory_space<vmem>> -> memref<1x512x33xf32, #tpu.memory_space<vmem>>
        %parallel_loop3A_245 = tpu.memref_squeeze %parallel_loop3A_244 : memref<1x512x33xf32, #tpu.memory_space<vmem>> -> memref<512x33xf32, #tpu.memory_space<vmem>>
        tpu.vector_store_idx %parallel_loop3A_245[%parallel_loop3A_240, %parallel_loop3A_193], %parallel_loop3A_237 : memref<512x33xf32, #tpu.memory_space<vmem>>[vector<16xi32>, vector<16xi32>], vector<16xf32>,
        %parallel_loop3A_246 = arith.constant 1 : i32
        %parallel_loop3A_247 = arith.index_cast %parallel_loop3A_246 : i32 to index
        %parallel_loop3A_248 = arith.index_cast %parallel_loop3A_192 : i32 to index
        %parallel_loop3A_249 = arith.constant 64 : index
        %parallel_loop3A_250 = tpu.vector_load %arg4[%parallel_loop3A_247, %parallel_loop3A_248, %parallel_loop3A_249] {strides = array<i32>} : memref<2x32x512xf32, #tpu.memory_space<vmem>>, vector<16xf32>,
        %parallel_loop3A_251 = arith.constant 64 : i32
        %parallel_loop3A_252 = vector.broadcast %parallel_loop3A_251 : i32 to vector<16xi32>
        %parallel_loop3A_253 = arith.addi %iota3A, %parallel_loop3A_252 : vector<16xi32>
        %parallel_loop3A_254 = arith.constant 1 : i32
        %parallel_loop3A_255 = arith.constant 0 : i32
        %parallel_loop3A_256 = arith.constant 0 : i32
        %parallel_loop3A_257 = tpu.memref_slice %arg5[%parallel_loop3A_254, %parallel_loop3A_255, %parallel_loop3A_256] : memref<2x512x33xf32, #tpu.memory_space<vmem>> -> memref<1x512x33xf32, #tpu.memory_space<vmem>>
        %parallel_loop3A_258 = tpu.memref_squeeze %parallel_loop3A_257 : memref<1x512x33xf32, #tpu.memory_space<vmem>> -> memref<512x33xf32, #tpu.memory_space<vmem>>
        tpu.vector_store_idx %parallel_loop3A_258[%parallel_loop3A_253, %parallel_loop3A_193], %parallel_loop3A_250 : memref<512x33xf32, #tpu.memory_space<vmem>>[vector<16xi32>, vector<16xi32>], vector<16xf32>,
        %parallel_loop3A_259 = arith.constant 1 : i32
        %parallel_loop3A_260 = arith.index_cast %parallel_loop3A_259 : i32 to index
        %parallel_loop3A_261 = arith.index_cast %parallel_loop3A_192 : i32 to index
        %parallel_loop3A_262 = arith.constant 80 : index
        %parallel_loop3A_263 = tpu.vector_load %arg4[%parallel_loop3A_260, %parallel_loop3A_261, %parallel_loop3A_262] {strides = array<i32>} : memref<2x32x512xf32, #tpu.memory_space<vmem>>, vector<16xf32>,
        %parallel_loop3A_264 = arith.constant 80 : i32
        %parallel_loop3A_265 = vector.broadcast %parallel_loop3A_264 : i32 to vector<16xi32>
        %parallel_loop3A_266 = arith.addi %iota3A, %parallel_loop3A_265 : vector<16xi32>
        %parallel_loop3A_267 = arith.constant 1 : i32
        %parallel_loop3A_268 = arith.constant 0 : i32
        %parallel_loop3A_269 = arith.constant 0 : i32
        %parallel_loop3A_270 = tpu.memref_slice %arg5[%parallel_loop3A_267, %parallel_loop3A_268, %parallel_loop3A_269] : memref<2x512x33xf32, #tpu.memory_space<vmem>> -> memref<1x512x33xf32, #tpu.memory_space<vmem>>
        %parallel_loop3A_271 = tpu.memref_squeeze %parallel_loop3A_270 : memref<1x512x33xf32, #tpu.memory_space<vmem>> -> memref<512x33xf32, #tpu.memory_space<vmem>>
        tpu.vector_store_idx %parallel_loop3A_271[%parallel_loop3A_266, %parallel_loop3A_193], %parallel_loop3A_263 : memref<512x33xf32, #tpu.memory_space<vmem>>[vector<16xi32>, vector<16xi32>], vector<16xf32>,
        %parallel_loop3A_272 = arith.constant 1 : i32
        %parallel_loop3A_273 = arith.index_cast %parallel_loop3A_272 : i32 to index
        %parallel_loop3A_274 = arith.index_cast %parallel_loop3A_192 : i32 to index
        %parallel_loop3A_275 = arith.constant 96 : index
        %parallel_loop3A_276 = tpu.vector_load %arg4[%parallel_loop3A_273, %parallel_loop3A_274, %parallel_loop3A_275] {strides = array<i32>} : memref<2x32x512xf32, #tpu.memory_space<vmem>>, vector<16xf32>,
        %parallel_loop3A_277 = arith.constant 96 : i32
        %parallel_loop3A_278 = vector.broadcast %parallel_loop3A_277 : i32 to vector<16xi32>
        %parallel_loop3A_279 = arith.addi %iota3A, %parallel_loop3A_278 : vector<16xi32>
        %parallel_loop3A_280 = arith.constant 1 : i32
        %parallel_loop3A_281 = arith.constant 0 : i32
        %parallel_loop3A_282 = arith.constant 0 : i32
        %parallel_loop3A_283 = tpu.memref_slice %arg5[%parallel_loop3A_280, %parallel_loop3A_281, %parallel_loop3A_282] : memref<2x512x33xf32, #tpu.memory_space<vmem>> -> memref<1x512x33xf32, #tpu.memory_space<vmem>>
        %parallel_loop3A_284 = tpu.memref_squeeze %parallel_loop3A_283 : memref<1x512x33xf32, #tpu.memory_space<vmem>> -> memref<512x33xf32, #tpu.memory_space<vmem>>
        tpu.vector_store_idx %parallel_loop3A_284[%parallel_loop3A_279, %parallel_loop3A_193], %parallel_loop3A_276 : memref<512x33xf32, #tpu.memory_space<vmem>>[vector<16xi32>, vector<16xi32>], vector<16xf32>,
        %parallel_loop3A_285 = arith.constant 1 : i32
        %parallel_loop3A_286 = arith.index_cast %parallel_loop3A_285 : i32 to index
        %parallel_loop3A_287 = arith.index_cast %parallel_loop3A_192 : i32 to index
        %parallel_loop3A_288 = arith.constant 112 : index
        %parallel_loop3A_289 = tpu.vector_load %arg4[%parallel_loop3A_286, %parallel_loop3A_287, %parallel_loop3A_288] {strides = array<i32>} : memref<2x32x512xf32, #tpu.memory_space<vmem>>, vector<16xf32>,
        %parallel_loop3A_290 = arith.constant 112 : i32
        %parallel_loop3A_291 = vector.broadcast %parallel_loop3A_290 : i32 to vector<16xi32>
        %parallel_loop3A_292 = arith.addi %iota3A, %parallel_loop3A_291 : vector<16xi32>
        %parallel_loop3A_293 = arith.constant 1 : i32
        %parallel_loop3A_294 = arith.constant 0 : i32
        %parallel_loop3A_295 = arith.constant 0 : i32
        %parallel_loop3A_296 = tpu.memref_slice %arg5[%parallel_loop3A_293, %parallel_loop3A_294, %parallel_loop3A_295] : memref<2x512x33xf32, #tpu.memory_space<vmem>> -> memref<1x512x33xf32, #tpu.memory_space<vmem>>
        %parallel_loop3A_297 = tpu.memref_squeeze %parallel_loop3A_296 : memref<1x512x33xf32, #tpu.memory_space<vmem>> -> memref<512x33xf32, #tpu.memory_space<vmem>>
        tpu.vector_store_idx %parallel_loop3A_297[%parallel_loop3A_292, %parallel_loop3A_193], %parallel_loop3A_289 : memref<512x33xf32, #tpu.memory_space<vmem>>[vector<16xi32>, vector<16xi32>], vector<16xf32>,
        %parallel_loop3A_298 = arith.constant 1 : i32
        %parallel_loop3A_299 = arith.index_cast %parallel_loop3A_298 : i32 to index
        %parallel_loop3A_300 = arith.index_cast %parallel_loop3A_192 : i32 to index
        %parallel_loop3A_301 = arith.constant 128 : index
        %parallel_loop3A_302 = tpu.vector_load %arg4[%parallel_loop3A_299, %parallel_loop3A_300, %parallel_loop3A_301] {strides = array<i32>} : memref<2x32x512xf32, #tpu.memory_space<vmem>>, vector<16xf32>,
        %parallel_loop3A_303 = arith.constant 128 : i32
        %parallel_loop3A_304 = vector.broadcast %parallel_loop3A_303 : i32 to vector<16xi32>
        %parallel_loop3A_305 = arith.addi %iota3A, %parallel_loop3A_304 : vector<16xi32>
        %parallel_loop3A_306 = arith.constant 1 : i32
        %parallel_loop3A_307 = arith.constant 0 : i32
        %parallel_loop3A_308 = arith.constant 0 : i32
        %parallel_loop3A_309 = tpu.memref_slice %arg5[%parallel_loop3A_306, %parallel_loop3A_307, %parallel_loop3A_308] : memref<2x512x33xf32, #tpu.memory_space<vmem>> -> memref<1x512x33xf32, #tpu.memory_space<vmem>>
        %parallel_loop3A_310 = tpu.memref_squeeze %parallel_loop3A_309 : memref<1x512x33xf32, #tpu.memory_space<vmem>> -> memref<512x33xf32, #tpu.memory_space<vmem>>
        tpu.vector_store_idx %parallel_loop3A_310[%parallel_loop3A_305, %parallel_loop3A_193], %parallel_loop3A_302 : memref<512x33xf32, #tpu.memory_space<vmem>>[vector<16xi32>, vector<16xi32>], vector<16xf32>,
        %parallel_loop3A_311 = arith.constant 1 : i32
        %parallel_loop3A_312 = arith.index_cast %parallel_loop3A_311 : i32 to index
        %parallel_loop3A_313 = arith.index_cast %parallel_loop3A_192 : i32 to index
        %parallel_loop3A_314 = arith.constant 144 : index
        %parallel_loop3A_315 = tpu.vector_load %arg4[%parallel_loop3A_312, %parallel_loop3A_313, %parallel_loop3A_314] {strides = array<i32>} : memref<2x32x512xf32, #tpu.memory_space<vmem>>, vector<16xf32>,
        %parallel_loop3A_316 = arith.constant 144 : i32
        %parallel_loop3A_317 = vector.broadcast %parallel_loop3A_316 : i32 to vector<16xi32>
        %parallel_loop3A_318 = arith.addi %iota3A, %parallel_loop3A_317 : vector<16xi32>
        %parallel_loop3A_319 = arith.constant 1 : i32
        %parallel_loop3A_320 = arith.constant 0 : i32
        %parallel_loop3A_321 = arith.constant 0 : i32
        %parallel_loop3A_322 = tpu.memref_slice %arg5[%parallel_loop3A_319, %parallel_loop3A_320, %parallel_loop3A_321] : memref<2x512x33xf32, #tpu.memory_space<vmem>> -> memref<1x512x33xf32, #tpu.memory_space<vmem>>
        %parallel_loop3A_323 = tpu.memref_squeeze %parallel_loop3A_322 : memref<1x512x33xf32, #tpu.memory_space<vmem>> -> memref<512x33xf32, #tpu.memory_space<vmem>>
        tpu.vector_store_idx %parallel_loop3A_323[%parallel_loop3A_318, %parallel_loop3A_193], %parallel_loop3A_315 : memref<512x33xf32, #tpu.memory_space<vmem>>[vector<16xi32>, vector<16xi32>], vector<16xf32>,
        %parallel_loop3A_324 = arith.constant 1 : i32
        %parallel_loop3A_325 = arith.index_cast %parallel_loop3A_324 : i32 to index
        %parallel_loop3A_326 = arith.index_cast %parallel_loop3A_192 : i32 to index
        %parallel_loop3A_327 = arith.constant 160 : index
        %parallel_loop3A_328 = tpu.vector_load %arg4[%parallel_loop3A_325, %parallel_loop3A_326, %parallel_loop3A_327] {strides = array<i32>} : memref<2x32x512xf32, #tpu.memory_space<vmem>>, vector<16xf32>,
        %parallel_loop3A_329 = arith.constant 160 : i32
        %parallel_loop3A_330 = vector.broadcast %parallel_loop3A_329 : i32 to vector<16xi32>
        %parallel_loop3A_331 = arith.addi %iota3A, %parallel_loop3A_330 : vector<16xi32>
        %parallel_loop3A_332 = arith.constant 1 : i32
        %parallel_loop3A_333 = arith.constant 0 : i32
        %parallel_loop3A_334 = arith.constant 0 : i32
        %parallel_loop3A_335 = tpu.memref_slice %arg5[%parallel_loop3A_332, %parallel_loop3A_333, %parallel_loop3A_334] : memref<2x512x33xf32, #tpu.memory_space<vmem>> -> memref<1x512x33xf32, #tpu.memory_space<vmem>>
        %parallel_loop3A_336 = tpu.memref_squeeze %parallel_loop3A_335 : memref<1x512x33xf32, #tpu.memory_space<vmem>> -> memref<512x33xf32, #tpu.memory_space<vmem>>
        tpu.vector_store_idx %parallel_loop3A_336[%parallel_loop3A_331, %parallel_loop3A_193], %parallel_loop3A_328 : memref<512x33xf32, #tpu.memory_space<vmem>>[vector<16xi32>, vector<16xi32>], vector<16xf32>,
        %parallel_loop3A_337 = arith.constant 1 : i32
        %parallel_loop3A_338 = arith.index_cast %parallel_loop3A_337 : i32 to index
        %parallel_loop3A_339 = arith.index_cast %parallel_loop3A_192 : i32 to index
        %parallel_loop3A_340 = arith.constant 176 : index
        %parallel_loop3A_341 = tpu.vector_load %arg4[%parallel_loop3A_338, %parallel_loop3A_339, %parallel_loop3A_340] {strides = array<i32>} : memref<2x32x512xf32, #tpu.memory_space<vmem>>, vector<16xf32>,
        %parallel_loop3A_342 = arith.constant 176 : i32
        %parallel_loop3A_343 = vector.broadcast %parallel_loop3A_342 : i32 to vector<16xi32>
        %parallel_loop3A_344 = arith.addi %iota3A, %parallel_loop3A_343 : vector<16xi32>
        %parallel_loop3A_345 = arith.constant 1 : i32
        %parallel_loop3A_346 = arith.constant 0 : i32
        %parallel_loop3A_347 = arith.constant 0 : i32
        %parallel_loop3A_348 = tpu.memref_slice %arg5[%parallel_loop3A_345, %parallel_loop3A_346, %parallel_loop3A_347] : memref<2x512x33xf32, #tpu.memory_space<vmem>> -> memref<1x512x33xf32, #tpu.memory_space<vmem>>
        %parallel_loop3A_349 = tpu.memref_squeeze %parallel_loop3A_348 : memref<1x512x33xf32, #tpu.memory_space<vmem>> -> memref<512x33xf32, #tpu.memory_space<vmem>>
        tpu.vector_store_idx %parallel_loop3A_349[%parallel_loop3A_344, %parallel_loop3A_193], %parallel_loop3A_341 : memref<512x33xf32, #tpu.memory_space<vmem>>[vector<16xi32>, vector<16xi32>], vector<16xf32>,
        %parallel_loop3A_350 = arith.constant 1 : i32
        %parallel_loop3A_351 = arith.index_cast %parallel_loop3A_350 : i32 to index
        %parallel_loop3A_352 = arith.index_cast %parallel_loop3A_192 : i32 to index
        %parallel_loop3A_353 = arith.constant 192 : index
        %parallel_loop3A_354 = tpu.vector_load %arg4[%parallel_loop3A_351, %parallel_loop3A_352, %parallel_loop3A_353] {strides = array<i32>} : memref<2x32x512xf32, #tpu.memory_space<vmem>>, vector<16xf32>,
        %parallel_loop3A_355 = arith.constant 192 : i32
        %parallel_loop3A_356 = vector.broadcast %parallel_loop3A_355 : i32 to vector<16xi32>
        %parallel_loop3A_357 = arith.addi %iota3A, %parallel_loop3A_356 : vector<16xi32>
        %parallel_loop3A_358 = arith.constant 1 : i32
        %parallel_loop3A_359 = arith.constant 0 : i32
        %parallel_loop3A_360 = arith.constant 0 : i32
        %parallel_loop3A_361 = tpu.memref_slice %arg5[%parallel_loop3A_358, %parallel_loop3A_359, %parallel_loop3A_360] : memref<2x512x33xf32, #tpu.memory_space<vmem>> -> memref<1x512x33xf32, #tpu.memory_space<vmem>>
        %parallel_loop3A_362 = tpu.memref_squeeze %parallel_loop3A_361 : memref<1x512x33xf32, #tpu.memory_space<vmem>> -> memref<512x33xf32, #tpu.memory_space<vmem>>
        tpu.vector_store_idx %parallel_loop3A_362[%parallel_loop3A_357, %parallel_loop3A_193], %parallel_loop3A_354 : memref<512x33xf32, #tpu.memory_space<vmem>>[vector<16xi32>, vector<16xi32>], vector<16xf32>,
        %parallel_loop3A_363 = arith.constant 1 : i32
        %parallel_loop3A_364 = arith.index_cast %parallel_loop3A_363 : i32 to index
        %parallel_loop3A_365 = arith.index_cast %parallel_loop3A_192 : i32 to index
        %parallel_loop3A_366 = arith.constant 208 : index
        %parallel_loop3A_367 = tpu.vector_load %arg4[%parallel_loop3A_364, %parallel_loop3A_365, %parallel_loop3A_366] {strides = array<i32>} : memref<2x32x512xf32, #tpu.memory_space<vmem>>, vector<16xf32>,
        %parallel_loop3A_368 = arith.constant 208 : i32
        %parallel_loop3A_369 = vector.broadcast %parallel_loop3A_368 : i32 to vector<16xi32>
        %parallel_loop3A_370 = arith.addi %iota3A, %parallel_loop3A_369 : vector<16xi32>
        %parallel_loop3A_371 = arith.constant 1 : i32
        %parallel_loop3A_372 = arith.constant 0 : i32
        %parallel_loop3A_373 = arith.constant 0 : i32
        %parallel_loop3A_374 = tpu.memref_slice %arg5[%parallel_loop3A_371, %parallel_loop3A_372, %parallel_loop3A_373] : memref<2x512x33xf32, #tpu.memory_space<vmem>> -> memref<1x512x33xf32, #tpu.memory_space<vmem>>
        %parallel_loop3A_375 = tpu.memref_squeeze %parallel_loop3A_374 : memref<1x512x33xf32, #tpu.memory_space<vmem>> -> memref<512x33xf32, #tpu.memory_space<vmem>>
        tpu.vector_store_idx %parallel_loop3A_375[%parallel_loop3A_370, %parallel_loop3A_193], %parallel_loop3A_367 : memref<512x33xf32, #tpu.memory_space<vmem>>[vector<16xi32>, vector<16xi32>], vector<16xf32>,
        %parallel_loop3A_376 = arith.constant 1 : i32
        %parallel_loop3A_377 = arith.index_cast %parallel_loop3A_376 : i32 to index
        %parallel_loop3A_378 = arith.index_cast %parallel_loop3A_192 : i32 to index
        %parallel_loop3A_379 = arith.constant 224 : index
        %parallel_loop3A_380 = tpu.vector_load %arg4[%parallel_loop3A_377, %parallel_loop3A_378, %parallel_loop3A_379] {strides = array<i32>} : memref<2x32x512xf32, #tpu.memory_space<vmem>>, vector<16xf32>,
        %parallel_loop3A_381 = arith.constant 224 : i32
        %parallel_loop3A_382 = vector.broadcast %parallel_loop3A_381 : i32 to vector<16xi32>
        %parallel_loop3A_383 = arith.addi %iota3A, %parallel_loop3A_382 : vector<16xi32>
        %parallel_loop3A_384 = arith.constant 1 : i32
        %parallel_loop3A_385 = arith.constant 0 : i32
        %parallel_loop3A_386 = arith.constant 0 : i32
        %parallel_loop3A_387 = tpu.memref_slice %arg5[%parallel_loop3A_384, %parallel_loop3A_385, %parallel_loop3A_386] : memref<2x512x33xf32, #tpu.memory_space<vmem>> -> memref<1x512x33xf32, #tpu.memory_space<vmem>>
        %parallel_loop3A_388 = tpu.memref_squeeze %parallel_loop3A_387 : memref<1x512x33xf32, #tpu.memory_space<vmem>> -> memref<512x33xf32, #tpu.memory_space<vmem>>
        tpu.vector_store_idx %parallel_loop3A_388[%parallel_loop3A_383, %parallel_loop3A_193], %parallel_loop3A_380 : memref<512x33xf32, #tpu.memory_space<vmem>>[vector<16xi32>, vector<16xi32>], vector<16xf32>,
        %parallel_loop3A_389 = arith.constant 1 : i32
        %parallel_loop3A_390 = arith.index_cast %parallel_loop3A_389 : i32 to index
        %parallel_loop3A_391 = arith.index_cast %parallel_loop3A_192 : i32 to index
        %parallel_loop3A_392 = arith.constant 240 : index
        %parallel_loop3A_393 = tpu.vector_load %arg4[%parallel_loop3A_390, %parallel_loop3A_391, %parallel_loop3A_392] {strides = array<i32>} : memref<2x32x512xf32, #tpu.memory_space<vmem>>, vector<16xf32>,
        %parallel_loop3A_394 = arith.constant 240 : i32
        %parallel_loop3A_395 = vector.broadcast %parallel_loop3A_394 : i32 to vector<16xi32>
        %parallel_loop3A_396 = arith.addi %iota3A, %parallel_loop3A_395 : vector<16xi32>
        %parallel_loop3A_397 = arith.constant 1 : i32
        %parallel_loop3A_398 = arith.constant 0 : i32
        %parallel_loop3A_399 = arith.constant 0 : i32
        %parallel_loop3A_400 = tpu.memref_slice %arg5[%parallel_loop3A_397, %parallel_loop3A_398, %parallel_loop3A_399] : memref<2x512x33xf32, #tpu.memory_space<vmem>> -> memref<1x512x33xf32, #tpu.memory_space<vmem>>
        %parallel_loop3A_401 = tpu.memref_squeeze %parallel_loop3A_400 : memref<1x512x33xf32, #tpu.memory_space<vmem>> -> memref<512x33xf32, #tpu.memory_space<vmem>>
        tpu.vector_store_idx %parallel_loop3A_401[%parallel_loop3A_396, %parallel_loop3A_193], %parallel_loop3A_393 : memref<512x33xf32, #tpu.memory_space<vmem>>[vector<16xi32>, vector<16xi32>], vector<16xf32>,
        %parallel_loop3A_402 = arith.constant 1 : i32
        %parallel_loop3A_403 = arith.index_cast %parallel_loop3A_402 : i32 to index
        %parallel_loop3A_404 = arith.index_cast %parallel_loop3A_192 : i32 to index
        %parallel_loop3A_405 = arith.constant 256 : index
        %parallel_loop3A_406 = tpu.vector_load %arg4[%parallel_loop3A_403, %parallel_loop3A_404, %parallel_loop3A_405] {strides = array<i32>} : memref<2x32x512xf32, #tpu.memory_space<vmem>>, vector<16xf32>,
        %parallel_loop3A_407 = arith.constant 256 : i32
        %parallel_loop3A_408 = vector.broadcast %parallel_loop3A_407 : i32 to vector<16xi32>
        %parallel_loop3A_409 = arith.addi %iota3A, %parallel_loop3A_408 : vector<16xi32>
        %parallel_loop3A_410 = arith.constant 1 : i32
        %parallel_loop3A_411 = arith.constant 0 : i32
        %parallel_loop3A_412 = arith.constant 0 : i32
        %parallel_loop3A_413 = tpu.memref_slice %arg5[%parallel_loop3A_410, %parallel_loop3A_411, %parallel_loop3A_412] : memref<2x512x33xf32, #tpu.memory_space<vmem>> -> memref<1x512x33xf32, #tpu.memory_space<vmem>>
        %parallel_loop3A_414 = tpu.memref_squeeze %parallel_loop3A_413 : memref<1x512x33xf32, #tpu.memory_space<vmem>> -> memref<512x33xf32, #tpu.memory_space<vmem>>
        tpu.vector_store_idx %parallel_loop3A_414[%parallel_loop3A_409, %parallel_loop3A_193], %parallel_loop3A_406 : memref<512x33xf32, #tpu.memory_space<vmem>>[vector<16xi32>, vector<16xi32>], vector<16xf32>,
        %parallel_loop3A_415 = arith.constant 1 : i32
        %parallel_loop3A_416 = arith.index_cast %parallel_loop3A_415 : i32 to index
        %parallel_loop3A_417 = arith.index_cast %parallel_loop3A_192 : i32 to index
        %parallel_loop3A_418 = arith.constant 272 : index
        %parallel_loop3A_419 = tpu.vector_load %arg4[%parallel_loop3A_416, %parallel_loop3A_417, %parallel_loop3A_418] {strides = array<i32>} : memref<2x32x512xf32, #tpu.memory_space<vmem>>, vector<16xf32>,
        %parallel_loop3A_420 = arith.constant 272 : i32
        %parallel_loop3A_421 = vector.broadcast %parallel_loop3A_420 : i32 to vector<16xi32>
        %parallel_loop3A_422 = arith.addi %iota3A, %parallel_loop3A_421 : vector<16xi32>
        %parallel_loop3A_423 = arith.constant 1 : i32
        %parallel_loop3A_424 = arith.constant 0 : i32
        %parallel_loop3A_425 = arith.constant 0 : i32
        %parallel_loop3A_426 = tpu.memref_slice %arg5[%parallel_loop3A_423, %parallel_loop3A_424, %parallel_loop3A_425] : memref<2x512x33xf32, #tpu.memory_space<vmem>> -> memref<1x512x33xf32, #tpu.memory_space<vmem>>
        %parallel_loop3A_427 = tpu.memref_squeeze %parallel_loop3A_426 : memref<1x512x33xf32, #tpu.memory_space<vmem>> -> memref<512x33xf32, #tpu.memory_space<vmem>>
        tpu.vector_store_idx %parallel_loop3A_427[%parallel_loop3A_422, %parallel_loop3A_193], %parallel_loop3A_419 : memref<512x33xf32, #tpu.memory_space<vmem>>[vector<16xi32>, vector<16xi32>], vector<16xf32>,
        %parallel_loop3A_428 = arith.constant 1 : i32
        %parallel_loop3A_429 = arith.index_cast %parallel_loop3A_428 : i32 to index
        %parallel_loop3A_430 = arith.index_cast %parallel_loop3A_192 : i32 to index
        %parallel_loop3A_431 = arith.constant 288 : index
        %parallel_loop3A_432 = tpu.vector_load %arg4[%parallel_loop3A_429, %parallel_loop3A_430, %parallel_loop3A_431] {strides = array<i32>} : memref<2x32x512xf32, #tpu.memory_space<vmem>>, vector<16xf32>,
        %parallel_loop3A_433 = arith.constant 288 : i32
        %parallel_loop3A_434 = vector.broadcast %parallel_loop3A_433 : i32 to vector<16xi32>
        %parallel_loop3A_435 = arith.addi %iota3A, %parallel_loop3A_434 : vector<16xi32>
        %parallel_loop3A_436 = arith.constant 1 : i32
        %parallel_loop3A_437 = arith.constant 0 : i32
        %parallel_loop3A_438 = arith.constant 0 : i32
        %parallel_loop3A_439 = tpu.memref_slice %arg5[%parallel_loop3A_436, %parallel_loop3A_437, %parallel_loop3A_438] : memref<2x512x33xf32, #tpu.memory_space<vmem>> -> memref<1x512x33xf32, #tpu.memory_space<vmem>>
        %parallel_loop3A_440 = tpu.memref_squeeze %parallel_loop3A_439 : memref<1x512x33xf32, #tpu.memory_space<vmem>> -> memref<512x33xf32, #tpu.memory_space<vmem>>
        tpu.vector_store_idx %parallel_loop3A_440[%parallel_loop3A_435, %parallel_loop3A_193], %parallel_loop3A_432 : memref<512x33xf32, #tpu.memory_space<vmem>>[vector<16xi32>, vector<16xi32>], vector<16xf32>,
        %parallel_loop3A_441 = arith.constant 1 : i32
        %parallel_loop3A_442 = arith.index_cast %parallel_loop3A_441 : i32 to index
        %parallel_loop3A_443 = arith.index_cast %parallel_loop3A_192 : i32 to index
        %parallel_loop3A_444 = arith.constant 304 : index
        %parallel_loop3A_445 = tpu.vector_load %arg4[%parallel_loop3A_442, %parallel_loop3A_443, %parallel_loop3A_444] {strides = array<i32>} : memref<2x32x512xf32, #tpu.memory_space<vmem>>, vector<16xf32>,
        %parallel_loop3A_446 = arith.constant 304 : i32
        %parallel_loop3A_447 = vector.broadcast %parallel_loop3A_446 : i32 to vector<16xi32>
        %parallel_loop3A_448 = arith.addi %iota3A, %parallel_loop3A_447 : vector<16xi32>
        %parallel_loop3A_449 = arith.constant 1 : i32
        %parallel_loop3A_450 = arith.constant 0 : i32
        %parallel_loop3A_451 = arith.constant 0 : i32
        %parallel_loop3A_452 = tpu.memref_slice %arg5[%parallel_loop3A_449, %parallel_loop3A_450, %parallel_loop3A_451] : memref<2x512x33xf32, #tpu.memory_space<vmem>> -> memref<1x512x33xf32, #tpu.memory_space<vmem>>
        %parallel_loop3A_453 = tpu.memref_squeeze %parallel_loop3A_452 : memref<1x512x33xf32, #tpu.memory_space<vmem>> -> memref<512x33xf32, #tpu.memory_space<vmem>>
        tpu.vector_store_idx %parallel_loop3A_453[%parallel_loop3A_448, %parallel_loop3A_193], %parallel_loop3A_445 : memref<512x33xf32, #tpu.memory_space<vmem>>[vector<16xi32>, vector<16xi32>], vector<16xf32>,
        %parallel_loop3A_454 = arith.constant 1 : i32
        %parallel_loop3A_455 = arith.index_cast %parallel_loop3A_454 : i32 to index
        %parallel_loop3A_456 = arith.index_cast %parallel_loop3A_192 : i32 to index
        %parallel_loop3A_457 = arith.constant 320 : index
        %parallel_loop3A_458 = tpu.vector_load %arg4[%parallel_loop3A_455, %parallel_loop3A_456, %parallel_loop3A_457] {strides = array<i32>} : memref<2x32x512xf32, #tpu.memory_space<vmem>>, vector<16xf32>,
        %parallel_loop3A_459 = arith.constant 320 : i32
        %parallel_loop3A_460 = vector.broadcast %parallel_loop3A_459 : i32 to vector<16xi32>
        %parallel_loop3A_461 = arith.addi %iota3A, %parallel_loop3A_460 : vector<16xi32>
        %parallel_loop3A_462 = arith.constant 1 : i32
        %parallel_loop3A_463 = arith.constant 0 : i32
        %parallel_loop3A_464 = arith.constant 0 : i32
        %parallel_loop3A_465 = tpu.memref_slice %arg5[%parallel_loop3A_462, %parallel_loop3A_463, %parallel_loop3A_464] : memref<2x512x33xf32, #tpu.memory_space<vmem>> -> memref<1x512x33xf32, #tpu.memory_space<vmem>>
        %parallel_loop3A_466 = tpu.memref_squeeze %parallel_loop3A_465 : memref<1x512x33xf32, #tpu.memory_space<vmem>> -> memref<512x33xf32, #tpu.memory_space<vmem>>
        tpu.vector_store_idx %parallel_loop3A_466[%parallel_loop3A_461, %parallel_loop3A_193], %parallel_loop3A_458 : memref<512x33xf32, #tpu.memory_space<vmem>>[vector<16xi32>, vector<16xi32>], vector<16xf32>,
        %parallel_loop3A_467 = arith.constant 1 : i32
        %parallel_loop3A_468 = arith.index_cast %parallel_loop3A_467 : i32 to index
        %parallel_loop3A_469 = arith.index_cast %parallel_loop3A_192 : i32 to index
        %parallel_loop3A_470 = arith.constant 336 : index
        %parallel_loop3A_471 = tpu.vector_load %arg4[%parallel_loop3A_468, %parallel_loop3A_469, %parallel_loop3A_470] {strides = array<i32>} : memref<2x32x512xf32, #tpu.memory_space<vmem>>, vector<16xf32>,
        %parallel_loop3A_472 = arith.constant 336 : i32
        %parallel_loop3A_473 = vector.broadcast %parallel_loop3A_472 : i32 to vector<16xi32>
        %parallel_loop3A_474 = arith.addi %iota3A, %parallel_loop3A_473 : vector<16xi32>
        %parallel_loop3A_475 = arith.constant 1 : i32
        %parallel_loop3A_476 = arith.constant 0 : i32
        %parallel_loop3A_477 = arith.constant 0 : i32
        %parallel_loop3A_478 = tpu.memref_slice %arg5[%parallel_loop3A_475, %parallel_loop3A_476, %parallel_loop3A_477] : memref<2x512x33xf32, #tpu.memory_space<vmem>> -> memref<1x512x33xf32, #tpu.memory_space<vmem>>
        %parallel_loop3A_479 = tpu.memref_squeeze %parallel_loop3A_478 : memref<1x512x33xf32, #tpu.memory_space<vmem>> -> memref<512x33xf32, #tpu.memory_space<vmem>>
        tpu.vector_store_idx %parallel_loop3A_479[%parallel_loop3A_474, %parallel_loop3A_193], %parallel_loop3A_471 : memref<512x33xf32, #tpu.memory_space<vmem>>[vector<16xi32>, vector<16xi32>], vector<16xf32>,
        %parallel_loop3A_480 = arith.constant 1 : i32
        %parallel_loop3A_481 = arith.index_cast %parallel_loop3A_480 : i32 to index
        %parallel_loop3A_482 = arith.index_cast %parallel_loop3A_192 : i32 to index
        %parallel_loop3A_483 = arith.constant 352 : index
        %parallel_loop3A_484 = tpu.vector_load %arg4[%parallel_loop3A_481, %parallel_loop3A_482, %parallel_loop3A_483] {strides = array<i32>} : memref<2x32x512xf32, #tpu.memory_space<vmem>>, vector<16xf32>,
        %parallel_loop3A_485 = arith.constant 352 : i32
        %parallel_loop3A_486 = vector.broadcast %parallel_loop3A_485 : i32 to vector<16xi32>
        %parallel_loop3A_487 = arith.addi %iota3A, %parallel_loop3A_486 : vector<16xi32>
        %parallel_loop3A_488 = arith.constant 1 : i32
        %parallel_loop3A_489 = arith.constant 0 : i32
        %parallel_loop3A_490 = arith.constant 0 : i32
        %parallel_loop3A_491 = tpu.memref_slice %arg5[%parallel_loop3A_488, %parallel_loop3A_489, %parallel_loop3A_490] : memref<2x512x33xf32, #tpu.memory_space<vmem>> -> memref<1x512x33xf32, #tpu.memory_space<vmem>>
        %parallel_loop3A_492 = tpu.memref_squeeze %parallel_loop3A_491 : memref<1x512x33xf32, #tpu.memory_space<vmem>> -> memref<512x33xf32, #tpu.memory_space<vmem>>
        tpu.vector_store_idx %parallel_loop3A_492[%parallel_loop3A_487, %parallel_loop3A_193], %parallel_loop3A_484 : memref<512x33xf32, #tpu.memory_space<vmem>>[vector<16xi32>, vector<16xi32>], vector<16xf32>,
        %parallel_loop3A_493 = arith.constant 1 : i32
        %parallel_loop3A_494 = arith.index_cast %parallel_loop3A_493 : i32 to index
        %parallel_loop3A_495 = arith.index_cast %parallel_loop3A_192 : i32 to index
        %parallel_loop3A_496 = arith.constant 368 : index
        %parallel_loop3A_497 = tpu.vector_load %arg4[%parallel_loop3A_494, %parallel_loop3A_495, %parallel_loop3A_496] {strides = array<i32>} : memref<2x32x512xf32, #tpu.memory_space<vmem>>, vector<16xf32>,
        %parallel_loop3A_498 = arith.constant 368 : i32
        %parallel_loop3A_499 = vector.broadcast %parallel_loop3A_498 : i32 to vector<16xi32>
        %parallel_loop3A_500 = arith.addi %iota3A, %parallel_loop3A_499 : vector<16xi32>
        %parallel_loop3A_501 = arith.constant 1 : i32
        %parallel_loop3A_502 = arith.constant 0 : i32
        %parallel_loop3A_503 = arith.constant 0 : i32
        %parallel_loop3A_504 = tpu.memref_slice %arg5[%parallel_loop3A_501, %parallel_loop3A_502, %parallel_loop3A_503] : memref<2x512x33xf32, #tpu.memory_space<vmem>> -> memref<1x512x33xf32, #tpu.memory_space<vmem>>
        %parallel_loop3A_505 = tpu.memref_squeeze %parallel_loop3A_504 : memref<1x512x33xf32, #tpu.memory_space<vmem>> -> memref<512x33xf32, #tpu.memory_space<vmem>>
        tpu.vector_store_idx %parallel_loop3A_505[%parallel_loop3A_500, %parallel_loop3A_193], %parallel_loop3A_497 : memref<512x33xf32, #tpu.memory_space<vmem>>[vector<16xi32>, vector<16xi32>], vector<16xf32>,
        %parallel_loop3A_506 = arith.constant 1 : i32
        %parallel_loop3A_507 = arith.index_cast %parallel_loop3A_506 : i32 to index
        %parallel_loop3A_508 = arith.index_cast %parallel_loop3A_192 : i32 to index
        %parallel_loop3A_509 = arith.constant 384 : index
        %parallel_loop3A_510 = tpu.vector_load %arg4[%parallel_loop3A_507, %parallel_loop3A_508, %parallel_loop3A_509] {strides = array<i32>} : memref<2x32x512xf32, #tpu.memory_space<vmem>>, vector<16xf32>,
        %parallel_loop3A_511 = arith.constant 384 : i32
        %parallel_loop3A_512 = vector.broadcast %parallel_loop3A_511 : i32 to vector<16xi32>
        %parallel_loop3A_513 = arith.addi %iota3A, %parallel_loop3A_512 : vector<16xi32>
        %parallel_loop3A_514 = arith.constant 1 : i32
        %parallel_loop3A_515 = arith.constant 0 : i32
        %parallel_loop3A_516 = arith.constant 0 : i32
        %parallel_loop3A_517 = tpu.memref_slice %arg5[%parallel_loop3A_514, %parallel_loop3A_515, %parallel_loop3A_516] : memref<2x512x33xf32, #tpu.memory_space<vmem>> -> memref<1x512x33xf32, #tpu.memory_space<vmem>>
        %parallel_loop3A_518 = tpu.memref_squeeze %parallel_loop3A_517 : memref<1x512x33xf32, #tpu.memory_space<vmem>> -> memref<512x33xf32, #tpu.memory_space<vmem>>
        tpu.vector_store_idx %parallel_loop3A_518[%parallel_loop3A_513, %parallel_loop3A_193], %parallel_loop3A_510 : memref<512x33xf32, #tpu.memory_space<vmem>>[vector<16xi32>, vector<16xi32>], vector<16xf32>,
        %parallel_loop3A_519 = arith.constant 1 : i32
        %parallel_loop3A_520 = arith.index_cast %parallel_loop3A_519 : i32 to index
        %parallel_loop3A_521 = arith.index_cast %parallel_loop3A_192 : i32 to index
        %parallel_loop3A_522 = arith.constant 400 : index
        %parallel_loop3A_523 = tpu.vector_load %arg4[%parallel_loop3A_520, %parallel_loop3A_521, %parallel_loop3A_522] {strides = array<i32>} : memref<2x32x512xf32, #tpu.memory_space<vmem>>, vector<16xf32>,
        %parallel_loop3A_524 = arith.constant 400 : i32
        %parallel_loop3A_525 = vector.broadcast %parallel_loop3A_524 : i32 to vector<16xi32>
        %parallel_loop3A_526 = arith.addi %iota3A, %parallel_loop3A_525 : vector<16xi32>
        %parallel_loop3A_527 = arith.constant 1 : i32
        %parallel_loop3A_528 = arith.constant 0 : i32
        %parallel_loop3A_529 = arith.constant 0 : i32
        %parallel_loop3A_530 = tpu.memref_slice %arg5[%parallel_loop3A_527, %parallel_loop3A_528, %parallel_loop3A_529] : memref<2x512x33xf32, #tpu.memory_space<vmem>> -> memref<1x512x33xf32, #tpu.memory_space<vmem>>
        %parallel_loop3A_531 = tpu.memref_squeeze %parallel_loop3A_530 : memref<1x512x33xf32, #tpu.memory_space<vmem>> -> memref<512x33xf32, #tpu.memory_space<vmem>>
        tpu.vector_store_idx %parallel_loop3A_531[%parallel_loop3A_526, %parallel_loop3A_193], %parallel_loop3A_523 : memref<512x33xf32, #tpu.memory_space<vmem>>[vector<16xi32>, vector<16xi32>], vector<16xf32>,
        %parallel_loop3A_532 = arith.constant 1 : i32
        %parallel_loop3A_533 = arith.index_cast %parallel_loop3A_532 : i32 to index
        %parallel_loop3A_534 = arith.index_cast %parallel_loop3A_192 : i32 to index
        %parallel_loop3A_535 = arith.constant 416 : index
        %parallel_loop3A_536 = tpu.vector_load %arg4[%parallel_loop3A_533, %parallel_loop3A_534, %parallel_loop3A_535] {strides = array<i32>} : memref<2x32x512xf32, #tpu.memory_space<vmem>>, vector<16xf32>,
        %parallel_loop3A_537 = arith.constant 416 : i32
        %parallel_loop3A_538 = vector.broadcast %parallel_loop3A_537 : i32 to vector<16xi32>
        %parallel_loop3A_539 = arith.addi %iota3A, %parallel_loop3A_538 : vector<16xi32>
        %parallel_loop3A_540 = arith.constant 1 : i32
        %parallel_loop3A_541 = arith.constant 0 : i32
        %parallel_loop3A_542 = arith.constant 0 : i32
        %parallel_loop3A_543 = tpu.memref_slice %arg5[%parallel_loop3A_540, %parallel_loop3A_541, %parallel_loop3A_542] : memref<2x512x33xf32, #tpu.memory_space<vmem>> -> memref<1x512x33xf32, #tpu.memory_space<vmem>>
        %parallel_loop3A_544 = tpu.memref_squeeze %parallel_loop3A_543 : memref<1x512x33xf32, #tpu.memory_space<vmem>> -> memref<512x33xf32, #tpu.memory_space<vmem>>
        tpu.vector_store_idx %parallel_loop3A_544[%parallel_loop3A_539, %parallel_loop3A_193], %parallel_loop3A_536 : memref<512x33xf32, #tpu.memory_space<vmem>>[vector<16xi32>, vector<16xi32>], vector<16xf32>,
        %parallel_loop3A_545 = arith.constant 1 : i32
        %parallel_loop3A_546 = arith.index_cast %parallel_loop3A_545 : i32 to index
        %parallel_loop3A_547 = arith.index_cast %parallel_loop3A_192 : i32 to index
        %parallel_loop3A_548 = arith.constant 432 : index
        %parallel_loop3A_549 = tpu.vector_load %arg4[%parallel_loop3A_546, %parallel_loop3A_547, %parallel_loop3A_548] {strides = array<i32>} : memref<2x32x512xf32, #tpu.memory_space<vmem>>, vector<16xf32>,
        %parallel_loop3A_550 = arith.constant 432 : i32
        %parallel_loop3A_551 = vector.broadcast %parallel_loop3A_550 : i32 to vector<16xi32>
        %parallel_loop3A_552 = arith.addi %iota3A, %parallel_loop3A_551 : vector<16xi32>
        %parallel_loop3A_553 = arith.constant 1 : i32
        %parallel_loop3A_554 = arith.constant 0 : i32
        %parallel_loop3A_555 = arith.constant 0 : i32
        %parallel_loop3A_556 = tpu.memref_slice %arg5[%parallel_loop3A_553, %parallel_loop3A_554, %parallel_loop3A_555] : memref<2x512x33xf32, #tpu.memory_space<vmem>> -> memref<1x512x33xf32, #tpu.memory_space<vmem>>
        %parallel_loop3A_557 = tpu.memref_squeeze %parallel_loop3A_556 : memref<1x512x33xf32, #tpu.memory_space<vmem>> -> memref<512x33xf32, #tpu.memory_space<vmem>>
        tpu.vector_store_idx %parallel_loop3A_557[%parallel_loop3A_552, %parallel_loop3A_193], %parallel_loop3A_549 : memref<512x33xf32, #tpu.memory_space<vmem>>[vector<16xi32>, vector<16xi32>], vector<16xf32>,
        %parallel_loop3A_558 = arith.constant 1 : i32
        %parallel_loop3A_559 = arith.index_cast %parallel_loop3A_558 : i32 to index
        %parallel_loop3A_560 = arith.index_cast %parallel_loop3A_192 : i32 to index
        %parallel_loop3A_561 = arith.constant 448 : index
        %parallel_loop3A_562 = tpu.vector_load %arg4[%parallel_loop3A_559, %parallel_loop3A_560, %parallel_loop3A_561] {strides = array<i32>} : memref<2x32x512xf32, #tpu.memory_space<vmem>>, vector<16xf32>,
        %parallel_loop3A_563 = arith.constant 448 : i32
        %parallel_loop3A_564 = vector.broadcast %parallel_loop3A_563 : i32 to vector<16xi32>
        %parallel_loop3A_565 = arith.addi %iota3A, %parallel_loop3A_564 : vector<16xi32>
        %parallel_loop3A_566 = arith.constant 1 : i32
        %parallel_loop3A_567 = arith.constant 0 : i32
        %parallel_loop3A_568 = arith.constant 0 : i32
        %parallel_loop3A_569 = tpu.memref_slice %arg5[%parallel_loop3A_566, %parallel_loop3A_567, %parallel_loop3A_568] : memref<2x512x33xf32, #tpu.memory_space<vmem>> -> memref<1x512x33xf32, #tpu.memory_space<vmem>>
        %parallel_loop3A_570 = tpu.memref_squeeze %parallel_loop3A_569 : memref<1x512x33xf32, #tpu.memory_space<vmem>> -> memref<512x33xf32, #tpu.memory_space<vmem>>
        tpu.vector_store_idx %parallel_loop3A_570[%parallel_loop3A_565, %parallel_loop3A_193], %parallel_loop3A_562 : memref<512x33xf32, #tpu.memory_space<vmem>>[vector<16xi32>, vector<16xi32>], vector<16xf32>,
        %parallel_loop3A_571 = arith.constant 1 : i32
        %parallel_loop3A_572 = arith.index_cast %parallel_loop3A_571 : i32 to index
        %parallel_loop3A_573 = arith.index_cast %parallel_loop3A_192 : i32 to index
        %parallel_loop3A_574 = arith.constant 464 : index
        %parallel_loop3A_575 = tpu.vector_load %arg4[%parallel_loop3A_572, %parallel_loop3A_573, %parallel_loop3A_574] {strides = array<i32>} : memref<2x32x512xf32, #tpu.memory_space<vmem>>, vector<16xf32>,
        %parallel_loop3A_576 = arith.constant 464 : i32
        %parallel_loop3A_577 = vector.broadcast %parallel_loop3A_576 : i32 to vector<16xi32>
        %parallel_loop3A_578 = arith.addi %iota3A, %parallel_loop3A_577 : vector<16xi32>
        %parallel_loop3A_579 = arith.constant 1 : i32
        %parallel_loop3A_580 = arith.constant 0 : i32
        %parallel_loop3A_581 = arith.constant 0 : i32
        %parallel_loop3A_582 = tpu.memref_slice %arg5[%parallel_loop3A_579, %parallel_loop3A_580, %parallel_loop3A_581] : memref<2x512x33xf32, #tpu.memory_space<vmem>> -> memref<1x512x33xf32, #tpu.memory_space<vmem>>
        %parallel_loop3A_583 = tpu.memref_squeeze %parallel_loop3A_582 : memref<1x512x33xf32, #tpu.memory_space<vmem>> -> memref<512x33xf32, #tpu.memory_space<vmem>>
        tpu.vector_store_idx %parallel_loop3A_583[%parallel_loop3A_578, %parallel_loop3A_193], %parallel_loop3A_575 : memref<512x33xf32, #tpu.memory_space<vmem>>[vector<16xi32>, vector<16xi32>], vector<16xf32>,
        %parallel_loop3A_584 = arith.constant 1 : i32
        %parallel_loop3A_585 = arith.index_cast %parallel_loop3A_584 : i32 to index
        %parallel_loop3A_586 = arith.index_cast %parallel_loop3A_192 : i32 to index
        %parallel_loop3A_587 = arith.constant 480 : index
        %parallel_loop3A_588 = tpu.vector_load %arg4[%parallel_loop3A_585, %parallel_loop3A_586, %parallel_loop3A_587] {strides = array<i32>} : memref<2x32x512xf32, #tpu.memory_space<vmem>>, vector<16xf32>,
        %parallel_loop3A_589 = arith.constant 480 : i32
        %parallel_loop3A_590 = vector.broadcast %parallel_loop3A_589 : i32 to vector<16xi32>
        %parallel_loop3A_591 = arith.addi %iota3A, %parallel_loop3A_590 : vector<16xi32>
        %parallel_loop3A_592 = arith.constant 1 : i32
        %parallel_loop3A_593 = arith.constant 0 : i32
        %parallel_loop3A_594 = arith.constant 0 : i32
        %parallel_loop3A_595 = tpu.memref_slice %arg5[%parallel_loop3A_592, %parallel_loop3A_593, %parallel_loop3A_594] : memref<2x512x33xf32, #tpu.memory_space<vmem>> -> memref<1x512x33xf32, #tpu.memory_space<vmem>>
        %parallel_loop3A_596 = tpu.memref_squeeze %parallel_loop3A_595 : memref<1x512x33xf32, #tpu.memory_space<vmem>> -> memref<512x33xf32, #tpu.memory_space<vmem>>
        tpu.vector_store_idx %parallel_loop3A_596[%parallel_loop3A_591, %parallel_loop3A_193], %parallel_loop3A_588 : memref<512x33xf32, #tpu.memory_space<vmem>>[vector<16xi32>, vector<16xi32>], vector<16xf32>,
        %parallel_loop3A_597 = arith.constant 1 : i32
        %parallel_loop3A_598 = arith.index_cast %parallel_loop3A_597 : i32 to index
        %parallel_loop3A_599 = arith.index_cast %parallel_loop3A_192 : i32 to index
        %parallel_loop3A_600 = arith.constant 496 : index
        %parallel_loop3A_601 = tpu.vector_load %arg4[%parallel_loop3A_598, %parallel_loop3A_599, %parallel_loop3A_600] {strides = array<i32>} : memref<2x32x512xf32, #tpu.memory_space<vmem>>, vector<16xf32>,
        %parallel_loop3A_602 = arith.constant 496 : i32
        %parallel_loop3A_603 = vector.broadcast %parallel_loop3A_602 : i32 to vector<16xi32>
        %parallel_loop3A_604 = arith.addi %iota3A, %parallel_loop3A_603 : vector<16xi32>
        %parallel_loop3A_605 = arith.constant 1 : i32
        %parallel_loop3A_606 = arith.constant 0 : i32
        %parallel_loop3A_607 = arith.constant 0 : i32
        %parallel_loop3A_608 = tpu.memref_slice %arg5[%parallel_loop3A_605, %parallel_loop3A_606, %parallel_loop3A_607] : memref<2x512x33xf32, #tpu.memory_space<vmem>> -> memref<1x512x33xf32, #tpu.memory_space<vmem>>
        %parallel_loop3A_609 = tpu.memref_squeeze %parallel_loop3A_608 : memref<1x512x33xf32, #tpu.memory_space<vmem>> -> memref<512x33xf32, #tpu.memory_space<vmem>>
        tpu.vector_store_idx %parallel_loop3A_609[%parallel_loop3A_604, %parallel_loop3A_193], %parallel_loop3A_601 : memref<512x33xf32, #tpu.memory_space<vmem>>[vector<16xi32>, vector<16xi32>], vector<16xf32>,
      } {sc.loop_unroll_factor = 4 : i64, sc.parallel_access}
      %mul3A_174 = arith.constant 18432 : i32
      %mul3A_175 = arith.muli %add3A, %mul3A_174 : i32
      %mul3A_176 = arith.constant 512 : i32
      %mul3A_177 = arith.muli %add3A_141, %mul3A_176 : i32
      %add3A_178 = arith.addi %mul3A_175, %mul3A_177 : i32
      %dma_start3A_179 = arith.constant 1 : i32
      %dma_start3A_180 = arith.constant 0 : i32
      %dma_start3A_181 = arith.constant 0 : i32
      %dma_start3A_182 = tpu.memref_slice %arg5[%dma_start3A_179, %dma_start3A_180, %dma_start3A_181] : memref<2x512x33xf32, #tpu.memory_space<vmem>> -> memref<1x512x32xf32, #tpu.memory_space<vmem>>
      %dma_start3A_183 = tpu.memref_squeeze %dma_start3A_182 : memref<1x512x32xf32, #tpu.memory_space<vmem>> -> memref<512x32xf32, #tpu.memory_space<vmem>>
      %dma_start3A_184 = arith.constant 0 : i32
      %dma_start3A_185 = tpu.memref_slice %arg3[%add3A_178, %dma_start3A_184] : memref<589824x32xf32, #tpu.memory_space<hbm>> -> memref<512x32xf32, #tpu.memory_space<hbm>>
      %dma_start3A_186 = arith.constant 0 : i32
      %dma_start3A_187 = tpu.memref_slice %arg3[%add3A_178, %dma_start3A_186] : memref<589824x32xf32, #tpu.memory_space<hbm>> -> memref<512x32xf32, #tpu.memory_space<hbm>>
      %dma_start3A_188 = arith.constant 0 : i32
      %dma_start3A_189 = arith.constant 0 : i32
      %dma_start3A_190 = tpu.memref_slice %arg5[%dma_start3A_179, %dma_start3A_188, %dma_start3A_189] : memref<2x512x33xf32, #tpu.memory_space<vmem>> -> memref<1x512x32xf32, #tpu.memory_space<vmem>>
      %dma_start3A_191 = tpu.memref_squeeze %dma_start3A_190 : memref<1x512x32xf32, #tpu.memory_space<vmem>> -> memref<512x32xf32, #tpu.memory_space<vmem>>
      tpu.enqueue_dma source(%dma_start3A_191 : memref<512x32xf32, #tpu.memory_space<vmem>>) target(%dma_start3A_187 : memref<512x32xf32, #tpu.memory_space<hbm>>) target_semaphore(%arg9 : memref<!tpu.dma_semaphore, #tpu.memory_space<semaphore_mem>>)
    }
    %scan3A_53 = arith.constant 18 : i32
    %mul3A_54 = arith.constant 18432 : i32
    %mul3A_55 = arith.muli %add3A, %mul3A_54 : i32
    %add3A_56 = arith.constant 17408 : i32
    %add3A_57 = arith.addi %mul3A_55, %add3A_56 : i32
    %dma_wait3A = arith.constant 0 : i32
    %dma_wait3A_58 = arith.constant 0 : i32
    %dma_wait3A_59 = arith.constant 0 : i32
    %dma_wait3A_60 = tpu.memref_slice %arg5[%dma_wait3A, %dma_wait3A_58, %dma_wait3A_59] : memref<2x512x33xf32, #tpu.memory_space<vmem>> -> memref<1x512x32xf32, #tpu.memory_space<vmem>>
    %dma_wait3A_61 = tpu.memref_squeeze %dma_wait3A_60 : memref<1x512x32xf32, #tpu.memory_space<vmem>> -> memref<512x32xf32, #tpu.memory_space<vmem>>
    %dma_wait3A_62 = arith.constant 0 : i32
    %dma_wait3A_63 = tpu.memref_slice %arg3[%add3A_57, %dma_wait3A_62] : memref<589824x32xf32, #tpu.memory_space<hbm>> -> memref<512x32xf32, #tpu.memory_space<hbm>>
    %dma_wait3A_64 = arith.constant 0 : i32
    %dma_wait3A_65 = tpu.memref_slice %arg3[%add3A_57, %dma_wait3A_64] : memref<589824x32xf32, #tpu.memory_space<hbm>> -> memref<512x32xf32, #tpu.memory_space<hbm>>
    %dma_wait3A_66 = arith.constant 0 : i32
    %dma_wait3A_67 = arith.constant 0 : i32
    %dma_wait3A_68 = tpu.memref_slice %arg5[%dma_wait3A, %dma_wait3A_66, %dma_wait3A_67] : memref<2x512x33xf32, #tpu.memory_space<vmem>> -> memref<1x512x32xf32, #tpu.memory_space<vmem>>
    %dma_wait3A_69 = tpu.memref_squeeze %dma_wait3A_68 : memref<1x512x32xf32, #tpu.memory_space<vmem>> -> memref<512x32xf32, #tpu.memory_space<vmem>>
    tpu.wait_dma2 semaphore(%arg8 : memref<!tpu.dma_semaphore, #tpu.memory_space<semaphore_mem>>) src(%dma_wait3A_69 : memref<512x32xf32, #tpu.memory_space<vmem>>) dst(%dma_wait3A_65 : memref<512x32xf32, #tpu.memory_space<hbm>>)
    %mul3A_70 = arith.constant 18432 : i32
    %mul3A_71 = arith.muli %add3A, %mul3A_70 : i32
    %add3A_72 = arith.constant 17920 : i32
    %add3A_73 = arith.addi %mul3A_71, %add3A_72 : i32
    %dma_wait3A_74 = arith.constant 1 : i32
    %dma_wait3A_75 = arith.constant 0 : i32
    %dma_wait3A_76 = arith.constant 0 : i32
    %dma_wait3A_77 = tpu.memref_slice %arg5[%dma_wait3A_74, %dma_wait3A_75, %dma_wait3A_76] : memref<2x512x33xf32, #tpu.memory_space<vmem>> -> memref<1x512x32xf32, #tpu.memory_space<vmem>>
    %dma_wait3A_78 = tpu.memref_squeeze %dma_wait3A_77 : memref<1x512x32xf32, #tpu.memory_space<vmem>> -> memref<512x32xf32, #tpu.memory_space<vmem>>
    %dma_wait3A_79 = arith.constant 0 : i32
    %dma_wait3A_80 = tpu.memref_slice %arg3[%add3A_73, %dma_wait3A_79] : memref<589824x32xf32, #tpu.memory_space<hbm>> -> memref<512x32xf32, #tpu.memory_space<hbm>>
    %dma_wait3A_81 = arith.constant 0 : i32
    %dma_wait3A_82 = tpu.memref_slice %arg3[%add3A_73, %dma_wait3A_81] : memref<589824x32xf32, #tpu.memory_space<hbm>> -> memref<512x32xf32, #tpu.memory_space<hbm>>
    %dma_wait3A_83 = arith.constant 0 : i32
    %dma_wait3A_84 = arith.constant 0 : i32
    %dma_wait3A_85 = tpu.memref_slice %arg5[%dma_wait3A_74, %dma_wait3A_83, %dma_wait3A_84] : memref<2x512x33xf32, #tpu.memory_space<vmem>> -> memref<1x512x32xf32, #tpu.memory_space<vmem>>
    %dma_wait3A_86 = tpu.memref_squeeze %dma_wait3A_85 : memref<1x512x32xf32, #tpu.memory_space<vmem>> -> memref<512x32xf32, #tpu.memory_space<vmem>>
    tpu.wait_dma2 semaphore(%arg9 : memref<!tpu.dma_semaphore, #tpu.memory_space<semaphore_mem>>) src(%dma_wait3A_86 : memref<512x32xf32, #tpu.memory_space<vmem>>) dst(%dma_wait3A_82 : memref<512x32xf32, #tpu.memory_space<hbm>>)
    return
  }
}

</mosaic_0001>

<sc_bundles>
// kernel: _transpose_sc.3.cloned.1.call-start
scs
__scs_entry_jumppad:
0x0: {  	(pc) =	sbr.rel $0x88, $3  }
0x1: {  	(tag) =	ssettag $0x0;
	lr =	simm.s32 $0x1  }
0x2: {  	[smem:$0x3FA0] =	sst lr;
	_ =	strace $0xD0000000  }
0x3: {  	_ = 	snop  }
0x4: {  	_ = 	snop  }
0x5: {  	_ = 	snop  }
0x6: {  	_ = 	snop  }
0x7: {  	_ = 	snop  }
__scs_overlays_trampoline_lowered:
0x8: {  	[smem:$0x3FAF] =	sst s0  }
0x9: {  	[smem:$0x3FB0] =	sst s1  }
0xa: {  	[smem:$0x3FB1] =	sst s2  }
0xb: {  	[smem:$0x3FB2] =	sst s3  }
0xc: {  	[smem:$0x3FB3] =	sst s4  }
0xd: {  	[smem:$0x3FB4] =	sst s5  }
0xe: {  	[smem:$0x3FB5] =	sst s6  }
0xf: {  	[smem:$0x3FB6] =	sst s7  }
0x10: {  	[smem:$0x3FB7] =	sst s8  }
0x11: {  	[smem:$0x3FB8] =	sst s9;
	s0 =	simm.s32 @!p0 $0x0  }
0x12: {  	s1 =	sld [smem:$0x3F9E];
	s0 =	simm.s32 @p0 $0x1  }
0x13: {  	[smem:$0x3FB9] =	sst s0;
	s0 =	simm.s32 @!p1 $0x0  }
0x14: {  	s2 =	sld [smem:$0x3F9D];
	s0 =	simm.s32 @p1 $0x1  }
0x15: {  	[smem:$0x3FBA] =	sst s0;
	s0 =	simm.s32 @!p2 $0x0  }
0x16: {  	s3 =	sld [smem:$0x3FDB];
	s0 =	simm.s32 @p2 $0x1  }
0x17: {  	s4 =	simm.s32 $0x1BF5;
	[smem:$0x3FBC] =	sst s0  }
0x18: {  	s0 =	sld [smem:$0x3F9F];
	_ =	swait.ge [sflag:s4], $0x0  }
0x19: {  	s7 =	sld [smem:$0x3FA0]  }
0x1a: {  	s8 =	sadd.s32 $0xFFFFE003, lr  }
0x1b: {  	s9 =	sadd.s32 $0xFFFFFEF7, lr;
	s5 =	simm.s32 $0xFFFFFFFF;
	p2 =	slt.u32 s8, $0xFFFFF086  }
0x1c: {  	p1 =	slt.u32 s9, $0xF7A;
	s5 =	simm.s32 @!p2 $0x0  }
0x1d: {  	s5 =	simm.s32 @p1 $0x1;
	p0 =	seq.s32 s7, s2  }
0x1e: {  	s7 =	smul.u32 @!p0 $0xF7A, s2;
	p2 =	seq.s32 @!p0 s5, $0x0  }
0x1f: {  	s9 =	smul.u32 $0xF7A, s1;
	s8 =	simm.s32 @!p0 $0x1BF5;
	p2 =	por !p2, p0  }
0x20: {  	[sflag:s8] =	ssyncset.s32 @!p0 $0xFFFFF086;
	s6 =	sadd.s32 @!p0 s3, s7;
	s7 =	simm.s32 @!p0 $0x108  }
0x21: {  	s3 =	sadd.s32 s3, s9;
	s6 =	sadd.s32 @!p0 $0x88, s6;
	s7 =	simm.s32 @p2 $0x1082  }
0x22: {  	[simem:s7], [sflag:s8] =	dma.local @!p0 [hbm:s6], $0xF7A  }
0x23: {  	s9 =	sor.u32 $0xD0000000, s2;
	s6 =	simm.s32 $0x108;
	_ =	swait.ge @!p0 [sflag:s8], $0x0  }
0x24: {  	s3 =	sadd.s32 $0x88, s3;
	s6 =	simm.s32 @!p1 $0x1082;
	[sflag:s4] =	ssyncset.s32 $0xFFFFF086  }
0x25: {  	[simem:s6], [sflag:s4] =	dma.local [hbm:s3], $0xF7A  }
0x26: {  	[smem:$0x3FA0] =	sst s1;
	(tag) =	ssettag s2;
	_ =	strace s9  }
0x27: {  	s1 =	sld [smem:$0x3FB0]  }
0x28: {  	s2 =	sld [smem:$0x3FB1]  }
0x29: {  	s4 =	sld [smem:$0x3FB3]  }
0x2a: {  	p0 =	seq.s32 s5, $0x0;
	s5 =	sld [smem:$0x3FB4]  }
0x2b: {  	s6 =	sld [smem:$0x3FB5]  }
0x2c: {  	s7 =	sld [smem:$0x3FB6]  }
0x2d: {  	s3 =	simm.s32 $0x108;
	s8 =	sld [smem:$0x3FB7]  }
0x2e: {  	s3 =	simm.s32 @!p0 $0x1082;
	s9 =	sld [smem:$0x3FB8]  }
0x2f: {  	lr =	sadd.s32 s0, s3;
	s0 =	sld [smem:$0x3FAF]  }
0x30: {  	s3 =	sld [smem:$0x3FB2]  }
0x31: {  	[smem:$0x3FBB] =	sst s10  }
0x32: {  	s10 =	sld [smem:$0x3FB9];
	_ =	sdelay $0x3  }
0x33: {  	p0 =	seq.s32 s10, $0x1;
	s10 =	sld [smem:$0x3FBB];
	_ =	sdelay $0x3  }
0x34: {  	[smem:$0x3FBB] =	sst s10  }
0x35: {  	s10 =	sld [smem:$0x3FBA];
	_ =	sdelay $0x3  }
0x36: {  	p1 =	seq.s32 s10, $0x1;
	s10 =	sld [smem:$0x3FBB];
	_ =	sdelay $0x3  }
0x37: {  	[smem:$0x3FBB] =	sst s10  }
0x38: {  	s10 =	sld [smem:$0x3FBC]  }
0x39: {  	_ = 	snop;
	(pc) =	sbr.ind lr, $3  }
0x3a: {  	_ = 	snop  }
0x3b: {  	_ = 	snop  }
0x3c: {  	p2 =	seq.s32 s10, $0x1;
	s10 =	sld [smem:$0x3FBB]  }
0x3d: {  	_ =	shalt  }
0x3e: {  	_ =	shalt  }
0x3f: {  	_ =	shalt  }
0x40: {  	_ =	shalt  }
0x41: {  	_ =	shalt  }
0x42: {  	_ =	shalt  }
0x43: {  	_ =	shalt  }
0x44: {  	_ =	shalt  }
0x45: {  	_ =	shalt  }
0x46: {  	_ =	shalt  }
0x47: {  	_ =	shalt  }
0x48: {  	_ =	shalt  }
0x49: {  	_ =	shalt  }
0x4a: {  	_ =	shalt  }
0x4b: {  	_ =	shalt  }
0x4c: {  	_ =	shalt  }
0x4d: {  	_ =	shalt  }
0x4e: {  	_ =	shalt  }
0x4f: {  	_ =	shalt  }
0x50: {  	_ =	shalt  }
0x51: {  	_ =	shalt  }
0x52: {  	_ =	shalt  }
0x53: {  	_ =	shalt  }
0x54: {  	_ =	shalt  }
0x55: {  	_ =	shalt  }
0x56: {  	_ =	shalt  }
0x57: {  	_ =	shalt  }
0x58: {  	_ =	shalt  }
0x59: {  	_ =	shalt  }
0x5a: {  	_ =	shalt  }
0x5b: {  	_ =	shalt  }
0x5c: {  	_ =	shalt  }
0x5d: {  	_ =	shalt  }
0x5e: {  	_ =	shalt  }
0x5f: {  	_ =	shalt  }
0x60: {  	_ =	shalt  }
0x61: {  	_ =	shalt  }
0x62: {  	_ =	shalt  }
0x63: {  	_ =	shalt  }
0x64: {  	_ =	shalt  }
0x65: {  	_ =	shalt  }
0x66: {  	_ =	shalt  }
0x67: {  	_ =	shalt  }
0x68: {  	_ =	shalt  }
0x69: {  	_ =	shalt  }
0x6a: {  	_ =	shalt  }
0x6b: {  	_ =	shalt  }
0x6c: {  	_ =	shalt  }
0x6d: {  	_ =	shalt  }
0x6e: {  	_ =	shalt  }
0x6f: {  	_ =	shalt  }
0x70: {  	_ =	shalt  }
0x71: {  	_ =	shalt  }
0x72: {  	_ =	shalt  }
0x73: {  	_ =	shalt  }
0x74: {  	_ =	shalt  }
0x75: {  	_ =	shalt  }
0x76: {  	_ =	shalt  }
0x77: {  	_ =	shalt  }
0x78: {  	_ =	shalt  }
0x79: {  	_ =	shalt  }
0x7a: {  	_ =	shalt  }
0x7b: {  	_ =	shalt  }
0x7c: {  	_ =	shalt  }
0x7d: {  	_ =	shalt  }
0x7e: {  	_ =	shalt  }
0x7f: {  	_ =	shalt  }
0x80: {  	_ =	shalt  }
0x81: {  	_ =	shalt  }
0x82: {  	_ =	shalt  }
0x83: {  	_ =	shalt  }
0x84: {  	_ =	shalt  }
0x85: {  	_ =	shalt  }
0x86: {  	_ =	shalt  }
0x87: {  	_ =	shalt  }
.Lfunc_end0:
.L_simem_size_0:
called_computation.2_lowered:
.L_overlay_start_0:
0x88: {  	s2 =	sld [smem:$0x3FD9]  }
0x89: {  	s3 =	sld [smem:$0x3FFE];
	_ =	sdelay $0x1  }
0x8a: {  	s1 =	srdreg.scid  }
0x8b: {  	s0 =	sand.u32 $0x1, s1  }
0x8c: {  	s17 =	sshll.u32 s0, $0xA;
	s2 =	sadd.s32 s3, s2  }
0x8d: {  	s2 =	sadd.s32 s2, s17  }
0x8e: {  	[smem:$0x3FC7] =	sst s2  }
0x8f: {  	_ = 	snop  }
0x90: {  	s2 =	sld [smem:$0x3FD0];
	(tm) =	ssettm $0x1  }
0x91: {  	s18 =	sld [smem:$0x3FFB];
	_ =	sdelay $0x3  }
0x92: {  	_ =	strace s18  }
0x93: {  	s3 =	sld [smem:$0x3FFC];
	_ =	sdelay $0x3  }
0x94: {  	_ =	strace s3  }
0x95: {  	s3 =	sld [smem:$0x3FFD];
	_ =	sdelay $0x3  }
0x96: {  	_ =	strace s3  }
0x97: {  	_ =	strace $0x8FFFFFFF  }
0x98: {  	s19 =	sld [smem:$0x3FDB];
	_ =	sdelay $0x1  }
0x99: {  	s4 =	simm.s32 $_scs_section_size  }
0x9a: {  	s5 =	simm.s32 $_size__tile_overlayer_lowered;
	s6 =	simm.s32 $_tile_overlayer_lowered  }
0x9b: {  	s22 =	simm.s32 $0x1BFF;
	s21 =	sshll.u32 s6, $0x1;
	s3 =	sadd.s32 s4, s19  }
0x9c: {  	s7 =	simm.s32 $0x0;
	s20 =	sshll.u32 s5, $0x1;
	s5 =	sadd.s32 s21, s3  }
0x9d: {  	[timem:s7], [sflag:s22] =	dma.local [hbm:s5], s20  }
0x9e: {  	_ =	swait.ge [sflag:s22], s20  }
0x9f: {  	s4 =	ssub.s32 $0x0, s20;
	[sflag:s22] =	ssyncset.done $0x0  }
0xa0: {  	[sflag:s22] =	ssyncadd.s32 s4;
	_ =	sdelay $0x1  }
0xa1: {  	s23 =	simm.s32 $0x1B8B  }
0xa2: {  	_ =	swait.ge [sflag:s23], $0x1  }
0xa3: {  	[sflag:s23] =	ssyncset.done $0x0  }
0xa4: {  	s25 =	simm.s32 $0x1B8E;
	s24 =	sld [smem:$0x3FFE];
	[sflag:s23] =	ssyncadd.s32 $0xFFFFFFFF  }
0xa5: {  	s26 =	simm.s32 $execute0_lowered;
	[smem:$0x3FD2] =	sst s25  }
0xa6: {  	s5 =	sshll.u32 s26, $0x1;
	_ =	strace $0x80000049;
	[dreg:$0x1] =	wrdreg $0xFFFFFFFF  }
0xa7: {  	s28 =	simm.s32 $_size_execute0_lowered;
	s3 =	sadd.s32 s3, s5;
	[dreg:$0x0] =	wrdreg $0x0  }
0xa8: {  	s5 =	sshll.u32 s28, $0x1;
	[dreg:$0x2] =	wrdreg s3  }
0xa9: {  	[dreg:$0x3] =	wrdreg s5  }
0xaa: {  	[dreg:$0x4] =	wrdreg $0xC0  }
0xab: {  	_ =	task [dreg:s7], $0x5FFFF  }
0xac: {  	[dreg:$0x1] =	wrdreg $0xFFFFFFFF  }
0xad: {  	[dreg:$0x0] =	wrdreg $0x60  }
0xae: {  	[dreg:$0x2] =	wrdreg s24  }
0xaf: {  	[dreg:$0x3] =	wrdreg s2  }
0xb0: {  	[dreg:$0x4] =	wrdreg $0x9  }
0xb1: {  	_ =	task.clear_ibuf [dreg:s7], $0x5FFFF;
	_ =	strace $0x90000049  }
0xb2: {  	s29 =	simm.s32 $0x9;
	_ =	strace $0x8000004B  }
0xb3: {  	_ =	swait.ge [sflag:s29], $0x1  }
0xb4: {  	[sflag:s29] =	ssyncadd.s32 $0xFFFFFFFF  }
0xb5: {  	_ =	strace $0x9000004B  }
0xb6: {  	_ =	sfence  }
0xb7: {  	s30 =	sld [smem:$0x0];
	_ =	sdelay $0x2  }
0xb8: {  	s31 =	sshll.u32 s1, $0xD;
	s1 =	sshrl.u32 s1, $0x2  }
0xb9: {  	s3 =	sand.u32 $0x4000, s31;
	s1 =	sadd.s32 s1, s30  }
0xba: {  	s0 =	sor.u32 s3, s0;
	s1 =	sshll.u32 s1, $0x11  }
0xbb: {  	s0 =	sor.u32 s1, s0  }
0xbc: {  	s0 =	sadd.s32 $0x8F2B, s0  }
0xbd: {  	[sflag:s0] =	ssyncadd.remote.s32 $0x1  }
0xbe: {  	_ =	sfence.sel $0xFFFF  }
0xbf: {  	[dreg:$0x0] =	wrdreg $0xFFFFFFFF;
	(pc) =	sbr.abs _section_cstart, $3  }
0xc0: {  	[dreg:$0x1] =	wrdreg $0xFFFFFFFF  }
0xc1: {  	_ =	task.clear_ibuf [dreg:s7], $0x2FFFF;
	_ =	strace $0x9FFFFFFF  }
0xc2: {  	(tm) =	ssettm $0x7FFFFFFF  }
0xc3: {  	_ =	shalt  }
tec
execute0_lowered:
.L_overlay_start_1:
0x0: {  	(tag) =	ssettag $0x1  }
0x1: {  	v0 =	vlaneseq.u32  }
0x2: {  	v0 =	vmul.u32 $0x28, v0  }
0x3: {  	s1 =	srdreg.scid;
	s5 =	rddreg [dreg:$0x0]  }
0x4: {  	s0 =	stileid.u32;
	s2 =	rddreg [dreg:$0x1];
	s3 =	simm.s32 $0x0;
	v1 =	vadd.s32 $0x280, v0  }
0x5: {  	s10 =	simm.s32 $0x200;
	s11 =	simm.s32 $0x24000;
	s12 =	simm.s32 $0x4000;
	v2 =	vadd.s32 $0x500, v0;
	v3 =	vadd.s32 $0x780, v0;
	v4 =	vadd.s32 $0xA00, v0  }
0x6: {  	s13 =	simm.s32 $0x1;
	s14 =	simm.s32 $0x8000;
	s15 =	simm.s32 $0x2;
	v5 =	vadd.s32 $0xC80, v0;
	v6 =	vadd.s32 $0xF00, v0;
	v7 =	vadd.s32 $0x1180, v0  }
0x7: {  	s16 =	simm.s32 $0x4;
	s4 =	sand.u32 $0x1, s1;
	s30 =	sshll.u32 s0, $0x1;
	v8 =	vor.u32 $0x1400, v0;
	v9 =	vadd.s32 $0x1680, v0;
	v10 =	vadd.s32 $0x1900, v0  }
0x8: {  	s17 =	simm.s32 $0xD000;
	s6 =	sshrl.u32 s0, $0x2;
	s7 =	sor.u32 s4, s30;
	v11 =	vadd.s32 $0x1B80, v0;
	v12 =	vadd.s32 $0x1E00, v0;
	v13 =	vadd.s32 $0x2080, v0  }
0x9: {  	s18 =	simm.s32 $0x3;
	s6 =	smul.u32 $0x480000, s6;
	s1 =	sand.u32 $0x7, s7;
	v14 =	vadd.s32 $0x2300, v0;
	v15 =	vadd.s32 $0x2580, v0;
	v16 =	vor.u32 $0x2800, v0  }
0xa: {  	s19 =	simm.s32 $0x0;
	s9 =	ssub.s32 $0x2, s4;
	v17 =	vadd.s32 $0x2A80, v0;
	v18 =	vadd.s32 $0x2D00, v0;
	v19 =	vadd.s32 $0x2F80, v0;
	s8 =	smul.u32 $0x4800, s1  }
0xb: {  	[smem:$0x7FF] =	sst s3;
	s5 =	sadd.s32 $0xC00, s5;
	s31 =	sshrl.u32 s9, $0x1;
	v20 =	vadd.s32 $0x3200, v0;
	v21 =	vadd.s32 $0x3480, v0;
	v22 =	vadd.s32 $0x3700, v0  }
0xc: {  	s7 =	smul.u32 $0x90000, s7;
	v23 =	vadd.s32 $0x3980, v0;
	v24 =	vor.u32 $0x3C00, v0;
	v25 =	vadd.s32 $0x3E80, v0;
	s1 =	rddreg [dreg:$0x2];
	s4 =	sor.u32 s6, s8  }
0xd: {  	v26 =	vadd.s32 $0x4100, v0;
	v27 =	vadd.s32 $0x4380, v0;
	v28 =	vadd.s32 $0x4600, v0;
	_ =	strace $0x8000004A;
	s9 =	ssub.s32 s9, s31;
	s8 =	sshrl.u32 s4, $0x3  }
0xe: {  	v29 =	vadd.s32 $0x4880, v0;
	v30 =	vadd.s32 $0x4B00, v0;
	v31 =	vadd.s32 $0x4D80, v0;
	s9 =	smax.u32 s9, $0x1;
	s6 =	sadd.s32 s5, s8;
	s8 =	sor.u32 $0x400, s4  }
.LBB2_1:
0xf: {  	[tilespmem:s3], [sflag:$0x1] =	stream.strided.gather [hbm4b:s6+s10], $0x4000, s11, s10, $0x38;
	[tilespmem:$0x12000] =	vst v63  }
0x10: {  	s20 =	simm.s32 $0x0  }
.LBB2_2:
0x11: {  	s21 =	sshllo.u32 s20, $0x1  }
0x12: {  	s22 =	sshll.u32 s21, $0x9  }
0x13: {  	s22 =	sadd.s32 s4, s22  }
0x14: {  	s22 =	sshrl.u32 s22, $0x3  }
0x15: {  	s22 =	sadd.s32 s5, s22  }
0x16: {  	[tilespmem:s12], [sflag:$0x2] =	stream.strided.gather [hbm4b:s22+s10], $0x4000, s11, s10, $0x38;
	[tilespmem:$0x12000] =	vst v63  }
0x17: {  	_ =	swait.ge [sflag:s13], $0x4000  }
0x18: {  	p0 =	seq.s32 s20, $0x0;
	[sflag:s13] =	ssyncset.done $0x0  }
0x19: {  	s22 =	simm.s32 @!p0 $0x3;
	[sflag:s13] =	ssyncadd.s32 $0xFFFFC000  }
0x1a: {  	s23 =	simm.s32 $0x3;
	_ =	swait.ge @!p0 [sflag:s22], $0x4000  }
0x1b: {  	s24 =	simm.s32 $0x0;
	v32 =	vmov s23;
	[sflag:s22] =	ssyncset.done @!p0 $0x0  }
0x1c: {  	s23 =	simm.s32 $0x400;
	v33 =	vmov s24;
	v39 =	vand.u32 $0x1F, v32;
	[sflag:s22] =	ssyncadd.s32 @!p0 $0xFFFFC000  }
0x1d: {  	s25 =	simm.s32 $0x1;
	v36 =	vand.u32 $0x1C, v33;
	v53 =	vadd.s32 v0, v39;
	v52 =	vld [tilespmem:s23+$0x200]  }
0x1e: {  	s26 =	simm.s32 $0x2;
	v37 =	vmov s25;
	v35 =	vadd.s32 v0, v36;
	v34 =	vld [tilespmem:s23+$0xFFFFFC00]  }
0x1f: {  	v54 =	vmov s26;
	v38 =	vand.u32 $0x1D, v37  }
0x20: {  	v37 =	vand.u32 $0x1E, v54;
	v41 =	vadd.s32 v0, v38;
	v40 =	vld [tilespmem:s23+$0xFFFFFE00]  }
0x21: {  	v43 =	vadd.s32 v0, v37;
	v42 =	vld [tilespmem:s23+$0x0]  }
0x22: {  	[tilespmem:v53+s14+$0x0] =	vst.idx.msk $0xffff, v52  }
0x23: {  	v55 =	vadd.s32 v1, v39;
	[tilespmem:v35+s14+$0x0] =	vst.idx.msk $0xffff, v34;
	v32 =	vld [tilespmem:s23+$0x210]  }
0x24: {  	v56 =	vadd.s32 v1, v36;
	v34 =	vld [tilespmem:s23+$0xFFFFFC10]  }
0x25: {  	[tilespmem:v41+s14+$0x0] =	vst.idx.msk $0xffff, v40  }
0x26: {  	v57 =	vadd.s32 v1, v38;
	[tilespmem:v43+s14+$0x0] =	vst.idx.msk $0xffff, v42;
	v40 =	vld [tilespmem:s23+$0xFFFFFE10]  }
0x27: {  	v58 =	vadd.s32 v1, v37;
	v42 =	vld [tilespmem:s23+$0x10]  }
0x28: {  	[tilespmem:v55+s14+$0x0] =	vst.idx.msk $0xffff, v32  }
0x29: {  	v59 =	vadd.s32 v2, v39;
	[tilespmem:v56+s14+$0x0] =	vst.idx.msk $0xffff, v34;
	v32 =	vld [tilespmem:s23+$0x220]  }
0x2a: {  	v60 =	vadd.s32 v2, v36;
	v34 =	vld [tilespmem:s23+$0xFFFFFC20]  }
0x2b: {  	[tilespmem:v57+s14+$0x0] =	vst.idx.msk $0xffff, v40  }
0x2c: {  	v61 =	vadd.s32 v2, v38;
	[tilespmem:v58+s14+$0x0] =	vst.idx.msk $0xffff, v42;
	v40 =	vld [tilespmem:s23+$0xFFFFFE20]  }
0x2d: {  	v62 =	vadd.s32 v2, v37;
	v42 =	vld [tilespmem:s23+$0x20]  }
0x2e: {  	[tilespmem:v59+s14+$0x0] =	vst.idx.msk $0xffff, v32  }
0x2f: {  	v63 =	vadd.s32 v3, v39;
	[tilespmem:v60+s14+$0x0] =	vst.idx.msk $0xffff, v34;
	v32 =	vld [tilespmem:s23+$0x230]  }
0x30: {  	v45 =	vadd.s32 v3, v36;
	v34 =	vld [tilespmem:s23+$0xFFFFFC30]  }
0x31: {  	[tilespmem:v61+s14+$0x0] =	vst.idx.msk $0xffff, v40  }
0x32: {  	v46 =	vadd.s32 v3, v38;
	[tilespmem:v62+s14+$0x0] =	vst.idx.msk $0xffff, v42;
	v40 =	vld [tilespmem:s23+$0xFFFFFE30]  }
0x33: {  	v47 =	vadd.s32 v3, v37;
	v42 =	vld [tilespmem:s23+$0x30]  }
0x34: {  	[tilespmem:v63+s14+$0x0] =	vst.idx.msk $0xffff, v32  }
0x35: {  	v48 =	vadd.s32 v4, v39;
	[tilespmem:v45+s14+$0x0] =	vst.idx.msk $0xffff, v34;
	v32 =	vld [tilespmem:s23+$0x240]  }
0x36: {  	v49 =	vadd.s32 v4, v36;
	v34 =	vld [tilespmem:s23+$0xFFFFFC40]  }
0x37: {  	[tilespmem:v46+s14+$0x0] =	vst.idx.msk $0xffff, v40  }
0x38: {  	v50 =	vadd.s32 v4, v38;
	[tilespmem:v47+s14+$0x0] =	vst.idx.msk $0xffff, v42;
	v40 =	vld [tilespmem:s23+$0xFFFFFE40]  }
0x39: {  	v51 =	vadd.s32 v4, v37;
	v42 =	vld [tilespmem:s23+$0x40]  }
0x3a: {  	[tilespmem:v48+s14+$0x0] =	vst.idx.msk $0xffff, v32  }
0x3b: {  	v52 =	vadd.s32 v5, v39;
	[tilespmem:v49+s14+$0x0] =	vst.idx.msk $0xffff, v34;
	v32 =	vld [tilespmem:s23+$0x250]  }
0x3c: {  	v53 =	vadd.s32 v5, v36;
	v34 =	vld [tilespmem:s23+$0xFFFFFC50]  }
0x3d: {  	[tilespmem:v50+s14+$0x0] =	vst.idx.msk $0xffff, v40  }
0x3e: {  	v54 =	vadd.s32 v5, v38;
	[tilespmem:v51+s14+$0x0] =	vst.idx.msk $0xffff, v42;
	v40 =	vld [tilespmem:s23+$0xFFFFFE50]  }
0x3f: {  	v55 =	vadd.s32 v5, v37;
	v42 =	vld [tilespmem:s23+$0x50]  }
0x40: {  	[tilespmem:v52+s14+$0x0] =	vst.idx.msk $0xffff, v32  }
0x41: {  	v56 =	vadd.s32 v6, v39;
	[tilespmem:v53+s14+$0x0] =	vst.idx.msk $0xffff, v34;
	v32 =	vld [tilespmem:s23+$0x260]  }
0x42: {  	v57 =	vadd.s32 v6, v36;
	v34 =	vld [tilespmem:s23+$0xFFFFFC60]  }
0x43: {  	[tilespmem:v54+s14+$0x0] =	vst.idx.msk $0xffff, v40  }
0x44: {  	v58 =	vadd.s32 v6, v38;
	[tilespmem:v55+s14+$0x0] =	vst.idx.msk $0xffff, v42;
	v40 =	vld [tilespmem:s23+$0xFFFFFE60]  }
0x45: {  	v59 =	vadd.s32 v6, v37;
	v42 =	vld [tilespmem:s23+$0x60]  }
0x46: {  	[tilespmem:v56+s14+$0x0] =	vst.idx.msk $0xffff, v32  }
0x47: {  	v60 =	vadd.s32 v7, v39;
	[tilespmem:v57+s14+$0x0] =	vst.idx.msk $0xffff, v34;
	v32 =	vld [tilespmem:s23+$0x270]  }
0x48: {  	v61 =	vadd.s32 v7, v36;
	v34 =	vld [tilespmem:s23+$0xFFFFFC70]  }
0x49: {  	[tilespmem:v58+s14+$0x0] =	vst.idx.msk $0xffff, v40  }
0x4a: {  	v62 =	vadd.s32 v7, v38;
	[tilespmem:v59+s14+$0x0] =	vst.idx.msk $0xffff, v42;
	v40 =	vld [tilespmem:s23+$0xFFFFFE70]  }
0x4b: {  	v63 =	vadd.s32 v7, v37;
	v42 =	vld [tilespmem:s23+$0x70]  }
0x4c: {  	[tilespmem:v60+s14+$0x0] =	vst.idx.msk $0xffff, v32  }
0x4d: {  	v45 =	vadd.s32 v8, v39;
	[tilespmem:v61+s14+$0x0] =	vst.idx.msk $0xffff, v34;
	v32 =	vld [tilespmem:s23+$0x280]  }
0x4e: {  	v46 =	vadd.s32 v8, v36;
	v34 =	vld [tilespmem:s23+$0xFFFFFC80]  }
0x4f: {  	[tilespmem:v62+s14+$0x0] =	vst.idx.msk $0xffff, v40  }
0x50: {  	v47 =	vadd.s32 v8, v38;
	[tilespmem:v63+s14+$0x0] =	vst.idx.msk $0xffff, v42;
	v40 =	vld [tilespmem:s23+$0xFFFFFE80]  }
0x51: {  	v48 =	vadd.s32 v8, v37;
	v42 =	vld [tilespmem:s23+$0x80]  }
0x52: {  	[tilespmem:v45+s14+$0x0] =	vst.idx.msk $0xffff, v32  }
0x53: {  	v49 =	vadd.s32 v9, v39;
	[tilespmem:v46+s14+$0x0] =	vst.idx.msk $0xffff, v34;
	v32 =	vld [tilespmem:s23+$0x290]  }
0x54: {  	v50 =	vadd.s32 v9, v36;
	v34 =	vld [tilespmem:s23+$0xFFFFFC90]  }
0x55: {  	[tilespmem:v47+s14+$0x0] =	vst.idx.msk $0xffff, v40  }
0x56: {  	v51 =	vadd.s32 v9, v38;
	[tilespmem:v48+s14+$0x0] =	vst.idx.msk $0xffff, v42;
	v40 =	vld [tilespmem:s23+$0xFFFFFE90]  }
0x57: {  	v52 =	vadd.s32 v9, v37;
	v42 =	vld [tilespmem:s23+$0x90]  }
0x58: {  	[tilespmem:v49+s14+$0x0] =	vst.idx.msk $0xffff, v32  }
0x59: {  	v53 =	vadd.s32 v10, v39;
	[tilespmem:v50+s14+$0x0] =	vst.idx.msk $0xffff, v34;
	v32 =	vld [tilespmem:s23+$0x2A0]  }
0x5a: {  	v54 =	vadd.s32 v10, v36;
	v34 =	vld [tilespmem:s23+$0xFFFFFCA0]  }
0x5b: {  	[tilespmem:v51+s14+$0x0] =	vst.idx.msk $0xffff, v40  }
0x5c: {  	v55 =	vadd.s32 v10, v38;
	[tilespmem:v52+s14+$0x0] =	vst.idx.msk $0xffff, v42;
	v40 =	vld [tilespmem:s23+$0xFFFFFEA0]  }
0x5d: {  	v56 =	vadd.s32 v10, v37;
	v42 =	vld [tilespmem:s23+$0xA0]  }
0x5e: {  	[tilespmem:v53+s14+$0x0] =	vst.idx.msk $0xffff, v32  }
0x5f: {  	v57 =	vadd.s32 v11, v39;
	[tilespmem:v54+s14+$0x0] =	vst.idx.msk $0xffff, v34;
	v32 =	vld [tilespmem:s23+$0x2B0]  }
0x60: {  	v58 =	vadd.s32 v11, v36;
	v34 =	vld [tilespmem:s23+$0xFFFFFCB0]  }
0x61: {  	[tilespmem:v55+s14+$0x0] =	vst.idx.msk $0xffff, v40  }
0x62: {  	v59 =	vadd.s32 v11, v38;
	[tilespmem:v56+s14+$0x0] =	vst.idx.msk $0xffff, v42;
	v40 =	vld [tilespmem:s23+$0xFFFFFEB0]  }
0x63: {  	v60 =	vadd.s32 v11, v37;
	v42 =	vld [tilespmem:s23+$0xB0]  }
0x64: {  	[tilespmem:v57+s14+$0x0] =	vst.idx.msk $0xffff, v32  }
0x65: {  	v61 =	vadd.s32 v12, v39;
	[tilespmem:v58+s14+$0x0] =	vst.idx.msk $0xffff, v34;
	v32 =	vld [tilespmem:s23+$0x2C0]  }
0x66: {  	v62 =	vadd.s32 v12, v36;
	v34 =	vld [tilespmem:s23+$0xFFFFFCC0]  }
0x67: {  	[tilespmem:v59+s14+$0x0] =	vst.idx.msk $0xffff, v40  }
0x68: {  	v63 =	vadd.s32 v12, v38;
	[tilespmem:v60+s14+$0x0] =	vst.idx.msk $0xffff, v42;
	v40 =	vld [tilespmem:s23+$0xFFFFFEC0]  }
0x69: {  	v45 =	vadd.s32 v12, v37;
	v42 =	vld [tilespmem:s23+$0xC0]  }
0x6a: {  	[tilespmem:v61+s14+$0x0] =	vst.idx.msk $0xffff, v32  }
0x6b: {  	v46 =	vadd.s32 v13, v39;
	[tilespmem:v62+s14+$0x0] =	vst.idx.msk $0xffff, v34;
	v32 =	vld [tilespmem:s23+$0x2D0]  }
0x6c: {  	v47 =	vadd.s32 v13, v36;
	v34 =	vld [tilespmem:s23+$0xFFFFFCD0]  }
0x6d: {  	[tilespmem:v63+s14+$0x0] =	vst.idx.msk $0xffff, v40  }
0x6e: {  	v48 =	vadd.s32 v13, v38;
	[tilespmem:v45+s14+$0x0] =	vst.idx.msk $0xffff, v42;
	v40 =	vld [tilespmem:s23+$0xFFFFFED0]  }
0x6f: {  	v49 =	vadd.s32 v13, v37;
	v42 =	vld [tilespmem:s23+$0xD0]  }
0x70: {  	[tilespmem:v46+s14+$0x0] =	vst.idx.msk $0xffff, v32  }
0x71: {  	v50 =	vadd.s32 v14, v39;
	[tilespmem:v47+s14+$0x0] =	vst.idx.msk $0xffff, v34;
	v32 =	vld [tilespmem:s23+$0x2E0]  }
0x72: {  	v51 =	vadd.s32 v14, v36;
	v34 =	vld [tilespmem:s23+$0xFFFFFCE0]  }
0x73: {  	[tilespmem:v48+s14+$0x0] =	vst.idx.msk $0xffff, v40  }
0x74: {  	v52 =	vadd.s32 v14, v38;
	[tilespmem:v49+s14+$0x0] =	vst.idx.msk $0xffff, v42;
	v40 =	vld [tilespmem:s23+$0xFFFFFEE0]  }
0x75: {  	v53 =	vadd.s32 v14, v37;
	v42 =	vld [tilespmem:s23+$0xE0]  }
0x76: {  	[tilespmem:v50+s14+$0x0] =	vst.idx.msk $0xffff, v32  }
0x77: {  	v54 =	vadd.s32 v15, v39;
	[tilespmem:v51+s14+$0x0] =	vst.idx.msk $0xffff, v34;
	v32 =	vld [tilespmem:s23+$0x2F0]  }
0x78: {  	v55 =	vadd.s32 v15, v36;
	v34 =	vld [tilespmem:s23+$0xFFFFFCF0]  }
0x79: {  	[tilespmem:v52+s14+$0x0] =	vst.idx.msk $0xffff, v40  }
0x7a: {  	v56 =	vadd.s32 v15, v38;
	[tilespmem:v53+s14+$0x0] =	vst.idx.msk $0xffff, v42;
	v40 =	vld [tilespmem:s23+$0xFFFFFEF0]  }
0x7b: {  	v57 =	vadd.s32 v15, v37;
	v42 =	vld [tilespmem:s23+$0xF0]  }
0x7c: {  	[tilespmem:v54+s14+$0x0] =	vst.idx.msk $0xffff, v32  }
0x7d: {  	v58 =	vadd.s32 v16, v39;
	[tilespmem:v55+s14+$0x0] =	vst.idx.msk $0xffff, v34;
	v32 =	vld [tilespmem:s23+$0x300]  }
0x7e: {  	v59 =	vadd.s32 v16, v36;
	v34 =	vld [tilespmem:s23+$0xFFFFFD00]  }
0x7f: {  	[tilespmem:v56+s14+$0x0] =	vst.idx.msk $0xffff, v40  }
0x80: {  	v60 =	vadd.s32 v16, v38;
	[tilespmem:v57+s14+$0x0] =	vst.idx.msk $0xffff, v42;
	v40 =	vld [tilespmem:s23+$0xFFFFFF00]  }
0x81: {  	v61 =	vadd.s32 v16, v37;
	v42 =	vld [tilespmem:s23+$0x100]  }
0x82: {  	[tilespmem:v58+s14+$0x0] =	vst.idx.msk $0xffff, v32  }
0x83: {  	v62 =	vadd.s32 v17, v39;
	[tilespmem:v59+s14+$0x0] =	vst.idx.msk $0xffff, v34;
	v32 =	vld [tilespmem:s23+$0x310]  }
0x84: {  	v63 =	vadd.s32 v17, v36;
	v34 =	vld [tilespmem:s23+$0xFFFFFD10]  }
0x85: {  	[tilespmem:v60+s14+$0x0] =	vst.idx.msk $0xffff, v40  }
0x86: {  	v45 =	vadd.s32 v17, v38;
	[tilespmem:v61+s14+$0x0] =	vst.idx.msk $0xffff, v42;
	v40 =	vld [tilespmem:s23+$0xFFFFFF10]  }
0x87: {  	v46 =	vadd.s32 v17, v37;
	v42 =	vld [tilespmem:s23+$0x110]  }
0x88: {  	[tilespmem:v62+s14+$0x0] =	vst.idx.msk $0xffff, v32  }
0x89: {  	v47 =	vadd.s32 v18, v39;
	[tilespmem:v63+s14+$0x0] =	vst.idx.msk $0xffff, v34;
	v32 =	vld [tilespmem:s23+$0x320]  }
0x8a: {  	v48 =	vadd.s32 v18, v36;
	v34 =	vld [tilespmem:s23+$0xFFFFFD20]  }
0x8b: {  	[tilespmem:v45+s14+$0x0] =	vst.idx.msk $0xffff, v40  }
0x8c: {  	v49 =	vadd.s32 v18, v38;
	[tilespmem:v46+s14+$0x0] =	vst.idx.msk $0xffff, v42;
	v40 =	vld [tilespmem:s23+$0xFFFFFF20]  }
0x8d: {  	v50 =	vadd.s32 v18, v37;
	v42 =	vld [tilespmem:s23+$0x120]  }
0x8e: {  	[tilespmem:v47+s14+$0x0] =	vst.idx.msk $0xffff, v32  }
0x8f: {  	v51 =	vadd.s32 v19, v39;
	[tilespmem:v48+s14+$0x0] =	vst.idx.msk $0xffff, v34;
	v32 =	vld [tilespmem:s23+$0x330]  }
0x90: {  	v52 =	vadd.s32 v19, v36;
	v34 =	vld [tilespmem:s23+$0xFFFFFD30]  }
0x91: {  	[tilespmem:v49+s14+$0x0] =	vst.idx.msk $0xffff, v40  }
0x92: {  	v53 =	vadd.s32 v19, v38;
	[tilespmem:v50+s14+$0x0] =	vst.idx.msk $0xffff, v42;
	v40 =	vld [tilespmem:s23+$0xFFFFFF30]  }
0x93: {  	v54 =	vadd.s32 v19, v37;
	v42 =	vld [tilespmem:s23+$0x130]  }
0x94: {  	s28 =	simm.s32 $0x7;
	[tilespmem:v51+s14+$0x0] =	vst.idx.msk $0xffff, v32  }
0x95: {  	v55 =	vadd.s32 v20, v39;
	v59 =	vmov s28;
	[tilespmem:v52+s14+$0x0] =	vst.idx.msk $0xffff, v34;
	v32 =	vld [tilespmem:s23+$0x340]  }
0x96: {  	s22 =	simm.s32 $0xC00;
	v56 =	vadd.s32 v20, v36;
	v35 =	vand.u32 $0x1F, v59;
	v34 =	vld [tilespmem:s23+$0xFFFFFD40]  }
0x97: {  	s31 =	simm.s32 $0x6;
	v48 =	vld [tilespmem:s22+$0x200];
	v49 =	vadd.s32 v0, v35;
	[tilespmem:v53+s14+$0x0] =	vst.idx.msk $0xffff, v40  }
0x98: {  	v57 =	vadd.s32 v20, v38;
	[tilespmem:v54+s14+$0x0] =	vst.idx.msk $0xffff, v42;
	v53 =	vmov s31;
	v40 =	vld [tilespmem:s23+$0xFFFFFF40]  }
0x99: {  	s30 =	simm.s32 $0x5;
	v58 =	vadd.s32 v20, v37;
	v42 =	vld [tilespmem:s23+$0x140];
	v33 =	vand.u32 $0x1E, v53  }
0x9a: {  	s29 =	simm.s32 $0x4;
	v61 =	vmov s30;
	v50 =	vld [tilespmem:s22+$0x0];
	v51 =	vadd.s32 v0, v33;
	[tilespmem:v55+s14+$0x0] =	vst.idx.msk $0xffff, v32  }
0x9b: {  	v60 =	vmov s29;
	v45 =	vadd.s32 v21, v39;
	[tilespmem:v56+s14+$0x0] =	vst.idx.msk $0xffff, v34;
	v34 =	vand.u32 $0x1D, v61;
	v44 =	vld [tilespmem:s23+$0x350]  }
0x9c: {  	[tilespmem:v49+s14+$0x0] =	vst.idx.msk $0xffff, v48;
	v54 =	vld [tilespmem:s22+$0xFFFFFE00];
	v32 =	vand.u32 $0x1C, v60;
	v55 =	vadd.s32 v0, v34  }
0x9d: {  	v62 =	vld [tilespmem:s22+$0xFFFFFC00];
	[tilespmem:v57+s14+$0x0] =	vst.idx.msk $0xffff, v40;
	v63 =	vadd.s32 v0, v32  }
0x9e: {  	[tilespmem:v58+s14+$0x0] =	vst.idx.msk $0xffff, v42  }
0x9f: {  	v59 =	vld [tilespmem:s22+$0x210];
	v60 =	vadd.s32 v1, v35;
	[tilespmem:v51+s14+$0x0] =	vst.idx.msk $0xffff, v50  }
0xa0: {  	v58 =	vadd.s32 v21, v38;
	v57 =	vld [tilespmem:s23+$0xFFFFFF50];
	[tilespmem:v45+s14+$0x0] =	vst.idx.msk $0xffff, v44  }
0xa1: {  	v50 =	vld [tilespmem:s22+$0x10];
	[tilespmem:v55+s14+$0x0] =	vst.idx.msk $0xffff, v54;
	v54 =	vadd.s32 v1, v33  }
0xa2: {  	v56 =	vadd.s32 v22, v39;
	[tilespmem:v63+s14+$0x0] =	vst.idx.msk $0xffff, v62;
	v44 =	vld [tilespmem:s23+$0x360]  }
0xa3: {  	v62 =	vadd.s32 v1, v32;
	v61 =	vld [tilespmem:s22+$0xFFFFFC10]  }
0xa4: {  	v47 =	vadd.s32 v21, v36;
	v46 =	vld [tilespmem:s23+$0xFFFFFD50];
	[tilespmem:v60+s14+$0x0] =	vst.idx.msk $0xffff, v59  }
0xa5: {  	v59 =	vadd.s32 v2, v35;
	[tilespmem:v58+s14+$0x0] =	vst.idx.msk $0xffff, v57;
	v58 =	vld [tilespmem:s22+$0x220]  }
0xa6: {  	v63 =	vadd.s32 v1, v34;
	v42 =	vld [tilespmem:s22+$0xFFFFFE10];
	[tilespmem:v54+s14+$0x0] =	vst.idx.msk $0xffff, v50  }
0xa7: {  	v57 =	vadd.s32 v21, v37;
	[tilespmem:v56+s14+$0x0] =	vst.idx.msk $0xffff, v44;
	v56 =	vld [tilespmem:s23+$0x150]  }
0xa8: {  	[tilespmem:v62+s14+$0x0] =	vst.idx.msk $0xffff, v61;
	v50 =	vld [tilespmem:s22+$0x20];
	v62 =	vadd.s32 v2, v33  }
0xa9: {  	[tilespmem:v47+s14+$0x0] =	vst.idx.msk $0xffff, v46;
	v55 =	vadd.s32 v23, v39;
	v44 =	vld [tilespmem:s23+$0x370]  }
0xaa: {  	v60 =	vadd.s32 v2, v32;
	[tilespmem:v59+s14+$0x0] =	vst.idx.msk $0xffff, v58;
	v48 =	vld [tilespmem:s22+$0xFFFFFC20]  }
0xab: {  	[tilespmem:v63+s14+$0x0] =	vst.idx.msk $0xffff, v42  }
0xac: {  	[tilespmem:v57+s14+$0x0] =	vst.idx.msk $0xffff, v56  }
0xad: {  	v61 =	vadd.s32 v2, v34;
	v42 =	vld [tilespmem:s22+$0xFFFFFE20];
	[tilespmem:v62+s14+$0x0] =	vst.idx.msk $0xffff, v50  }
0xae: {  	v46 =	vld [tilespmem:s22+$0x230];
	v57 =	vadd.s32 v3, v35;
	[tilespmem:v55+s14+$0x0] =	vst.idx.msk $0xffff, v44  }
0xaf: {  	[tilespmem:v60+s14+$0x0] =	vst.idx.msk $0xffff, v48;
	v50 =	vld [tilespmem:s22+$0x30];
	v60 =	vadd.s32 v3, v33  }
0xb0: {  	v54 =	vadd.s32 v24, v39;
	v63 =	vld [tilespmem:s23+$0x380];
	_ =	sdelay $0x1  }
0xb1: {  	v56 =	vadd.s32 v22, v38;
	v55 =	vld [tilespmem:s23+$0xFFFFFF60];
	[tilespmem:v61+s14+$0x0] =	vst.idx.msk $0xffff, v42  }
0xb2: {  	v58 =	vadd.s32 v3, v32;
	v48 =	vld [tilespmem:s22+$0xFFFFFC30];
	[tilespmem:v57+s14+$0x0] =	vst.idx.msk $0xffff, v46  }
0xb3: {  	v59 =	vadd.s32 v3, v34;
	v42 =	vld [tilespmem:s22+$0xFFFFFE30];
	[tilespmem:v60+s14+$0x0] =	vst.idx.msk $0xffff, v50  }
0xb4: {  	v46 =	vld [tilespmem:s22+$0x240];
	[tilespmem:v54+s14+$0x0] =	vst.idx.msk $0xffff, v63;
	v54 =	vadd.s32 v4, v35  }
0xb5: {  	v57 =	vadd.s32 v4, v33;
	v50 =	vld [tilespmem:s22+$0x40]  }
0xb6: {  	v61 =	vadd.s32 v25, v39;
	[tilespmem:v56+s14+$0x0] =	vst.idx.msk $0xffff, v55;
	v40 =	vld [tilespmem:s23+$0x390]  }
0xb7: {  	[tilespmem:v58+s14+$0x0] =	vst.idx.msk $0xffff, v48  }
0xb8: {  	v62 =	vld [tilespmem:s23+$0x160];
	v63 =	vadd.s32 v22, v37;
	[tilespmem:v59+s14+$0x0] =	vst.idx.msk $0xffff, v42  }
0xb9: {  	v55 =	vadd.s32 v4, v32;
	v48 =	vld [tilespmem:s22+$0xFFFFFC40];
	[tilespmem:v54+s14+$0x0] =	vst.idx.msk $0xffff, v46  }
0xba: {  	v56 =	vadd.s32 v4, v34;
	v42 =	vld [tilespmem:s22+$0xFFFFFE40];
	[tilespmem:v57+s14+$0x0] =	vst.idx.msk $0xffff, v50  }
0xbb: {  	[tilespmem:v61+s14+$0x0] =	vst.idx.msk $0xffff, v40;
	v46 =	vld [tilespmem:s22+$0x250];
	v61 =	vadd.s32 v5, v35  }
0xbc: {  	v54 =	vadd.s32 v5, v33;
	v50 =	vld [tilespmem:s22+$0x50]  }
0xbd: {  	v58 =	vadd.s32 v26, v39;
	[tilespmem:v63+s14+$0x0] =	vst.idx.msk $0xffff, v62;
	v40 =	vld [tilespmem:s23+$0x3A0]  }
0xbe: {  	[tilespmem:v55+s14+$0x0] =	vst.idx.msk $0xffff, v48  }
0xbf: {  	v60 =	vadd.s32 v22, v36;
	v59 =	vld [tilespmem:s23+$0xFFFFFD60];
	[tilespmem:v56+s14+$0x0] =	vst.idx.msk $0xffff, v42  }
0xc0: {  	v62 =	vadd.s32 v5, v32;
	v48 =	vld [tilespmem:s22+$0xFFFFFC50];
	[tilespmem:v61+s14+$0x0] =	vst.idx.msk $0xffff, v46  }
0xc1: {  	v63 =	vadd.s32 v5, v34;
	v42 =	vld [tilespmem:s22+$0xFFFFFE50];
	[tilespmem:v54+s14+$0x0] =	vst.idx.msk $0xffff, v50  }
0xc2: {  	[tilespmem:v58+s14+$0x0] =	vst.idx.msk $0xffff, v40;
	v46 =	vld [tilespmem:s22+$0x260];
	v58 =	vadd.s32 v6, v35  }
0xc3: {  	v61 =	vadd.s32 v6, v33;
	v50 =	vld [tilespmem:s22+$0x60]  }
0xc4: {  	[tilespmem:v60+s14+$0x0] =	vst.idx.msk $0xffff, v59;
	v55 =	vadd.s32 v27, v39;
	v40 =	vld [tilespmem:s23+$0x3B0]  }
0xc5: {  	[tilespmem:v62+s14+$0x0] =	vst.idx.msk $0xffff, v48  }
0xc6: {  	v57 =	vadd.s32 v23, v38;
	v56 =	vld [tilespmem:s23+$0xFFFFFF70];
	[tilespmem:v63+s14+$0x0] =	vst.idx.msk $0xffff, v42  }
0xc7: {  	v59 =	vadd.s32 v6, v32;
	v48 =	vld [tilespmem:s22+$0xFFFFFC60];
	[tilespmem:v58+s14+$0x0] =	vst.idx.msk $0xffff, v46  }
0xc8: {  	v60 =	vadd.s32 v6, v34;
	v42 =	vld [tilespmem:s22+$0xFFFFFE60];
	[tilespmem:v61+s14+$0x0] =	vst.idx.msk $0xffff, v50  }
0xc9: {  	[tilespmem:v55+s14+$0x0] =	vst.idx.msk $0xffff, v40;
	v46 =	vld [tilespmem:s22+$0x270];
	v55 =	vadd.s32 v7, v35  }
0xca: {  	v58 =	vadd.s32 v7, v33;
	v50 =	vld [tilespmem:s22+$0x70]  }
0xcb: {  	[tilespmem:v57+s14+$0x0] =	vst.idx.msk $0xffff, v56;
	v62 =	vadd.s32 v28, v39;
	v40 =	vld [tilespmem:s23+$0x3C0]  }
0xcc: {  	[tilespmem:v59+s14+$0x0] =	vst.idx.msk $0xffff, v48  }
0xcd: {  	v54 =	vadd.s32 v23, v37;
	v63 =	vld [tilespmem:s23+$0x170];
	[tilespmem:v60+s14+$0x0] =	vst.idx.msk $0xffff, v42  }
0xce: {  	v56 =	vadd.s32 v7, v32;
	v48 =	vld [tilespmem:s22+$0xFFFFFC70];
	[tilespmem:v55+s14+$0x0] =	vst.idx.msk $0xffff, v46  }
0xcf: {  	v57 =	vadd.s32 v7, v34;
	v42 =	vld [tilespmem:s22+$0xFFFFFE70];
	[tilespmem:v58+s14+$0x0] =	vst.idx.msk $0xffff, v50  }
0xd0: {  	[tilespmem:v62+s14+$0x0] =	vst.idx.msk $0xffff, v40;
	v46 =	vld [tilespmem:s22+$0x280];
	v62 =	vadd.s32 v8, v35  }
0xd1: {  	v55 =	vadd.s32 v8, v33;
	v50 =	vld [tilespmem:s22+$0x80]  }
0xd2: {  	[tilespmem:v54+s14+$0x0] =	vst.idx.msk $0xffff, v63;
	v59 =	vadd.s32 v29, v39;
	v40 =	vld [tilespmem:s23+$0x3D0]  }
0xd3: {  	v61 =	vadd.s32 v23, v36;
	v60 =	vld [tilespmem:s23+$0xFFFFFD70];
	[tilespmem:v56+s14+$0x0] =	vst.idx.msk $0xffff, v48  }
0xd4: {  	v63 =	vadd.s32 v8, v32;
	[tilespmem:v57+s14+$0x0] =	vst.idx.msk $0xffff, v42;
	v48 =	vld [tilespmem:s22+$0xFFFFFC80]  }
0xd5: {  	v54 =	vadd.s32 v8, v34;
	v42 =	vld [tilespmem:s22+$0xFFFFFE80];
	[tilespmem:v62+s14+$0x0] =	vst.idx.msk $0xffff, v46  }
0xd6: {  	v58 =	vadd.s32 v24, v38;
	v57 =	vld [tilespmem:s23+$0xFFFFFF80];
	[tilespmem:v55+s14+$0x0] =	vst.idx.msk $0xffff, v50  }
0xd7: {  	[tilespmem:v59+s14+$0x0] =	vst.idx.msk $0xffff, v40;
	v46 =	vld [tilespmem:s22+$0x290];
	v59 =	vadd.s32 v9, v35  }
0xd8: {  	[tilespmem:v61+s14+$0x0] =	vst.idx.msk $0xffff, v60;
	v62 =	vadd.s32 v9, v33;
	v50 =	vld [tilespmem:s22+$0x90]  }
0xd9: {  	v56 =	vadd.s32 v30, v39;
	[tilespmem:v63+s14+$0x0] =	vst.idx.msk $0xffff, v48;
	v40 =	vld [tilespmem:s23+$0x3E0]  }
0xda: {  	v60 =	vadd.s32 v9, v32;
	[tilespmem:v54+s14+$0x0] =	vst.idx.msk $0xffff, v42;
	v48 =	vld [tilespmem:s22+$0xFFFFFC90]  }
0xdb: {  	v61 =	vadd.s32 v9, v34;
	[tilespmem:v58+s14+$0x0] =	vst.idx.msk $0xffff, v57;
	v42 =	vld [tilespmem:s22+$0xFFFFFE90]  }
0xdc: {  	[tilespmem:v59+s14+$0x0] =	vst.idx.msk $0xffff, v46  }
0xdd: {  	v52 =	vadd.s32 v24, v37;
	v63 =	vld [tilespmem:s23+$0x180];
	[tilespmem:v62+s14+$0x0] =	vst.idx.msk $0xffff, v50  }
0xde: {  	v54 =	vadd.s32 v10, v35;
	[tilespmem:v56+s14+$0x0] =	vst.idx.msk $0xffff, v40;
	v53 =	vld [tilespmem:s22+$0x2A0]  }
0xdf: {  	v59 =	vadd.s32 v10, v33;
	[tilespmem:v60+s14+$0x0] =	vst.idx.msk $0xffff, v48;
	v58 =	vld [tilespmem:s22+$0xA0]  }
0xe0: {  	v56 =	vadd.s32 v10, v32;
	[tilespmem:v61+s14+$0x0] =	vst.idx.msk $0xffff, v42;
	v55 =	vld [tilespmem:s22+$0xFFFFFCA0]  }
0xe1: {  	v57 =	vadd.s32 v10, v34;
	v42 =	vld [tilespmem:s22+$0xFFFFFEA0]  }
0xe2: {  	[tilespmem:v52+s14+$0x0] =	vst.idx.msk $0xffff, v63;
	v62 =	vld [tilespmem:s23+$0xFFFFFF90];
	v63 =	vadd.s32 v25, v38  }
0xe3: {  	v60 =	vld [tilespmem:s23+$0xFFFFFD80];
	v61 =	vadd.s32 v24, v36;
	[tilespmem:v54+s14+$0x0] =	vst.idx.msk $0xffff, v53  }
0xe4: {  	v52 =	vadd.s32 v11, v35;
	[tilespmem:v59+s14+$0x0] =	vst.idx.msk $0xffff, v58;
	v45 =	vld [tilespmem:s22+$0x2B0]  }
0xe5: {  	[tilespmem:v56+s14+$0x0] =	vst.idx.msk $0xffff, v55;
	v49 =	vld [tilespmem:s22+$0xB0];
	v55 =	vadd.s32 v11, v33  }
0xe6: {  	v53 =	vadd.s32 v11, v32;
	[tilespmem:v57+s14+$0x0] =	vst.idx.msk $0xffff, v42;
	v47 =	vld [tilespmem:s22+$0xFFFFFCB0]  }
0xe7: {  	[tilespmem:v63+s14+$0x0] =	vst.idx.msk $0xffff, v62;
	v54 =	vadd.s32 v11, v34;
	v42 =	vld [tilespmem:s22+$0xFFFFFEB0]  }
0xe8: {  	[tilespmem:v61+s14+$0x0] =	vst.idx.msk $0xffff, v60;
	v56 =	vld [tilespmem:s23+$0x190];
	v57 =	vadd.s32 v25, v37  }
0xe9: {  	v59 =	vadd.s32 v25, v36;
	v58 =	vld [tilespmem:s23+$0xFFFFFD90];
	[tilespmem:v52+s14+$0x0] =	vst.idx.msk $0xffff, v45  }
0xea: {  	v60 =	vadd.s32 v12, v35;
	[tilespmem:v55+s14+$0x0] =	vst.idx.msk $0xffff, v49;
	v45 =	vld [tilespmem:s22+$0x2C0]  }
0xeb: {  	v63 =	vadd.s32 v12, v33;
	[tilespmem:v53+s14+$0x0] =	vst.idx.msk $0xffff, v47;
	v49 =	vld [tilespmem:s22+$0xC0]  }
0xec: {  	v61 =	vadd.s32 v12, v32;
	[tilespmem:v54+s14+$0x0] =	vst.idx.msk $0xffff, v42;
	v47 =	vld [tilespmem:s22+$0xFFFFFCC0]  }
0xed: {  	v62 =	vadd.s32 v12, v34;
	[tilespmem:v57+s14+$0x0] =	vst.idx.msk $0xffff, v56;
	v42 =	vld [tilespmem:s22+$0xFFFFFEC0]  }
0xee: {  	[tilespmem:v59+s14+$0x0] =	vst.idx.msk $0xffff, v58;
	v52 =	vld [tilespmem:s23+$0xFFFFFFA0];
	v53 =	vadd.s32 v26, v38  }
0xef: {  	v55 =	vadd.s32 v26, v37;
	v54 =	vld [tilespmem:s23+$0x1A0];
	[tilespmem:v60+s14+$0x0] =	vst.idx.msk $0xffff, v45  }
0xf0: {  	v56 =	vadd.s32 v13, v35;
	[tilespmem:v63+s14+$0x0] =	vst.idx.msk $0xffff, v49;
	v45 =	vld [tilespmem:s22+$0x2D0]  }
0xf1: {  	v59 =	vadd.s32 v13, v33;
	[tilespmem:v61+s14+$0x0] =	vst.idx.msk $0xffff, v47;
	v49 =	vld [tilespmem:s22+$0xD0]  }
0xf2: {  	v57 =	vadd.s32 v13, v32;
	[tilespmem:v62+s14+$0x0] =	vst.idx.msk $0xffff, v42;
	v47 =	vld [tilespmem:s22+$0xFFFFFCD0]  }
0xf3: {  	v58 =	vadd.s32 v13, v34;
	[tilespmem:v53+s14+$0x0] =	vst.idx.msk $0xffff, v52;
	v42 =	vld [tilespmem:s22+$0xFFFFFED0]  }
0xf4: {  	v60 =	vld [tilespmem:s23+$0xFFFFFDA0];
	[tilespmem:v55+s14+$0x0] =	vst.idx.msk $0xffff, v54;
	v61 =	vadd.s32 v26, v36  }
0xf5: {  	v63 =	vadd.s32 v27, v38;
	v62 =	vld [tilespmem:s23+$0xFFFFFFB0];
	[tilespmem:v56+s14+$0x0] =	vst.idx.msk $0xffff, v45  }
0xf6: {  	v52 =	vadd.s32 v14, v35;
	[tilespmem:v59+s14+$0x0] =	vst.idx.msk $0xffff, v49;
	v45 =	vld [tilespmem:s22+$0x2E0]  }
0xf7: {  	v55 =	vadd.s32 v14, v33;
	[tilespmem:v57+s14+$0x0] =	vst.idx.msk $0xffff, v47;
	v49 =	vld [tilespmem:s22+$0xE0]  }
0xf8: {  	v53 =	vadd.s32 v14, v32;
	[tilespmem:v58+s14+$0x0] =	vst.idx.msk $0xffff, v42;
	v47 =	vld [tilespmem:s22+$0xFFFFFCE0]  }
0xf9: {  	v54 =	vadd.s32 v14, v34;
	[tilespmem:v61+s14+$0x0] =	vst.idx.msk $0xffff, v60;
	v42 =	vld [tilespmem:s22+$0xFFFFFEE0]  }
0xfa: {  	[tilespmem:v63+s14+$0x0] =	vst.idx.msk $0xffff, v62;
	v56 =	vld [tilespmem:s23+$0x1B0];
	v57 =	vadd.s32 v27, v37  }
0xfb: {  	v59 =	vadd.s32 v27, v36;
	v58 =	vld [tilespmem:s23+$0xFFFFFDB0];
	[tilespmem:v52+s14+$0x0] =	vst.idx.msk $0xffff, v45  }
0xfc: {  	v60 =	vadd.s32 v15, v35;
	[tilespmem:v55+s14+$0x0] =	vst.idx.msk $0xffff, v49;
	v45 =	vld [tilespmem:s22+$0x2F0]  }
0xfd: {  	v63 =	vadd.s32 v15, v33;
	[tilespmem:v53+s14+$0x0] =	vst.idx.msk $0xffff, v47;
	v49 =	vld [tilespmem:s22+$0xF0]  }
0xfe: {  	v61 =	vadd.s32 v15, v32;
	[tilespmem:v54+s14+$0x0] =	vst.idx.msk $0xffff, v42;
	v47 =	vld [tilespmem:s22+$0xFFFFFCF0]  }
0xff: {  	v62 =	vadd.s32 v15, v34;
	[tilespmem:v57+s14+$0x0] =	vst.idx.msk $0xffff, v56;
	v42 =	vld [tilespmem:s22+$0xFFFFFEF0]  }
0x100: {  	[tilespmem:v59+s14+$0x0] =	vst.idx.msk $0xffff, v58;
	v52 =	vld [tilespmem:s23+$0xFFFFFFC0];
	v53 =	vadd.s32 v28, v38  }
0x101: {  	v55 =	vadd.s32 v28, v37;
	v54 =	vld [tilespmem:s23+$0x1C0];
	[tilespmem:v60+s14+$0x0] =	vst.idx.msk $0xffff, v45  }
0x102: {  	v56 =	vadd.s32 v16, v35;
	[tilespmem:v63+s14+$0x0] =	vst.idx.msk $0xffff, v49;
	v45 =	vld [tilespmem:s22+$0x300]  }
0x103: {  	v59 =	vadd.s32 v16, v33;
	[tilespmem:v61+s14+$0x0] =	vst.idx.msk $0xffff, v47;
	v49 =	vld [tilespmem:s22+$0x100]  }
0x104: {  	v57 =	vadd.s32 v16, v32;
	[tilespmem:v62+s14+$0x0] =	vst.idx.msk $0xffff, v42;
	v47 =	vld [tilespmem:s22+$0xFFFFFD00]  }
0x105: {  	v58 =	vadd.s32 v16, v34;
	[tilespmem:v53+s14+$0x0] =	vst.idx.msk $0xffff, v52;
	v42 =	vld [tilespmem:s22+$0xFFFFFF00]  }
0x106: {  	v60 =	vld [tilespmem:s23+$0xFFFFFDC0];
	[tilespmem:v55+s14+$0x0] =	vst.idx.msk $0xffff, v54;
	v61 =	vadd.s32 v28, v36  }
0x107: {  	v63 =	vadd.s32 v29, v38;
	v62 =	vld [tilespmem:s23+$0xFFFFFFD0];
	[tilespmem:v56+s14+$0x0] =	vst.idx.msk $0xffff, v45  }
0x108: {  	v52 =	vadd.s32 v17, v35;
	[tilespmem:v59+s14+$0x0] =	vst.idx.msk $0xffff, v49;
	v45 =	vld [tilespmem:s22+$0x310]  }
0x109: {  	v55 =	vadd.s32 v17, v33;
	[tilespmem:v57+s14+$0x0] =	vst.idx.msk $0xffff, v47;
	v49 =	vld [tilespmem:s22+$0x110]  }
0x10a: {  	v53 =	vadd.s32 v17, v32;
	[tilespmem:v58+s14+$0x0] =	vst.idx.msk $0xffff, v42;
	v47 =	vld [tilespmem:s22+$0xFFFFFD10]  }
0x10b: {  	v54 =	vadd.s32 v17, v34;
	[tilespmem:v61+s14+$0x0] =	vst.idx.msk $0xffff, v60;
	v42 =	vld [tilespmem:s22+$0xFFFFFF10]  }
0x10c: {  	[tilespmem:v63+s14+$0x0] =	vst.idx.msk $0xffff, v62;
	v56 =	vld [tilespmem:s23+$0x1D0];
	v57 =	vadd.s32 v29, v37  }
0x10d: {  	v59 =	vadd.s32 v29, v36;
	v58 =	vld [tilespmem:s23+$0xFFFFFDD0];
	[tilespmem:v52+s14+$0x0] =	vst.idx.msk $0xffff, v45  }
0x10e: {  	v60 =	vadd.s32 v18, v35;
	[tilespmem:v55+s14+$0x0] =	vst.idx.msk $0xffff, v49;
	v45 =	vld [tilespmem:s22+$0x320]  }
0x10f: {  	v63 =	vadd.s32 v18, v33;
	[tilespmem:v53+s14+$0x0] =	vst.idx.msk $0xffff, v47;
	v49 =	vld [tilespmem:s22+$0x120]  }
0x110: {  	v61 =	vadd.s32 v18, v32;
	[tilespmem:v54+s14+$0x0] =	vst.idx.msk $0xffff, v42;
	v47 =	vld [tilespmem:s22+$0xFFFFFD20]  }
0x111: {  	v62 =	vadd.s32 v18, v34;
	[tilespmem:v57+s14+$0x0] =	vst.idx.msk $0xffff, v56;
	v42 =	vld [tilespmem:s22+$0xFFFFFF20]  }
0x112: {  	v39 =	vadd.s32 v31, v39;
	v40 =	vld [tilespmem:s23+$0x3F0];
	[tilespmem:v59+s14+$0x0] =	vst.idx.msk $0xffff, v58  }
0x113: {  	v52 =	vld [tilespmem:s23+$0xFFFFFFE0];
	v53 =	vadd.s32 v30, v38;
	[tilespmem:v60+s14+$0x0] =	vst.idx.msk $0xffff, v45  }
0x114: {  	v56 =	vadd.s32 v19, v35;
	[tilespmem:v63+s14+$0x0] =	vst.idx.msk $0xffff, v49;
	v45 =	vld [tilespmem:s22+$0x330]  }
0x115: {  	v59 =	vadd.s32 v19, v33;
	[tilespmem:v61+s14+$0x0] =	vst.idx.msk $0xffff, v47;
	v49 =	vld [tilespmem:s22+$0x130]  }
0x116: {  	v57 =	vadd.s32 v19, v32;
	[tilespmem:v62+s14+$0x0] =	vst.idx.msk $0xffff, v42;
	v47 =	vld [tilespmem:s22+$0xFFFFFD30]  }
0x117: {  	[tilespmem:v39+s14+$0x0] =	vst.idx.msk $0xffff, v40;
	v58 =	vadd.s32 v19, v34;
	v42 =	vld [tilespmem:s22+$0xFFFFFF30]  }
0x118: {  	v55 =	vadd.s32 v30, v37;
	v54 =	vld [tilespmem:s23+$0x1E0];
	[tilespmem:v53+s14+$0x0] =	vst.idx.msk $0xffff, v52  }
0x119: {  	v60 =	vld [tilespmem:s23+$0xFFFFFDE0];
	v61 =	vadd.s32 v30, v36;
	[tilespmem:v56+s14+$0x0] =	vst.idx.msk $0xffff, v45  }
0x11a: {  	v38 =	vadd.s32 v31, v38;
	v62 =	vld [tilespmem:s23+$0xFFFFFFF0];
	[tilespmem:v59+s14+$0x0] =	vst.idx.msk $0xffff, v49  }
0x11b: {  	v52 =	vadd.s32 v20, v35;
	[tilespmem:v57+s14+$0x0] =	vst.idx.msk $0xffff, v47;
	v63 =	vld [tilespmem:s22+$0x340]  }
0x11c: {  	v49 =	vadd.s32 v20, v32;
	[tilespmem:v58+s14+$0x0] =	vst.idx.msk $0xffff, v42;
	v48 =	vld [tilespmem:s22+$0xFFFFFD40]  }
0x11d: {  	[tilespmem:v55+s14+$0x0] =	vst.idx.msk $0xffff, v54;
	v47 =	vadd.s32 v20, v34;
	v45 =	vld [tilespmem:s22+$0xFFFFFF40]  }
0x11e: {  	v46 =	vadd.s32 v20, v33;
	[tilespmem:v61+s14+$0x0] =	vst.idx.msk $0xffff, v60;
	v44 =	vld [tilespmem:s22+$0x140]  }
0x11f: {  	s24 =	simm.s32 $0x8;
	v41 =	vadd.s32 v31, v37;
	v40 =	vld [tilespmem:s23+$0x1F0];
	[tilespmem:v38+s14+$0x0] =	vst.idx.msk $0xffff, v62  }
0x120: {  	s26 =	simm.s32 $0xB;
	s25 =	simm.s32 $0xC;
	v43 =	vadd.s32 v31, v36;
	v42 =	vld [tilespmem:s23+$0xFFFFFDF0];
	s23 =	simm.s32 $0xC00;
	[tilespmem:v52+s14+$0x0] =	vst.idx.msk $0xffff, v63  }
.LBB2_3:
0x121: {  	p1 =	slt.u32 s25, $0x1C;
	v36 =	vmov s26;
	[tilespmem:v49+s14+$0x0] =	vst.idx.msk $0xffff, v48;
	v48 =	vld [tilespmem:s22+$0x350];
	v49 =	vadd.s32 v21, v35  }
0x122: {  	v37 =	vmov s24;
	s26 =	sadd.s32 $0x1, s24;
	v51 =	vadd.s32 v21, v32;
	s22 =	sadd.s32 $0x800, s22;
	v39 =	vand.u32 $0x1F, v36;
	v50 =	vld [tilespmem:s23+$0xFFFFFD50];
	[tilespmem:v47+s14+$0x0] =	vst.idx.msk $0xffff, v45  }
0x123: {  	v36 =	vand.u32 $0x1C, v37;
	v37 =	vmov s26;
	s26 =	sadd.s32 $0x2, s24;
	s24 =	smov.u32 s25;
	v45 =	vld [tilespmem:s22+$0x200];
	v47 =	vadd.s32 v0, v39;
	[tilespmem:v46+s14+$0x0] =	vst.idx.msk $0xffff, v44  }
0x124: {  	v46 =	vadd.s32 v0, v36;
	v38 =	vand.u32 $0x1D, v37;
	v37 =	vmov s26;
	v44 =	vld [tilespmem:s22+$0xFFFFFC00];
	[tilespmem:v41+s14+$0x0] =	vst.idx.msk $0xffff, v40  }
0x125: {  	v41 =	vadd.s32 v0, v38;
	v37 =	vand.u32 $0x1E, v37;
	v40 =	vld [tilespmem:s22+$0xFFFFFE00];
	[tilespmem:v43+s14+$0x0] =	vst.idx.msk $0xffff, v42  }
0x126: {  	v43 =	vadd.s32 v0, v37;
	v42 =	vld [tilespmem:s22+$0x0];
	[tilespmem:v49+s14+$0x0] =	vst.idx.msk $0xffff, v48  }
0x127: {  	v49 =	vadd.s32 v22, v35;
	[tilespmem:v51+s14+$0x0] =	vst.idx.msk $0xffff, v50;
	v48 =	vld [tilespmem:s23+$0x360]  }
0x128: {  	[tilespmem:v47+s14+$0x0] =	vst.idx.msk $0xffff, v45;
	v45 =	vld [tilespmem:s23+$0xFFFFFF50];
	v47 =	vadd.s32 v21, v34  }
0x129: {  	[tilespmem:v46+s14+$0x0] =	vst.idx.msk $0xffff, v44;
	v44 =	vld [tilespmem:s22+$0x210];
	v46 =	vadd.s32 v1, v39  }
0x12a: {  	v51 =	vadd.s32 v1, v36;
	v50 =	vld [tilespmem:s22+$0xFFFFFC10];
	[tilespmem:v41+s14+$0x0] =	vst.idx.msk $0xffff, v40  }
0x12b: {  	v41 =	vadd.s32 v1, v38;
	v40 =	vld [tilespmem:s22+$0xFFFFFE10];
	[tilespmem:v43+s14+$0x0] =	vst.idx.msk $0xffff, v42  }
0x12c: {  	v43 =	vadd.s32 v1, v37;
	v42 =	vld [tilespmem:s22+$0x10];
	[tilespmem:v49+s14+$0x0] =	vst.idx.msk $0xffff, v48  }
0x12d: {  	[tilespmem:v47+s14+$0x0] =	vst.idx.msk $0xffff, v45;
	v45 =	vld [tilespmem:s23+$0x370];
	v47 =	vadd.s32 v23, v35  }
0x12e: {  	[tilespmem:v46+s14+$0x0] =	vst.idx.msk $0xffff, v44;
	v44 =	vld [tilespmem:s23+$0x150];
	v46 =	vadd.s32 v21, v33  }
0x12f: {  	v49 =	vadd.s32 v2, v39;
	[tilespmem:v51+s14+$0x0] =	vst.idx.msk $0xffff, v50;
	v48 =	vld [tilespmem:s22+$0x220]  }
0x130: {  	v51 =	vadd.s32 v2, v36;
	v50 =	vld [tilespmem:s22+$0xFFFFFC20];
	[tilespmem:v41+s14+$0x0] =	vst.idx.msk $0xffff, v40  }
0x131: {  	v41 =	vadd.s32 v2, v38;
	v40 =	vld [tilespmem:s22+$0xFFFFFE20];
	[tilespmem:v43+s14+$0x0] =	vst.idx.msk $0xffff, v42  }
0x132: {  	v43 =	vadd.s32 v2, v37;
	v42 =	vld [tilespmem:s22+$0x20];
	[tilespmem:v47+s14+$0x0] =	vst.idx.msk $0xffff, v45  }
0x133: {  	v45 =	vadd.s32 v24, v35;
	[tilespmem:v46+s14+$0x0] =	vst.idx.msk $0xffff, v44;
	v44 =	vld [tilespmem:s23+$0x380]  }
0x134: {  	v47 =	vadd.s32 v22, v34;
	[tilespmem:v49+s14+$0x0] =	vst.idx.msk $0xffff, v48;
	v46 =	vld [tilespmem:s23+$0xFFFFFF60]  }
0x135: {  	v49 =	vadd.s32 v3, v39;
	[tilespmem:v51+s14+$0x0] =	vst.idx.msk $0xffff, v50;
	v48 =	vld [tilespmem:s22+$0x230]  }
0x136: {  	v51 =	vadd.s32 v3, v36;
	v50 =	vld [tilespmem:s22+$0xFFFFFC30];
	[tilespmem:v41+s14+$0x0] =	vst.idx.msk $0xffff, v40  }
0x137: {  	v41 =	vadd.s32 v3, v38;
	v40 =	vld [tilespmem:s22+$0xFFFFFE30];
	[tilespmem:v43+s14+$0x0] =	vst.idx.msk $0xffff, v42  }
0x138: {  	v43 =	vadd.s32 v3, v37;
	v42 =	vld [tilespmem:s22+$0x30];
	[tilespmem:v45+s14+$0x0] =	vst.idx.msk $0xffff, v44  }
0x139: {  	v45 =	vadd.s32 v25, v35;
	[tilespmem:v47+s14+$0x0] =	vst.idx.msk $0xffff, v46;
	v44 =	vld [tilespmem:s23+$0x390]  }
0x13a: {  	v47 =	vadd.s32 v22, v33;
	[tilespmem:v49+s14+$0x0] =	vst.idx.msk $0xffff, v48;
	v46 =	vld [tilespmem:s23+$0x160]  }
0x13b: {  	v49 =	vadd.s32 v4, v39;
	[tilespmem:v51+s14+$0x0] =	vst.idx.msk $0xffff, v50;
	v48 =	vld [tilespmem:s22+$0x240]  }
0x13c: {  	v51 =	vadd.s32 v4, v36;
	v50 =	vld [tilespmem:s22+$0xFFFFFC40];
	[tilespmem:v41+s14+$0x0] =	vst.idx.msk $0xffff, v40  }
0x13d: {  	v41 =	vadd.s32 v4, v38;
	v40 =	vld [tilespmem:s22+$0xFFFFFE40];
	[tilespmem:v43+s14+$0x0] =	vst.idx.msk $0xffff, v42  }
0x13e: {  	v43 =	vadd.s32 v4, v37;
	v42 =	vld [tilespmem:s22+$0x40];
	[tilespmem:v45+s14+$0x0] =	vst.idx.msk $0xffff, v44  }
0x13f: {  	v45 =	vadd.s32 v26, v35;
	[tilespmem:v47+s14+$0x0] =	vst.idx.msk $0xffff, v46;
	v44 =	vld [tilespmem:s23+$0x3A0]  }
0x140: {  	v47 =	vadd.s32 v22, v32;
	[tilespmem:v49+s14+$0x0] =	vst.idx.msk $0xffff, v48;
	v46 =	vld [tilespmem:s23+$0xFFFFFD60]  }
0x141: {  	v49 =	vadd.s32 v5, v39;
	[tilespmem:v51+s14+$0x0] =	vst.idx.msk $0xffff, v50;
	v48 =	vld [tilespmem:s22+$0x250]  }
0x142: {  	v51 =	vadd.s32 v5, v36;
	v50 =	vld [tilespmem:s22+$0xFFFFFC50];
	[tilespmem:v41+s14+$0x0] =	vst.idx.msk $0xffff, v40  }
0x143: {  	v41 =	vadd.s32 v5, v38;
	v40 =	vld [tilespmem:s22+$0xFFFFFE50];
	[tilespmem:v43+s14+$0x0] =	vst.idx.msk $0xffff, v42  }
0x144: {  	v43 =	vadd.s32 v5, v37;
	v42 =	vld [tilespmem:s22+$0x50];
	[tilespmem:v45+s14+$0x0] =	vst.idx.msk $0xffff, v44  }
0x145: {  	v45 =	vadd.s32 v27, v35;
	[tilespmem:v47+s14+$0x0] =	vst.idx.msk $0xffff, v46;
	v44 =	vld [tilespmem:s23+$0x3B0]  }
0x146: {  	v47 =	vadd.s32 v23, v34;
	[tilespmem:v49+s14+$0x0] =	vst.idx.msk $0xffff, v48;
	v46 =	vld [tilespmem:s23+$0xFFFFFF70]  }
0x147: {  	v49 =	vadd.s32 v6, v39;
	[tilespmem:v51+s14+$0x0] =	vst.idx.msk $0xffff, v50;
	v48 =	vld [tilespmem:s22+$0x260]  }
0x148: {  	v51 =	vadd.s32 v6, v36;
	v50 =	vld [tilespmem:s22+$0xFFFFFC60];
	[tilespmem:v41+s14+$0x0] =	vst.idx.msk $0xffff, v40  }
0x149: {  	v41 =	vadd.s32 v6, v38;
	v40 =	vld [tilespmem:s22+$0xFFFFFE60];
	[tilespmem:v43+s14+$0x0] =	vst.idx.msk $0xffff, v42  }
0x14a: {  	v43 =	vadd.s32 v6, v37;
	v42 =	vld [tilespmem:s22+$0x60];
	[tilespmem:v45+s14+$0x0] =	vst.idx.msk $0xffff, v44  }
0x14b: {  	v45 =	vadd.s32 v28, v35;
	[tilespmem:v47+s14+$0x0] =	vst.idx.msk $0xffff, v46;
	v44 =	vld [tilespmem:s23+$0x3C0]  }
0x14c: {  	v47 =	vadd.s32 v23, v33;
	[tilespmem:v49+s14+$0x0] =	vst.idx.msk $0xffff, v48;
	v46 =	vld [tilespmem:s23+$0x170]  }
0x14d: {  	v49 =	vadd.s32 v7, v39;
	[tilespmem:v51+s14+$0x0] =	vst.idx.msk $0xffff, v50;
	v48 =	vld [tilespmem:s22+$0x270]  }
0x14e: {  	v51 =	vadd.s32 v7, v36;
	v50 =	vld [tilespmem:s22+$0xFFFFFC70];
	[tilespmem:v41+s14+$0x0] =	vst.idx.msk $0xffff, v40  }
0x14f: {  	v41 =	vadd.s32 v7, v38;
	v40 =	vld [tilespmem:s22+$0xFFFFFE70];
	[tilespmem:v43+s14+$0x0] =	vst.idx.msk $0xffff, v42  }
0x150: {  	v43 =	vadd.s32 v7, v37;
	v42 =	vld [tilespmem:s22+$0x70];
	[tilespmem:v45+s14+$0x0] =	vst.idx.msk $0xffff, v44  }
0x151: {  	v45 =	vadd.s32 v29, v35;
	[tilespmem:v47+s14+$0x0] =	vst.idx.msk $0xffff, v46;
	v44 =	vld [tilespmem:s23+$0x3D0]  }
0x152: {  	v47 =	vadd.s32 v23, v32;
	[tilespmem:v49+s14+$0x0] =	vst.idx.msk $0xffff, v48;
	v46 =	vld [tilespmem:s23+$0xFFFFFD70]  }
0x153: {  	v49 =	vadd.s32 v8, v39;
	[tilespmem:v51+s14+$0x0] =	vst.idx.msk $0xffff, v50;
	v48 =	vld [tilespmem:s22+$0x280]  }
0x154: {  	v51 =	vadd.s32 v8, v36;
	v50 =	vld [tilespmem:s22+$0xFFFFFC80];
	[tilespmem:v41+s14+$0x0] =	vst.idx.msk $0xffff, v40  }
0x155: {  	v41 =	vadd.s32 v8, v38;
	v40 =	vld [tilespmem:s22+$0xFFFFFE80];
	[tilespmem:v43+s14+$0x0] =	vst.idx.msk $0xffff, v42  }
0x156: {  	v43 =	vadd.s32 v8, v37;
	v42 =	vld [tilespmem:s22+$0x80];
	[tilespmem:v45+s14+$0x0] =	vst.idx.msk $0xffff, v44  }
0x157: {  	v45 =	vadd.s32 v30, v35;
	[tilespmem:v47+s14+$0x0] =	vst.idx.msk $0xffff, v46;
	v44 =	vld [tilespmem:s23+$0x3E0]  }
0x158: {  	v47 =	vadd.s32 v24, v34;
	[tilespmem:v49+s14+$0x0] =	vst.idx.msk $0xffff, v48;
	v46 =	vld [tilespmem:s23+$0xFFFFFF80]  }
0x159: {  	v49 =	vadd.s32 v9, v39;
	[tilespmem:v51+s14+$0x0] =	vst.idx.msk $0xffff, v50;
	v48 =	vld [tilespmem:s22+$0x290]  }
0x15a: {  	v51 =	vadd.s32 v9, v36;
	v50 =	vld [tilespmem:s22+$0xFFFFFC90];
	[tilespmem:v41+s14+$0x0] =	vst.idx.msk $0xffff, v40  }
0x15b: {  	v41 =	vadd.s32 v9, v38;
	v40 =	vld [tilespmem:s22+$0xFFFFFE90];
	[tilespmem:v43+s14+$0x0] =	vst.idx.msk $0xffff, v42  }
0x15c: {  	v43 =	vadd.s32 v9, v37;
	v42 =	vld [tilespmem:s22+$0x90];
	[tilespmem:v45+s14+$0x0] =	vst.idx.msk $0xffff, v44  }
0x15d: {  	v45 =	vadd.s32 v31, v35;
	v35 =	vmov v39;
	[tilespmem:v47+s14+$0x0] =	vst.idx.msk $0xffff, v46;
	v44 =	vld [tilespmem:s23+$0x3F0]  }
0x15e: {  	v46 =	vadd.s32 v24, v33;
	[tilespmem:v49+s14+$0x0] =	vst.idx.msk $0xffff, v48;
	v39 =	vld [tilespmem:s23+$0x180]  }
0x15f: {  	v48 =	vadd.s32 v10, v35;
	[tilespmem:v51+s14+$0x0] =	vst.idx.msk $0xffff, v50;
	v47 =	vld [tilespmem:s22+$0x2A0]  }
0x160: {  	v50 =	vadd.s32 v10, v36;
	v49 =	vld [tilespmem:s22+$0xFFFFFCA0];
	[tilespmem:v41+s14+$0x0] =	vst.idx.msk $0xffff, v40  }
0x161: {  	v41 =	vadd.s32 v10, v38;
	v40 =	vld [tilespmem:s22+$0xFFFFFEA0];
	[tilespmem:v43+s14+$0x0] =	vst.idx.msk $0xffff, v42  }
0x162: {  	v43 =	vadd.s32 v10, v37;
	v42 =	vld [tilespmem:s22+$0xA0];
	[tilespmem:v45+s14+$0x0] =	vst.idx.msk $0xffff, v44  }
0x163: {  	v45 =	vadd.s32 v24, v32;
	v44 =	vld [tilespmem:s23+$0xFFFFFD80];
	[tilespmem:v46+s14+$0x0] =	vst.idx.msk $0xffff, v39  }
0x164: {  	v46 =	vadd.s32 v25, v34;
	[tilespmem:v48+s14+$0x0] =	vst.idx.msk $0xffff, v47;
	v39 =	vld [tilespmem:s23+$0xFFFFFF90]  }
0x165: {  	v48 =	vadd.s32 v11, v35;
	[tilespmem:v50+s14+$0x0] =	vst.idx.msk $0xffff, v49;
	v47 =	vld [tilespmem:s22+$0x2B0]  }
0x166: {  	v50 =	vadd.s32 v11, v36;
	v49 =	vld [tilespmem:s22+$0xFFFFFCB0];
	[tilespmem:v41+s14+$0x0] =	vst.idx.msk $0xffff, v40  }
0x167: {  	v41 =	vadd.s32 v11, v38;
	v40 =	vld [tilespmem:s22+$0xFFFFFEB0];
	[tilespmem:v43+s14+$0x0] =	vst.idx.msk $0xffff, v42  }
0x168: {  	v43 =	vadd.s32 v11, v37;
	v42 =	vld [tilespmem:s22+$0xB0];
	[tilespmem:v45+s14+$0x0] =	vst.idx.msk $0xffff, v44  }
0x169: {  	v44 =	vadd.s32 v25, v33;
	[tilespmem:v46+s14+$0x0] =	vst.idx.msk $0xffff, v39;
	v39 =	vld [tilespmem:s23+$0x190]  }
0x16a: {  	v46 =	vadd.s32 v25, v32;
	[tilespmem:v48+s14+$0x0] =	vst.idx.msk $0xffff, v47;
	v45 =	vld [tilespmem:s23+$0xFFFFFD90]  }
0x16b: {  	v48 =	vadd.s32 v12, v35;
	[tilespmem:v50+s14+$0x0] =	vst.idx.msk $0xffff, v49;
	v47 =	vld [tilespmem:s22+$0x2C0]  }
0x16c: {  	v50 =	vadd.s32 v12, v36;
	v49 =	vld [tilespmem:s22+$0xFFFFFCC0];
	[tilespmem:v41+s14+$0x0] =	vst.idx.msk $0xffff, v40  }
0x16d: {  	v41 =	vadd.s32 v12, v38;
	v40 =	vld [tilespmem:s22+$0xFFFFFEC0];
	[tilespmem:v43+s14+$0x0] =	vst.idx.msk $0xffff, v42  }
0x16e: {  	v43 =	vadd.s32 v12, v37;
	v42 =	vld [tilespmem:s22+$0xC0];
	[tilespmem:v44+s14+$0x0] =	vst.idx.msk $0xffff, v39  }
0x16f: {  	v44 =	vadd.s32 v26, v34;
	[tilespmem:v46+s14+$0x0] =	vst.idx.msk $0xffff, v45;
	v39 =	vld [tilespmem:s23+$0xFFFFFFA0]  }
0x170: {  	v46 =	vadd.s32 v26, v33;
	[tilespmem:v48+s14+$0x0] =	vst.idx.msk $0xffff, v47;
	v45 =	vld [tilespmem:s23+$0x1A0]  }
0x171: {  	v48 =	vadd.s32 v13, v35;
	[tilespmem:v50+s14+$0x0] =	vst.idx.msk $0xffff, v49;
	v47 =	vld [tilespmem:s22+$0x2D0]  }
0x172: {  	v50 =	vadd.s32 v13, v36;
	v49 =	vld [tilespmem:s22+$0xFFFFFCD0];
	[tilespmem:v41+s14+$0x0] =	vst.idx.msk $0xffff, v40  }
0x173: {  	v41 =	vadd.s32 v13, v38;
	v40 =	vld [tilespmem:s22+$0xFFFFFED0];
	[tilespmem:v43+s14+$0x0] =	vst.idx.msk $0xffff, v42  }
0x174: {  	v43 =	vadd.s32 v13, v37;
	v42 =	vld [tilespmem:s22+$0xD0];
	[tilespmem:v44+s14+$0x0] =	vst.idx.msk $0xffff, v39  }
0x175: {  	v44 =	vadd.s32 v26, v32;
	v39 =	vld [tilespmem:s23+$0xFFFFFDA0];
	[tilespmem:v46+s14+$0x0] =	vst.idx.msk $0xffff, v45  }
0x176: {  	v46 =	vadd.s32 v27, v34;
	[tilespmem:v48+s14+$0x0] =	vst.idx.msk $0xffff, v47;
	v45 =	vld [tilespmem:s23+$0xFFFFFFB0]  }
0x177: {  	v48 =	vadd.s32 v14, v35;
	[tilespmem:v50+s14+$0x0] =	vst.idx.msk $0xffff, v49;
	v47 =	vld [tilespmem:s22+$0x2E0]  }
0x178: {  	v50 =	vadd.s32 v14, v36;
	v49 =	vld [tilespmem:s22+$0xFFFFFCE0];
	[tilespmem:v41+s14+$0x0] =	vst.idx.msk $0xffff, v40  }
0x179: {  	v41 =	vadd.s32 v14, v38;
	v40 =	vld [tilespmem:s22+$0xFFFFFEE0];
	[tilespmem:v43+s14+$0x0] =	vst.idx.msk $0xffff, v42  }
0x17a: {  	v43 =	vadd.s32 v14, v37;
	v42 =	vld [tilespmem:s22+$0xE0];
	[tilespmem:v44+s14+$0x0] =	vst.idx.msk $0xffff, v39  }
0x17b: {  	v44 =	vadd.s32 v27, v33;
	[tilespmem:v46+s14+$0x0] =	vst.idx.msk $0xffff, v45;
	v39 =	vld [tilespmem:s23+$0x1B0]  }
0x17c: {  	v46 =	vadd.s32 v27, v32;
	[tilespmem:v48+s14+$0x0] =	vst.idx.msk $0xffff, v47;
	v45 =	vld [tilespmem:s23+$0xFFFFFDB0]  }
0x17d: {  	v48 =	vadd.s32 v15, v35;
	[tilespmem:v50+s14+$0x0] =	vst.idx.msk $0xffff, v49;
	v47 =	vld [tilespmem:s22+$0x2F0]  }
0x17e: {  	v50 =	vadd.s32 v15, v36;
	v49 =	vld [tilespmem:s22+$0xFFFFFCF0];
	[tilespmem:v41+s14+$0x0] =	vst.idx.msk $0xffff, v40  }
0x17f: {  	v41 =	vadd.s32 v15, v38;
	v40 =	vld [tilespmem:s22+$0xFFFFFEF0];
	[tilespmem:v43+s14+$0x0] =	vst.idx.msk $0xffff, v42  }
0x180: {  	v43 =	vadd.s32 v15, v37;
	v42 =	vld [tilespmem:s22+$0xF0];
	[tilespmem:v44+s14+$0x0] =	vst.idx.msk $0xffff, v39  }
0x181: {  	v44 =	vadd.s32 v28, v34;
	[tilespmem:v46+s14+$0x0] =	vst.idx.msk $0xffff, v45;
	v39 =	vld [tilespmem:s23+$0xFFFFFFC0]  }
0x182: {  	v46 =	vadd.s32 v28, v33;
	[tilespmem:v48+s14+$0x0] =	vst.idx.msk $0xffff, v47;
	v45 =	vld [tilespmem:s23+$0x1C0]  }
0x183: {  	v48 =	vadd.s32 v16, v35;
	[tilespmem:v50+s14+$0x0] =	vst.idx.msk $0xffff, v49;
	v47 =	vld [tilespmem:s22+$0x300]  }
0x184: {  	v50 =	vadd.s32 v16, v36;
	v49 =	vld [tilespmem:s22+$0xFFFFFD00];
	[tilespmem:v41+s14+$0x0] =	vst.idx.msk $0xffff, v40  }
0x185: {  	v41 =	vadd.s32 v16, v38;
	v40 =	vld [tilespmem:s22+$0xFFFFFF00];
	[tilespmem:v43+s14+$0x0] =	vst.idx.msk $0xffff, v42  }
0x186: {  	v43 =	vadd.s32 v16, v37;
	v42 =	vld [tilespmem:s22+$0x100];
	[tilespmem:v44+s14+$0x0] =	vst.idx.msk $0xffff, v39  }
0x187: {  	v44 =	vadd.s32 v28, v32;
	v39 =	vld [tilespmem:s23+$0xFFFFFDC0];
	[tilespmem:v46+s14+$0x0] =	vst.idx.msk $0xffff, v45  }
0x188: {  	v46 =	vadd.s32 v29, v34;
	[tilespmem:v48+s14+$0x0] =	vst.idx.msk $0xffff, v47;
	v45 =	vld [tilespmem:s23+$0xFFFFFFD0]  }
0x189: {  	v48 =	vadd.s32 v17, v35;
	[tilespmem:v50+s14+$0x0] =	vst.idx.msk $0xffff, v49;
	v47 =	vld [tilespmem:s22+$0x310]  }
0x18a: {  	v50 =	vadd.s32 v17, v36;
	v49 =	vld [tilespmem:s22+$0xFFFFFD10];
	[tilespmem:v41+s14+$0x0] =	vst.idx.msk $0xffff, v40  }
0x18b: {  	v41 =	vadd.s32 v17, v38;
	v40 =	vld [tilespmem:s22+$0xFFFFFF10];
	[tilespmem:v43+s14+$0x0] =	vst.idx.msk $0xffff, v42  }
0x18c: {  	v43 =	vadd.s32 v17, v37;
	v42 =	vld [tilespmem:s22+$0x110];
	[tilespmem:v44+s14+$0x0] =	vst.idx.msk $0xffff, v39  }
0x18d: {  	v44 =	vadd.s32 v29, v33;
	[tilespmem:v46+s14+$0x0] =	vst.idx.msk $0xffff, v45;
	v39 =	vld [tilespmem:s23+$0x1D0]  }
0x18e: {  	v46 =	vadd.s32 v29, v32;
	[tilespmem:v48+s14+$0x0] =	vst.idx.msk $0xffff, v47;
	v45 =	vld [tilespmem:s23+$0xFFFFFDD0]  }
0x18f: {  	v48 =	vadd.s32 v18, v35;
	[tilespmem:v50+s14+$0x0] =	vst.idx.msk $0xffff, v49;
	v47 =	vld [tilespmem:s22+$0x320]  }
0x190: {  	v50 =	vadd.s32 v18, v36;
	v49 =	vld [tilespmem:s22+$0xFFFFFD20];
	[tilespmem:v41+s14+$0x0] =	vst.idx.msk $0xffff, v40  }
0x191: {  	v41 =	vadd.s32 v18, v38;
	v40 =	vld [tilespmem:s22+$0xFFFFFF20];
	[tilespmem:v43+s14+$0x0] =	vst.idx.msk $0xffff, v42  }
0x192: {  	v43 =	vadd.s32 v18, v37;
	v42 =	vld [tilespmem:s22+$0x120];
	[tilespmem:v44+s14+$0x0] =	vst.idx.msk $0xffff, v39  }
0x193: {  	v44 =	vadd.s32 v30, v34;
	[tilespmem:v46+s14+$0x0] =	vst.idx.msk $0xffff, v45;
	v39 =	vld [tilespmem:s23+$0xFFFFFFE0]  }
0x194: {  	v46 =	vadd.s32 v30, v33;
	[tilespmem:v48+s14+$0x0] =	vst.idx.msk $0xffff, v47;
	v45 =	vld [tilespmem:s23+$0x1E0]  }
0x195: {  	v48 =	vadd.s32 v19, v35;
	[tilespmem:v50+s14+$0x0] =	vst.idx.msk $0xffff, v49;
	v47 =	vld [tilespmem:s22+$0x330]  }
0x196: {  	v50 =	vadd.s32 v19, v36;
	v49 =	vld [tilespmem:s22+$0xFFFFFD30];
	[tilespmem:v41+s14+$0x0] =	vst.idx.msk $0xffff, v40  }
0x197: {  	v41 =	vadd.s32 v19, v38;
	v40 =	vld [tilespmem:s22+$0xFFFFFF30];
	[tilespmem:v43+s14+$0x0] =	vst.idx.msk $0xffff, v42  }
0x198: {  	v43 =	vadd.s32 v19, v37;
	v42 =	vld [tilespmem:s22+$0x130];
	[tilespmem:v44+s14+$0x0] =	vst.idx.msk $0xffff, v39  }
0x199: {  	v51 =	vadd.s32 v30, v32;
	v39 =	vld [tilespmem:s23+$0xFFFFFDE0];
	[tilespmem:v46+s14+$0x0] =	vst.idx.msk $0xffff, v45  }
0x19a: {  	v53 =	vadd.s32 v31, v34;
	v34 =	vmov v38;
	[tilespmem:v48+s14+$0x0] =	vst.idx.msk $0xffff, v47;
	v52 =	vld [tilespmem:s23+$0xFFFFFFF0]  }
0x19b: {  	[tilespmem:v50+s14+$0x0] =	vst.idx.msk $0xffff, v49;
	v38 =	vld [tilespmem:s22+$0x340];
	v50 =	vadd.s32 v20, v35  }
.Ltmp0:
0x19c: {  	v49 =	vadd.s32 v20, v36;
	v48 =	vld [tilespmem:s22+$0xFFFFFD40];
	[tilespmem:v41+s14+$0x0] =	vst.idx.msk $0xffff, v40;
	(pc) =	sbr.rel @p1 .LBB2_3-.Ltmp0, $4  }
0x19d: {  	v47 =	vadd.s32 v20, v34;
	v45 =	vld [tilespmem:s22+$0xFFFFFF40];
	[tilespmem:v43+s14+$0x0] =	vst.idx.msk $0xffff, v42  }
0x19e: {  	v46 =	vadd.s32 v20, v37;
	v44 =	vld [tilespmem:s22+$0x140];
	[tilespmem:v51+s14+$0x0] =	vst.idx.msk $0xffff, v39  }
0x19f: {  	v41 =	vadd.s32 v31, v33;
	v33 =	vmov v37;
	[tilespmem:v53+s14+$0x0] =	vst.idx.msk $0xffff, v52;
	v40 =	vld [tilespmem:s23+$0x1F0]  }
0x1a0: {  	s25 =	sadd.s32 $0x4, s25;
	s26 =	sadd.s32 $0x3, s24;
	v43 =	vadd.s32 v31, v32;
	v32 =	vmov v36;
	[tilespmem:v50+s14+$0x0] =	vst.idx.msk $0xffff, v38;
	v42 =	vld [tilespmem:s23+$0xFFFFFDF0];
	s23 =	smov.u32 s22  }
0x1a1: {  	v36 =	vmov s26;
	s29 =	sadd.s32 $0x1, s24  }
0x1a2: {  	s25 =	sadd.s32 $0x800, s22;
	s30 =	sadd.s32 $0x2, s24;
	v36 =	vand.u32 $0x1F, v36;
	v37 =	vmov s29  }
0x1a3: {  	v50 =	vld [tilespmem:s25+$0x200];
	v59 =	vmov s30;
	v51 =	vadd.s32 v0, v36;
	v38 =	vand.u32 $0x1D, v37  }
0x1a4: {  	v52 =	vmov s24;
	v53 =	vld [tilespmem:s25+$0xFFFFFE00];
	v39 =	vand.u32 $0x1E, v59;
	v54 =	vadd.s32 v0, v38  }
0x1a5: {  	v60 =	vld [tilespmem:s25+$0x0];
	v37 =	vand.u32 $0x1C, v52;
	v55 =	vadd.s32 v0, v39  }
0x1a6: {  	v56 =	vld [tilespmem:s25+$0xFFFFFC00];
	v57 =	vadd.s32 v0, v37;
	_ =	sdelay $0x1  }
0x1a7: {  	[tilespmem:v51+s14+$0x0] =	vst.idx.msk $0xffff, v50  }
0x1a8: {  	v61 =	vadd.s32 v1, v36;
	v50 =	vld [tilespmem:s25+$0x210];
	[tilespmem:v54+s14+$0x0] =	vst.idx.msk $0xffff, v53  }
0x1a9: {  	v62 =	vadd.s32 v1, v38;
	[tilespmem:v55+s14+$0x0] =	vst.idx.msk $0xffff, v60;
	v53 =	vld [tilespmem:s25+$0xFFFFFE10]  }
0x1aa: {  	v63 =	vadd.s32 v1, v39;
	[tilespmem:v57+s14+$0x0] =	vst.idx.msk $0xffff, v56;
	v52 =	vld [tilespmem:s25+$0x10]  }
0x1ab: {  	v60 =	vadd.s32 v1, v37;
	v56 =	vld [tilespmem:s25+$0xFFFFFC10];
	_ =	sdelay $0x1  }
0x1ac: {  	[tilespmem:v61+s14+$0x0] =	vst.idx.msk $0xffff, v50  }
0x1ad: {  	v61 =	vadd.s32 v2, v36;
	v50 =	vld [tilespmem:s25+$0x220];
	[tilespmem:v62+s14+$0x0] =	vst.idx.msk $0xffff, v53  }
0x1ae: {  	v62 =	vadd.s32 v2, v38;
	[tilespmem:v63+s14+$0x0] =	vst.idx.msk $0xffff, v52;
	v53 =	vld [tilespmem:s25+$0xFFFFFE20]  }
0x1af: {  	[tilespmem:v60+s14+$0x0] =	vst.idx.msk $0xffff, v56;
	v63 =	vadd.s32 v2, v39;
	v52 =	vld [tilespmem:s25+$0x20]  }
0x1b0: {  	v60 =	vadd.s32 v2, v37;
	v56 =	vld [tilespmem:s25+$0xFFFFFC20];
	_ =	sdelay $0x1  }
0x1b1: {  	[tilespmem:v61+s14+$0x0] =	vst.idx.msk $0xffff, v50  }
0x1b2: {  	v61 =	vadd.s32 v3, v36;
	v50 =	vld [tilespmem:s25+$0x230];
	[tilespmem:v62+s14+$0x0] =	vst.idx.msk $0xffff, v53  }
0x1b3: {  	v62 =	vadd.s32 v3, v38;
	[tilespmem:v63+s14+$0x0] =	vst.idx.msk $0xffff, v52;
	v53 =	vld [tilespmem:s25+$0xFFFFFE30]  }
0x1b4: {  	[tilespmem:v60+s14+$0x0] =	vst.idx.msk $0xffff, v56;
	v63 =	vadd.s32 v3, v39;
	v52 =	vld [tilespmem:s25+$0x30]  }
0x1b5: {  	v60 =	vadd.s32 v3, v37;
	v56 =	vld [tilespmem:s25+$0xFFFFFC30];
	_ =	sdelay $0x1  }
0x1b6: {  	[tilespmem:v61+s14+$0x0] =	vst.idx.msk $0xffff, v50  }
0x1b7: {  	v61 =	vadd.s32 v4, v36;
	v50 =	vld [tilespmem:s25+$0x240];
	[tilespmem:v62+s14+$0x0] =	vst.idx.msk $0xffff, v53  }
0x1b8: {  	v62 =	vadd.s32 v4, v38;
	[tilespmem:v63+s14+$0x0] =	vst.idx.msk $0xffff, v52;
	v53 =	vld [tilespmem:s25+$0xFFFFFE40]  }
0x1b9: {  	[tilespmem:v60+s14+$0x0] =	vst.idx.msk $0xffff, v56;
	v63 =	vadd.s32 v4, v39;
	v52 =	vld [tilespmem:s25+$0x40]  }
0x1ba: {  	v60 =	vadd.s32 v4, v37;
	v56 =	vld [tilespmem:s25+$0xFFFFFC40];
	_ =	sdelay $0x1  }
0x1bb: {  	[tilespmem:v61+s14+$0x0] =	vst.idx.msk $0xffff, v50  }
0x1bc: {  	v61 =	vadd.s32 v5, v36;
	v50 =	vld [tilespmem:s25+$0x250];
	[tilespmem:v62+s14+$0x0] =	vst.idx.msk $0xffff, v53  }
0x1bd: {  	v62 =	vadd.s32 v5, v38;
	[tilespmem:v63+s14+$0x0] =	vst.idx.msk $0xffff, v52;
	v53 =	vld [tilespmem:s25+$0xFFFFFE50]  }
0x1be: {  	[tilespmem:v60+s14+$0x0] =	vst.idx.msk $0xffff, v56;
	v63 =	vadd.s32 v5, v39;
	v52 =	vld [tilespmem:s25+$0x50]  }
0x1bf: {  	v60 =	vadd.s32 v5, v37;
	v56 =	vld [tilespmem:s25+$0xFFFFFC50];
	_ =	sdelay $0x1  }
0x1c0: {  	[tilespmem:v61+s14+$0x0] =	vst.idx.msk $0xffff, v50  }
0x1c1: {  	v61 =	vadd.s32 v6, v36;
	v50 =	vld [tilespmem:s25+$0x260];
	[tilespmem:v62+s14+$0x0] =	vst.idx.msk $0xffff, v53  }
0x1c2: {  	v62 =	vadd.s32 v6, v38;
	[tilespmem:v63+s14+$0x0] =	vst.idx.msk $0xffff, v52;
	v53 =	vld [tilespmem:s25+$0xFFFFFE60]  }
0x1c3: {  	[tilespmem:v60+s14+$0x0] =	vst.idx.msk $0xffff, v56;
	v63 =	vadd.s32 v6, v39;
	v52 =	vld [tilespmem:s25+$0x60]  }
0x1c4: {  	v60 =	vadd.s32 v6, v37;
	v56 =	vld [tilespmem:s25+$0xFFFFFC60];
	_ =	sdelay $0x1  }
0x1c5: {  	[tilespmem:v61+s14+$0x0] =	vst.idx.msk $0xffff, v50  }
0x1c6: {  	v61 =	vadd.s32 v7, v36;
	v50 =	vld [tilespmem:s25+$0x270];
	[tilespmem:v62+s14+$0x0] =	vst.idx.msk $0xffff, v53  }
0x1c7: {  	v62 =	vadd.s32 v7, v38;
	[tilespmem:v63+s14+$0x0] =	vst.idx.msk $0xffff, v52;
	v53 =	vld [tilespmem:s25+$0xFFFFFE70]  }
0x1c8: {  	[tilespmem:v60+s14+$0x0] =	vst.idx.msk $0xffff, v56;
	v63 =	vadd.s32 v7, v39;
	v52 =	vld [tilespmem:s25+$0x70]  }
0x1c9: {  	v57 =	vadd.s32 v7, v37;
	v56 =	vld [tilespmem:s25+$0xFFFFFC70]  }
0x1ca: {  	[tilespmem:v49+s14+$0x0] =	vst.idx.msk $0xffff, v48  }
0x1cb: {  	[tilespmem:v61+s14+$0x0] =	vst.idx.msk $0xffff, v50  }
0x1cc: {  	v61 =	vadd.s32 v8, v36;
	[tilespmem:v62+s14+$0x0] =	vst.idx.msk $0xffff, v53;
	v60 =	vld [tilespmem:s25+$0x280]  }
0x1cd: {  	[tilespmem:v63+s14+$0x0] =	vst.idx.msk $0xffff, v52;
	v63 =	vadd.s32 v8, v38;
	v62 =	vld [tilespmem:s25+$0xFFFFFE80]  }
0x1ce: {  	[tilespmem:v57+s14+$0x0] =	vst.idx.msk $0xffff, v56;
	v56 =	vadd.s32 v8, v39;
	v52 =	vld [tilespmem:s25+$0x80]  }
0x1cf: {  	[tilespmem:v47+s14+$0x0] =	vst.idx.msk $0xffff, v45;
	v58 =	vadd.s32 v8, v37;
	v57 =	vld [tilespmem:s25+$0xFFFFFC80]  }
0x1d0: {  	[tilespmem:v46+s14+$0x0] =	vst.idx.msk $0xffff, v44  }
0x1d1: {  	[tilespmem:v61+s14+$0x0] =	vst.idx.msk $0xffff, v60  }
0x1d2: {  	v59 =	vadd.s32 v9, v36;
	v44 =	vld [tilespmem:s25+$0x290];
	[tilespmem:v63+s14+$0x0] =	vst.idx.msk $0xffff, v62  }
0x1d3: {  	v60 =	vadd.s32 v9, v38;
	[tilespmem:v56+s14+$0x0] =	vst.idx.msk $0xffff, v52;
	v48 =	vld [tilespmem:s25+$0xFFFFFE90]  }
0x1d4: {  	[tilespmem:v58+s14+$0x0] =	vst.idx.msk $0xffff, v57;
	v62 =	vadd.s32 v9, v39;
	v61 =	vld [tilespmem:s25+$0x90]  }
0x1d5: {  	[tilespmem:v41+s14+$0x0] =	vst.idx.msk $0xffff, v40;
	v54 =	vadd.s32 v9, v37;
	v63 =	vld [tilespmem:s25+$0xFFFFFC90]  }
0x1d6: {  	[tilespmem:v43+s14+$0x0] =	vst.idx.msk $0xffff, v42;
	v55 =	vld [tilespmem:s22+$0x350];
	v56 =	vadd.s32 v21, v35  }
0x1d7: {  	v57 =	vld [tilespmem:s23+$0xFFFFFD50];
	v58 =	vadd.s32 v21, v32;
	[tilespmem:v59+s14+$0x0] =	vst.idx.msk $0xffff, v44  }
0x1d8: {  	v59 =	vadd.s32 v10, v36;
	v44 =	vld [tilespmem:s25+$0x2A0];
	[tilespmem:v60+s14+$0x0] =	vst.idx.msk $0xffff, v48  }
0x1d9: {  	v60 =	vadd.s32 v10, v38;
	[tilespmem:v62+s14+$0x0] =	vst.idx.msk $0xffff, v61;
	v48 =	vld [tilespmem:s25+$0xFFFFFEA0]  }
0x1da: {  	[tilespmem:v54+s14+$0x0] =	vst.idx.msk $0xffff, v63;
	v62 =	vadd.s32 v10, v39;
	v61 =	vld [tilespmem:s25+$0xA0]  }
0x1db: {  	[tilespmem:v56+s14+$0x0] =	vst.idx.msk $0xffff, v55;
	v54 =	vadd.s32 v10, v37;
	v63 =	vld [tilespmem:s25+$0xFFFFFCA0]  }
0x1dc: {  	[tilespmem:v58+s14+$0x0] =	vst.idx.msk $0xffff, v57;
	v56 =	vadd.s32 v22, v35;
	v55 =	vld [tilespmem:s23+$0x360]  }
0x1dd: {  	v57 =	vld [tilespmem:s23+$0xFFFFFF50];
	v58 =	vadd.s32 v21, v34;
	[tilespmem:v59+s14+$0x0] =	vst.idx.msk $0xffff, v44  }
0x1de: {  	v59 =	vadd.s32 v11, v36;
	v44 =	vld [tilespmem:s25+$0x2B0];
	[tilespmem:v60+s14+$0x0] =	vst.idx.msk $0xffff, v48  }
0x1df: {  	v60 =	vadd.s32 v11, v38;
	[tilespmem:v62+s14+$0x0] =	vst.idx.msk $0xffff, v61;
	v48 =	vld [tilespmem:s25+$0xFFFFFEB0]  }
0x1e0: {  	[tilespmem:v54+s14+$0x0] =	vst.idx.msk $0xffff, v63;
	v61 =	vadd.s32 v11, v39;
	v40 =	vld [tilespmem:s25+$0xB0]  }
0x1e1: {  	[tilespmem:v56+s14+$0x0] =	vst.idx.msk $0xffff, v55;
	v63 =	vadd.s32 v11, v37;
	v62 =	vld [tilespmem:s25+$0xFFFFFCB0]  }
0x1e2: {  	[tilespmem:v58+s14+$0x0] =	vst.idx.msk $0xffff, v57;
	v55 =	vadd.s32 v23, v35;
	v54 =	vld [tilespmem:s23+$0x370]  }
0x1e3: {  	v57 =	vadd.s32 v21, v33;
	v56 =	vld [tilespmem:s23+$0x150];
	[tilespmem:v59+s14+$0x0] =	vst.idx.msk $0xffff, v44  }
0x1e4: {  	v58 =	vadd.s32 v12, v36;
	v44 =	vld [tilespmem:s25+$0x2C0];
	[tilespmem:v60+s14+$0x0] =	vst.idx.msk $0xffff, v48  }
0x1e5: {  	v59 =	vadd.s32 v12, v38;
	[tilespmem:v61+s14+$0x0] =	vst.idx.msk $0xffff, v40;
	v48 =	vld [tilespmem:s25+$0xFFFFFEC0]  }
0x1e6: {  	[tilespmem:v63+s14+$0x0] =	vst.idx.msk $0xffff, v62;
	v60 =	vadd.s32 v12, v39;
	v40 =	vld [tilespmem:s25+$0xC0]  }
0x1e7: {  	[tilespmem:v55+s14+$0x0] =	vst.idx.msk $0xffff, v54;
	v61 =	vadd.s32 v12, v37;
	v42 =	vld [tilespmem:s25+$0xFFFFFCC0]  }
0x1e8: {  	[tilespmem:v57+s14+$0x0] =	vst.idx.msk $0xffff, v56;
	v45 =	vld [tilespmem:s23+$0x380];
	v62 =	vadd.s32 v24, v35  }
0x1e9: {  	v54 =	vadd.s32 v22, v34;
	v63 =	vld [tilespmem:s23+$0xFFFFFF60];
	[tilespmem:v58+s14+$0x0] =	vst.idx.msk $0xffff, v44  }
0x1ea: {  	v55 =	vadd.s32 v13, v36;
	v44 =	vld [tilespmem:s25+$0x2D0];
	[tilespmem:v59+s14+$0x0] =	vst.idx.msk $0xffff, v48  }
0x1eb: {  	v56 =	vadd.s32 v13, v38;
	[tilespmem:v60+s14+$0x0] =	vst.idx.msk $0xffff, v40;
	v48 =	vld [tilespmem:s25+$0xFFFFFED0]  }
0x1ec: {  	v57 =	vadd.s32 v13, v39;
	[tilespmem:v61+s14+$0x0] =	vst.idx.msk $0xffff, v42;
	v40 =	vld [tilespmem:s25+$0xD0]  }
0x1ed: {  	[tilespmem:v62+s14+$0x0] =	vst.idx.msk $0xffff, v45;
	v58 =	vadd.s32 v13, v37;
	v42 =	vld [tilespmem:s25+$0xFFFFFCD0]  }
0x1ee: {  	[tilespmem:v54+s14+$0x0] =	vst.idx.msk $0xffff, v63;
	v45 =	vld [tilespmem:s23+$0x390];
	v59 =	vadd.s32 v25, v35  }
0x1ef: {  	v60 =	vld [tilespmem:s23+$0x160];
	v61 =	vadd.s32 v22, v33;
	[tilespmem:v55+s14+$0x0] =	vst.idx.msk $0xffff, v44  }
0x1f0: {  	v62 =	vadd.s32 v14, v36;
	v44 =	vld [tilespmem:s25+$0x2E0];
	[tilespmem:v56+s14+$0x0] =	vst.idx.msk $0xffff, v48  }
0x1f1: {  	v63 =	vadd.s32 v14, v38;
	[tilespmem:v57+s14+$0x0] =	vst.idx.msk $0xffff, v40;
	v48 =	vld [tilespmem:s25+$0xFFFFFEE0]  }
0x1f2: {  	v54 =	vadd.s32 v14, v39;
	[tilespmem:v58+s14+$0x0] =	vst.idx.msk $0xffff, v42;
	v40 =	vld [tilespmem:s25+$0xE0]  }
0x1f3: {  	[tilespmem:v59+s14+$0x0] =	vst.idx.msk $0xffff, v45;
	v55 =	vadd.s32 v14, v37;
	v42 =	vld [tilespmem:s25+$0xFFFFFCE0]  }
0x1f4: {  	[tilespmem:v61+s14+$0x0] =	vst.idx.msk $0xffff, v60;
	v45 =	vld [tilespmem:s23+$0x3A0];
	v56 =	vadd.s32 v26, v35  }
0x1f5: {  	v57 =	vld [tilespmem:s23+$0xFFFFFD60];
	v58 =	vadd.s32 v22, v32;
	[tilespmem:v62+s14+$0x0] =	vst.idx.msk $0xffff, v44  }
0x1f6: {  	v59 =	vadd.s32 v15, v36;
	v44 =	vld [tilespmem:s25+$0x2F0];
	[tilespmem:v63+s14+$0x0] =	vst.idx.msk $0xffff, v48  }
0x1f7: {  	v60 =	vadd.s32 v15, v38;
	[tilespmem:v54+s14+$0x0] =	vst.idx.msk $0xffff, v40;
	v48 =	vld [tilespmem:s25+$0xFFFFFEF0]  }
0x1f8: {  	v61 =	vadd.s32 v15, v39;
	[tilespmem:v55+s14+$0x0] =	vst.idx.msk $0xffff, v42;
	v40 =	vld [tilespmem:s25+$0xF0]  }
0x1f9: {  	[tilespmem:v56+s14+$0x0] =	vst.idx.msk $0xffff, v45;
	v62 =	vadd.s32 v15, v37;
	v42 =	vld [tilespmem:s25+$0xFFFFFCF0]  }
0x1fa: {  	[tilespmem:v58+s14+$0x0] =	vst.idx.msk $0xffff, v57;
	v45 =	vld [tilespmem:s23+$0x3B0];
	v63 =	vadd.s32 v27, v35  }
0x1fb: {  	v54 =	vld [tilespmem:s23+$0xFFFFFF70];
	v55 =	vadd.s32 v23, v34;
	[tilespmem:v59+s14+$0x0] =	vst.idx.msk $0xffff, v44  }
0x1fc: {  	v56 =	vadd.s32 v16, v36;
	v44 =	vld [tilespmem:s25+$0x300];
	[tilespmem:v60+s14+$0x0] =	vst.idx.msk $0xffff, v48  }
0x1fd: {  	v57 =	vadd.s32 v16, v38;
	[tilespmem:v61+s14+$0x0] =	vst.idx.msk $0xffff, v40;
	v48 =	vld [tilespmem:s25+$0xFFFFFF00]  }
0x1fe: {  	v58 =	vadd.s32 v16, v39;
	[tilespmem:v62+s14+$0x0] =	vst.idx.msk $0xffff, v42;
	v40 =	vld [tilespmem:s25+$0x100]  }
0x1ff: {  	[tilespmem:v63+s14+$0x0] =	vst.idx.msk $0xffff, v45;
	v59 =	vadd.s32 v16, v37;
	v42 =	vld [tilespmem:s25+$0xFFFFFD00]  }
0x200: {  	[tilespmem:v55+s14+$0x0] =	vst.idx.msk $0xffff, v54;
	v45 =	vld [tilespmem:s23+$0x3C0];
	v60 =	vadd.s32 v28, v35  }
0x201: {  	v61 =	vld [tilespmem:s23+$0x170];
	v62 =	vadd.s32 v23, v33;
	[tilespmem:v56+s14+$0x0] =	vst.idx.msk $0xffff, v44  }
0x202: {  	v63 =	vadd.s32 v17, v36;
	v44 =	vld [tilespmem:s25+$0x310];
	[tilespmem:v57+s14+$0x0] =	vst.idx.msk $0xffff, v48  }
0x203: {  	v54 =	vadd.s32 v17, v38;
	[tilespmem:v58+s14+$0x0] =	vst.idx.msk $0xffff, v40;
	v48 =	vld [tilespmem:s25+$0xFFFFFF10]  }
0x204: {  	v55 =	vadd.s32 v17, v39;
	[tilespmem:v59+s14+$0x0] =	vst.idx.msk $0xffff, v42;
	v40 =	vld [tilespmem:s25+$0x110]  }
0x205: {  	[tilespmem:v60+s14+$0x0] =	vst.idx.msk $0xffff, v45;
	v56 =	vadd.s32 v17, v37;
	v42 =	vld [tilespmem:s25+$0xFFFFFD10]  }
0x206: {  	[tilespmem:v62+s14+$0x0] =	vst.idx.msk $0xffff, v61;
	v45 =	vld [tilespmem:s23+$0x3D0];
	v57 =	vadd.s32 v29, v35  }
0x207: {  	v58 =	vld [tilespmem:s23+$0xFFFFFD70];
	v59 =	vadd.s32 v23, v32;
	[tilespmem:v63+s14+$0x0] =	vst.idx.msk $0xffff, v44  }
0x208: {  	v60 =	vadd.s32 v18, v36;
	v44 =	vld [tilespmem:s25+$0x320];
	[tilespmem:v54+s14+$0x0] =	vst.idx.msk $0xffff, v48  }
0x209: {  	v61 =	vadd.s32 v18, v38;
	[tilespmem:v55+s14+$0x0] =	vst.idx.msk $0xffff, v40;
	v48 =	vld [tilespmem:s25+$0xFFFFFF20]  }
0x20a: {  	v62 =	vadd.s32 v18, v39;
	[tilespmem:v56+s14+$0x0] =	vst.idx.msk $0xffff, v42;
	v40 =	vld [tilespmem:s25+$0x120]  }
0x20b: {  	[tilespmem:v57+s14+$0x0] =	vst.idx.msk $0xffff, v45;
	v63 =	vadd.s32 v18, v37;
	v42 =	vld [tilespmem:s25+$0xFFFFFD20]  }
0x20c: {  	[tilespmem:v59+s14+$0x0] =	vst.idx.msk $0xffff, v58;
	v45 =	vld [tilespmem:s23+$0x3E0];
	v54 =	vadd.s32 v30, v35  }
0x20d: {  	v55 =	vld [tilespmem:s23+$0xFFFFFF80];
	v56 =	vadd.s32 v24, v34;
	[tilespmem:v60+s14+$0x0] =	vst.idx.msk $0xffff, v44  }
0x20e: {  	v57 =	vadd.s32 v19, v36;
	v44 =	vld [tilespmem:s25+$0x330];
	[tilespmem:v61+s14+$0x0] =	vst.idx.msk $0xffff, v48  }
0x20f: {  	v58 =	vadd.s32 v19, v38;
	[tilespmem:v62+s14+$0x0] =	vst.idx.msk $0xffff, v40;
	v48 =	vld [tilespmem:s25+$0xFFFFFF30]  }
0x210: {  	v59 =	vadd.s32 v19, v39;
	[tilespmem:v63+s14+$0x0] =	vst.idx.msk $0xffff, v42;
	v40 =	vld [tilespmem:s25+$0x130]  }
0x211: {  	[tilespmem:v54+s14+$0x0] =	vst.idx.msk $0xffff, v45;
	v60 =	vadd.s32 v19, v37;
	v42 =	vld [tilespmem:s25+$0xFFFFFD30]  }
0x212: {  	[tilespmem:v56+s14+$0x0] =	vst.idx.msk $0xffff, v55;
	v45 =	vld [tilespmem:s23+$0x3F0];
	v61 =	vadd.s32 v31, v35  }
0x213: {  	v62 =	vld [tilespmem:s23+$0x180];
	v63 =	vadd.s32 v24, v33;
	[tilespmem:v57+s14+$0x0] =	vst.idx.msk $0xffff, v44  }
0x214: {  	v52 =	vadd.s32 v20, v36;
	v44 =	vld [tilespmem:s25+$0x340];
	[tilespmem:v58+s14+$0x0] =	vst.idx.msk $0xffff, v48  }
0x215: {  	v53 =	vadd.s32 v20, v38;
	[tilespmem:v59+s14+$0x0] =	vst.idx.msk $0xffff, v40;
	v48 =	vld [tilespmem:s25+$0xFFFFFF40]  }
0x216: {  	v54 =	vadd.s32 v20, v39;
	[tilespmem:v60+s14+$0x0] =	vst.idx.msk $0xffff, v42;
	v40 =	vld [tilespmem:s25+$0x140]  }
0x217: {  	v56 =	vadd.s32 v20, v37;
	[tilespmem:v61+s14+$0x0] =	vst.idx.msk $0xffff, v45;
	v55 =	vld [tilespmem:s25+$0xFFFFFD40]  }
0x218: {  	v57 =	vld [tilespmem:s23+$0xFFFFFD80];
	[tilespmem:v63+s14+$0x0] =	vst.idx.msk $0xffff, v62;
	v58 =	vadd.s32 v24, v32  }
0x219: {  	v59 =	vld [tilespmem:s23+$0xFFFFFF90];
	v60 =	vadd.s32 v25, v34;
	[tilespmem:v52+s14+$0x0] =	vst.idx.msk $0xffff, v44  }
0x21a: {  	v61 =	vadd.s32 v21, v36;
	v44 =	vld [tilespmem:s25+$0x350];
	[tilespmem:v53+s14+$0x0] =	vst.idx.msk $0xffff, v48  }
0x21b: {  	v63 =	vadd.s32 v21, v38;
	[tilespmem:v54+s14+$0x0] =	vst.idx.msk $0xffff, v40;
	v62 =	vld [tilespmem:s25+$0xFFFFFF50]  }
0x21c: {  	[tilespmem:v56+s14+$0x0] =	vst.idx.msk $0xffff, v55;
	v53 =	vadd.s32 v21, v39;
	v52 =	vld [tilespmem:s25+$0x150]  }
0x21d: {  	[tilespmem:v58+s14+$0x0] =	vst.idx.msk $0xffff, v57;
	v55 =	vadd.s32 v21, v37;
	v54 =	vld [tilespmem:s25+$0xFFFFFD50]  }
0x21e: {  	[tilespmem:v60+s14+$0x0] =	vst.idx.msk $0xffff, v59;
	v57 =	vadd.s32 v25, v33;
	v56 =	vld [tilespmem:s23+$0x190]  }
0x21f: {  	v59 =	vadd.s32 v25, v32;
	v58 =	vld [tilespmem:s23+$0xFFFFFD90];
	[tilespmem:v61+s14+$0x0] =	vst.idx.msk $0xffff, v44  }
0x220: {  	v60 =	vadd.s32 v22, v36;
	v44 =	vld [tilespmem:s25+$0x360];
	[tilespmem:v63+s14+$0x0] =	vst.idx.msk $0xffff, v62  }
0x221: {  	[tilespmem:v53+s14+$0x0] =	vst.idx.msk $0xffff, v52;
	v62 =	vadd.s32 v22, v38;
	v61 =	vld [tilespmem:s25+$0xFFFFFF60]  }
0x222: {  	[tilespmem:v55+s14+$0x0] =	vst.idx.msk $0xffff, v54;
	v52 =	vadd.s32 v22, v39;
	v63 =	vld [tilespmem:s25+$0x160]  }
0x223: {  	[tilespmem:v57+s14+$0x0] =	vst.idx.msk $0xffff, v56;
	v53 =	vadd.s32 v22, v37;
	v43 =	vld [tilespmem:s25+$0xFFFFFD60]  }
0x224: {  	[tilespmem:v59+s14+$0x0] =	vst.idx.msk $0xffff, v58;
	v54 =	vld [tilespmem:s23+$0xFFFFFFA0];
	v55 =	vadd.s32 v26, v34  }
0x225: {  	v57 =	vadd.s32 v26, v33;
	v56 =	vld [tilespmem:s23+$0x1A0];
	[tilespmem:v60+s14+$0x0] =	vst.idx.msk $0xffff, v44  }
0x226: {  	v58 =	vadd.s32 v23, v36;
	v44 =	vld [tilespmem:s25+$0x370];
	[tilespmem:v62+s14+$0x0] =	vst.idx.msk $0xffff, v61  }
0x227: {  	v59 =	vadd.s32 v23, v38;
	[tilespmem:v52+s14+$0x0] =	vst.idx.msk $0xffff, v63;
	v35 =	vld [tilespmem:s25+$0xFFFFFF70]  }
0x228: {  	v60 =	vadd.s32 v23, v39;
	[tilespmem:v53+s14+$0x0] =	vst.idx.msk $0xffff, v43;
	v41 =	vld [tilespmem:s25+$0x170]  }
0x229: {  	[tilespmem:v55+s14+$0x0] =	vst.idx.msk $0xffff, v54;
	v61 =	vadd.s32 v23, v37;
	v43 =	vld [tilespmem:s25+$0xFFFFFD70]  }
0x22a: {  	[tilespmem:v57+s14+$0x0] =	vst.idx.msk $0xffff, v56;
	v62 =	vld [tilespmem:s23+$0xFFFFFDA0];
	v63 =	vadd.s32 v26, v32  }
0x22b: {  	v52 =	vld [tilespmem:s23+$0xFFFFFFB0];
	v53 =	vadd.s32 v27, v34;
	[tilespmem:v58+s14+$0x0] =	vst.idx.msk $0xffff, v44  }
0x22c: {  	v54 =	vadd.s32 v24, v36;
	v44 =	vld [tilespmem:s25+$0x380];
	[tilespmem:v59+s14+$0x0] =	vst.idx.msk $0xffff, v35  }
0x22d: {  	v55 =	vadd.s32 v24, v38;
	[tilespmem:v60+s14+$0x0] =	vst.idx.msk $0xffff, v41;
	v35 =	vld [tilespmem:s25+$0xFFFFFF80]  }
0x22e: {  	v56 =	vadd.s32 v24, v39;
	[tilespmem:v61+s14+$0x0] =	vst.idx.msk $0xffff, v43;
	v41 =	vld [tilespmem:s25+$0x180]  }
0x22f: {  	v57 =	vadd.s32 v24, v37;
	[tilespmem:v63+s14+$0x0] =	vst.idx.msk $0xffff, v62;
	v43 =	vld [tilespmem:s25+$0xFFFFFD80]  }
0x230: {  	[tilespmem:v53+s14+$0x0] =	vst.idx.msk $0xffff, v52;
	v58 =	vld [tilespmem:s23+$0x1B0];
	v59 =	vadd.s32 v27, v33  }
0x231: {  	v60 =	vld [tilespmem:s23+$0xFFFFFDB0];
	v61 =	vadd.s32 v27, v32;
	[tilespmem:v54+s14+$0x0] =	vst.idx.msk $0xffff, v44  }
0x232: {  	v62 =	vadd.s32 v25, v36;
	v44 =	vld [tilespmem:s25+$0x390];
	[tilespmem:v55+s14+$0x0] =	vst.idx.msk $0xffff, v35  }
0x233: {  	v63 =	vadd.s32 v25, v38;
	[tilespmem:v56+s14+$0x0] =	vst.idx.msk $0xffff, v41;
	v35 =	vld [tilespmem:s25+$0xFFFFFF90]  }
0x234: {  	v52 =	vadd.s32 v25, v39;
	[tilespmem:v57+s14+$0x0] =	vst.idx.msk $0xffff, v43;
	v41 =	vld [tilespmem:s25+$0x190]  }
0x235: {  	v53 =	vadd.s32 v25, v37;
	[tilespmem:v59+s14+$0x0] =	vst.idx.msk $0xffff, v58;
	v43 =	vld [tilespmem:s25+$0xFFFFFD90]  }
0x236: {  	[tilespmem:v61+s14+$0x0] =	vst.idx.msk $0xffff, v60;
	v54 =	vld [tilespmem:s23+$0xFFFFFFC0];
	v55 =	vadd.s32 v28, v34  }
0x237: {  	v56 =	vld [tilespmem:s23+$0x1C0];
	v57 =	vadd.s32 v28, v33;
	[tilespmem:v62+s14+$0x0] =	vst.idx.msk $0xffff, v44  }
0x238: {  	v58 =	vadd.s32 v26, v36;
	v44 =	vld [tilespmem:s25+$0x3A0];
	[tilespmem:v63+s14+$0x0] =	vst.idx.msk $0xffff, v35  }
0x239: {  	v59 =	vadd.s32 v26, v38;
	[tilespmem:v52+s14+$0x0] =	vst.idx.msk $0xffff, v41;
	v35 =	vld [tilespmem:s25+$0xFFFFFFA0]  }
0x23a: {  	v60 =	vadd.s32 v26, v39;
	[tilespmem:v53+s14+$0x0] =	vst.idx.msk $0xffff, v43;
	v41 =	vld [tilespmem:s25+$0x1A0]  }
0x23b: {  	v61 =	vadd.s32 v26, v37;
	[tilespmem:v55+s14+$0x0] =	vst.idx.msk $0xffff, v54;
	v43 =	vld [tilespmem:s25+$0xFFFFFDA0]  }
0x23c: {  	v62 =	vld [tilespmem:s23+$0xFFFFFDC0];
	[tilespmem:v57+s14+$0x0] =	vst.idx.msk $0xffff, v56;
	v63 =	vadd.s32 v28, v32  }
0x23d: {  	v52 =	vld [tilespmem:s23+$0xFFFFFFD0];
	v53 =	vadd.s32 v29, v34;
	[tilespmem:v58+s14+$0x0] =	vst.idx.msk $0xffff, v44  }
0x23e: {  	v54 =	vadd.s32 v27, v36;
	v44 =	vld [tilespmem:s25+$0x3B0];
	[tilespmem:v59+s14+$0x0] =	vst.idx.msk $0xffff, v35  }
0x23f: {  	v55 =	vadd.s32 v27, v38;
	[tilespmem:v60+s14+$0x0] =	vst.idx.msk $0xffff, v41;
	v35 =	vld [tilespmem:s25+$0xFFFFFFB0]  }
0x240: {  	v56 =	vadd.s32 v27, v39;
	[tilespmem:v61+s14+$0x0] =	vst.idx.msk $0xffff, v43;
	v41 =	vld [tilespmem:s25+$0x1B0]  }
0x241: {  	v57 =	vadd.s32 v27, v37;
	[tilespmem:v63+s14+$0x0] =	vst.idx.msk $0xffff, v62;
	v43 =	vld [tilespmem:s25+$0xFFFFFDB0]  }
0x242: {  	[tilespmem:v53+s14+$0x0] =	vst.idx.msk $0xffff, v52;
	v58 =	vld [tilespmem:s23+$0x1D0];
	v59 =	vadd.s32 v29, v33  }
0x243: {  	v60 =	vld [tilespmem:s23+$0xFFFFFDD0];
	v61 =	vadd.s32 v29, v32;
	[tilespmem:v54+s14+$0x0] =	vst.idx.msk $0xffff, v44  }
0x244: {  	v62 =	vadd.s32 v28, v36;
	v44 =	vld [tilespmem:s25+$0x3C0];
	[tilespmem:v55+s14+$0x0] =	vst.idx.msk $0xffff, v35  }
0x245: {  	v63 =	vadd.s32 v28, v38;
	[tilespmem:v56+s14+$0x0] =	vst.idx.msk $0xffff, v41;
	v35 =	vld [tilespmem:s25+$0xFFFFFFC0]  }
0x246: {  	v52 =	vadd.s32 v28, v39;
	[tilespmem:v57+s14+$0x0] =	vst.idx.msk $0xffff, v43;
	v41 =	vld [tilespmem:s25+$0x1C0]  }
0x247: {  	v53 =	vadd.s32 v28, v37;
	[tilespmem:v59+s14+$0x0] =	vst.idx.msk $0xffff, v58;
	v43 =	vld [tilespmem:s25+$0xFFFFFDC0]  }
0x248: {  	[tilespmem:v61+s14+$0x0] =	vst.idx.msk $0xffff, v60;
	v54 =	vld [tilespmem:s23+$0xFFFFFFE0];
	v55 =	vadd.s32 v30, v34  }
0x249: {  	v56 =	vld [tilespmem:s23+$0x1E0];
	v57 =	vadd.s32 v30, v33;
	[tilespmem:v62+s14+$0x0] =	vst.idx.msk $0xffff, v44  }
0x24a: {  	v58 =	vadd.s32 v29, v36;
	v44 =	vld [tilespmem:s25+$0x3D0];
	[tilespmem:v63+s14+$0x0] =	vst.idx.msk $0xffff, v35  }
0x24b: {  	v59 =	vadd.s32 v29, v38;
	[tilespmem:v52+s14+$0x0] =	vst.idx.msk $0xffff, v41;
	v35 =	vld [tilespmem:s25+$0xFFFFFFD0]  }
0x24c: {  	v60 =	vadd.s32 v29, v39;
	[tilespmem:v53+s14+$0x0] =	vst.idx.msk $0xffff, v43;
	v41 =	vld [tilespmem:s25+$0x1D0]  }
0x24d: {  	v61 =	vadd.s32 v29, v37;
	[tilespmem:v55+s14+$0x0] =	vst.idx.msk $0xffff, v54;
	v43 =	vld [tilespmem:s25+$0xFFFFFDD0]  }
0x24e: {  	v62 =	vld [tilespmem:s23+$0xFFFFFDE0];
	[tilespmem:v57+s14+$0x0] =	vst.idx.msk $0xffff, v56;
	v63 =	vadd.s32 v30, v32  }
0x24f: {  	v52 =	vld [tilespmem:s23+$0xFFFFFFF0];
	v53 =	vadd.s32 v31, v34;
	[tilespmem:v58+s14+$0x0] =	vst.idx.msk $0xffff, v44  }
0x250: {  	v54 =	vadd.s32 v30, v36;
	v44 =	vld [tilespmem:s25+$0x3E0];
	[tilespmem:v59+s14+$0x0] =	vst.idx.msk $0xffff, v35  }
0x251: {  	v55 =	vadd.s32 v30, v38;
	[tilespmem:v60+s14+$0x0] =	vst.idx.msk $0xffff, v41;
	v35 =	vld [tilespmem:s25+$0xFFFFFFE0]  }
0x252: {  	v56 =	vadd.s32 v30, v39;
	[tilespmem:v61+s14+$0x0] =	vst.idx.msk $0xffff, v43;
	v41 =	vld [tilespmem:s25+$0x1E0]  }
0x253: {  	v57 =	vadd.s32 v30, v37;
	[tilespmem:v63+s14+$0x0] =	vst.idx.msk $0xffff, v62;
	v43 =	vld [tilespmem:s25+$0xFFFFFDE0]  }
0x254: {  	[tilespmem:v53+s14+$0x0] =	vst.idx.msk $0xffff, v52;
	v58 =	vld [tilespmem:s23+$0x1F0];
	v59 =	vadd.s32 v31, v33  }
0x255: {  	v47 =	vld [tilespmem:s23+$0xFFFFFDF0];
	v60 =	vadd.s32 v31, v32;
	[tilespmem:v54+s14+$0x0] =	vst.idx.msk $0xffff, v44  }
0x256: {  	v36 =	vadd.s32 v31, v36;
	v44 =	vld [tilespmem:s25+$0x3F0];
	[tilespmem:v55+s14+$0x0] =	vst.idx.msk $0xffff, v35  }
0x257: {  	v38 =	vadd.s32 v31, v38;
	[tilespmem:v56+s14+$0x0] =	vst.idx.msk $0xffff, v41;
	v35 =	vld [tilespmem:s25+$0xFFFFFFF0]  }
0x258: {  	v39 =	vadd.s32 v31, v39;
	[tilespmem:v57+s14+$0x0] =	vst.idx.msk $0xffff, v43;
	v61 =	vld [tilespmem:s25+$0x1F0]  }
0x259: {  	v63 =	vadd.s32 v31, v37;
	[tilespmem:v59+s14+$0x0] =	vst.idx.msk $0xffff, v58;
	v62 =	vld [tilespmem:s25+$0xFFFFFDF0]  }
0x25a: {  	s31 =	sshll.u32 s20, $0xF;
	[tilespmem:v60+s14+$0x0] =	vst.idx.msk $0xffff, v47  }
0x25b: {  	s22 =	sadd.s32 s7, s31;
	[tilespmem:v36+s14+$0x0] =	vst.idx.msk $0xffff, v44  }
0x25c: {  	s22 =	sshrl.u32 s22, $0x3;
	[tilespmem:v38+s14+$0x0] =	vst.idx.msk $0xffff, v35  }
0x25d: {  	s24 =	simm.s32 $0x4;
	s22 =	sadd.s32 s2, s22;
	[tilespmem:v39+s14+$0x0] =	vst.idx.msk $0xffff, v61  }
0x25e: {  	s26 =	sadd.s32 $0x0, s22;
	s23 =	simm.s32 $0x8000;
	s25 =	simm.s32 $0x8028;
	[tilespmem:v63+s14+$0x0] =	vst.idx.msk $0xffff, v62  }
.LBB2_5:
0x25f: {  	[hbm4b:s26+s3] =	stream.linear.scatter [tilespmem:s23], [sflag:$0x3], $0x20, $0x38;
	[tilespmem:$0x12000] =	vst v63  }
0x260: {  	s26 =	smov.u32 s24;
	s23 =	smov.u32 s25;
	p1 =	sne.s32 s24, $0x7FC  }
.Ltmp1:
0x261: {  	s24 =	sadd.s32 $0x4, s24;
	(pc) =	sbr.rel @p1 .LBB2_5-.Ltmp1, $2  }
0x262: {  	_ =	sdelay $0x2  }
0x263: {  	s25 =	sadd.s32 $0x28, s25;
	s26 =	sadd.s32 s26, s22  }
0x264: {  	p1 =	sne.s32 s20, $0x11  }
.Ltmp2:
0x265: {  	_ = 	snop;
	(pc) =	sbr.rel @p1 .LBB2_8-.Ltmp2, $2  }
0x266: {  	_ =	sdelay $0x2  }
0x267: {  	[hbm4b:s26+s3] =	stream.linear.scatter [tilespmem:s23], [sflag:$0x3], $0x20, $0x38;
	[tilespmem:$0x12000] =	vst v63  }
.Ltmp3:
0x268: {  	(pc) =	sbr.rel .LBB2_9-.Ltmp3, $4  }
0x269: {  	_ = 	snop  }
0x26a: {  	_ =	swait.ge [sflag:s15], $0x4000  }
0x26b: {  	[sflag:s15] =	ssyncset.done $0x0  }
0x26c: {  	[sflag:s15] =	ssyncadd.s32 $0xFFFFC000  }
.LBB2_8:
0x26d: {  	s22 =	sshll.u32 s20, $0xA  }
0x26e: {  	s22 =	sadd.s32 s22, s8  }
0x26f: {  	s22 =	sshrl.u32 s22, $0x3  }
.Ltmp4:
0x270: {  	s22 =	sadd.s32 s5, s22;
	(pc) =	sbr.rel @p0 .LBB2_10-.Ltmp4, $4  }
0x271: {  	[tilespmem:s3], [sflag:$0x1] =	stream.strided.gather [hbm4b:s22+s10], $0x4000, s11, s10, $0x38;
	[tilespmem:$0x12000] =	vst v63  }
0x272: {  	_ =	swait.ge [sflag:s15], $0x4000  }
0x273: {  	[sflag:s15] =	ssyncset.done $0x0  }
0x274: {  	[sflag:s15] =	ssyncadd.s32 $0xFFFFC000  }
.LBB2_9:
0x275: {  	_ =	swait.ge [sflag:s16], $0x4000  }
0x276: {  	[sflag:s16] =	ssyncset.done $0x0  }
0x277: {  	[sflag:s16] =	ssyncadd.s32 $0xFFFFC000  }
.LBB2_10:
0x278: {  	s22 =	simm.s32 $0x3  }
0x279: {  	s24 =	simm.s32 $0x0;
	v32 =	vmov s22  }
0x27a: {  	s23 =	simm.s32 $0x47F0;
	v33 =	vmov s24;
	v39 =	vand.u32 $0x1F, v32  }
0x27b: {  	s25 =	simm.s32 $0x1;
	v52 =	vld [tilespmem:s23+$0xFFFFFE10];
	v36 =	vand.u32 $0x1C, v33;
	v53 =	vadd.s32 v0, v39  }
0x27c: {  	s26 =	simm.s32 $0x2;
	v34 =	vld [tilespmem:s23+$0xFFFFF810];
	v37 =	vmov s25;
	v35 =	vadd.s32 v0, v36  }
0x27d: {  	v54 =	vmov s26;
	v38 =	vand.u32 $0x1D, v37  }
0x27e: {  	v40 =	vld [tilespmem:s23+$0xFFFFFA10];
	v37 =	vand.u32 $0x1E, v54;
	v41 =	vadd.s32 v0, v38  }
0x27f: {  	v42 =	vld [tilespmem:s23+$0xFFFFFC10];
	v43 =	vadd.s32 v0, v37  }
0x280: {  	[tilespmem:v53+s17+$0x0] =	vst.idx.msk $0xffff, v52  }
0x281: {  	v55 =	vadd.s32 v1, v39;
	[tilespmem:v35+s17+$0x0] =	vst.idx.msk $0xffff, v34;
	v32 =	vld [tilespmem:s23+$0xFFFFFE20]  }
0x282: {  	v56 =	vadd.s32 v1, v36;
	v34 =	vld [tilespmem:s23+$0xFFFFF820]  }
0x283: {  	[tilespmem:v41+s17+$0x0] =	vst.idx.msk $0xffff, v40  }
0x284: {  	v57 =	vadd.s32 v1, v38;
	[tilespmem:v43+s17+$0x0] =	vst.idx.msk $0xffff, v42;
	v40 =	vld [tilespmem:s23+$0xFFFFFA20]  }
0x285: {  	v58 =	vadd.s32 v1, v37;
	v42 =	vld [tilespmem:s23+$0xFFFFFC20]  }
0x286: {  	[tilespmem:v55+s17+$0x0] =	vst.idx.msk $0xffff, v32  }
0x287: {  	v59 =	vadd.s32 v2, v39;
	[tilespmem:v56+s17+$0x0] =	vst.idx.msk $0xffff, v34;
	v32 =	vld [tilespmem:s23+$0xFFFFFE30]  }
0x288: {  	v60 =	vadd.s32 v2, v36;
	v34 =	vld [tilespmem:s23+$0xFFFFF830]  }
0x289: {  	[tilespmem:v57+s17+$0x0] =	vst.idx.msk $0xffff, v40  }
0x28a: {  	v61 =	vadd.s32 v2, v38;
	[tilespmem:v58+s17+$0x0] =	vst.idx.msk $0xffff, v42;
	v40 =	vld [tilespmem:s23+$0xFFFFFA30]  }
0x28b: {  	v62 =	vadd.s32 v2, v37;
	v42 =	vld [tilespmem:s23+$0xFFFFFC30]  }
0x28c: {  	[tilespmem:v59+s17+$0x0] =	vst.idx.msk $0xffff, v32  }
0x28d: {  	v63 =	vadd.s32 v3, v39;
	[tilespmem:v60+s17+$0x0] =	vst.idx.msk $0xffff, v34;
	v32 =	vld [tilespmem:s23+$0xFFFFFE40]  }
0x28e: {  	v45 =	vadd.s32 v3, v36;
	v34 =	vld [tilespmem:s23+$0xFFFFF840]  }
0x28f: {  	[tilespmem:v61+s17+$0x0] =	vst.idx.msk $0xffff, v40  }
0x290: {  	v46 =	vadd.s32 v3, v38;
	[tilespmem:v62+s17+$0x0] =	vst.idx.msk $0xffff, v42;
	v40 =	vld [tilespmem:s23+$0xFFFFFA40]  }
0x291: {  	v47 =	vadd.s32 v3, v37;
	v42 =	vld [tilespmem:s23+$0xFFFFFC40]  }
0x292: {  	[tilespmem:v63+s17+$0x0] =	vst.idx.msk $0xffff, v32  }
0x293: {  	v48 =	vadd.s32 v4, v39;
	[tilespmem:v45+s17+$0x0] =	vst.idx.msk $0xffff, v34;
	v32 =	vld [tilespmem:s23+$0xFFFFFE50]  }
0x294: {  	v49 =	vadd.s32 v4, v36;
	v34 =	vld [tilespmem:s23+$0xFFFFF850]  }
0x295: {  	[tilespmem:v46+s17+$0x0] =	vst.idx.msk $0xffff, v40  }
0x296: {  	v50 =	vadd.s32 v4, v38;
	[tilespmem:v47+s17+$0x0] =	vst.idx.msk $0xffff, v42;
	v40 =	vld [tilespmem:s23+$0xFFFFFA50]  }
0x297: {  	v51 =	vadd.s32 v4, v37;
	v42 =	vld [tilespmem:s23+$0xFFFFFC50]  }
0x298: {  	[tilespmem:v48+s17+$0x0] =	vst.idx.msk $0xffff, v32  }
0x299: {  	v52 =	vadd.s32 v5, v39;
	[tilespmem:v49+s17+$0x0] =	vst.idx.msk $0xffff, v34;
	v32 =	vld [tilespmem:s23+$0xFFFFFE60]  }
0x29a: {  	v53 =	vadd.s32 v5, v36;
	v34 =	vld [tilespmem:s23+$0xFFFFF860]  }
0x29b: {  	[tilespmem:v50+s17+$0x0] =	vst.idx.msk $0xffff, v40  }
0x29c: {  	v54 =	vadd.s32 v5, v38;
	[tilespmem:v51+s17+$0x0] =	vst.idx.msk $0xffff, v42;
	v40 =	vld [tilespmem:s23+$0xFFFFFA60]  }
0x29d: {  	v55 =	vadd.s32 v5, v37;
	v42 =	vld [tilespmem:s23+$0xFFFFFC60]  }
0x29e: {  	[tilespmem:v52+s17+$0x0] =	vst.idx.msk $0xffff, v32  }
0x29f: {  	v56 =	vadd.s32 v6, v39;
	[tilespmem:v53+s17+$0x0] =	vst.idx.msk $0xffff, v34;
	v32 =	vld [tilespmem:s23+$0xFFFFFE70]  }
0x2a0: {  	v57 =	vadd.s32 v6, v36;
	v34 =	vld [tilespmem:s23+$0xFFFFF870]  }
0x2a1: {  	[tilespmem:v54+s17+$0x0] =	vst.idx.msk $0xffff, v40  }
0x2a2: {  	v58 =	vadd.s32 v6, v38;
	[tilespmem:v55+s17+$0x0] =	vst.idx.msk $0xffff, v42;
	v40 =	vld [tilespmem:s23+$0xFFFFFA70]  }
0x2a3: {  	v59 =	vadd.s32 v6, v37;
	v42 =	vld [tilespmem:s23+$0xFFFFFC70]  }
0x2a4: {  	[tilespmem:v56+s17+$0x0] =	vst.idx.msk $0xffff, v32  }
0x2a5: {  	v60 =	vadd.s32 v7, v39;
	[tilespmem:v57+s17+$0x0] =	vst.idx.msk $0xffff, v34;
	v32 =	vld [tilespmem:s23+$0xFFFFFE80]  }
0x2a6: {  	v61 =	vadd.s32 v7, v36;
	v34 =	vld [tilespmem:s23+$0xFFFFF880]  }
0x2a7: {  	[tilespmem:v58+s17+$0x0] =	vst.idx.msk $0xffff, v40  }
0x2a8: {  	v62 =	vadd.s32 v7, v38;
	[tilespmem:v59+s17+$0x0] =	vst.idx.msk $0xffff, v42;
	v40 =	vld [tilespmem:s23+$0xFFFFFA80]  }
0x2a9: {  	v63 =	vadd.s32 v7, v37;
	v42 =	vld [tilespmem:s23+$0xFFFFFC80]  }
0x2aa: {  	[tilespmem:v60+s17+$0x0] =	vst.idx.msk $0xffff, v32  }
0x2ab: {  	v45 =	vadd.s32 v8, v39;
	[tilespmem:v61+s17+$0x0] =	vst.idx.msk $0xffff, v34;
	v32 =	vld [tilespmem:s23+$0xFFFFFE90]  }
0x2ac: {  	v46 =	vadd.s32 v8, v36;
	v34 =	vld [tilespmem:s23+$0xFFFFF890]  }
0x2ad: {  	[tilespmem:v62+s17+$0x0] =	vst.idx.msk $0xffff, v40  }
0x2ae: {  	v47 =	vadd.s32 v8, v38;
	[tilespmem:v63+s17+$0x0] =	vst.idx.msk $0xffff, v42;
	v40 =	vld [tilespmem:s23+$0xFFFFFA90]  }
0x2af: {  	v48 =	vadd.s32 v8, v37;
	v42 =	vld [tilespmem:s23+$0xFFFFFC90]  }
0x2b0: {  	[tilespmem:v45+s17+$0x0] =	vst.idx.msk $0xffff, v32  }
0x2b1: {  	v49 =	vadd.s32 v9, v39;
	[tilespmem:v46+s17+$0x0] =	vst.idx.msk $0xffff, v34;
	v32 =	vld [tilespmem:s23+$0xFFFFFEA0]  }
0x2b2: {  	v50 =	vadd.s32 v9, v36;
	v34 =	vld [tilespmem:s23+$0xFFFFF8A0]  }
0x2b3: {  	[tilespmem:v47+s17+$0x0] =	vst.idx.msk $0xffff, v40  }
0x2b4: {  	v51 =	vadd.s32 v9, v38;
	[tilespmem:v48+s17+$0x0] =	vst.idx.msk $0xffff, v42;
	v40 =	vld [tilespmem:s23+$0xFFFFFAA0]  }
0x2b5: {  	v52 =	vadd.s32 v9, v37;
	v42 =	vld [tilespmem:s23+$0xFFFFFCA0]  }
0x2b6: {  	[tilespmem:v49+s17+$0x0] =	vst.idx.msk $0xffff, v32  }
0x2b7: {  	v53 =	vadd.s32 v10, v39;
	[tilespmem:v50+s17+$0x0] =	vst.idx.msk $0xffff, v34;
	v32 =	vld [tilespmem:s23+$0xFFFFFEB0]  }
0x2b8: {  	v54 =	vadd.s32 v10, v36;
	v34 =	vld [tilespmem:s23+$0xFFFFF8B0]  }
0x2b9: {  	[tilespmem:v51+s17+$0x0] =	vst.idx.msk $0xffff, v40  }
0x2ba: {  	v55 =	vadd.s32 v10, v38;
	[tilespmem:v52+s17+$0x0] =	vst.idx.msk $0xffff, v42;
	v40 =	vld [tilespmem:s23+$0xFFFFFAB0]  }
0x2bb: {  	v56 =	vadd.s32 v10, v37;
	v42 =	vld [tilespmem:s23+$0xFFFFFCB0]  }
0x2bc: {  	[tilespmem:v53+s17+$0x0] =	vst.idx.msk $0xffff, v32  }
0x2bd: {  	v57 =	vadd.s32 v11, v39;
	[tilespmem:v54+s17+$0x0] =	vst.idx.msk $0xffff, v34;
	v32 =	vld [tilespmem:s23+$0xFFFFFEC0]  }
0x2be: {  	v58 =	vadd.s32 v11, v36;
	v34 =	vld [tilespmem:s23+$0xFFFFF8C0]  }
0x2bf: {  	[tilespmem:v55+s17+$0x0] =	vst.idx.msk $0xffff, v40  }
0x2c0: {  	v59 =	vadd.s32 v11, v38;
	[tilespmem:v56+s17+$0x0] =	vst.idx.msk $0xffff, v42;
	v40 =	vld [tilespmem:s23+$0xFFFFFAC0]  }
0x2c1: {  	v60 =	vadd.s32 v11, v37;
	v42 =	vld [tilespmem:s23+$0xFFFFFCC0]  }
0x2c2: {  	[tilespmem:v57+s17+$0x0] =	vst.idx.msk $0xffff, v32  }
0x2c3: {  	v61 =	vadd.s32 v12, v39;
	[tilespmem:v58+s17+$0x0] =	vst.idx.msk $0xffff, v34;
	v32 =	vld [tilespmem:s23+$0xFFFFFED0]  }
0x2c4: {  	v62 =	vadd.s32 v12, v36;
	v34 =	vld [tilespmem:s23+$0xFFFFF8D0]  }
0x2c5: {  	[tilespmem:v59+s17+$0x0] =	vst.idx.msk $0xffff, v40  }
0x2c6: {  	v63 =	vadd.s32 v12, v38;
	[tilespmem:v60+s17+$0x0] =	vst.idx.msk $0xffff, v42;
	v40 =	vld [tilespmem:s23+$0xFFFFFAD0]  }
0x2c7: {  	v45 =	vadd.s32 v12, v37;
	v42 =	vld [tilespmem:s23+$0xFFFFFCD0]  }
0x2c8: {  	[tilespmem:v61+s17+$0x0] =	vst.idx.msk $0xffff, v32  }
0x2c9: {  	v46 =	vadd.s32 v13, v39;
	[tilespmem:v62+s17+$0x0] =	vst.idx.msk $0xffff, v34;
	v32 =	vld [tilespmem:s23+$0xFFFFFEE0]  }
0x2ca: {  	v47 =	vadd.s32 v13, v36;
	v34 =	vld [tilespmem:s23+$0xFFFFF8E0]  }
0x2cb: {  	[tilespmem:v63+s17+$0x0] =	vst.idx.msk $0xffff, v40  }
0x2cc: {  	v48 =	vadd.s32 v13, v38;
	[tilespmem:v45+s17+$0x0] =	vst.idx.msk $0xffff, v42;
	v40 =	vld [tilespmem:s23+$0xFFFFFAE0]  }
0x2cd: {  	v49 =	vadd.s32 v13, v37;
	v42 =	vld [tilespmem:s23+$0xFFFFFCE0]  }
0x2ce: {  	[tilespmem:v46+s17+$0x0] =	vst.idx.msk $0xffff, v32  }
0x2cf: {  	v50 =	vadd.s32 v14, v39;
	[tilespmem:v47+s17+$0x0] =	vst.idx.msk $0xffff, v34;
	v32 =	vld [tilespmem:s23+$0xFFFFFEF0]  }
0x2d0: {  	v51 =	vadd.s32 v14, v36;
	v34 =	vld [tilespmem:s23+$0xFFFFF8F0]  }
0x2d1: {  	[tilespmem:v48+s17+$0x0] =	vst.idx.msk $0xffff, v40  }
0x2d2: {  	v52 =	vadd.s32 v14, v38;
	[tilespmem:v49+s17+$0x0] =	vst.idx.msk $0xffff, v42;
	v40 =	vld [tilespmem:s23+$0xFFFFFAF0]  }
0x2d3: {  	v53 =	vadd.s32 v14, v37;
	v42 =	vld [tilespmem:s23+$0xFFFFFCF0]  }
0x2d4: {  	[tilespmem:v50+s17+$0x0] =	vst.idx.msk $0xffff, v32  }
0x2d5: {  	v54 =	vadd.s32 v15, v39;
	[tilespmem:v51+s17+$0x0] =	vst.idx.msk $0xffff, v34;
	v32 =	vld [tilespmem:s23+$0xFFFFFF00]  }
0x2d6: {  	v55 =	vadd.s32 v15, v36;
	v34 =	vld [tilespmem:s23+$0xFFFFF900]  }
0x2d7: {  	[tilespmem:v52+s17+$0x0] =	vst.idx.msk $0xffff, v40  }
0x2d8: {  	v56 =	vadd.s32 v15, v38;
	[tilespmem:v53+s17+$0x0] =	vst.idx.msk $0xffff, v42;
	v40 =	vld [tilespmem:s23+$0xFFFFFB00]  }
0x2d9: {  	v57 =	vadd.s32 v15, v37;
	v42 =	vld [tilespmem:s23+$0xFFFFFD00]  }
0x2da: {  	[tilespmem:v54+s17+$0x0] =	vst.idx.msk $0xffff, v32  }
0x2db: {  	v58 =	vadd.s32 v16, v39;
	[tilespmem:v55+s17+$0x0] =	vst.idx.msk $0xffff, v34;
	v32 =	vld [tilespmem:s23+$0xFFFFFF10]  }
0x2dc: {  	v59 =	vadd.s32 v16, v36;
	v34 =	vld [tilespmem:s23+$0xFFFFF910]  }
0x2dd: {  	[tilespmem:v56+s17+$0x0] =	vst.idx.msk $0xffff, v40  }
0x2de: {  	v60 =	vadd.s32 v16, v38;
	[tilespmem:v57+s17+$0x0] =	vst.idx.msk $0xffff, v42;
	v40 =	vld [tilespmem:s23+$0xFFFFFB10]  }
0x2df: {  	v61 =	vadd.s32 v16, v37;
	v42 =	vld [tilespmem:s23+$0xFFFFFD10]  }
0x2e0: {  	[tilespmem:v58+s17+$0x0] =	vst.idx.msk $0xffff, v32  }
0x2e1: {  	v62 =	vadd.s32 v17, v39;
	[tilespmem:v59+s17+$0x0] =	vst.idx.msk $0xffff, v34;
	v32 =	vld [tilespmem:s23+$0xFFFFFF20]  }
0x2e2: {  	v63 =	vadd.s32 v17, v36;
	v34 =	vld [tilespmem:s23+$0xFFFFF920]  }
0x2e3: {  	[tilespmem:v60+s17+$0x0] =	vst.idx.msk $0xffff, v40  }
0x2e4: {  	v45 =	vadd.s32 v17, v38;
	[tilespmem:v61+s17+$0x0] =	vst.idx.msk $0xffff, v42;
	v40 =	vld [tilespmem:s23+$0xFFFFFB20]  }
0x2e5: {  	v46 =	vadd.s32 v17, v37;
	v42 =	vld [tilespmem:s23+$0xFFFFFD20]  }
0x2e6: {  	[tilespmem:v62+s17+$0x0] =	vst.idx.msk $0xffff, v32  }
0x2e7: {  	v47 =	vadd.s32 v18, v39;
	[tilespmem:v63+s17+$0x0] =	vst.idx.msk $0xffff, v34;
	v32 =	vld [tilespmem:s23+$0xFFFFFF30]  }
0x2e8: {  	v48 =	vadd.s32 v18, v36;
	v34 =	vld [tilespmem:s23+$0xFFFFF930]  }
0x2e9: {  	[tilespmem:v45+s17+$0x0] =	vst.idx.msk $0xffff, v40  }
0x2ea: {  	v49 =	vadd.s32 v18, v38;
	[tilespmem:v46+s17+$0x0] =	vst.idx.msk $0xffff, v42;
	v40 =	vld [tilespmem:s23+$0xFFFFFB30]  }
0x2eb: {  	v50 =	vadd.s32 v18, v37;
	v42 =	vld [tilespmem:s23+$0xFFFFFD30]  }
0x2ec: {  	[tilespmem:v47+s17+$0x0] =	vst.idx.msk $0xffff, v32  }
0x2ed: {  	v51 =	vadd.s32 v19, v39;
	[tilespmem:v48+s17+$0x0] =	vst.idx.msk $0xffff, v34;
	v32 =	vld [tilespmem:s23+$0xFFFFFF40]  }
0x2ee: {  	v52 =	vadd.s32 v19, v36;
	v34 =	vld [tilespmem:s23+$0xFFFFF940]  }
0x2ef: {  	[tilespmem:v49+s17+$0x0] =	vst.idx.msk $0xffff, v40  }
0x2f0: {  	v53 =	vadd.s32 v19, v38;
	[tilespmem:v50+s17+$0x0] =	vst.idx.msk $0xffff, v42;
	v40 =	vld [tilespmem:s23+$0xFFFFFB40]  }
0x2f1: {  	v54 =	vadd.s32 v19, v37;
	v42 =	vld [tilespmem:s23+$0xFFFFFD40]  }
0x2f2: {  	s28 =	simm.s32 $0x7;
	[tilespmem:v51+s17+$0x0] =	vst.idx.msk $0xffff, v32  }
0x2f3: {  	v55 =	vadd.s32 v20, v39;
	v59 =	vmov s28;
	[tilespmem:v52+s17+$0x0] =	vst.idx.msk $0xffff, v34;
	v32 =	vld [tilespmem:s23+$0xFFFFFF50]  }
0x2f4: {  	s22 =	simm.s32 $0x4FF0;
	v56 =	vadd.s32 v20, v36;
	v35 =	vand.u32 $0x1F, v59;
	v34 =	vld [tilespmem:s23+$0xFFFFF950]  }
0x2f5: {  	s31 =	simm.s32 $0x6;
	v48 =	vld [tilespmem:s22+$0xFFFFFE10];
	v49 =	vadd.s32 v0, v35;
	[tilespmem:v53+s17+$0x0] =	vst.idx.msk $0xffff, v40  }
0x2f6: {  	v57 =	vadd.s32 v20, v38;
	[tilespmem:v54+s17+$0x0] =	vst.idx.msk $0xffff, v42;
	v53 =	vmov s31;
	v40 =	vld [tilespmem:s23+$0xFFFFFB50]  }
0x2f7: {  	s30 =	simm.s32 $0x5;
	v58 =	vadd.s32 v20, v37;
	v42 =	vld [tilespmem:s23+$0xFFFFFD50];
	v33 =	vand.u32 $0x1E, v53  }
0x2f8: {  	s29 =	simm.s32 $0x4;
	v61 =	vmov s30;
	v50 =	vld [tilespmem:s22+$0xFFFFFC10];
	v51 =	vadd.s32 v0, v33;
	[tilespmem:v55+s17+$0x0] =	vst.idx.msk $0xffff, v32  }
0x2f9: {  	v60 =	vmov s29;
	v45 =	vadd.s32 v21, v39;
	[tilespmem:v56+s17+$0x0] =	vst.idx.msk $0xffff, v34;
	v34 =	vand.u32 $0x1D, v61;
	v44 =	vld [tilespmem:s23+$0xFFFFFF60]  }
0x2fa: {  	[tilespmem:v49+s17+$0x0] =	vst.idx.msk $0xffff, v48;
	v54 =	vld [tilespmem:s22+$0xFFFFFA10];
	v32 =	vand.u32 $0x1C, v60;
	v55 =	vadd.s32 v0, v34  }
0x2fb: {  	v62 =	vld [tilespmem:s22+$0xFFFFF810];
	[tilespmem:v57+s17+$0x0] =	vst.idx.msk $0xffff, v40;
	v63 =	vadd.s32 v0, v32  }
0x2fc: {  	[tilespmem:v58+s17+$0x0] =	vst.idx.msk $0xffff, v42  }
0x2fd: {  	v59 =	vld [tilespmem:s22+$0xFFFFFE20];
	v60 =	vadd.s32 v1, v35;
	[tilespmem:v51+s17+$0x0] =	vst.idx.msk $0xffff, v50  }
0x2fe: {  	v58 =	vadd.s32 v21, v38;
	v57 =	vld [tilespmem:s23+$0xFFFFFB60];
	[tilespmem:v45+s17+$0x0] =	vst.idx.msk $0xffff, v44  }
0x2ff: {  	v50 =	vld [tilespmem:s22+$0xFFFFFC20];
	[tilespmem:v55+s17+$0x0] =	vst.idx.msk $0xffff, v54;
	v54 =	vadd.s32 v1, v33  }
0x300: {  	v56 =	vadd.s32 v22, v39;
	[tilespmem:v63+s17+$0x0] =	vst.idx.msk $0xffff, v62;
	v44 =	vld [tilespmem:s23+$0xFFFFFF70]  }
0x301: {  	v62 =	vadd.s32 v1, v32;
	v61 =	vld [tilespmem:s22+$0xFFFFF820]  }
0x302: {  	v47 =	vadd.s32 v21, v36;
	v46 =	vld [tilespmem:s23+$0xFFFFF960];
	[tilespmem:v60+s17+$0x0] =	vst.idx.msk $0xffff, v59  }
0x303: {  	v59 =	vadd.s32 v2, v35;
	[tilespmem:v58+s17+$0x0] =	vst.idx.msk $0xffff, v57;
	v58 =	vld [tilespmem:s22+$0xFFFFFE30]  }
0x304: {  	v63 =	vadd.s32 v1, v34;
	v42 =	vld [tilespmem:s22+$0xFFFFFA20];
	[tilespmem:v54+s17+$0x0] =	vst.idx.msk $0xffff, v50  }
0x305: {  	v57 =	vadd.s32 v21, v37;
	[tilespmem:v56+s17+$0x0] =	vst.idx.msk $0xffff, v44;
	v56 =	vld [tilespmem:s23+$0xFFFFFD60]  }
0x306: {  	[tilespmem:v62+s17+$0x0] =	vst.idx.msk $0xffff, v61;
	v50 =	vld [tilespmem:s22+$0xFFFFFC30];
	v62 =	vadd.s32 v2, v33  }
0x307: {  	[tilespmem:v47+s17+$0x0] =	vst.idx.msk $0xffff, v46;
	v55 =	vadd.s32 v23, v39;
	v44 =	vld [tilespmem:s23+$0xFFFFFF80]  }
0x308: {  	v60 =	vadd.s32 v2, v32;
	[tilespmem:v59+s17+$0x0] =	vst.idx.msk $0xffff, v58;
	v48 =	vld [tilespmem:s22+$0xFFFFF830]  }
0x309: {  	[tilespmem:v63+s17+$0x0] =	vst.idx.msk $0xffff, v42  }
0x30a: {  	[tilespmem:v57+s17+$0x0] =	vst.idx.msk $0xffff, v56  }
0x30b: {  	v61 =	vadd.s32 v2, v34;
	v42 =	vld [tilespmem:s22+$0xFFFFFA30];
	[tilespmem:v62+s17+$0x0] =	vst.idx.msk $0xffff, v50  }
0x30c: {  	v46 =	vld [tilespmem:s22+$0xFFFFFE40];
	v57 =	vadd.s32 v3, v35;
	[tilespmem:v55+s17+$0x0] =	vst.idx.msk $0xffff, v44  }
0x30d: {  	[tilespmem:v60+s17+$0x0] =	vst.idx.msk $0xffff, v48;
	v50 =	vld [tilespmem:s22+$0xFFFFFC40];
	v60 =	vadd.s32 v3, v33  }
0x30e: {  	v54 =	vadd.s32 v24, v39;
	v63 =	vld [tilespmem:s23+$0xFFFFFF90];
	_ =	sdelay $0x1  }
0x30f: {  	v56 =	vadd.s32 v22, v38;
	v55 =	vld [tilespmem:s23+$0xFFFFFB70];
	[tilespmem:v61+s17+$0x0] =	vst.idx.msk $0xffff, v42  }
0x310: {  	v58 =	vadd.s32 v3, v32;
	v48 =	vld [tilespmem:s22+$0xFFFFF840];
	[tilespmem:v57+s17+$0x0] =	vst.idx.msk $0xffff, v46  }
0x311: {  	v59 =	vadd.s32 v3, v34;
	v42 =	vld [tilespmem:s22+$0xFFFFFA40];
	[tilespmem:v60+s17+$0x0] =	vst.idx.msk $0xffff, v50  }
0x312: {  	v46 =	vld [tilespmem:s22+$0xFFFFFE50];
	[tilespmem:v54+s17+$0x0] =	vst.idx.msk $0xffff, v63;
	v54 =	vadd.s32 v4, v35  }
0x313: {  	v57 =	vadd.s32 v4, v33;
	v50 =	vld [tilespmem:s22+$0xFFFFFC50]  }
0x314: {  	v61 =	vadd.s32 v25, v39;
	[tilespmem:v56+s17+$0x0] =	vst.idx.msk $0xffff, v55;
	v40 =	vld [tilespmem:s23+$0xFFFFFFA0]  }
0x315: {  	[tilespmem:v58+s17+$0x0] =	vst.idx.msk $0xffff, v48  }
0x316: {  	v62 =	vld [tilespmem:s23+$0xFFFFFD70];
	v63 =	vadd.s32 v22, v37;
	[tilespmem:v59+s17+$0x0] =	vst.idx.msk $0xffff, v42  }
0x317: {  	v55 =	vadd.s32 v4, v32;
	v48 =	vld [tilespmem:s22+$0xFFFFF850];
	[tilespmem:v54+s17+$0x0] =	vst.idx.msk $0xffff, v46  }
0x318: {  	v56 =	vadd.s32 v4, v34;
	v42 =	vld [tilespmem:s22+$0xFFFFFA50];
	[tilespmem:v57+s17+$0x0] =	vst.idx.msk $0xffff, v50  }
0x319: {  	[tilespmem:v61+s17+$0x0] =	vst.idx.msk $0xffff, v40;
	v46 =	vld [tilespmem:s22+$0xFFFFFE60];
	v61 =	vadd.s32 v5, v35  }
0x31a: {  	v54 =	vadd.s32 v5, v33;
	v50 =	vld [tilespmem:s22+$0xFFFFFC60]  }
0x31b: {  	v58 =	vadd.s32 v26, v39;
	[tilespmem:v63+s17+$0x0] =	vst.idx.msk $0xffff, v62;
	v40 =	vld [tilespmem:s23+$0xFFFFFFB0]  }
0x31c: {  	[tilespmem:v55+s17+$0x0] =	vst.idx.msk $0xffff, v48  }
0x31d: {  	v60 =	vadd.s32 v22, v36;
	v59 =	vld [tilespmem:s23+$0xFFFFF970];
	[tilespmem:v56+s17+$0x0] =	vst.idx.msk $0xffff, v42  }
0x31e: {  	v62 =	vadd.s32 v5, v32;
	v48 =	vld [tilespmem:s22+$0xFFFFF860];
	[tilespmem:v61+s17+$0x0] =	vst.idx.msk $0xffff, v46  }
0x31f: {  	v63 =	vadd.s32 v5, v34;
	v42 =	vld [tilespmem:s22+$0xFFFFFA60];
	[tilespmem:v54+s17+$0x0] =	vst.idx.msk $0xffff, v50  }
0x320: {  	[tilespmem:v58+s17+$0x0] =	vst.idx.msk $0xffff, v40;
	v46 =	vld [tilespmem:s22+$0xFFFFFE70];
	v58 =	vadd.s32 v6, v35  }
0x321: {  	v61 =	vadd.s32 v6, v33;
	v50 =	vld [tilespmem:s22+$0xFFFFFC70]  }
0x322: {  	[tilespmem:v60+s17+$0x0] =	vst.idx.msk $0xffff, v59;
	v55 =	vadd.s32 v27, v39;
	v40 =	vld [tilespmem:s23+$0xFFFFFFC0]  }
0x323: {  	[tilespmem:v62+s17+$0x0] =	vst.idx.msk $0xffff, v48  }
0x324: {  	v57 =	vadd.s32 v23, v38;
	v56 =	vld [tilespmem:s23+$0xFFFFFB80];
	[tilespmem:v63+s17+$0x0] =	vst.idx.msk $0xffff, v42  }
0x325: {  	v59 =	vadd.s32 v6, v32;
	v48 =	vld [tilespmem:s22+$0xFFFFF870];
	[tilespmem:v58+s17+$0x0] =	vst.idx.msk $0xffff, v46  }
0x326: {  	v60 =	vadd.s32 v6, v34;
	v42 =	vld [tilespmem:s22+$0xFFFFFA70];
	[tilespmem:v61+s17+$0x0] =	vst.idx.msk $0xffff, v50  }
0x327: {  	[tilespmem:v55+s17+$0x0] =	vst.idx.msk $0xffff, v40;
	v46 =	vld [tilespmem:s22+$0xFFFFFE80];
	v55 =	vadd.s32 v7, v35  }
0x328: {  	v58 =	vadd.s32 v7, v33;
	v50 =	vld [tilespmem:s22+$0xFFFFFC80]  }
0x329: {  	[tilespmem:v57+s17+$0x0] =	vst.idx.msk $0xffff, v56;
	v62 =	vadd.s32 v28, v39;
	v40 =	vld [tilespmem:s23+$0xFFFFFFD0]  }
0x32a: {  	[tilespmem:v59+s17+$0x0] =	vst.idx.msk $0xffff, v48  }
0x32b: {  	v54 =	vadd.s32 v23, v37;
	v63 =	vld [tilespmem:s23+$0xFFFFFD80];
	[tilespmem:v60+s17+$0x0] =	vst.idx.msk $0xffff, v42  }
0x32c: {  	v56 =	vadd.s32 v7, v32;
	v48 =	vld [tilespmem:s22+$0xFFFFF880];
	[tilespmem:v55+s17+$0x0] =	vst.idx.msk $0xffff, v46  }
0x32d: {  	v57 =	vadd.s32 v7, v34;
	v42 =	vld [tilespmem:s22+$0xFFFFFA80];
	[tilespmem:v58+s17+$0x0] =	vst.idx.msk $0xffff, v50  }
0x32e: {  	[tilespmem:v62+s17+$0x0] =	vst.idx.msk $0xffff, v40;
	v46 =	vld [tilespmem:s22+$0xFFFFFE90];
	v62 =	vadd.s32 v8, v35  }
0x32f: {  	v55 =	vadd.s32 v8, v33;
	v50 =	vld [tilespmem:s22+$0xFFFFFC90]  }
0x330: {  	[tilespmem:v54+s17+$0x0] =	vst.idx.msk $0xffff, v63;
	v59 =	vadd.s32 v29, v39;
	v40 =	vld [tilespmem:s23+$0xFFFFFFE0]  }
0x331: {  	v61 =	vadd.s32 v23, v36;
	v60 =	vld [tilespmem:s23+$0xFFFFF980];
	[tilespmem:v56+s17+$0x0] =	vst.idx.msk $0xffff, v48  }
0x332: {  	v63 =	vadd.s32 v8, v32;
	[tilespmem:v57+s17+$0x0] =	vst.idx.msk $0xffff, v42;
	v48 =	vld [tilespmem:s22+$0xFFFFF890]  }
0x333: {  	v54 =	vadd.s32 v8, v34;
	v42 =	vld [tilespmem:s22+$0xFFFFFA90];
	[tilespmem:v62+s17+$0x0] =	vst.idx.msk $0xffff, v46  }
0x334: {  	v58 =	vadd.s32 v24, v38;
	v57 =	vld [tilespmem:s23+$0xFFFFFB90];
	[tilespmem:v55+s17+$0x0] =	vst.idx.msk $0xffff, v50  }
0x335: {  	[tilespmem:v59+s17+$0x0] =	vst.idx.msk $0xffff, v40;
	v46 =	vld [tilespmem:s22+$0xFFFFFEA0];
	v59 =	vadd.s32 v9, v35  }
0x336: {  	[tilespmem:v61+s17+$0x0] =	vst.idx.msk $0xffff, v60;
	v62 =	vadd.s32 v9, v33;
	v50 =	vld [tilespmem:s22+$0xFFFFFCA0]  }
0x337: {  	v56 =	vadd.s32 v30, v39;
	[tilespmem:v63+s17+$0x0] =	vst.idx.msk $0xffff, v48;
	v40 =	vld [tilespmem:s23+$0xFFFFFFF0]  }
0x338: {  	v60 =	vadd.s32 v9, v32;
	[tilespmem:v54+s17+$0x0] =	vst.idx.msk $0xffff, v42;
	v48 =	vld [tilespmem:s22+$0xFFFFF8A0]  }
0x339: {  	v61 =	vadd.s32 v9, v34;
	[tilespmem:v58+s17+$0x0] =	vst.idx.msk $0xffff, v57;
	v42 =	vld [tilespmem:s22+$0xFFFFFAA0]  }
0x33a: {  	[tilespmem:v59+s17+$0x0] =	vst.idx.msk $0xffff, v46  }
0x33b: {  	v52 =	vadd.s32 v24, v37;
	v63 =	vld [tilespmem:s23+$0xFFFFFD90];
	[tilespmem:v62+s17+$0x0] =	vst.idx.msk $0xffff, v50  }
0x33c: {  	v54 =	vadd.s32 v10, v35;
	[tilespmem:v56+s17+$0x0] =	vst.idx.msk $0xffff, v40;
	v53 =	vld [tilespmem:s22+$0xFFFFFEB0]  }
0x33d: {  	v59 =	vadd.s32 v10, v33;
	[tilespmem:v60+s17+$0x0] =	vst.idx.msk $0xffff, v48;
	v58 =	vld [tilespmem:s22+$0xFFFFFCB0]  }
0x33e: {  	v56 =	vadd.s32 v10, v32;
	[tilespmem:v61+s17+$0x0] =	vst.idx.msk $0xffff, v42;
	v55 =	vld [tilespmem:s22+$0xFFFFF8B0]  }
0x33f: {  	v57 =	vadd.s32 v10, v34;
	v42 =	vld [tilespmem:s22+$0xFFFFFAB0]  }
0x340: {  	[tilespmem:v52+s17+$0x0] =	vst.idx.msk $0xffff, v63;
	v62 =	vld [tilespmem:s23+$0xFFFFFBA0];
	v63 =	vadd.s32 v25, v38  }
0x341: {  	v60 =	vld [tilespmem:s23+$0xFFFFF990];
	v61 =	vadd.s32 v24, v36;
	[tilespmem:v54+s17+$0x0] =	vst.idx.msk $0xffff, v53  }
0x342: {  	v52 =	vadd.s32 v11, v35;
	[tilespmem:v59+s17+$0x0] =	vst.idx.msk $0xffff, v58;
	v45 =	vld [tilespmem:s22+$0xFFFFFEC0]  }
0x343: {  	[tilespmem:v56+s17+$0x0] =	vst.idx.msk $0xffff, v55;
	v49 =	vld [tilespmem:s22+$0xFFFFFCC0];
	v55 =	vadd.s32 v11, v33  }
0x344: {  	v53 =	vadd.s32 v11, v32;
	[tilespmem:v57+s17+$0x0] =	vst.idx.msk $0xffff, v42;
	v47 =	vld [tilespmem:s22+$0xFFFFF8C0]  }
0x345: {  	[tilespmem:v63+s17+$0x0] =	vst.idx.msk $0xffff, v62;
	v54 =	vadd.s32 v11, v34;
	v42 =	vld [tilespmem:s22+$0xFFFFFAC0]  }
0x346: {  	[tilespmem:v61+s17+$0x0] =	vst.idx.msk $0xffff, v60;
	v56 =	vld [tilespmem:s23+$0xFFFFFDA0];
	v57 =	vadd.s32 v25, v37  }
0x347: {  	v59 =	vadd.s32 v25, v36;
	v58 =	vld [tilespmem:s23+$0xFFFFF9A0];
	[tilespmem:v52+s17+$0x0] =	vst.idx.msk $0xffff, v45  }
0x348: {  	v60 =	vadd.s32 v12, v35;
	[tilespmem:v55+s17+$0x0] =	vst.idx.msk $0xffff, v49;
	v45 =	vld [tilespmem:s22+$0xFFFFFED0]  }
0x349: {  	v63 =	vadd.s32 v12, v33;
	[tilespmem:v53+s17+$0x0] =	vst.idx.msk $0xffff, v47;
	v49 =	vld [tilespmem:s22+$0xFFFFFCD0]  }
0x34a: {  	v61 =	vadd.s32 v12, v32;
	[tilespmem:v54+s17+$0x0] =	vst.idx.msk $0xffff, v42;
	v47 =	vld [tilespmem:s22+$0xFFFFF8D0]  }
0x34b: {  	v62 =	vadd.s32 v12, v34;
	[tilespmem:v57+s17+$0x0] =	vst.idx.msk $0xffff, v56;
	v42 =	vld [tilespmem:s22+$0xFFFFFAD0]  }
0x34c: {  	[tilespmem:v59+s17+$0x0] =	vst.idx.msk $0xffff, v58;
	v52 =	vld [tilespmem:s23+$0xFFFFFBB0];
	v53 =	vadd.s32 v26, v38  }
0x34d: {  	v55 =	vadd.s32 v26, v37;
	v54 =	vld [tilespmem:s23+$0xFFFFFDB0];
	[tilespmem:v60+s17+$0x0] =	vst.idx.msk $0xffff, v45  }
0x34e: {  	v56 =	vadd.s32 v13, v35;
	[tilespmem:v63+s17+$0x0] =	vst.idx.msk $0xffff, v49;
	v45 =	vld [tilespmem:s22+$0xFFFFFEE0]  }
0x34f: {  	v59 =	vadd.s32 v13, v33;
	[tilespmem:v61+s17+$0x0] =	vst.idx.msk $0xffff, v47;
	v49 =	vld [tilespmem:s22+$0xFFFFFCE0]  }
0x350: {  	v57 =	vadd.s32 v13, v32;
	[tilespmem:v62+s17+$0x0] =	vst.idx.msk $0xffff, v42;
	v47 =	vld [tilespmem:s22+$0xFFFFF8E0]  }
0x351: {  	v58 =	vadd.s32 v13, v34;
	[tilespmem:v53+s17+$0x0] =	vst.idx.msk $0xffff, v52;
	v42 =	vld [tilespmem:s22+$0xFFFFFAE0]  }
0x352: {  	v60 =	vld [tilespmem:s23+$0xFFFFF9B0];
	[tilespmem:v55+s17+$0x0] =	vst.idx.msk $0xffff, v54;
	v61 =	vadd.s32 v26, v36  }
0x353: {  	v63 =	vadd.s32 v27, v38;
	v62 =	vld [tilespmem:s23+$0xFFFFFBC0];
	[tilespmem:v56+s17+$0x0] =	vst.idx.msk $0xffff, v45  }
0x354: {  	v52 =	vadd.s32 v14, v35;
	[tilespmem:v59+s17+$0x0] =	vst.idx.msk $0xffff, v49;
	v45 =	vld [tilespmem:s22+$0xFFFFFEF0]  }
0x355: {  	v55 =	vadd.s32 v14, v33;
	[tilespmem:v57+s17+$0x0] =	vst.idx.msk $0xffff, v47;
	v49 =	vld [tilespmem:s22+$0xFFFFFCF0]  }
0x356: {  	v53 =	vadd.s32 v14, v32;
	[tilespmem:v58+s17+$0x0] =	vst.idx.msk $0xffff, v42;
	v47 =	vld [tilespmem:s22+$0xFFFFF8F0]  }
0x357: {  	v54 =	vadd.s32 v14, v34;
	[tilespmem:v61+s17+$0x0] =	vst.idx.msk $0xffff, v60;
	v42 =	vld [tilespmem:s22+$0xFFFFFAF0]  }
0x358: {  	[tilespmem:v63+s17+$0x0] =	vst.idx.msk $0xffff, v62;
	v56 =	vld [tilespmem:s23+$0xFFFFFDC0];
	v57 =	vadd.s32 v27, v37  }
0x359: {  	v59 =	vadd.s32 v27, v36;
	v58 =	vld [tilespmem:s23+$0xFFFFF9C0];
	[tilespmem:v52+s17+$0x0] =	vst.idx.msk $0xffff, v45  }
0x35a: {  	v60 =	vadd.s32 v15, v35;
	[tilespmem:v55+s17+$0x0] =	vst.idx.msk $0xffff, v49;
	v45 =	vld [tilespmem:s22+$0xFFFFFF00]  }
0x35b: {  	v63 =	vadd.s32 v15, v33;
	[tilespmem:v53+s17+$0x0] =	vst.idx.msk $0xffff, v47;
	v49 =	vld [tilespmem:s22+$0xFFFFFD00]  }
0x35c: {  	v61 =	vadd.s32 v15, v32;
	[tilespmem:v54+s17+$0x0] =	vst.idx.msk $0xffff, v42;
	v47 =	vld [tilespmem:s22+$0xFFFFF900]  }
0x35d: {  	v62 =	vadd.s32 v15, v34;
	[tilespmem:v57+s17+$0x0] =	vst.idx.msk $0xffff, v56;
	v42 =	vld [tilespmem:s22+$0xFFFFFB00]  }
0x35e: {  	[tilespmem:v59+s17+$0x0] =	vst.idx.msk $0xffff, v58;
	v52 =	vld [tilespmem:s23+$0xFFFFFBD0];
	v53 =	vadd.s32 v28, v38  }
0x35f: {  	v55 =	vadd.s32 v28, v37;
	v54 =	vld [tilespmem:s23+$0xFFFFFDD0];
	[tilespmem:v60+s17+$0x0] =	vst.idx.msk $0xffff, v45  }
0x360: {  	v56 =	vadd.s32 v16, v35;
	[tilespmem:v63+s17+$0x0] =	vst.idx.msk $0xffff, v49;
	v45 =	vld [tilespmem:s22+$0xFFFFFF10]  }
0x361: {  	v59 =	vadd.s32 v16, v33;
	[tilespmem:v61+s17+$0x0] =	vst.idx.msk $0xffff, v47;
	v49 =	vld [tilespmem:s22+$0xFFFFFD10]  }
0x362: {  	v57 =	vadd.s32 v16, v32;
	[tilespmem:v62+s17+$0x0] =	vst.idx.msk $0xffff, v42;
	v47 =	vld [tilespmem:s22+$0xFFFFF910]  }
0x363: {  	v58 =	vadd.s32 v16, v34;
	[tilespmem:v53+s17+$0x0] =	vst.idx.msk $0xffff, v52;
	v42 =	vld [tilespmem:s22+$0xFFFFFB10]  }
0x364: {  	v60 =	vld [tilespmem:s23+$0xFFFFF9D0];
	[tilespmem:v55+s17+$0x0] =	vst.idx.msk $0xffff, v54;
	v61 =	vadd.s32 v28, v36  }
0x365: {  	v63 =	vadd.s32 v29, v38;
	v62 =	vld [tilespmem:s23+$0xFFFFFBE0];
	[tilespmem:v56+s17+$0x0] =	vst.idx.msk $0xffff, v45  }
0x366: {  	v52 =	vadd.s32 v17, v35;
	[tilespmem:v59+s17+$0x0] =	vst.idx.msk $0xffff, v49;
	v45 =	vld [tilespmem:s22+$0xFFFFFF20]  }
0x367: {  	v55 =	vadd.s32 v17, v33;
	[tilespmem:v57+s17+$0x0] =	vst.idx.msk $0xffff, v47;
	v49 =	vld [tilespmem:s22+$0xFFFFFD20]  }
0x368: {  	v53 =	vadd.s32 v17, v32;
	[tilespmem:v58+s17+$0x0] =	vst.idx.msk $0xffff, v42;
	v47 =	vld [tilespmem:s22+$0xFFFFF920]  }
0x369: {  	v54 =	vadd.s32 v17, v34;
	[tilespmem:v61+s17+$0x0] =	vst.idx.msk $0xffff, v60;
	v42 =	vld [tilespmem:s22+$0xFFFFFB20]  }
0x36a: {  	[tilespmem:v63+s17+$0x0] =	vst.idx.msk $0xffff, v62;
	v56 =	vld [tilespmem:s23+$0xFFFFFDE0];
	v57 =	vadd.s32 v29, v37  }
0x36b: {  	v59 =	vadd.s32 v29, v36;
	v58 =	vld [tilespmem:s23+$0xFFFFF9E0];
	[tilespmem:v52+s17+$0x0] =	vst.idx.msk $0xffff, v45  }
0x36c: {  	v60 =	vadd.s32 v18, v35;
	[tilespmem:v55+s17+$0x0] =	vst.idx.msk $0xffff, v49;
	v45 =	vld [tilespmem:s22+$0xFFFFFF30]  }
0x36d: {  	v63 =	vadd.s32 v18, v33;
	[tilespmem:v53+s17+$0x0] =	vst.idx.msk $0xffff, v47;
	v49 =	vld [tilespmem:s22+$0xFFFFFD30]  }
0x36e: {  	v61 =	vadd.s32 v18, v32;
	[tilespmem:v54+s17+$0x0] =	vst.idx.msk $0xffff, v42;
	v47 =	vld [tilespmem:s22+$0xFFFFF930]  }
0x36f: {  	v62 =	vadd.s32 v18, v34;
	[tilespmem:v57+s17+$0x0] =	vst.idx.msk $0xffff, v56;
	v42 =	vld [tilespmem:s22+$0xFFFFFB30]  }
0x370: {  	v39 =	vadd.s32 v31, v39;
	v40 =	vld [tilespmem:s23+$0x0];
	[tilespmem:v59+s17+$0x0] =	vst.idx.msk $0xffff, v58  }
0x371: {  	v52 =	vld [tilespmem:s23+$0xFFFFFBF0];
	v53 =	vadd.s32 v30, v38;
	[tilespmem:v60+s17+$0x0] =	vst.idx.msk $0xffff, v45  }
0x372: {  	v56 =	vadd.s32 v19, v35;
	[tilespmem:v63+s17+$0x0] =	vst.idx.msk $0xffff, v49;
	v45 =	vld [tilespmem:s22+$0xFFFFFF40]  }
0x373: {  	v59 =	vadd.s32 v19, v33;
	[tilespmem:v61+s17+$0x0] =	vst.idx.msk $0xffff, v47;
	v49 =	vld [tilespmem:s22+$0xFFFFFD40]  }
0x374: {  	v57 =	vadd.s32 v19, v32;
	[tilespmem:v62+s17+$0x0] =	vst.idx.msk $0xffff, v42;
	v47 =	vld [tilespmem:s22+$0xFFFFF940]  }
0x375: {  	[tilespmem:v39+s17+$0x0] =	vst.idx.msk $0xffff, v40;
	v58 =	vadd.s32 v19, v34;
	v42 =	vld [tilespmem:s22+$0xFFFFFB40]  }
0x376: {  	v55 =	vadd.s32 v30, v37;
	v54 =	vld [tilespmem:s23+$0xFFFFFDF0];
	[tilespmem:v53+s17+$0x0] =	vst.idx.msk $0xffff, v52  }
0x377: {  	v60 =	vld [tilespmem:s23+$0xFFFFF9F0];
	v61 =	vadd.s32 v30, v36;
	[tilespmem:v56+s17+$0x0] =	vst.idx.msk $0xffff, v45  }
0x378: {  	v38 =	vadd.s32 v31, v38;
	v62 =	vld [tilespmem:s23+$0xFFFFFC00];
	[tilespmem:v59+s17+$0x0] =	vst.idx.msk $0xffff, v49  }
0x379: {  	v52 =	vadd.s32 v20, v35;
	[tilespmem:v57+s17+$0x0] =	vst.idx.msk $0xffff, v47;
	v63 =	vld [tilespmem:s22+$0xFFFFFF50]  }
0x37a: {  	v49 =	vadd.s32 v20, v32;
	[tilespmem:v58+s17+$0x0] =	vst.idx.msk $0xffff, v42;
	v48 =	vld [tilespmem:s22+$0xFFFFF950]  }
0x37b: {  	[tilespmem:v55+s17+$0x0] =	vst.idx.msk $0xffff, v54;
	v47 =	vadd.s32 v20, v34;
	v45 =	vld [tilespmem:s22+$0xFFFFFB50]  }
0x37c: {  	v46 =	vadd.s32 v20, v33;
	[tilespmem:v61+s17+$0x0] =	vst.idx.msk $0xffff, v60;
	v44 =	vld [tilespmem:s22+$0xFFFFFD50]  }
0x37d: {  	s24 =	simm.s32 $0x8;
	v41 =	vadd.s32 v31, v37;
	v40 =	vld [tilespmem:s23+$0xFFFFFE00];
	[tilespmem:v38+s17+$0x0] =	vst.idx.msk $0xffff, v62  }
0x37e: {  	s26 =	simm.s32 $0xB;
	s25 =	simm.s32 $0xC;
	v43 =	vadd.s32 v31, v36;
	v42 =	vld [tilespmem:s23+$0xFFFFFA00];
	s23 =	simm.s32 $0x4FF0;
	[tilespmem:v52+s17+$0x0] =	vst.idx.msk $0xffff, v63  }
.LBB2_11:
0x37f: {  	p0 =	slt.u32 s25, $0x1C;
	v36 =	vmov s26;
	[tilespmem:v49+s17+$0x0] =	vst.idx.msk $0xffff, v48;
	v48 =	vld [tilespmem:s22+$0xFFFFFF60];
	v49 =	vadd.s32 v21, v35  }
0x380: {  	v37 =	vmov s24;
	s26 =	sadd.s32 $0x1, s24;
	v51 =	vadd.s32 v21, v32;
	s22 =	sadd.s32 $0x800, s22;
	v39 =	vand.u32 $0x1F, v36;
	v50 =	vld [tilespmem:s23+$0xFFFFF960];
	[tilespmem:v47+s17+$0x0] =	vst.idx.msk $0xffff, v45  }
0x381: {  	v36 =	vand.u32 $0x1C, v37;
	v37 =	vmov s26;
	s26 =	sadd.s32 $0x2, s24;
	s24 =	smov.u32 s25;
	v45 =	vld [tilespmem:s22+$0xFFFFFE10];
	v47 =	vadd.s32 v0, v39;
	[tilespmem:v46+s17+$0x0] =	vst.idx.msk $0xffff, v44  }
0x382: {  	v46 =	vadd.s32 v0, v36;
	v38 =	vand.u32 $0x1D, v37;
	v37 =	vmov s26;
	v44 =	vld [tilespmem:s22+$0xFFFFF810];
	[tilespmem:v41+s17+$0x0] =	vst.idx.msk $0xffff, v40  }
0x383: {  	v41 =	vadd.s32 v0, v38;
	v37 =	vand.u32 $0x1E, v37;
	v40 =	vld [tilespmem:s22+$0xFFFFFA10];
	[tilespmem:v43+s17+$0x0] =	vst.idx.msk $0xffff, v42  }
0x384: {  	v43 =	vadd.s32 v0, v37;
	v42 =	vld [tilespmem:s22+$0xFFFFFC10];
	[tilespmem:v49+s17+$0x0] =	vst.idx.msk $0xffff, v48  }
0x385: {  	v49 =	vadd.s32 v22, v35;
	[tilespmem:v51+s17+$0x0] =	vst.idx.msk $0xffff, v50;
	v48 =	vld [tilespmem:s23+$0xFFFFFF70]  }
0x386: {  	[tilespmem:v47+s17+$0x0] =	vst.idx.msk $0xffff, v45;
	v45 =	vld [tilespmem:s23+$0xFFFFFB60];
	v47 =	vadd.s32 v21, v34  }
0x387: {  	[tilespmem:v46+s17+$0x0] =	vst.idx.msk $0xffff, v44;
	v44 =	vld [tilespmem:s22+$0xFFFFFE20];
	v46 =	vadd.s32 v1, v39  }
0x388: {  	v51 =	vadd.s32 v1, v36;
	v50 =	vld [tilespmem:s22+$0xFFFFF820];
	[tilespmem:v41+s17+$0x0] =	vst.idx.msk $0xffff, v40  }
0x389: {  	v41 =	vadd.s32 v1, v38;
	v40 =	vld [tilespmem:s22+$0xFFFFFA20];
	[tilespmem:v43+s17+$0x0] =	vst.idx.msk $0xffff, v42  }
0x38a: {  	v43 =	vadd.s32 v1, v37;
	v42 =	vld [tilespmem:s22+$0xFFFFFC20];
	[tilespmem:v49+s17+$0x0] =	vst.idx.msk $0xffff, v48  }
0x38b: {  	[tilespmem:v47+s17+$0x0] =	vst.idx.msk $0xffff, v45;
	v45 =	vld [tilespmem:s23+$0xFFFFFF80];
	v47 =	vadd.s32 v23, v35  }
0x38c: {  	[tilespmem:v46+s17+$0x0] =	vst.idx.msk $0xffff, v44;
	v44 =	vld [tilespmem:s23+$0xFFFFFD60];
	v46 =	vadd.s32 v21, v33  }
0x38d: {  	v49 =	vadd.s32 v2, v39;
	[tilespmem:v51+s17+$0x0] =	vst.idx.msk $0xffff, v50;
	v48 =	vld [tilespmem:s22+$0xFFFFFE30]  }
0x38e: {  	v51 =	vadd.s32 v2, v36;
	v50 =	vld [tilespmem:s22+$0xFFFFF830];
	[tilespmem:v41+s17+$0x0] =	vst.idx.msk $0xffff, v40  }
0x38f: {  	v41 =	vadd.s32 v2, v38;
	v40 =	vld [tilespmem:s22+$0xFFFFFA30];
	[tilespmem:v43+s17+$0x0] =	vst.idx.msk $0xffff, v42  }
0x390: {  	v43 =	vadd.s32 v2, v37;
	v42 =	vld [tilespmem:s22+$0xFFFFFC30];
	[tilespmem:v47+s17+$0x0] =	vst.idx.msk $0xffff, v45  }
0x391: {  	v45 =	vadd.s32 v24, v35;
	[tilespmem:v46+s17+$0x0] =	vst.idx.msk $0xffff, v44;
	v44 =	vld [tilespmem:s23+$0xFFFFFF90]  }
0x392: {  	v47 =	vadd.s32 v22, v34;
	[tilespmem:v49+s17+$0x0] =	vst.idx.msk $0xffff, v48;
	v46 =	vld [tilespmem:s23+$0xFFFFFB70]  }
0x393: {  	v49 =	vadd.s32 v3, v39;
	[tilespmem:v51+s17+$0x0] =	vst.idx.msk $0xffff, v50;
	v48 =	vld [tilespmem:s22+$0xFFFFFE40]  }
0x394: {  	v51 =	vadd.s32 v3, v36;
	v50 =	vld [tilespmem:s22+$0xFFFFF840];
	[tilespmem:v41+s17+$0x0] =	vst.idx.msk $0xffff, v40  }
0x395: {  	v41 =	vadd.s32 v3, v38;
	v40 =	vld [tilespmem:s22+$0xFFFFFA40];
	[tilespmem:v43+s17+$0x0] =	vst.idx.msk $0xffff, v42  }
0x396: {  	v43 =	vadd.s32 v3, v37;
	v42 =	vld [tilespmem:s22+$0xFFFFFC40];
	[tilespmem:v45+s17+$0x0] =	vst.idx.msk $0xffff, v44  }
0x397: {  	v45 =	vadd.s32 v25, v35;
	[tilespmem:v47+s17+$0x0] =	vst.idx.msk $0xffff, v46;
	v44 =	vld [tilespmem:s23+$0xFFFFFFA0]  }
0x398: {  	v47 =	vadd.s32 v22, v33;
	[tilespmem:v49+s17+$0x0] =	vst.idx.msk $0xffff, v48;
	v46 =	vld [tilespmem:s23+$0xFFFFFD70]  }
0x399: {  	v49 =	vadd.s32 v4, v39;
	[tilespmem:v51+s17+$0x0] =	vst.idx.msk $0xffff, v50;
	v48 =	vld [tilespmem:s22+$0xFFFFFE50]  }
0x39a: {  	v51 =	vadd.s32 v4, v36;
	v50 =	vld [tilespmem:s22+$0xFFFFF850];
	[tilespmem:v41+s17+$0x0] =	vst.idx.msk $0xffff, v40  }
0x39b: {  	v41 =	vadd.s32 v4, v38;
	v40 =	vld [tilespmem:s22+$0xFFFFFA50];
	[tilespmem:v43+s17+$0x0] =	vst.idx.msk $0xffff, v42  }
0x39c: {  	v43 =	vadd.s32 v4, v37;
	v42 =	vld [tilespmem:s22+$0xFFFFFC50];
	[tilespmem:v45+s17+$0x0] =	vst.idx.msk $0xffff, v44  }
0x39d: {  	v45 =	vadd.s32 v26, v35;
	[tilespmem:v47+s17+$0x0] =	vst.idx.msk $0xffff, v46;
	v44 =	vld [tilespmem:s23+$0xFFFFFFB0]  }
0x39e: {  	v47 =	vadd.s32 v22, v32;
	[tilespmem:v49+s17+$0x0] =	vst.idx.msk $0xffff, v48;
	v46 =	vld [tilespmem:s23+$0xFFFFF970]  }
0x39f: {  	v49 =	vadd.s32 v5, v39;
	[tilespmem:v51+s17+$0x0] =	vst.idx.msk $0xffff, v50;
	v48 =	vld [tilespmem:s22+$0xFFFFFE60]  }
0x3a0: {  	v51 =	vadd.s32 v5, v36;
	v50 =	vld [tilespmem:s22+$0xFFFFF860];
	[tilespmem:v41+s17+$0x0] =	vst.idx.msk $0xffff, v40  }
0x3a1: {  	v41 =	vadd.s32 v5, v38;
	v40 =	vld [tilespmem:s22+$0xFFFFFA60];
	[tilespmem:v43+s17+$0x0] =	vst.idx.msk $0xffff, v42  }
0x3a2: {  	v43 =	vadd.s32 v5, v37;
	v42 =	vld [tilespmem:s22+$0xFFFFFC60];
	[tilespmem:v45+s17+$0x0] =	vst.idx.msk $0xffff, v44  }
0x3a3: {  	v45 =	vadd.s32 v27, v35;
	[tilespmem:v47+s17+$0x0] =	vst.idx.msk $0xffff, v46;
	v44 =	vld [tilespmem:s23+$0xFFFFFFC0]  }
0x3a4: {  	v47 =	vadd.s32 v23, v34;
	[tilespmem:v49+s17+$0x0] =	vst.idx.msk $0xffff, v48;
	v46 =	vld [tilespmem:s23+$0xFFFFFB80]  }
0x3a5: {  	v49 =	vadd.s32 v6, v39;
	[tilespmem:v51+s17+$0x0] =	vst.idx.msk $0xffff, v50;
	v48 =	vld [tilespmem:s22+$0xFFFFFE70]  }
0x3a6: {  	v51 =	vadd.s32 v6, v36;
	v50 =	vld [tilespmem:s22+$0xFFFFF870];
	[tilespmem:v41+s17+$0x0] =	vst.idx.msk $0xffff, v40  }
0x3a7: {  	v41 =	vadd.s32 v6, v38;
	v40 =	vld [tilespmem:s22+$0xFFFFFA70];
	[tilespmem:v43+s17+$0x0] =	vst.idx.msk $0xffff, v42  }
0x3a8: {  	v43 =	vadd.s32 v6, v37;
	v42 =	vld [tilespmem:s22+$0xFFFFFC70];
	[tilespmem:v45+s17+$0x0] =	vst.idx.msk $0xffff, v44  }
0x3a9: {  	v45 =	vadd.s32 v28, v35;
	[tilespmem:v47+s17+$0x0] =	vst.idx.msk $0xffff, v46;
	v44 =	vld [tilespmem:s23+$0xFFFFFFD0]  }
0x3aa: {  	v47 =	vadd.s32 v23, v33;
	[tilespmem:v49+s17+$0x0] =	vst.idx.msk $0xffff, v48;
	v46 =	vld [tilespmem:s23+$0xFFFFFD80]  }
0x3ab: {  	v49 =	vadd.s32 v7, v39;
	[tilespmem:v51+s17+$0x0] =	vst.idx.msk $0xffff, v50;
	v48 =	vld [tilespmem:s22+$0xFFFFFE80]  }
0x3ac: {  	v51 =	vadd.s32 v7, v36;
	v50 =	vld [tilespmem:s22+$0xFFFFF880];
	[tilespmem:v41+s17+$0x0] =	vst.idx.msk $0xffff, v40  }
0x3ad: {  	v41 =	vadd.s32 v7, v38;
	v40 =	vld [tilespmem:s22+$0xFFFFFA80];
	[tilespmem:v43+s17+$0x0] =	vst.idx.msk $0xffff, v42  }
0x3ae: {  	v43 =	vadd.s32 v7, v37;
	v42 =	vld [tilespmem:s22+$0xFFFFFC80];
	[tilespmem:v45+s17+$0x0] =	vst.idx.msk $0xffff, v44  }
0x3af: {  	v45 =	vadd.s32 v29, v35;
	[tilespmem:v47+s17+$0x0] =	vst.idx.msk $0xffff, v46;
	v44 =	vld [tilespmem:s23+$0xFFFFFFE0]  }
0x3b0: {  	v47 =	vadd.s32 v23, v32;
	[tilespmem:v49+s17+$0x0] =	vst.idx.msk $0xffff, v48;
	v46 =	vld [tilespmem:s23+$0xFFFFF980]  }
0x3b1: {  	v49 =	vadd.s32 v8, v39;
	[tilespmem:v51+s17+$0x0] =	vst.idx.msk $0xffff, v50;
	v48 =	vld [tilespmem:s22+$0xFFFFFE90]  }
0x3b2: {  	v51 =	vadd.s32 v8, v36;
	v50 =	vld [tilespmem:s22+$0xFFFFF890];
	[tilespmem:v41+s17+$0x0] =	vst.idx.msk $0xffff, v40  }
0x3b3: {  	v41 =	vadd.s32 v8, v38;
	v40 =	vld [tilespmem:s22+$0xFFFFFA90];
	[tilespmem:v43+s17+$0x0] =	vst.idx.msk $0xffff, v42  }
0x3b4: {  	v43 =	vadd.s32 v8, v37;
	v42 =	vld [tilespmem:s22+$0xFFFFFC90];
	[tilespmem:v45+s17+$0x0] =	vst.idx.msk $0xffff, v44  }
0x3b5: {  	v45 =	vadd.s32 v30, v35;
	[tilespmem:v47+s17+$0x0] =	vst.idx.msk $0xffff, v46;
	v44 =	vld [tilespmem:s23+$0xFFFFFFF0]  }
0x3b6: {  	v47 =	vadd.s32 v24, v34;
	[tilespmem:v49+s17+$0x0] =	vst.idx.msk $0xffff, v48;
	v46 =	vld [tilespmem:s23+$0xFFFFFB90]  }
0x3b7: {  	v49 =	vadd.s32 v9, v39;
	[tilespmem:v51+s17+$0x0] =	vst.idx.msk $0xffff, v50;
	v48 =	vld [tilespmem:s22+$0xFFFFFEA0]  }
0x3b8: {  	v51 =	vadd.s32 v9, v36;
	v50 =	vld [tilespmem:s22+$0xFFFFF8A0];
	[tilespmem:v41+s17+$0x0] =	vst.idx.msk $0xffff, v40  }
0x3b9: {  	v41 =	vadd.s32 v9, v38;
	v40 =	vld [tilespmem:s22+$0xFFFFFAA0];
	[tilespmem:v43+s17+$0x0] =	vst.idx.msk $0xffff, v42  }
0x3ba: {  	v43 =	vadd.s32 v9, v37;
	v42 =	vld [tilespmem:s22+$0xFFFFFCA0];
	[tilespmem:v45+s17+$0x0] =	vst.idx.msk $0xffff, v44  }
0x3bb: {  	v45 =	vadd.s32 v31, v35;
	v35 =	vmov v39;
	[tilespmem:v47+s17+$0x0] =	vst.idx.msk $0xffff, v46;
	v44 =	vld [tilespmem:s23+$0x0]  }
0x3bc: {  	v46 =	vadd.s32 v24, v33;
	[tilespmem:v49+s17+$0x0] =	vst.idx.msk $0xffff, v48;
	v39 =	vld [tilespmem:s23+$0xFFFFFD90]  }
0x3bd: {  	v48 =	vadd.s32 v10, v35;
	[tilespmem:v51+s17+$0x0] =	vst.idx.msk $0xffff, v50;
	v47 =	vld [tilespmem:s22+$0xFFFFFEB0]  }
0x3be: {  	v50 =	vadd.s32 v10, v36;
	v49 =	vld [tilespmem:s22+$0xFFFFF8B0];
	[tilespmem:v41+s17+$0x0] =	vst.idx.msk $0xffff, v40  }
0x3bf: {  	v41 =	vadd.s32 v10, v38;
	v40 =	vld [tilespmem:s22+$0xFFFFFAB0];
	[tilespmem:v43+s17+$0x0] =	vst.idx.msk $0xffff, v42  }
0x3c0: {  	v43 =	vadd.s32 v10, v37;
	v42 =	vld [tilespmem:s22+$0xFFFFFCB0];
	[tilespmem:v45+s17+$0x0] =	vst.idx.msk $0xffff, v44  }
0x3c1: {  	v45 =	vadd.s32 v24, v32;
	v44 =	vld [tilespmem:s23+$0xFFFFF990];
	[tilespmem:v46+s17+$0x0] =	vst.idx.msk $0xffff, v39  }
0x3c2: {  	v46 =	vadd.s32 v25, v34;
	[tilespmem:v48+s17+$0x0] =	vst.idx.msk $0xffff, v47;
	v39 =	vld [tilespmem:s23+$0xFFFFFBA0]  }
0x3c3: {  	v48 =	vadd.s32 v11, v35;
	[tilespmem:v50+s17+$0x0] =	vst.idx.msk $0xffff, v49;
	v47 =	vld [tilespmem:s22+$0xFFFFFEC0]  }
0x3c4: {  	v50 =	vadd.s32 v11, v36;
	v49 =	vld [tilespmem:s22+$0xFFFFF8C0];
	[tilespmem:v41+s17+$0x0] =	vst.idx.msk $0xffff, v40  }
0x3c5: {  	v41 =	vadd.s32 v11, v38;
	v40 =	vld [tilespmem:s22+$0xFFFFFAC0];
	[tilespmem:v43+s17+$0x0] =	vst.idx.msk $0xffff, v42  }
0x3c6: {  	v43 =	vadd.s32 v11, v37;
	v42 =	vld [tilespmem:s22+$0xFFFFFCC0];
	[tilespmem:v45+s17+$0x0] =	vst.idx.msk $0xffff, v44  }
0x3c7: {  	v44 =	vadd.s32 v25, v33;
	[tilespmem:v46+s17+$0x0] =	vst.idx.msk $0xffff, v39;
	v39 =	vld [tilespmem:s23+$0xFFFFFDA0]  }
0x3c8: {  	v46 =	vadd.s32 v25, v32;
	[tilespmem:v48+s17+$0x0] =	vst.idx.msk $0xffff, v47;
	v45 =	vld [tilespmem:s23+$0xFFFFF9A0]  }
0x3c9: {  	v48 =	vadd.s32 v12, v35;
	[tilespmem:v50+s17+$0x0] =	vst.idx.msk $0xffff, v49;
	v47 =	vld [tilespmem:s22+$0xFFFFFED0]  }
0x3ca: {  	v50 =	vadd.s32 v12, v36;
	v49 =	vld [tilespmem:s22+$0xFFFFF8D0];
	[tilespmem:v41+s17+$0x0] =	vst.idx.msk $0xffff, v40  }
0x3cb: {  	v41 =	vadd.s32 v12, v38;
	v40 =	vld [tilespmem:s22+$0xFFFFFAD0];
	[tilespmem:v43+s17+$0x0] =	vst.idx.msk $0xffff, v42  }
0x3cc: {  	v43 =	vadd.s32 v12, v37;
	v42 =	vld [tilespmem:s22+$0xFFFFFCD0];
	[tilespmem:v44+s17+$0x0] =	vst.idx.msk $0xffff, v39  }
0x3cd: {  	v44 =	vadd.s32 v26, v34;
	[tilespmem:v46+s17+$0x0] =	vst.idx.msk $0xffff, v45;
	v39 =	vld [tilespmem:s23+$0xFFFFFBB0]  }
0x3ce: {  	v46 =	vadd.s32 v26, v33;
	[tilespmem:v48+s17+$0x0] =	vst.idx.msk $0xffff, v47;
	v45 =	vld [tilespmem:s23+$0xFFFFFDB0]  }
0x3cf: {  	v48 =	vadd.s32 v13, v35;
	[tilespmem:v50+s17+$0x0] =	vst.idx.msk $0xffff, v49;
	v47 =	vld [tilespmem:s22+$0xFFFFFEE0]  }
0x3d0: {  	v50 =	vadd.s32 v13, v36;
	v49 =	vld [tilespmem:s22+$0xFFFFF8E0];
	[tilespmem:v41+s17+$0x0] =	vst.idx.msk $0xffff, v40  }
0x3d1: {  	v41 =	vadd.s32 v13, v38;
	v40 =	vld [tilespmem:s22+$0xFFFFFAE0];
	[tilespmem:v43+s17+$0x0] =	vst.idx.msk $0xffff, v42  }
0x3d2: {  	v43 =	vadd.s32 v13, v37;
	v42 =	vld [tilespmem:s22+$0xFFFFFCE0];
	[tilespmem:v44+s17+$0x0] =	vst.idx.msk $0xffff, v39  }
0x3d3: {  	v44 =	vadd.s32 v26, v32;
	v39 =	vld [tilespmem:s23+$0xFFFFF9B0];
	[tilespmem:v46+s17+$0x0] =	vst.idx.msk $0xffff, v45  }
0x3d4: {  	v46 =	vadd.s32 v27, v34;
	[tilespmem:v48+s17+$0x0] =	vst.idx.msk $0xffff, v47;
	v45 =	vld [tilespmem:s23+$0xFFFFFBC0]  }
0x3d5: {  	v48 =	vadd.s32 v14, v35;
	[tilespmem:v50+s17+$0x0] =	vst.idx.msk $0xffff, v49;
	v47 =	vld [tilespmem:s22+$0xFFFFFEF0]  }
0x3d6: {  	v50 =	vadd.s32 v14, v36;
	v49 =	vld [tilespmem:s22+$0xFFFFF8F0];
	[tilespmem:v41+s17+$0x0] =	vst.idx.msk $0xffff, v40  }
0x3d7: {  	v41 =	vadd.s32 v14, v38;
	v40 =	vld [tilespmem:s22+$0xFFFFFAF0];
	[tilespmem:v43+s17+$0x0] =	vst.idx.msk $0xffff, v42  }
0x3d8: {  	v43 =	vadd.s32 v14, v37;
	v42 =	vld [tilespmem:s22+$0xFFFFFCF0];
	[tilespmem:v44+s17+$0x0] =	vst.idx.msk $0xffff, v39  }
0x3d9: {  	v44 =	vadd.s32 v27, v33;
	[tilespmem:v46+s17+$0x0] =	vst.idx.msk $0xffff, v45;
	v39 =	vld [tilespmem:s23+$0xFFFFFDC0]  }
0x3da: {  	v46 =	vadd.s32 v27, v32;
	[tilespmem:v48+s17+$0x0] =	vst.idx.msk $0xffff, v47;
	v45 =	vld [tilespmem:s23+$0xFFFFF9C0]  }
0x3db: {  	v48 =	vadd.s32 v15, v35;
	[tilespmem:v50+s17+$0x0] =	vst.idx.msk $0xffff, v49;
	v47 =	vld [tilespmem:s22+$0xFFFFFF00]  }
0x3dc: {  	v50 =	vadd.s32 v15, v36;
	v49 =	vld [tilespmem:s22+$0xFFFFF900];
	[tilespmem:v41+s17+$0x0] =	vst.idx.msk $0xffff, v40  }
0x3dd: {  	v41 =	vadd.s32 v15, v38;
	v40 =	vld [tilespmem:s22+$0xFFFFFB00];
	[tilespmem:v43+s17+$0x0] =	vst.idx.msk $0xffff, v42  }
0x3de: {  	v43 =	vadd.s32 v15, v37;
	v42 =	vld [tilespmem:s22+$0xFFFFFD00];
	[tilespmem:v44+s17+$0x0] =	vst.idx.msk $0xffff, v39  }
0x3df: {  	v44 =	vadd.s32 v28, v34;
	[tilespmem:v46+s17+$0x0] =	vst.idx.msk $0xffff, v45;
	v39 =	vld [tilespmem:s23+$0xFFFFFBD0]  }
0x3e0: {  	v46 =	vadd.s32 v28, v33;
	[tilespmem:v48+s17+$0x0] =	vst.idx.msk $0xffff, v47;
	v45 =	vld [tilespmem:s23+$0xFFFFFDD0]  }
0x3e1: {  	v48 =	vadd.s32 v16, v35;
	[tilespmem:v50+s17+$0x0] =	vst.idx.msk $0xffff, v49;
	v47 =	vld [tilespmem:s22+$0xFFFFFF10]  }
0x3e2: {  	v50 =	vadd.s32 v16, v36;
	v49 =	vld [tilespmem:s22+$0xFFFFF910];
	[tilespmem:v41+s17+$0x0] =	vst.idx.msk $0xffff, v40  }
0x3e3: {  	v41 =	vadd.s32 v16, v38;
	v40 =	vld [tilespmem:s22+$0xFFFFFB10];
	[tilespmem:v43+s17+$0x0] =	vst.idx.msk $0xffff, v42  }
0x3e4: {  	v43 =	vadd.s32 v16, v37;
	v42 =	vld [tilespmem:s22+$0xFFFFFD10];
	[tilespmem:v44+s17+$0x0] =	vst.idx.msk $0xffff, v39  }
0x3e5: {  	v44 =	vadd.s32 v28, v32;
	v39 =	vld [tilespmem:s23+$0xFFFFF9D0];
	[tilespmem:v46+s17+$0x0] =	vst.idx.msk $0xffff, v45  }
0x3e6: {  	v46 =	vadd.s32 v29, v34;
	[tilespmem:v48+s17+$0x0] =	vst.idx.msk $0xffff, v47;
	v45 =	vld [tilespmem:s23+$0xFFFFFBE0]  }
0x3e7: {  	v48 =	vadd.s32 v17, v35;
	[tilespmem:v50+s17+$0x0] =	vst.idx.msk $0xffff, v49;
	v47 =	vld [tilespmem:s22+$0xFFFFFF20]  }
0x3e8: {  	v50 =	vadd.s32 v17, v36;
	v49 =	vld [tilespmem:s22+$0xFFFFF920];
	[tilespmem:v41+s17+$0x0] =	vst.idx.msk $0xffff, v40  }
0x3e9: {  	v41 =	vadd.s32 v17, v38;
	v40 =	vld [tilespmem:s22+$0xFFFFFB20];
	[tilespmem:v43+s17+$0x0] =	vst.idx.msk $0xffff, v42  }
0x3ea: {  	v43 =	vadd.s32 v17, v37;
	v42 =	vld [tilespmem:s22+$0xFFFFFD20];
	[tilespmem:v44+s17+$0x0] =	vst.idx.msk $0xffff, v39  }
0x3eb: {  	v44 =	vadd.s32 v29, v33;
	[tilespmem:v46+s17+$0x0] =	vst.idx.msk $0xffff, v45;
	v39 =	vld [tilespmem:s23+$0xFFFFFDE0]  }
0x3ec: {  	v46 =	vadd.s32 v29, v32;
	[tilespmem:v48+s17+$0x0] =	vst.idx.msk $0xffff, v47;
	v45 =	vld [tilespmem:s23+$0xFFFFF9E0]  }
0x3ed: {  	v48 =	vadd.s32 v18, v35;
	[tilespmem:v50+s17+$0x0] =	vst.idx.msk $0xffff, v49;
	v47 =	vld [tilespmem:s22+$0xFFFFFF30]  }
0x3ee: {  	v50 =	vadd.s32 v18, v36;
	v49 =	vld [tilespmem:s22+$0xFFFFF930];
	[tilespmem:v41+s17+$0x0] =	vst.idx.msk $0xffff, v40  }
0x3ef: {  	v41 =	vadd.s32 v18, v38;
	v40 =	vld [tilespmem:s22+$0xFFFFFB30];
	[tilespmem:v43+s17+$0x0] =	vst.idx.msk $0xffff, v42  }
0x3f0: {  	v43 =	vadd.s32 v18, v37;
	v42 =	vld [tilespmem:s22+$0xFFFFFD30];
	[tilespmem:v44+s17+$0x0] =	vst.idx.msk $0xffff, v39  }
0x3f1: {  	v44 =	vadd.s32 v30, v34;
	[tilespmem:v46+s17+$0x0] =	vst.idx.msk $0xffff, v45;
	v39 =	vld [tilespmem:s23+$0xFFFFFBF0]  }
0x3f2: {  	v46 =	vadd.s32 v30, v33;
	[tilespmem:v48+s17+$0x0] =	vst.idx.msk $0xffff, v47;
	v45 =	vld [tilespmem:s23+$0xFFFFFDF0]  }
0x3f3: {  	v48 =	vadd.s32 v19, v35;
	[tilespmem:v50+s17+$0x0] =	vst.idx.msk $0xffff, v49;
	v47 =	vld [tilespmem:s22+$0xFFFFFF40]  }
0x3f4: {  	v50 =	vadd.s32 v19, v36;
	v49 =	vld [tilespmem:s22+$0xFFFFF940];
	[tilespmem:v41+s17+$0x0] =	vst.idx.msk $0xffff, v40  }
0x3f5: {  	v41 =	vadd.s32 v19, v38;
	v40 =	vld [tilespmem:s22+$0xFFFFFB40];
	[tilespmem:v43+s17+$0x0] =	vst.idx.msk $0xffff, v42  }
0x3f6: {  	v43 =	vadd.s32 v19, v37;
	v42 =	vld [tilespmem:s22+$0xFFFFFD40];
	[tilespmem:v44+s17+$0x0] =	vst.idx.msk $0xffff, v39  }
0x3f7: {  	v51 =	vadd.s32 v30, v32;
	v39 =	vld [tilespmem:s23+$0xFFFFF9F0];
	[tilespmem:v46+s17+$0x0] =	vst.idx.msk $0xffff, v45  }
0x3f8: {  	v53 =	vadd.s32 v31, v34;
	v34 =	vmov v38;
	[tilespmem:v48+s17+$0x0] =	vst.idx.msk $0xffff, v47;
	v52 =	vld [tilespmem:s23+$0xFFFFFC00]  }
0x3f9: {  	[tilespmem:v50+s17+$0x0] =	vst.idx.msk $0xffff, v49;
	v38 =	vld [tilespmem:s22+$0xFFFFFF50];
	v50 =	vadd.s32 v20, v35  }
.Ltmp5:
0x3fa: {  	v49 =	vadd.s32 v20, v36;
	v48 =	vld [tilespmem:s22+$0xFFFFF950];
	[tilespmem:v41+s17+$0x0] =	vst.idx.msk $0xffff, v40;
	(pc) =	sbr.rel @p0 .LBB2_11-.Ltmp5, $4  }
0x3fb: {  	v47 =	vadd.s32 v20, v34;
	v45 =	vld [tilespmem:s22+$0xFFFFFB50];
	[tilespmem:v43+s17+$0x0] =	vst.idx.msk $0xffff, v42  }
0x3fc: {  	v46 =	vadd.s32 v20, v37;
	v44 =	vld [tilespmem:s22+$0xFFFFFD50];
	[tilespmem:v51+s17+$0x0] =	vst.idx.msk $0xffff, v39  }
0x3fd: {  	v41 =	vadd.s32 v31, v33;
	v33 =	vmov v37;
	[tilespmem:v53+s17+$0x0] =	vst.idx.msk $0xffff, v52;
	v40 =	vld [tilespmem:s23+$0xFFFFFE00]  }
0x3fe: {  	s25 =	sadd.s32 $0x4, s25;
	s26 =	sadd.s32 $0x3, s24;
	v43 =	vadd.s32 v31, v32;
	v32 =	vmov v36;
	[tilespmem:v50+s17+$0x0] =	vst.idx.msk $0xffff, v38;
	v42 =	vld [tilespmem:s23+$0xFFFFFA00];
	s23 =	smov.u32 s22  }
0x3ff: {  	v36 =	vmov s26;
	s30 =	sadd.s32 $0x1, s24  }
0x400: {  	s25 =	sadd.s32 $0x800, s22;
	s31 =	sadd.s32 $0x2, s24;
	v36 =	vand.u32 $0x1F, v36;
	v37 =	vmov s30  }
0x401: {  	v39 =	vmov s31;
	v50 =	vld [tilespmem:s25+$0xFFFFFE10];
	v51 =	vadd.s32 v0, v36;
	v38 =	vand.u32 $0x1D, v37  }
0x402: {  	v59 =	vmov s24;
	v52 =	vld [tilespmem:s25+$0xFFFFFA10];
	v39 =	vand.u32 $0x1E, v39;
	v53 =	vadd.s32 v0, v38  }
0x403: {  	v54 =	vld [tilespmem:s25+$0xFFFFFC10];
	v37 =	vand.u32 $0x1C, v59;
	v55 =	vadd.s32 v0, v39  }
0x404: {  	v56 =	vld [tilespmem:s25+$0xFFFFF810];
	v57 =	vadd.s32 v0, v37;
	_ =	sdelay $0x1  }
0x405: {  	[tilespmem:v51+s17+$0x0] =	vst.idx.msk $0xffff, v50  }
0x406: {  	v60 =	vadd.s32 v1, v36;
	v50 =	vld [tilespmem:s25+$0xFFFFFE20];
	[tilespmem:v53+s17+$0x0] =	vst.idx.msk $0xffff, v52  }
0x407: {  	v61 =	vadd.s32 v1, v38;
	[tilespmem:v55+s17+$0x0] =	vst.idx.msk $0xffff, v54;
	v52 =	vld [tilespmem:s25+$0xFFFFFA20]  }
0x408: {  	v62 =	vadd.s32 v1, v39;
	[tilespmem:v57+s17+$0x0] =	vst.idx.msk $0xffff, v56;
	v54 =	vld [tilespmem:s25+$0xFFFFFC20]  }
0x409: {  	v63 =	vadd.s32 v1, v37;
	v56 =	vld [tilespmem:s25+$0xFFFFF820];
	_ =	sdelay $0x1  }
0x40a: {  	[tilespmem:v60+s17+$0x0] =	vst.idx.msk $0xffff, v50  }
0x40b: {  	v60 =	vadd.s32 v2, v36;
	v50 =	vld [tilespmem:s25+$0xFFFFFE30];
	[tilespmem:v61+s17+$0x0] =	vst.idx.msk $0xffff, v52  }
0x40c: {  	v61 =	vadd.s32 v2, v38;
	[tilespmem:v62+s17+$0x0] =	vst.idx.msk $0xffff, v54;
	v52 =	vld [tilespmem:s25+$0xFFFFFA30]  }
0x40d: {  	[tilespmem:v63+s17+$0x0] =	vst.idx.msk $0xffff, v56;
	v62 =	vadd.s32 v2, v39;
	v54 =	vld [tilespmem:s25+$0xFFFFFC30]  }
0x40e: {  	v63 =	vadd.s32 v2, v37;
	v56 =	vld [tilespmem:s25+$0xFFFFF830];
	_ =	sdelay $0x1  }
0x40f: {  	[tilespmem:v60+s17+$0x0] =	vst.idx.msk $0xffff, v50  }
0x410: {  	v60 =	vadd.s32 v3, v36;
	v50 =	vld [tilespmem:s25+$0xFFFFFE40];
	[tilespmem:v61+s17+$0x0] =	vst.idx.msk $0xffff, v52  }
0x411: {  	v61 =	vadd.s32 v3, v38;
	[tilespmem:v62+s17+$0x0] =	vst.idx.msk $0xffff, v54;
	v52 =	vld [tilespmem:s25+$0xFFFFFA40]  }
0x412: {  	[tilespmem:v63+s17+$0x0] =	vst.idx.msk $0xffff, v56;
	v62 =	vadd.s32 v3, v39;
	v54 =	vld [tilespmem:s25+$0xFFFFFC40]  }
0x413: {  	v63 =	vadd.s32 v3, v37;
	v56 =	vld [tilespmem:s25+$0xFFFFF840];
	_ =	sdelay $0x1  }
0x414: {  	[tilespmem:v60+s17+$0x0] =	vst.idx.msk $0xffff, v50  }
0x415: {  	v60 =	vadd.s32 v4, v36;
	v50 =	vld [tilespmem:s25+$0xFFFFFE50];
	[tilespmem:v61+s17+$0x0] =	vst.idx.msk $0xffff, v52  }
0x416: {  	v61 =	vadd.s32 v4, v38;
	[tilespmem:v62+s17+$0x0] =	vst.idx.msk $0xffff, v54;
	v52 =	vld [tilespmem:s25+$0xFFFFFA50]  }
0x417: {  	[tilespmem:v63+s17+$0x0] =	vst.idx.msk $0xffff, v56;
	v62 =	vadd.s32 v4, v39;
	v54 =	vld [tilespmem:s25+$0xFFFFFC50]  }
0x418: {  	v63 =	vadd.s32 v4, v37;
	v56 =	vld [tilespmem:s25+$0xFFFFF850];
	_ =	sdelay $0x1  }
0x419: {  	[tilespmem:v60+s17+$0x0] =	vst.idx.msk $0xffff, v50  }
0x41a: {  	v60 =	vadd.s32 v5, v36;
	v50 =	vld [tilespmem:s25+$0xFFFFFE60];
	[tilespmem:v61+s17+$0x0] =	vst.idx.msk $0xffff, v52  }
0x41b: {  	v61 =	vadd.s32 v5, v38;
	[tilespmem:v62+s17+$0x0] =	vst.idx.msk $0xffff, v54;
	v52 =	vld [tilespmem:s25+$0xFFFFFA60]  }
0x41c: {  	[tilespmem:v63+s17+$0x0] =	vst.idx.msk $0xffff, v56;
	v62 =	vadd.s32 v5, v39;
	v54 =	vld [tilespmem:s25+$0xFFFFFC60]  }
0x41d: {  	v63 =	vadd.s32 v5, v37;
	v56 =	vld [tilespmem:s25+$0xFFFFF860];
	_ =	sdelay $0x1  }
0x41e: {  	[tilespmem:v60+s17+$0x0] =	vst.idx.msk $0xffff, v50  }
0x41f: {  	v60 =	vadd.s32 v6, v36;
	v50 =	vld [tilespmem:s25+$0xFFFFFE70];
	[tilespmem:v61+s17+$0x0] =	vst.idx.msk $0xffff, v52  }
0x420: {  	v61 =	vadd.s32 v6, v38;
	[tilespmem:v62+s17+$0x0] =	vst.idx.msk $0xffff, v54;
	v52 =	vld [tilespmem:s25+$0xFFFFFA70]  }
0x421: {  	[tilespmem:v63+s17+$0x0] =	vst.idx.msk $0xffff, v56;
	v62 =	vadd.s32 v6, v39;
	v54 =	vld [tilespmem:s25+$0xFFFFFC70]  }
0x422: {  	v63 =	vadd.s32 v6, v37;
	v56 =	vld [tilespmem:s25+$0xFFFFF870];
	_ =	sdelay $0x1  }
0x423: {  	[tilespmem:v60+s17+$0x0] =	vst.idx.msk $0xffff, v50  }
0x424: {  	v60 =	vadd.s32 v7, v36;
	v50 =	vld [tilespmem:s25+$0xFFFFFE80];
	[tilespmem:v61+s17+$0x0] =	vst.idx.msk $0xffff, v52  }
0x425: {  	v61 =	vadd.s32 v7, v38;
	[tilespmem:v62+s17+$0x0] =	vst.idx.msk $0xffff, v54;
	v52 =	vld [tilespmem:s25+$0xFFFFFA80]  }
0x426: {  	[tilespmem:v63+s17+$0x0] =	vst.idx.msk $0xffff, v56;
	v62 =	vadd.s32 v7, v39;
	v54 =	vld [tilespmem:s25+$0xFFFFFC80]  }
0x427: {  	v63 =	vadd.s32 v7, v37;
	v56 =	vld [tilespmem:s25+$0xFFFFF880]  }
0x428: {  	[tilespmem:v49+s17+$0x0] =	vst.idx.msk $0xffff, v48  }
0x429: {  	[tilespmem:v60+s17+$0x0] =	vst.idx.msk $0xffff, v50  }
0x42a: {  	v60 =	vadd.s32 v8, v36;
	[tilespmem:v61+s17+$0x0] =	vst.idx.msk $0xffff, v52;
	v59 =	vld [tilespmem:s25+$0xFFFFFE90]  }
0x42b: {  	[tilespmem:v62+s17+$0x0] =	vst.idx.msk $0xffff, v54;
	v62 =	vadd.s32 v8, v38;
	v61 =	vld [tilespmem:s25+$0xFFFFFA90]  }
0x42c: {  	[tilespmem:v63+s17+$0x0] =	vst.idx.msk $0xffff, v56;
	v56 =	vadd.s32 v8, v39;
	v63 =	vld [tilespmem:s25+$0xFFFFFC90]  }
0x42d: {  	[tilespmem:v47+s17+$0x0] =	vst.idx.msk $0xffff, v45;
	v58 =	vadd.s32 v8, v37;
	v57 =	vld [tilespmem:s25+$0xFFFFF890]  }
0x42e: {  	[tilespmem:v46+s17+$0x0] =	vst.idx.msk $0xffff, v44  }
0x42f: {  	[tilespmem:v60+s17+$0x0] =	vst.idx.msk $0xffff, v59  }
0x430: {  	v59 =	vadd.s32 v9, v36;
	v44 =	vld [tilespmem:s25+$0xFFFFFEA0];
	[tilespmem:v62+s17+$0x0] =	vst.idx.msk $0xffff, v61  }
0x431: {  	v60 =	vadd.s32 v9, v38;
	[tilespmem:v56+s17+$0x0] =	vst.idx.msk $0xffff, v63;
	v48 =	vld [tilespmem:s25+$0xFFFFFAA0]  }
0x432: {  	[tilespmem:v58+s17+$0x0] =	vst.idx.msk $0xffff, v57;
	v62 =	vadd.s32 v9, v39;
	v61 =	vld [tilespmem:s25+$0xFFFFFCA0]  }
0x433: {  	[tilespmem:v41+s17+$0x0] =	vst.idx.msk $0xffff, v40;
	v54 =	vadd.s32 v9, v37;
	v63 =	vld [tilespmem:s25+$0xFFFFF8A0]  }
0x434: {  	[tilespmem:v43+s17+$0x0] =	vst.idx.msk $0xffff, v42;
	v55 =	vld [tilespmem:s22+$0xFFFFFF60];
	v56 =	vadd.s32 v21, v35  }
0x435: {  	v57 =	vld [tilespmem:s23+$0xFFFFF960];
	v58 =	vadd.s32 v21, v32;
	[tilespmem:v59+s17+$0x0] =	vst.idx.msk $0xffff, v44  }
0x436: {  	v59 =	vadd.s32 v10, v36;
	v44 =	vld [tilespmem:s25+$0xFFFFFEB0];
	[tilespmem:v60+s17+$0x0] =	vst.idx.msk $0xffff, v48  }
0x437: {  	v60 =	vadd.s32 v10, v38;
	[tilespmem:v62+s17+$0x0] =	vst.idx.msk $0xffff, v61;
	v48 =	vld [tilespmem:s25+$0xFFFFFAB0]  }
0x438: {  	[tilespmem:v54+s17+$0x0] =	vst.idx.msk $0xffff, v63;
	v62 =	vadd.s32 v10, v39;
	v61 =	vld [tilespmem:s25+$0xFFFFFCB0]  }
0x439: {  	[tilespmem:v56+s17+$0x0] =	vst.idx.msk $0xffff, v55;
	v54 =	vadd.s32 v10, v37;
	v63 =	vld [tilespmem:s25+$0xFFFFF8B0]  }
0x43a: {  	[tilespmem:v58+s17+$0x0] =	vst.idx.msk $0xffff, v57;
	v56 =	vadd.s32 v22, v35;
	v55 =	vld [tilespmem:s23+$0xFFFFFF70]  }
0x43b: {  	v57 =	vld [tilespmem:s23+$0xFFFFFB60];
	v58 =	vadd.s32 v21, v34;
	[tilespmem:v59+s17+$0x0] =	vst.idx.msk $0xffff, v44  }
0x43c: {  	v59 =	vadd.s32 v11, v36;
	v44 =	vld [tilespmem:s25+$0xFFFFFEC0];
	[tilespmem:v60+s17+$0x0] =	vst.idx.msk $0xffff, v48  }
0x43d: {  	v60 =	vadd.s32 v11, v38;
	[tilespmem:v62+s17+$0x0] =	vst.idx.msk $0xffff, v61;
	v48 =	vld [tilespmem:s25+$0xFFFFFAC0]  }
0x43e: {  	[tilespmem:v54+s17+$0x0] =	vst.idx.msk $0xffff, v63;
	v61 =	vadd.s32 v11, v39;
	v40 =	vld [tilespmem:s25+$0xFFFFFCC0]  }
0x43f: {  	[tilespmem:v56+s17+$0x0] =	vst.idx.msk $0xffff, v55;
	v63 =	vadd.s32 v11, v37;
	v62 =	vld [tilespmem:s25+$0xFFFFF8C0]  }
0x440: {  	[tilespmem:v58+s17+$0x0] =	vst.idx.msk $0xffff, v57;
	v55 =	vadd.s32 v23, v35;
	v54 =	vld [tilespmem:s23+$0xFFFFFF80]  }
0x441: {  	v57 =	vadd.s32 v21, v33;
	v56 =	vld [tilespmem:s23+$0xFFFFFD60];
	[tilespmem:v59+s17+$0x0] =	vst.idx.msk $0xffff, v44  }
0x442: {  	v58 =	vadd.s32 v12, v36;
	v44 =	vld [tilespmem:s25+$0xFFFFFED0];
	[tilespmem:v60+s17+$0x0] =	vst.idx.msk $0xffff, v48  }
0x443: {  	v59 =	vadd.s32 v12, v38;
	[tilespmem:v61+s17+$0x0] =	vst.idx.msk $0xffff, v40;
	v48 =	vld [tilespmem:s25+$0xFFFFFAD0]  }
0x444: {  	[tilespmem:v63+s17+$0x0] =	vst.idx.msk $0xffff, v62;
	v60 =	vadd.s32 v12, v39;
	v40 =	vld [tilespmem:s25+$0xFFFFFCD0]  }
0x445: {  	[tilespmem:v55+s17+$0x0] =	vst.idx.msk $0xffff, v54;
	v61 =	vadd.s32 v12, v37;
	v42 =	vld [tilespmem:s25+$0xFFFFF8D0]  }
0x446: {  	[tilespmem:v57+s17+$0x0] =	vst.idx.msk $0xffff, v56;
	v45 =	vld [tilespmem:s23+$0xFFFFFF90];
	v62 =	vadd.s32 v24, v35  }
0x447: {  	v54 =	vadd.s32 v22, v34;
	v63 =	vld [tilespmem:s23+$0xFFFFFB70];
	[tilespmem:v58+s17+$0x0] =	vst.idx.msk $0xffff, v44  }
0x448: {  	v55 =	vadd.s32 v13, v36;
	v44 =	vld [tilespmem:s25+$0xFFFFFEE0];
	[tilespmem:v59+s17+$0x0] =	vst.idx.msk $0xffff, v48  }
0x449: {  	v56 =	vadd.s32 v13, v38;
	[tilespmem:v60+s17+$0x0] =	vst.idx.msk $0xffff, v40;
	v48 =	vld [tilespmem:s25+$0xFFFFFAE0]  }
0x44a: {  	v57 =	vadd.s32 v13, v39;
	[tilespmem:v61+s17+$0x0] =	vst.idx.msk $0xffff, v42;
	v40 =	vld [tilespmem:s25+$0xFFFFFCE0]  }
0x44b: {  	[tilespmem:v62+s17+$0x0] =	vst.idx.msk $0xffff, v45;
	v58 =	vadd.s32 v13, v37;
	v42 =	vld [tilespmem:s25+$0xFFFFF8E0]  }
0x44c: {  	[tilespmem:v54+s17+$0x0] =	vst.idx.msk $0xffff, v63;
	v45 =	vld [tilespmem:s23+$0xFFFFFFA0];
	v59 =	vadd.s32 v25, v35  }
0x44d: {  	v60 =	vld [tilespmem:s23+$0xFFFFFD70];
	v61 =	vadd.s32 v22, v33;
	[tilespmem:v55+s17+$0x0] =	vst.idx.msk $0xffff, v44  }
0x44e: {  	v62 =	vadd.s32 v14, v36;
	v44 =	vld [tilespmem:s25+$0xFFFFFEF0];
	[tilespmem:v56+s17+$0x0] =	vst.idx.msk $0xffff, v48  }
0x44f: {  	v63 =	vadd.s32 v14, v38;
	[tilespmem:v57+s17+$0x0] =	vst.idx.msk $0xffff, v40;
	v48 =	vld [tilespmem:s25+$0xFFFFFAF0]  }
0x450: {  	v54 =	vadd.s32 v14, v39;
	[tilespmem:v58+s17+$0x0] =	vst.idx.msk $0xffff, v42;
	v40 =	vld [tilespmem:s25+$0xFFFFFCF0]  }
0x451: {  	[tilespmem:v59+s17+$0x0] =	vst.idx.msk $0xffff, v45;
	v55 =	vadd.s32 v14, v37;
	v42 =	vld [tilespmem:s25+$0xFFFFF8F0]  }
0x452: {  	[tilespmem:v61+s17+$0x0] =	vst.idx.msk $0xffff, v60;
	v45 =	vld [tilespmem:s23+$0xFFFFFFB0];
	v56 =	vadd.s32 v26, v35  }
0x453: {  	v57 =	vld [tilespmem:s23+$0xFFFFF970];
	v58 =	vadd.s32 v22, v32;
	[tilespmem:v62+s17+$0x0] =	vst.idx.msk $0xffff, v44  }
0x454: {  	v59 =	vadd.s32 v15, v36;
	v44 =	vld [tilespmem:s25+$0xFFFFFF00];
	[tilespmem:v63+s17+$0x0] =	vst.idx.msk $0xffff, v48  }
0x455: {  	v60 =	vadd.s32 v15, v38;
	[tilespmem:v54+s17+$0x0] =	vst.idx.msk $0xffff, v40;
	v48 =	vld [tilespmem:s25+$0xFFFFFB00]  }
0x456: {  	v61 =	vadd.s32 v15, v39;
	[tilespmem:v55+s17+$0x0] =	vst.idx.msk $0xffff, v42;
	v40 =	vld [tilespmem:s25+$0xFFFFFD00]  }
0x457: {  	[tilespmem:v56+s17+$0x0] =	vst.idx.msk $0xffff, v45;
	v62 =	vadd.s32 v15, v37;
	v42 =	vld [tilespmem:s25+$0xFFFFF900]  }
0x458: {  	[tilespmem:v58+s17+$0x0] =	vst.idx.msk $0xffff, v57;
	v45 =	vld [tilespmem:s23+$0xFFFFFFC0];
	v63 =	vadd.s32 v27, v35  }
0x459: {  	v54 =	vld [tilespmem:s23+$0xFFFFFB80];
	v55 =	vadd.s32 v23, v34;
	[tilespmem:v59+s17+$0x0] =	vst.idx.msk $0xffff, v44  }
0x45a: {  	v56 =	vadd.s32 v16, v36;
	v44 =	vld [tilespmem:s25+$0xFFFFFF10];
	[tilespmem:v60+s17+$0x0] =	vst.idx.msk $0xffff, v48  }
0x45b: {  	v57 =	vadd.s32 v16, v38;
	[tilespmem:v61+s17+$0x0] =	vst.idx.msk $0xffff, v40;
	v48 =	vld [tilespmem:s25+$0xFFFFFB10]  }
0x45c: {  	v58 =	vadd.s32 v16, v39;
	[tilespmem:v62+s17+$0x0] =	vst.idx.msk $0xffff, v42;
	v40 =	vld [tilespmem:s25+$0xFFFFFD10]  }
0x45d: {  	[tilespmem:v63+s17+$0x0] =	vst.idx.msk $0xffff, v45;
	v59 =	vadd.s32 v16, v37;
	v42 =	vld [tilespmem:s25+$0xFFFFF910]  }
0x45e: {  	[tilespmem:v55+s17+$0x0] =	vst.idx.msk $0xffff, v54;
	v45 =	vld [tilespmem:s23+$0xFFFFFFD0];
	v60 =	vadd.s32 v28, v35  }
0x45f: {  	v61 =	vld [tilespmem:s23+$0xFFFFFD80];
	v62 =	vadd.s32 v23, v33;
	[tilespmem:v56+s17+$0x0] =	vst.idx.msk $0xffff, v44  }
0x460: {  	v63 =	vadd.s32 v17, v36;
	v44 =	vld [tilespmem:s25+$0xFFFFFF20];
	[tilespmem:v57+s17+$0x0] =	vst.idx.msk $0xffff, v48  }
0x461: {  	v54 =	vadd.s32 v17, v38;
	[tilespmem:v58+s17+$0x0] =	vst.idx.msk $0xffff, v40;
	v48 =	vld [tilespmem:s25+$0xFFFFFB20]  }
0x462: {  	v55 =	vadd.s32 v17, v39;
	[tilespmem:v59+s17+$0x0] =	vst.idx.msk $0xffff, v42;
	v40 =	vld [tilespmem:s25+$0xFFFFFD20]  }
0x463: {  	[tilespmem:v60+s17+$0x0] =	vst.idx.msk $0xffff, v45;
	v56 =	vadd.s32 v17, v37;
	v42 =	vld [tilespmem:s25+$0xFFFFF920]  }
0x464: {  	[tilespmem:v62+s17+$0x0] =	vst.idx.msk $0xffff, v61;
	v45 =	vld [tilespmem:s23+$0xFFFFFFE0];
	v57 =	vadd.s32 v29, v35  }
0x465: {  	v58 =	vld [tilespmem:s23+$0xFFFFF980];
	v59 =	vadd.s32 v23, v32;
	[tilespmem:v63+s17+$0x0] =	vst.idx.msk $0xffff, v44  }
0x466: {  	v60 =	vadd.s32 v18, v36;
	v44 =	vld [tilespmem:s25+$0xFFFFFF30];
	[tilespmem:v54+s17+$0x0] =	vst.idx.msk $0xffff, v48  }
0x467: {  	v61 =	vadd.s32 v18, v38;
	[tilespmem:v55+s17+$0x0] =	vst.idx.msk $0xffff, v40;
	v48 =	vld [tilespmem:s25+$0xFFFFFB30]  }
0x468: {  	v62 =	vadd.s32 v18, v39;
	[tilespmem:v56+s17+$0x0] =	vst.idx.msk $0xffff, v42;
	v40 =	vld [tilespmem:s25+$0xFFFFFD30]  }
0x469: {  	[tilespmem:v57+s17+$0x0] =	vst.idx.msk $0xffff, v45;
	v63 =	vadd.s32 v18, v37;
	v42 =	vld [tilespmem:s25+$0xFFFFF930]  }
0x46a: {  	[tilespmem:v59+s17+$0x0] =	vst.idx.msk $0xffff, v58;
	v45 =	vld [tilespmem:s23+$0xFFFFFFF0];
	v54 =	vadd.s32 v30, v35  }
0x46b: {  	v55 =	vld [tilespmem:s23+$0xFFFFFB90];
	v56 =	vadd.s32 v24, v34;
	[tilespmem:v60+s17+$0x0] =	vst.idx.msk $0xffff, v44  }
0x46c: {  	v57 =	vadd.s32 v19, v36;
	v44 =	vld [tilespmem:s25+$0xFFFFFF40];
	[tilespmem:v61+s17+$0x0] =	vst.idx.msk $0xffff, v48  }
0x46d: {  	v58 =	vadd.s32 v19, v38;
	[tilespmem:v62+s17+$0x0] =	vst.idx.msk $0xffff, v40;
	v48 =	vld [tilespmem:s25+$0xFFFFFB40]  }
0x46e: {  	v59 =	vadd.s32 v19, v39;
	[tilespmem:v63+s17+$0x0] =	vst.idx.msk $0xffff, v42;
	v40 =	vld [tilespmem:s25+$0xFFFFFD40]  }
0x46f: {  	[tilespmem:v54+s17+$0x0] =	vst.idx.msk $0xffff, v45;
	v60 =	vadd.s32 v19, v37;
	v42 =	vld [tilespmem:s25+$0xFFFFF940]  }
0x470: {  	[tilespmem:v56+s17+$0x0] =	vst.idx.msk $0xffff, v55;
	v45 =	vld [tilespmem:s23+$0x0];
	v61 =	vadd.s32 v31, v35  }
0x471: {  	v62 =	vld [tilespmem:s23+$0xFFFFFD90];
	v63 =	vadd.s32 v24, v33;
	[tilespmem:v57+s17+$0x0] =	vst.idx.msk $0xffff, v44  }
0x472: {  	v52 =	vadd.s32 v20, v36;
	v44 =	vld [tilespmem:s25+$0xFFFFFF50];
	[tilespmem:v58+s17+$0x0] =	vst.idx.msk $0xffff, v48  }
0x473: {  	v53 =	vadd.s32 v20, v38;
	[tilespmem:v59+s17+$0x0] =	vst.idx.msk $0xffff, v40;
	v48 =	vld [tilespmem:s25+$0xFFFFFB50]  }
0x474: {  	v54 =	vadd.s32 v20, v39;
	[tilespmem:v60+s17+$0x0] =	vst.idx.msk $0xffff, v42;
	v40 =	vld [tilespmem:s25+$0xFFFFFD50]  }
0x475: {  	v56 =	vadd.s32 v20, v37;
	[tilespmem:v61+s17+$0x0] =	vst.idx.msk $0xffff, v45;
	v55 =	vld [tilespmem:s25+$0xFFFFF950]  }
0x476: {  	v57 =	vld [tilespmem:s23+$0xFFFFF990];
	[tilespmem:v63+s17+$0x0] =	vst.idx.msk $0xffff, v62;
	v58 =	vadd.s32 v24, v32  }
0x477: {  	v59 =	vld [tilespmem:s23+$0xFFFFFBA0];
	v60 =	vadd.s32 v25, v34;
	[tilespmem:v52+s17+$0x0] =	vst.idx.msk $0xffff, v44  }
0x478: {  	v61 =	vadd.s32 v21, v36;
	v44 =	vld [tilespmem:s25+$0xFFFFFF60];
	[tilespmem:v53+s17+$0x0] =	vst.idx.msk $0xffff, v48  }
0x479: {  	v63 =	vadd.s32 v21, v38;
	[tilespmem:v54+s17+$0x0] =	vst.idx.msk $0xffff, v40;
	v62 =	vld [tilespmem:s25+$0xFFFFFB60]  }
0x47a: {  	[tilespmem:v56+s17+$0x0] =	vst.idx.msk $0xffff, v55;
	v53 =	vadd.s32 v21, v39;
	v52 =	vld [tilespmem:s25+$0xFFFFFD60]  }
0x47b: {  	[tilespmem:v58+s17+$0x0] =	vst.idx.msk $0xffff, v57;
	v55 =	vadd.s32 v21, v37;
	v54 =	vld [tilespmem:s25+$0xFFFFF960]  }
0x47c: {  	[tilespmem:v60+s17+$0x0] =	vst.idx.msk $0xffff, v59;
	v57 =	vadd.s32 v25, v33;
	v56 =	vld [tilespmem:s23+$0xFFFFFDA0]  }
0x47d: {  	v59 =	vadd.s32 v25, v32;
	v58 =	vld [tilespmem:s23+$0xFFFFF9A0];
	[tilespmem:v61+s17+$0x0] =	vst.idx.msk $0xffff, v44  }
0x47e: {  	v60 =	vadd.s32 v22, v36;
	v44 =	vld [tilespmem:s25+$0xFFFFFF70];
	[tilespmem:v63+s17+$0x0] =	vst.idx.msk $0xffff, v62  }
0x47f: {  	[tilespmem:v53+s17+$0x0] =	vst.idx.msk $0xffff, v52;
	v62 =	vadd.s32 v22, v38;
	v61 =	vld [tilespmem:s25+$0xFFFFFB70]  }
0x480: {  	[tilespmem:v55+s17+$0x0] =	vst.idx.msk $0xffff, v54;
	v52 =	vadd.s32 v22, v39;
	v63 =	vld [tilespmem:s25+$0xFFFFFD70]  }
0x481: {  	[tilespmem:v57+s17+$0x0] =	vst.idx.msk $0xffff, v56;
	v53 =	vadd.s32 v22, v37;
	v43 =	vld [tilespmem:s25+$0xFFFFF970]  }
0x482: {  	[tilespmem:v59+s17+$0x0] =	vst.idx.msk $0xffff, v58;
	v54 =	vld [tilespmem:s23+$0xFFFFFBB0];
	v55 =	vadd.s32 v26, v34  }
0x483: {  	v57 =	vadd.s32 v26, v33;
	v56 =	vld [tilespmem:s23+$0xFFFFFDB0];
	[tilespmem:v60+s17+$0x0] =	vst.idx.msk $0xffff, v44  }
0x484: {  	v58 =	vadd.s32 v23, v36;
	v44 =	vld [tilespmem:s25+$0xFFFFFF80];
	[tilespmem:v62+s17+$0x0] =	vst.idx.msk $0xffff, v61  }
0x485: {  	v59 =	vadd.s32 v23, v38;
	[tilespmem:v52+s17+$0x0] =	vst.idx.msk $0xffff, v63;
	v35 =	vld [tilespmem:s25+$0xFFFFFB80]  }
0x486: {  	v60 =	vadd.s32 v23, v39;
	[tilespmem:v53+s17+$0x0] =	vst.idx.msk $0xffff, v43;
	v41 =	vld [tilespmem:s25+$0xFFFFFD80]  }
0x487: {  	[tilespmem:v55+s17+$0x0] =	vst.idx.msk $0xffff, v54;
	v61 =	vadd.s32 v23, v37;
	v43 =	vld [tilespmem:s25+$0xFFFFF980]  }
0x488: {  	[tilespmem:v57+s17+$0x0] =	vst.idx.msk $0xffff, v56;
	v62 =	vld [tilespmem:s23+$0xFFFFF9B0];
	v63 =	vadd.s32 v26, v32  }
0x489: {  	v52 =	vld [tilespmem:s23+$0xFFFFFBC0];
	v53 =	vadd.s32 v27, v34;
	[tilespmem:v58+s17+$0x0] =	vst.idx.msk $0xffff, v44  }
0x48a: {  	v54 =	vadd.s32 v24, v36;
	v44 =	vld [tilespmem:s25+$0xFFFFFF90];
	[tilespmem:v59+s17+$0x0] =	vst.idx.msk $0xffff, v35  }
0x48b: {  	v55 =	vadd.s32 v24, v38;
	[tilespmem:v60+s17+$0x0] =	vst.idx.msk $0xffff, v41;
	v35 =	vld [tilespmem:s25+$0xFFFFFB90]  }
0x48c: {  	v56 =	vadd.s32 v24, v39;
	[tilespmem:v61+s17+$0x0] =	vst.idx.msk $0xffff, v43;
	v41 =	vld [tilespmem:s25+$0xFFFFFD90]  }
0x48d: {  	v57 =	vadd.s32 v24, v37;
	[tilespmem:v63+s17+$0x0] =	vst.idx.msk $0xffff, v62;
	v43 =	vld [tilespmem:s25+$0xFFFFF990]  }
0x48e: {  	[tilespmem:v53+s17+$0x0] =	vst.idx.msk $0xffff, v52;
	v58 =	vld [tilespmem:s23+$0xFFFFFDC0];
	v59 =	vadd.s32 v27, v33  }
0x48f: {  	v60 =	vld [tilespmem:s23+$0xFFFFF9C0];
	v61 =	vadd.s32 v27, v32;
	[tilespmem:v54+s17+$0x0] =	vst.idx.msk $0xffff, v44  }
0x490: {  	v62 =	vadd.s32 v25, v36;
	v44 =	vld [tilespmem:s25+$0xFFFFFFA0];
	[tilespmem:v55+s17+$0x0] =	vst.idx.msk $0xffff, v35  }
0x491: {  	v63 =	vadd.s32 v25, v38;
	[tilespmem:v56+s17+$0x0] =	vst.idx.msk $0xffff, v41;
	v35 =	vld [tilespmem:s25+$0xFFFFFBA0]  }
0x492: {  	v52 =	vadd.s32 v25, v39;
	[tilespmem:v57+s17+$0x0] =	vst.idx.msk $0xffff, v43;
	v41 =	vld [tilespmem:s25+$0xFFFFFDA0]  }
0x493: {  	v53 =	vadd.s32 v25, v37;
	[tilespmem:v59+s17+$0x0] =	vst.idx.msk $0xffff, v58;
	v43 =	vld [tilespmem:s25+$0xFFFFF9A0]  }
0x494: {  	[tilespmem:v61+s17+$0x0] =	vst.idx.msk $0xffff, v60;
	v54 =	vld [tilespmem:s23+$0xFFFFFBD0];
	v55 =	vadd.s32 v28, v34  }
0x495: {  	v56 =	vld [tilespmem:s23+$0xFFFFFDD0];
	v57 =	vadd.s32 v28, v33;
	[tilespmem:v62+s17+$0x0] =	vst.idx.msk $0xffff, v44  }
0x496: {  	v58 =	vadd.s32 v26, v36;
	v44 =	vld [tilespmem:s25+$0xFFFFFFB0];
	[tilespmem:v63+s17+$0x0] =	vst.idx.msk $0xffff, v35  }
0x497: {  	v59 =	vadd.s32 v26, v38;
	[tilespmem:v52+s17+$0x0] =	vst.idx.msk $0xffff, v41;
	v35 =	vld [tilespmem:s25+$0xFFFFFBB0]  }
0x498: {  	v60 =	vadd.s32 v26, v39;
	[tilespmem:v53+s17+$0x0] =	vst.idx.msk $0xffff, v43;
	v41 =	vld [tilespmem:s25+$0xFFFFFDB0]  }
0x499: {  	v61 =	vadd.s32 v26, v37;
	[tilespmem:v55+s17+$0x0] =	vst.idx.msk $0xffff, v54;
	v43 =	vld [tilespmem:s25+$0xFFFFF9B0]  }
0x49a: {  	v62 =	vld [tilespmem:s23+$0xFFFFF9D0];
	[tilespmem:v57+s17+$0x0] =	vst.idx.msk $0xffff, v56;
	v63 =	vadd.s32 v28, v32  }
0x49b: {  	v52 =	vld [tilespmem:s23+$0xFFFFFBE0];
	v53 =	vadd.s32 v29, v34;
	[tilespmem:v58+s17+$0x0] =	vst.idx.msk $0xffff, v44  }
0x49c: {  	v54 =	vadd.s32 v27, v36;
	v44 =	vld [tilespmem:s25+$0xFFFFFFC0];
	[tilespmem:v59+s17+$0x0] =	vst.idx.msk $0xffff, v35  }
0x49d: {  	v55 =	vadd.s32 v27, v38;
	[tilespmem:v60+s17+$0x0] =	vst.idx.msk $0xffff, v41;
	v35 =	vld [tilespmem:s25+$0xFFFFFBC0]  }
0x49e: {  	v56 =	vadd.s32 v27, v39;
	[tilespmem:v61+s17+$0x0] =	vst.idx.msk $0xffff, v43;
	v41 =	vld [tilespmem:s25+$0xFFFFFDC0]  }
0x49f: {  	v57 =	vadd.s32 v27, v37;
	[tilespmem:v63+s17+$0x0] =	vst.idx.msk $0xffff, v62;
	v43 =	vld [tilespmem:s25+$0xFFFFF9C0]  }
0x4a0: {  	[tilespmem:v53+s17+$0x0] =	vst.idx.msk $0xffff, v52;
	v58 =	vld [tilespmem:s23+$0xFFFFFDE0];
	v59 =	vadd.s32 v29, v33  }
0x4a1: {  	v60 =	vld [tilespmem:s23+$0xFFFFF9E0];
	v61 =	vadd.s32 v29, v32;
	[tilespmem:v54+s17+$0x0] =	vst.idx.msk $0xffff, v44  }
0x4a2: {  	v62 =	vadd.s32 v28, v36;
	v44 =	vld [tilespmem:s25+$0xFFFFFFD0];
	[tilespmem:v55+s17+$0x0] =	vst.idx.msk $0xffff, v35  }
0x4a3: {  	v63 =	vadd.s32 v28, v38;
	[tilespmem:v56+s17+$0x0] =	vst.idx.msk $0xffff, v41;
	v35 =	vld [tilespmem:s25+$0xFFFFFBD0]  }
0x4a4: {  	v52 =	vadd.s32 v28, v39;
	[tilespmem:v57+s17+$0x0] =	vst.idx.msk $0xffff, v43;
	v41 =	vld [tilespmem:s25+$0xFFFFFDD0]  }
0x4a5: {  	v53 =	vadd.s32 v28, v37;
	[tilespmem:v59+s17+$0x0] =	vst.idx.msk $0xffff, v58;
	v43 =	vld [tilespmem:s25+$0xFFFFF9D0]  }
0x4a6: {  	[tilespmem:v61+s17+$0x0] =	vst.idx.msk $0xffff, v60;
	v54 =	vld [tilespmem:s23+$0xFFFFFBF0];
	v55 =	vadd.s32 v30, v34  }
0x4a7: {  	v56 =	vld [tilespmem:s23+$0xFFFFFDF0];
	v57 =	vadd.s32 v30, v33;
	[tilespmem:v62+s17+$0x0] =	vst.idx.msk $0xffff, v44  }
0x4a8: {  	v58 =	vadd.s32 v29, v36;
	v44 =	vld [tilespmem:s25+$0xFFFFFFE0];
	[tilespmem:v63+s17+$0x0] =	vst.idx.msk $0xffff, v35  }
0x4a9: {  	v59 =	vadd.s32 v29, v38;
	[tilespmem:v52+s17+$0x0] =	vst.idx.msk $0xffff, v41;
	v35 =	vld [tilespmem:s25+$0xFFFFFBE0]  }
0x4aa: {  	v60 =	vadd.s32 v29, v39;
	[tilespmem:v53+s17+$0x0] =	vst.idx.msk $0xffff, v43;
	v41 =	vld [tilespmem:s25+$0xFFFFFDE0]  }
0x4ab: {  	v61 =	vadd.s32 v29, v37;
	[tilespmem:v55+s17+$0x0] =	vst.idx.msk $0xffff, v54;
	v43 =	vld [tilespmem:s25+$0xFFFFF9E0]  }
0x4ac: {  	v62 =	vld [tilespmem:s23+$0xFFFFF9F0];
	[tilespmem:v57+s17+$0x0] =	vst.idx.msk $0xffff, v56;
	v63 =	vadd.s32 v30, v32  }
0x4ad: {  	v52 =	vld [tilespmem:s23+$0xFFFFFC00];
	v53 =	vadd.s32 v31, v34;
	[tilespmem:v58+s17+$0x0] =	vst.idx.msk $0xffff, v44  }
0x4ae: {  	v54 =	vadd.s32 v30, v36;
	v44 =	vld [tilespmem:s25+$0xFFFFFFF0];
	[tilespmem:v59+s17+$0x0] =	vst.idx.msk $0xffff, v35  }
0x4af: {  	v55 =	vadd.s32 v30, v38;
	[tilespmem:v60+s17+$0x0] =	vst.idx.msk $0xffff, v41;
	v35 =	vld [tilespmem:s25+$0xFFFFFBF0]  }
0x4b0: {  	v56 =	vadd.s32 v30, v39;
	[tilespmem:v61+s17+$0x0] =	vst.idx.msk $0xffff, v43;
	v41 =	vld [tilespmem:s25+$0xFFFFFDF0]  }
0x4b1: {  	v57 =	vadd.s32 v30, v37;
	[tilespmem:v63+s17+$0x0] =	vst.idx.msk $0xffff, v62;
	v43 =	vld [tilespmem:s25+$0xFFFFF9F0]  }
0x4b2: {  	[tilespmem:v53+s17+$0x0] =	vst.idx.msk $0xffff, v52;
	v58 =	vld [tilespmem:s23+$0xFFFFFE00];
	v59 =	vadd.s32 v31, v33  }
0x4b3: {  	v47 =	vld [tilespmem:s23+$0xFFFFFA00];
	v60 =	vadd.s32 v31, v32;
	[tilespmem:v54+s17+$0x0] =	vst.idx.msk $0xffff, v44  }
0x4b4: {  	v36 =	vadd.s32 v31, v36;
	v44 =	vld [tilespmem:s25+$0x0];
	[tilespmem:v55+s17+$0x0] =	vst.idx.msk $0xffff, v35  }
0x4b5: {  	v38 =	vadd.s32 v31, v38;
	[tilespmem:v56+s17+$0x0] =	vst.idx.msk $0xffff, v41;
	v35 =	vld [tilespmem:s25+$0xFFFFFC00]  }
0x4b6: {  	v39 =	vadd.s32 v31, v39;
	[tilespmem:v57+s17+$0x0] =	vst.idx.msk $0xffff, v43;
	v61 =	vld [tilespmem:s25+$0xFFFFFE00]  }
0x4b7: {  	v63 =	vadd.s32 v31, v37;
	[tilespmem:v59+s17+$0x0] =	vst.idx.msk $0xffff, v58;
	v62 =	vld [tilespmem:s25+$0xFFFFFA00]  }
0x4b8: {  	s21 =	sshll.u32 s21, $0xE;
	[tilespmem:v60+s17+$0x0] =	vst.idx.msk $0xffff, v47  }
0x4b9: {  	s21 =	sadd.s32 s7, s21;
	[tilespmem:v36+s17+$0x0] =	vst.idx.msk $0xffff, v44  }
0x4ba: {  	s21 =	sshrl.u32 s21, $0x3;
	[tilespmem:v38+s17+$0x0] =	vst.idx.msk $0xffff, v35  }
0x4bb: {  	s24 =	simm.s32 $0xD028;
	s21 =	sadd.s32 s2, s21;
	[tilespmem:v39+s17+$0x0] =	vst.idx.msk $0xffff, v61  }
0x4bc: {  	s22 =	simm.s32 $0xD000;
	s23 =	simm.s32 $0x4;
	s25 =	sadd.s32 $0x0, s21;
	[tilespmem:v63+s17+$0x0] =	vst.idx.msk $0xffff, v62  }
.LBB2_13:
0x4bd: {  	[hbm4b:s25+s3] =	stream.linear.scatter [tilespmem:s22], [sflag:$0x4], $0x20, $0x38;
	[tilespmem:$0x12000] =	vst v63  }
0x4be: {  	s25 =	smov.u32 s23;
	s22 =	smov.u32 s24;
	p0 =	sne.s32 s23, $0x7FC  }
.Ltmp6:
0x4bf: {  	s23 =	sadd.s32 $0x4, s23;
	(pc) =	sbr.rel @p0 .LBB2_13-.Ltmp6, $2  }
0x4c0: {  	_ =	sdelay $0x2  }
0x4c1: {  	s24 =	sadd.s32 $0x28, s24;
	s25 =	sadd.s32 s25, s21  }
0x4c2: {  	s20 =	sadd.s32 $0x1, s20  }
0x4c3: {  	p0 =	sne.s32 s20, $0x12  }
.Ltmp7:
0x4c4: {  	_ = 	snop;
	(pc) =	sbr.rel @p0 .LBB2_2-.Ltmp7, $2  }
0x4c5: {  	_ =	sdelay $0x2  }
0x4c6: {  	[hbm4b:s25+s3] =	stream.linear.scatter [tilespmem:s22], [sflag:$0x4], $0x20, $0x38;
	[tilespmem:$0x12000] =	vst v63  }
0x4c7: {  	s19 =	sadd.s32 $0x1, s19  }
0x4c8: {  	_ =	swait.ge [sflag:s18], $0x4000;
	p0 =	sne.s32 s19, s9  }
.Ltmp8:
0x4c9: {  	[sflag:s18] =	ssyncset.done $0x0;
	(pc) =	sbr.rel @p0 .LBB2_1-.Ltmp8, $4  }
0x4ca: {  	[sflag:s18] =	ssyncadd.s32 $0xFFFFC000  }
0x4cb: {  	_ =	swait.ge [sflag:s16], $0x4000  }
0x4cc: {  	[sflag:s16] =	ssyncset.done $0x0  }
0x4cd: {  	[sflag:s16] =	ssyncadd.s32 $0xFFFFC000  }
0x4ce: {  	_ =	sfence.sel $0x180000  }
0x4cf: {  	[bflag:$0x0] =	sbarrier.arrive $0xFFFF  }
0x4d0: {  	p0 =	sne.s32 s0, $0x0;
	_ =	strace $0x9000004A  }
0x4d1: {  	s0 =	sadd.s32 @!p0 $0x100000, s1;
	[bflag:$0x2] =	sbarrier.arrive $0xFFFF  }
0x4d2: {  	[sflag:s0] =	ssyncadd.tile.s32 @!p0 $0x1;
	_ =	shalt  }
.Lfunc_end2:
_tile_overlayer_lowered:
.L_overlay_start_2:
0x4d3: {  	(tag) =	ssettag $0x2  }
0x4d4: {  	s0 =	rddreg [dreg:$0x0];
	s2 =	stileid.u32  }
0x4d5: {  	s1 =	rddreg [dreg:$0x1];
	p0 =	sne.s32 s2, $0x0  }
0x4d6: {  	s3 =	rddreg [dreg:$0x2];
	[bflag:$0x3] =	sbarrier.arrive $0xFFFF;
	s2 =	simm.s32 @!p0 $0x1C05  }
0x4d7: {  	[timem:s3], [sflag:s2] =	dma.local @!p0 [hbm:s0], s1  }
0x4d8: {  	s0 =	simm.s32 @!p0 $0x5  }
0x4d9: {  	_ =	swait.ge @!p0 [sflag:s0], s1  }
0x4da: {  	s1 =	ssub.s32 @!p0 $0x0, s1;
	[sflag:s0] =	ssyncset.done @!p0 $0x0  }
0x4db: {  	[sflag:s0] =	ssyncadd.s32 @!p0 s1  }
0x4dc: {  	[bflag:$0x3] =	sbarrier.arrive $0xFFFF  }
0x4dd: {  	_ =	shalt  }

// kernel: sparse-core-data-format-call.1.cloned.1.call-start
scs
called_computation.1_lowered:
.L_overlay_start_0:
0x0: {  	s2 =	sld [smem:$0x3FD9]  }
0x1: {  	s3 =	sld [smem:$0x3FFE];
	_ =	sdelay $0x1  }
0x2: {  	s1 =	srdreg.scid  }
0x3: {  	s0 =	sand.u32 $0x1, s1  }
0x4: {  	s18 =	sshll.u32 s0, $0xA;
	s2 =	sadd.s32 s3, s2  }
0x5: {  	s2 =	sadd.s32 s2, s18  }
0x6: {  	[smem:$0x3FC7] =	sst s2  }
0x7: {  	_ = 	snop  }
0x8: {  	s2 =	sld [smem:$0x3FC9];
	(tm) =	ssettm $0x1  }
0x9: {  	s19 =	sld [smem:$0x3FFB];
	_ =	sdelay $0x3  }
0xa: {  	_ =	strace s19  }
0xb: {  	s3 =	sld [smem:$0x3FFC];
	_ =	sdelay $0x3  }
0xc: {  	_ =	strace s3  }
0xd: {  	s3 =	sld [smem:$0x3FFD];
	_ =	sdelay $0x3  }
0xe: {  	_ =	strace s3  }
0xf: {  	_ =	strace $0x8FFFFFFF  }
0x10: {  	s20 =	sld [smem:$0x3FDB];
	_ =	sdelay $0x1  }
0x11: {  	s4 =	simm.s32 $_scs_section_size  }
0x12: {  	s5 =	simm.s32 $_size__tile_overlayer_lowered;
	s6 =	simm.s32 $_tile_overlayer_lowered  }
0x13: {  	s23 =	simm.s32 $0x1BFF;
	s22 =	sshll.u32 s6, $0x1;
	s3 =	sadd.s32 s4, s20  }
0x14: {  	s7 =	simm.s32 $0x0;
	s21 =	sshll.u32 s5, $0x1;
	s5 =	sadd.s32 s22, s3  }
0x15: {  	[timem:s7], [sflag:s23] =	dma.local [hbm:s5], s21  }
0x16: {  	_ =	swait.ge [sflag:s23], s21  }
0x17: {  	s4 =	ssub.s32 $0x0, s21;
	[sflag:s23] =	ssyncset.done $0x0  }
0x18: {  	[sflag:s23] =	ssyncadd.s32 s4;
	_ =	sdelay $0x1  }
0x19: {  	s24 =	simm.s32 $0x1B8B  }
0x1a: {  	_ =	swait.ge [sflag:s24], $0x1  }
0x1b: {  	[sflag:s24] =	ssyncset.done $0x0  }
0x1c: {  	s26 =	simm.s32 $0x1B8E;
	s25 =	sld [smem:$0x3FFE];
	[sflag:s24] =	ssyncadd.s32 $0xFFFFFFFF  }
0x1d: {  	s27 =	simm.s32 $execute0_lowered;
	[smem:$0x3FD2] =	sst s26  }
0x1e: {  	s5 =	sshll.u32 s27, $0x1;
	_ =	strace $0x80000046;
	[dreg:$0x1] =	wrdreg $0xFFFFFFFF  }
0x1f: {  	s28 =	simm.s32 $_size_execute0_lowered;
	s3 =	sadd.s32 s3, s5;
	[dreg:$0x0] =	wrdreg $0x0  }
0x20: {  	s5 =	sshll.u32 s28, $0x1;
	[dreg:$0x2] =	wrdreg s3  }
0x21: {  	[dreg:$0x3] =	wrdreg s5  }
0x22: {  	[dreg:$0x4] =	wrdreg $0xC0  }
0x23: {  	_ =	task [dreg:s7], $0x5FFFF  }
0x24: {  	[dreg:$0x1] =	wrdreg $0xFFFFFFFF  }
0x25: {  	[dreg:$0x0] =	wrdreg $0x60  }
0x26: {  	[dreg:$0x2] =	wrdreg s2  }
0x27: {  	[dreg:$0x3] =	wrdreg s25  }
0x28: {  	[dreg:$0x4] =	wrdreg $0x9  }
0x29: {  	_ =	task.clear_ibuf [dreg:s7], $0x5FFFF;
	_ =	strace $0x90000046  }
0x2a: {  	s29 =	simm.s32 $0x9;
	_ =	strace $0x80000048  }
0x2b: {  	_ =	swait.ge [sflag:s29], $0x1  }
0x2c: {  	[sflag:s29] =	ssyncadd.s32 $0xFFFFFFFF  }
0x2d: {  	_ =	strace $0x90000048  }
0x2e: {  	_ =	sfence  }
0x2f: {  	s30 =	sld [smem:$0x0];
	_ =	sdelay $0x2  }
0x30: {  	s31 =	sshll.u32 s1, $0xD;
	s1 =	sshrl.u32 s1, $0x2  }
0x31: {  	s3 =	sand.u32 $0x4000, s31;
	s1 =	sadd.s32 s1, s30  }
0x32: {  	s0 =	sor.u32 s3, s0;
	s1 =	sshll.u32 s1, $0x11  }
0x33: {  	s0 =	sor.u32 s1, s0  }
0x34: {  	s0 =	sadd.s32 $0x8F2B, s0  }
0x35: {  	[sflag:s0] =	ssyncadd.remote.s32 $0x1  }
0x36: {  	_ =	sfence.sel $0xFFFF  }
0x37: {  	[dreg:$0x0] =	wrdreg $0xFFFFFFFF;
	(pc) =	sbr.abs _section_cstart, $3  }
0x38: {  	[dreg:$0x1] =	wrdreg $0xFFFFFFFF  }
0x39: {  	_ =	task.clear_ibuf [dreg:s7], $0x2FFFF;
	_ =	strace $0x9FFFFFFF  }
0x3a: {  	(tm) =	ssettm $0x7FFFFFFF  }
0x3b: {  	_ =	shalt  }
tec
execute0_lowered:
.L_overlay_start_1:
0x0: {  	(tag) =	ssettag $0x1  }
0x1: {  	s1 =	rddreg [dreg:$0x0]  }
0x2: {  	s0 =	srdreg.scid;
	s2 =	rddreg [dreg:$0x1];
	s5 =	simm.s32 $0x1  }
0x3: {  	s8 =	simm.s32 $0x2;
	s14 =	simm.s32 $0x0;
	s9 =	simm.s32 $0x24000  }
0x4: {  	s10 =	simm.s32 $0x0;
	s15 =	simm.s32 $0x0;
	s3 =	sshll.u32 s0, $0x4  }
0x5: {  	s12 =	stileid.u32;
	s13 =	simm.s32 $0x0;
	s3 =	sand.u32 $0x10, s3  }
.Ltmp0:
0x6: {  	s0 =	rddreg [dreg:$0x2];
	s6 =	ssub.s32 $0x480, s3;
	(pc) =	sbr.rel .LBB1_1-.Ltmp0, $4  }
0x7: {  	_ =	strace $0x80000047;
	s4 =	sadd.s32 $0xC00, s2;
	s7 =	sshrl.u32 s6, $0x4  }
0x8: {  	[sflag:s5] =	ssyncpa.u1 $0x0;
	s6 =	sshrl.u32 s6, $0x5;
	s7 =	sand.u32 $0x1, s7  }
0x9: {  	s2 =	stileid.u32;
	[sflag:s8] =	ssyncpa.u1 $0x0;
	s6 =	sadd.s32 s6, s7  }
0xa: {  	s8 =	simm.s32 $0x800;
	s11 =	smov.u32 s3;
	s7 =	sadd.s32 $0x1, s6  }
.LBB1_7:
0xb: {  	s16 =	sadd.s32 $0x20, s11  }
0xc: {  	s14 =	sadd.s32 $0x10, s12;
	s18 =	smov.u32 s12;
	p1 =	sgt.s32 s16, $0x47F  }
0xd: {  	s18 =	smov.u32 @p1 s14  }
0xe: {  	s16 =	smov.u32 @p1 s3;
	p1 =	sgt.s32 s18, $0xF  }
0xf: {  	s18 =	smov.u32 @p1 s2;
	p1 =	sne.s32 s13, s7  }
.Ltmp1:
0x10: {  	p0 =	slt.u32 s13, $0x2;
	(pc) =	sbr.rel @!p1 .LBB1_8-.Ltmp1, $4  }
0x11: {  	s17 =	simm.s32 @!p0 $0x2  }
0x12: {  	s15 =	smov.u32 s12;
	s10 =	sadd.s32 $0x4000, s10;
	_ =	swait.ge @!p0 [sflag:s17], $0x4000  }
0x13: {  	s14 =	smov.u32 s11;
	[sflag:s17] =	ssyncset.done @!p0 $0x0;
	s11 =	smov.u32 s16  }
0x14: {  	s13 =	sadd.s32 $0x1, s13;
	[sflag:s17] =	ssyncadd.s32 @!p0 $0xFFFFC000;
	s12 =	smov.u32 s18  }
.LBB1_1:
0x15: {  	p0 =	sge.u32 s13, s6  }
0x16: {  	s16 =	smul.u32 @!p0 $0x24000, s12  }
0x17: {  	s31 =	sadd.s32 $0xFFFFFFFF, s13;
	s17 =	sxor.u32 @!p0 $0xFFFFFFFF, s13  }
0x18: {  	s18 =	sshll.u32 @!p0 s11, $0x7;
	s17 =	sshll.u32 @!p0 s17, $0xE;
	s16 =	sadd.s32 @!p0 s1, s16  }
0x19: {  	s17 =	sand.u32 @!p0 $0x4000, s17;
	s16 =	sadd.s32 @!p0 s18, s16;
	s18 =	simm.s32 @!p0 $0x0  }
0x1a: {  	[tilespmem:s17], [sflag:$0x1] =	stream.linear.gather @!p0 [hbm4b:s16+s18], $0x4000, $0x38;
	[tilespmem:$0x10000] =	vst v63  }
0x1b: {  	p0 =	sge.u32 s31, s6  }
.Ltmp2:
0x1c: {  	_ = 	snop;
	(pc) =	sbr.rel @p0 .LBB1_7-.Ltmp2, $1  }
0x1d: {  	_ =	sdelay $0x3  }
0x1e: {  	s16 =	sand.u32 $0x4000, s10  }
0x1f: {  	_ =	swait.ge [sflag:s5], $0x4000;
	s19 =	sshll.u32 s13, $0xE;
	s17 =	sor.u32 $0x8040, s16  }
0x20: {  	s18 =	sor.u32 $0x40, s16;
	[sflag:s5] =	ssyncset.done $0x0;
	s31 =	sand.u32 $0x4000, s19  }
0x21: {  	s19 =	simm.s32 $0x0;
	[sflag:s5] =	ssyncadd.s32 $0xFFFFC000;
	s16 =	sor.u32 $0x8000, s31  }
.LBB1_3:
0x22: {  	v0 =	vmov s18;
	_ =	sdelay $0x3  }
0x23: {  	s21 =	simm.s32 $0x0  }
0x24: {  	v6 =	vld.idx.msk [tilespmem:v0+s21+$0x30 ss:$0x1], $0xffff  }
0x25: {  	v7 =	vld.idx.msk [tilespmem:v0+s21+$0xFFFFFFC0 ss:$0x1], $0xffff  }
0x26: {  	v5 =	vld.idx.msk [tilespmem:v0+s21+$0xFFFFFFD0 ss:$0x1], $0xffff  }
0x27: {  	v4 =	vld.idx.msk [tilespmem:v0+s21+$0xFFFFFFE0 ss:$0x1], $0xffff  }
0x28: {  	v3 =	vld.idx.msk [tilespmem:v0+s21+$0xFFFFFFF0 ss:$0x1], $0xffff  }
0x29: {  	v1 =	vld.idx.msk [tilespmem:v0+s21+$0x0 ss:$0x1], $0xffff  }
0x2a: {  	v2 =	vld.idx.msk [tilespmem:v0+s21+$0x10 ss:$0x1], $0xffff;
	[tilespmem:s17+$0x30] =	vst v6  }
0x2b: {  	s20 =	simm.s32 $0x80;
	s22 =	simm.s32 $0x400;
	[tilespmem:s17+$0xFFFFFFC0] =	vst v7;
	v6 =	vld.idx.msk [tilespmem:v0+s21+$0x20 ss:$0x1], $0xffff;
	s21 =	smov.u32 s17  }
.LBB1_4:
0x2c: {  	p0 =	sne.s32 s22, $0xE00;
	v7 =	vld.idx.msk [tilespmem:v0+s20+$0x30 ss:$0x1], $0xffff;
	[tilespmem:s21+$0xFFFFFFD0] =	vst v5  }
0x2d: {  	v8 =	vld.idx.msk [tilespmem:v0+s20+$0xFFFFFFC0 ss:$0x1], $0xffff;
	[tilespmem:s21+$0xFFFFFFE0] =	vst v4  }
0x2e: {  	v5 =	vld.idx.msk [tilespmem:v0+s20+$0xFFFFFFD0 ss:$0x1], $0xffff;
	[tilespmem:s21+$0xFFFFFFF0] =	vst v3  }
.Ltmp3:
0x2f: {  	v4 =	vld.idx.msk [tilespmem:v0+s20+$0xFFFFFFE0 ss:$0x1], $0xffff;
	[tilespmem:s21+$0x0] =	vst v1;
	(pc) =	sbr.rel @p0 .LBB1_4-.Ltmp3, $4  }
0x30: {  	v3 =	vld.idx.msk [tilespmem:v0+s20+$0xFFFFFFF0 ss:$0x1], $0xffff;
	[tilespmem:s21+$0x10] =	vst v2  }
0x31: {  	v1 =	vld.idx.msk [tilespmem:v0+s20+$0x0 ss:$0x1], $0xffff;
	[tilespmem:s21+$0x20] =	vst v6;
	s21 =	sadd.s32 $0x800, s21  }
0x32: {  	v2 =	vld.idx.msk [tilespmem:v0+s20+$0x10 ss:$0x1], $0xffff;
	[tilespmem:s21+$0x30] =	vst v7  }
0x33: {  	[tilespmem:s21+$0xFFFFFFC0] =	vst v8;
	v6 =	vld.idx.msk [tilespmem:v0+s20+$0x20 ss:$0x1], $0xffff;
	s20 =	sshra.s32 s22, $0x2;
	s22 =	sadd.s32 $0x200, s22  }
0x34: {  	_ =	sdelay $0x2  }
0x35: {  	[tilespmem:s21+$0xFFFFFFD0] =	vst v5  }
0x36: {  	v56 =	vld.idx.msk [tilespmem:v0+s20+$0x30 ss:$0x1], $0xffff;
	[tilespmem:s21+$0xFFFFFFE0] =	vst v4  }
0x37: {  	v57 =	vld.idx.msk [tilespmem:v0+s20+$0xFFFFFFC0 ss:$0x1], $0xffff;
	[tilespmem:s21+$0xFFFFFFF0] =	vst v3  }
0x38: {  	v58 =	vld.idx.msk [tilespmem:v0+s20+$0xFFFFFFD0 ss:$0x1], $0xffff;
	[tilespmem:s21+$0x0] =	vst v1  }
0x39: {  	v59 =	vld.idx.msk [tilespmem:v0+s20+$0xFFFFFFE0 ss:$0x1], $0xffff;
	[tilespmem:s21+$0x10] =	vst v2  }
0x3a: {  	v60 =	vld.idx.msk [tilespmem:v0+s20+$0xFFFFFFF0 ss:$0x1], $0xffff;
	s31 =	sadd.s32 $0x800, s21;
	[tilespmem:s21+$0x20] =	vst v6  }
0x3b: {  	v61 =	vld.idx.msk [tilespmem:v0+s20+$0x0 ss:$0x1], $0xffff;
	[tilespmem:s31+$0x30] =	vst v56  }
0x3c: {  	v62 =	vld.idx.msk [tilespmem:v0+s20+$0x10 ss:$0x1], $0xffff;
	s19 =	sadd.s32 $0x1, s19;
	[tilespmem:s31+$0xFFFFFFC0] =	vst v57  }
0x3d: {  	v63 =	vld.idx.msk [tilespmem:v0+s20+$0x20 ss:$0x1], $0xffff;
	p0 =	sne.s32 s19, $0x10;
	[tilespmem:s31+$0xFFFFFFD0] =	vst v58  }
.Ltmp4:
0x3e: {  	[tilespmem:s31+$0xFFFFFFE0] =	vst v59;
	(pc) =	sbr.rel @p0 .LBB1_3-.Ltmp4, $4  }
0x3f: {  	[tilespmem:s31+$0xFFFFFFF0] =	vst v60  }
0x40: {  	[tilespmem:s31+$0x0] =	vst v61  }
0x41: {  	[tilespmem:s31+$0x10] =	vst v62  }
0x42: {  	s17 =	sadd.s32 $0x80, s17;
	s18 =	sadd.s32 $0x400, s18;
	[tilespmem:s31+$0x20] =	vst v63  }
0x43: {  	s14 =	sand.u32 $0x1FFFFFF, s14  }
0x44: {  	s17 =	smulhi.u32 $0xE38E39, s14;
	_ =	sdelay $0x1  }
0x45: {  	s15 =	smul.u32 $0x24000, s15;
	s17 =	sshrl.u32 s17, $0x2  }
0x46: {  	s17 =	smul.u32 $0x480, s17  }
.Ltmp5:
0x47: {  	_ = 	snop;
	(pc) =	sbr.rel .LBB1_7-.Ltmp5, $4  }
0x48: {  	s14 =	ssub.s32 s14, s17  }
0x49: {  	s15 =	sadd.s32 s4, s15;
	s14 =	sshll.u32 s14, $0x4  }
0x4a: {  	s14 =	sadd.s32 s14, s15  }
0x4b: {  	[hbm4b:s14+s8] =	stream.strided.scatter [tilespmem:s16], [sflag:$0x2], $0x4000, s9, s8, $0x38;
	[tilespmem:$0x10000] =	vst v63  }
.LBB1_8:
0x4c: {  	_ =	sfence.sel $0x180000  }
0x4d: {  	s1 =	simm.s32 $0x1;
	[bflag:$0x0] =	sbarrier.arrive $0xFFFF  }
0x4e: {  	s31 =	simm.s32 $0x2;
	[sflag:s1] =	ssyncpa.u1 $0x1  }
0x4f: {  	[sflag:s31] =	ssyncpa.u1 $0x1  }
0x50: {  	p0 =	sne.s32 s2, $0x0;
	_ =	strace $0x90000047  }
0x51: {  	s0 =	sadd.s32 @!p0 $0x100000, s0;
	[bflag:$0x2] =	sbarrier.arrive $0xFFFF  }
0x52: {  	[sflag:s0] =	ssyncadd.tile.s32 @!p0 $0x1;
	_ =	shalt  }
.Lfunc_end1:
_tile_overlayer_lowered:
.L_overlay_start_2:
0x53: {  	(tag) =	ssettag $0x2  }
0x54: {  	s0 =	rddreg [dreg:$0x0];
	s2 =	stileid.u32  }
0x55: {  	s1 =	rddreg [dreg:$0x1];
	p0 =	sne.s32 s2, $0x0  }
0x56: {  	s3 =	rddreg [dreg:$0x2];
	[bflag:$0x3] =	sbarrier.arrive $0xFFFF;
	s2 =	simm.s32 @!p0 $0x1C01  }
0x57: {  	[timem:s3], [sflag:s2] =	dma.local @!p0 [hbm:s0], s1  }
0x58: {  	s0 =	simm.s32 @!p0 $0x1  }
0x59: {  	_ =	swait.ge @!p0 [sflag:s0], s1  }
0x5a: {  	s1 =	ssub.s32 @!p0 $0x0, s1;
	[sflag:s0] =	ssyncset.done @!p0 $0x0  }
0x5b: {  	[sflag:s0] =	ssyncadd.s32 @!p0 s1  }
0x5c: {  	[bflag:$0x3] =	sbarrier.arrive $0xFFFF  }
0x5d: {  	_ =	shalt  }

// kernel: sparse-core-data-format-call.cloned.1.call-start
scs
called_computation_lowered:
.L_overlay_start_0:
0x0: {  	s2 =	sld [smem:$0x3FD9]  }
0x1: {  	s3 =	sld [smem:$0x3FFE];
	_ =	sdelay $0x1  }
0x2: {  	s1 =	srdreg.scid  }
0x3: {  	s0 =	sand.u32 $0x1, s1  }
0x4: {  	s18 =	sshll.u32 s0, $0xA;
	s2 =	sadd.s32 s3, s2  }
0x5: {  	s2 =	sadd.s32 s2, s18  }
0x6: {  	[smem:$0x3FC7] =	sst s2  }
0x7: {  	_ = 	snop  }
0x8: {  	s2 =	sld [smem:$0x3FD0];
	(tm) =	ssettm $0x1  }
0x9: {  	s19 =	sld [smem:$0x3FFB];
	_ =	sdelay $0x3  }
0xa: {  	_ =	strace s19  }
0xb: {  	s3 =	sld [smem:$0x3FFC];
	_ =	sdelay $0x3  }
0xc: {  	_ =	strace s3  }
0xd: {  	s3 =	sld [smem:$0x3FFD];
	_ =	sdelay $0x3  }
0xe: {  	_ =	strace s3  }
0xf: {  	_ =	strace $0x8FFFFFFF  }
0x10: {  	s20 =	sld [smem:$0x3FDB];
	_ =	sdelay $0x1  }
0x11: {  	s4 =	simm.s32 $_scs_section_size  }
0x12: {  	s5 =	simm.s32 $_size__tile_overlayer_lowered;
	s6 =	simm.s32 $_tile_overlayer_lowered  }
0x13: {  	s23 =	simm.s32 $0x1BFF;
	s22 =	sshll.u32 s6, $0x1;
	s3 =	sadd.s32 s4, s20  }
0x14: {  	s7 =	simm.s32 $0x0;
	s21 =	sshll.u32 s5, $0x1;
	s5 =	sadd.s32 s22, s3  }
0x15: {  	[timem:s7], [sflag:s23] =	dma.local [hbm:s5], s21  }
0x16: {  	_ =	swait.ge [sflag:s23], s21  }
0x17: {  	s4 =	ssub.s32 $0x0, s21;
	[sflag:s23] =	ssyncset.done $0x0  }
0x18: {  	[sflag:s23] =	ssyncadd.s32 s4;
	_ =	sdelay $0x1  }
0x19: {  	s24 =	simm.s32 $0x1B8B  }
0x1a: {  	_ =	swait.ge [sflag:s24], $0x1  }
0x1b: {  	[sflag:s24] =	ssyncset.done $0x0  }
0x1c: {  	s26 =	simm.s32 $0x1B8E;
	s25 =	sld [smem:$0x3FFE];
	[sflag:s24] =	ssyncadd.s32 $0xFFFFFFFF  }
0x1d: {  	s27 =	simm.s32 $execute0_lowered;
	[smem:$0x3FD2] =	sst s26  }
0x1e: {  	s5 =	sshll.u32 s27, $0x1;
	_ =	strace $0x8000004C;
	[dreg:$0x1] =	wrdreg $0xFFFFFFFF  }
0x1f: {  	s28 =	simm.s32 $_size_execute0_lowered;
	s3 =	sadd.s32 s3, s5;
	[dreg:$0x0] =	wrdreg $0x0  }
0x20: {  	s5 =	sshll.u32 s28, $0x1;
	[dreg:$0x2] =	wrdreg s3  }
0x21: {  	[dreg:$0x3] =	wrdreg s5  }
0x22: {  	[dreg:$0x4] =	wrdreg $0xC0  }
0x23: {  	_ =	task [dreg:s7], $0x5FFFF  }
0x24: {  	[dreg:$0x1] =	wrdreg $0xFFFFFFFF  }
0x25: {  	[dreg:$0x0] =	wrdreg $0x60  }
0x26: {  	[dreg:$0x2] =	wrdreg s25  }
0x27: {  	[dreg:$0x3] =	wrdreg s2  }
0x28: {  	[dreg:$0x4] =	wrdreg $0x9  }
0x29: {  	_ =	task.clear_ibuf [dreg:s7], $0x5FFFF;
	_ =	strace $0x9000004C  }
0x2a: {  	s29 =	simm.s32 $0x9;
	_ =	strace $0x8000004E  }
0x2b: {  	_ =	swait.ge [sflag:s29], $0x1  }
0x2c: {  	[sflag:s29] =	ssyncadd.s32 $0xFFFFFFFF  }
0x2d: {  	_ =	strace $0x9000004E  }
0x2e: {  	_ =	sfence  }
0x2f: {  	s30 =	sld [smem:$0x0];
	_ =	sdelay $0x2  }
0x30: {  	s31 =	sshll.u32 s1, $0xD;
	s1 =	sshrl.u32 s1, $0x2  }
0x31: {  	s3 =	sand.u32 $0x4000, s31;
	s1 =	sadd.s32 s1, s30  }
0x32: {  	s0 =	sor.u32 s3, s0;
	s1 =	sshll.u32 s1, $0x11  }
0x33: {  	s0 =	sor.u32 s1, s0  }
0x34: {  	s0 =	sadd.s32 $0x8F2B, s0  }
0x35: {  	[sflag:s0] =	ssyncadd.remote.s32 $0x1  }
0x36: {  	_ =	sfence.sel $0xFFFF  }
0x37: {  	[dreg:$0x0] =	wrdreg $0xFFFFFFFF;
	(pc) =	sbr.abs _section_cstart, $3  }
0x38: {  	[dreg:$0x1] =	wrdreg $0xFFFFFFFF  }
0x39: {  	_ =	task.clear_ibuf [dreg:s7], $0x2FFFF;
	_ =	strace $0x9FFFFFFF  }
0x3a: {  	(tm) =	ssettm $0x7FFFFFFF  }
0x3b: {  	_ =	shalt  }
tec
execute0_lowered:
.L_overlay_start_1:
0x0: {  	(tag) =	ssettag $0x1  }
0x1: {  	s0 =	srdreg.scid  }
0x2: {  	s1 =	sshll.u32 s0, $0x4  }
0x3: {  	s4 =	rddreg [dreg:$0x0];
	s0 =	stileid.u32;
	s1 =	sand.u32 $0x10, s1  }
0x4: {  	s2 =	rddreg [dreg:$0x1];
	s7 =	simm.s32 $0x1;
	s1 =	sor.u32 s0, s1  }
0x5: {  	s8 =	simm.s32 $0x2;
	s11 =	simm.s32 $0x0;
	s3 =	sshll.u32 s1, $0x7  }
0x6: {  	s10 =	simm.s32 $0x0;
	s4 =	sadd.s32 $0xC00, s4;
	s6 =	ssub.s32 $0x90000, s3  }
.Ltmp0:
0x7: {  	s1 =	rddreg [dreg:$0x2];
	s5 =	sand.u32 $0xF80, s6;
	(pc) =	sbr.rel .LBB1_1-.Ltmp0, $4  }
0x8: {  	_ =	strace $0x8000004D;
	s9 =	smov.u32 s3;
	p0 =	sne.s32 s5, $0x0  }
0x9: {  	s6 =	sshrl.u32 s6, $0xC;
	s5 =	simm.s32 $0x1;
	s7 =	simm.s32 @!p0 $0x0  }
0xa: {  	[sflag:s5] =	ssyncpa.u1 $0x0;
	p0 =	por $0x0, $0x0;
	s6 =	sadd.s32 s7, s6  }
0xb: {  	[sflag:s8] =	ssyncpa.u1 $0x0;
	s8 =	simm.s32 $0x480000;
	s7 =	sadd.s32 $0x1, s6  }
.LBB1_4:
0xc: {  	s14 =	sshll.u32 s11, $0x3  }
0xd: {  	s30 =	sand.u32 $0x7F, s11;
	s15 =	sand.u32 $0xFFFFFC00, s14  }
0xe: {  	s11 =	sor.u32 s30, s15  }
0xf: {  	s15 =	smulhi.u32 $0x38E38E39, s11  }
0x10: {  	s14 =	smulhi.u32 $0x38E38E39, s14  }
0x11: {  	s15 =	sshrl.u32 s15, $0x11  }
0x12: {  	s14 =	sshrl.u32 s14, $0x11;
	s15 =	smul.u32 $0x90000, s15  }
0x13: {  	s14 =	sand.u32 $0x1F, s14  }
0x14: {  	s14 =	smul.u32 $0x12000, s14;
	s11 =	ssub.s32 s11, s15  }
0x15: {  	s15 =	sand.u32 $0x7, s11  }
0x16: {  	s14 =	sadd.s32 s2, s14;
	s11 =	sshrl.u32 s11, $0x3;
	s15 =	sshll.u32 s15, $0x12  }
0x17: {  	[tilespmem:s13+$0x0 ss:$0x81] =	vst.msk $0xffff, v0;
	s11 =	sadd.s32 s11, s14;
	s31 =	sor.u32 $0x400, s15  }
0x18: {  	[hbm4b:s11+s31] =	stream.strided.scatter [tilespmem:s12], [sflag:$0x2], $0x1000, s8, s31, $0x20;
	[tilespmem:$0x4040] =	vst v63  }
.LBB1_5:
0x19: {  	s13 =	sadd.s32 $0x1000, s9  }
0x1a: {  	p2 =	sgt.s32 s13, $0x8FFFF  }
0x1b: {  	s13 =	smov.u32 @p2 s3;
	p2 =	sne.s32 s10, s7  }
.Ltmp1:
0x1c: {  	p1 =	slt.u32 s10, $0x2;
	(pc) =	sbr.rel @!p2 .LBB1_6-.Ltmp1, $4  }
0x1d: {  	s12 =	simm.s32 @!p1 $0x2  }
0x1e: {  	s14 =	sadd.s32 $0x1, s10;
	_ =	swait.ge @!p1 [sflag:s12], $0x1000  }
0x1f: {  	s11 =	smov.u32 s9;
	p0 =	por !p0, !p0;
	[sflag:s12] =	ssyncset.done @!p1 $0x0  }
0x20: {  	s10 =	smov.u32 s14;
	s9 =	smov.u32 s13;
	[sflag:s12] =	ssyncadd.s32 @!p1 $0xFFFFF000  }
.LBB1_1:
0x21: {  	p1 =	sge.u32 s10, s6  }
0x22: {  	s12 =	sand.u32 @!p1 $0x1FFFFFF, s9  }
0x23: {  	s13 =	smulhi.u32 @!p1 $0xE38E39, s12;
	_ =	sdelay $0x1  }
0x24: {  	s13 =	sshrl.u32 @!p1 s13, $0xB  }
0x25: {  	s13 =	smul.u32 @!p1 $0x90000, s13;
	_ =	sdelay $0x1  }
0x26: {  	s31 =	sadd.s32 $0xFFFFFFFF, s10;
	s14 =	sxor.u32 @!p1 $0xFFFFFFFF, s10;
	s12 =	ssub.s32 @!p1 s12, s13  }
0x27: {  	s15 =	simm.s32 @!p1 $0x80;
	s14 =	sshll.u32 @!p1 s14, $0xC;
	s12 =	sshll.u32 @!p1 s12, $0x4  }
0x28: {  	s13 =	sand.u32 @!p1 $0x1000, s14;
	s14 =	simm.s32 @!p1 $0x20;
	s12 =	sadd.s32 @!p1 s4, s12  }
0x29: {  	[tilespmem:s13], [sflag:$0x1] =	stream.strided.gather @!p1 [hbm4b:s12+s14], $0x1000, s15, s14, $0x38;
	[tilespmem:$0x4040] =	vst v63  }
0x2a: {  	p1 =	sge.u32 s31, s6  }
.Ltmp2:
0x2b: {  	_ = 	snop;
	(pc) =	sbr.rel @p1 .LBB1_5-.Ltmp2, $1  }
0x2c: {  	_ =	sdelay $0x3  }
0x2d: {  	s12 =	simm.s32 $0x1  }
0x2e: {  	_ =	swait.ge [sflag:s5], $0x1000;
	s12 =	simm.s32 @!p0 $0x0  }
0x2f: {  	[sflag:s5] =	ssyncset.done $0x0;
	s13 =	sshll.u32 s12, $0xC  }
0x30: {  	[sflag:s5] =	ssyncadd.s32 $0xFFFFF000;
	s16 =	sor.u32 $0x10, s13  }
0x31: {  	s12 =	smul.u32 $0x4080, s12;
	v1 =	vld [tilespmem:s16+$0x0]  }
0x32: {  	s30 =	sand.u32 $0x1, s10;
	v0 =	vld [tilespmem:s16+$0xFFFFFFF0]  }
0x33: {  	s13 =	smul.u32 $0x4080, s30;
	s12 =	sshrl.u32 s12, $0x2  }
0x34: {  	s14 =	sor.u32 $0x2000, s12  }
0x35: {  	s31 =	sshrl.u32 s13, $0x2;
	s13 =	sadd.s32 $0x0, s14  }
0x36: {  	s15 =	simm.s32 $0x4;
	s16 =	sadd.s32 $0x20, s16;
	s12 =	sor.u32 $0x2000, s31;
	[tilespmem:s13+$0x810 ss:$0x81] =	vst.msk $0xffff, v1  }
.LBB1_3:
0x37: {  	v1 =	vld [tilespmem:s16+$0x0];
	p1 =	sne.s32 s15, $0x1FC;
	[tilespmem:s13+$0x0 ss:$0x81] =	vst.msk $0xffff, v0;
	s13 =	smov.u32 s15;
	s15 =	sadd.s32 $0x4, s15  }
.Ltmp3:
0x38: {  	v0 =	vld [tilespmem:s16+$0xFFFFFFF0];
	(pc) =	sbr.rel @p1 .LBB1_3-.Ltmp3, $4  }
0x39: {  	_ = 	snop  }
0x3a: {  	s13 =	sshra.s32 s13, $0x2  }
0x3b: {  	s13 =	sadd.s32 s13, s14  }
0x3c: {  	s16 =	sadd.s32 $0x20, s16;
	[tilespmem:s13+$0x810 ss:$0x81] =	vst.msk $0xffff, v1  }
.Ltmp4:
0x3d: {  	_ = 	snop;
	(pc) =	sbr.rel .LBB1_4-.Ltmp4, $1  }
0x3e: {  	_ =	sdelay $0x3  }
.LBB1_6:
0x3f: {  	_ =	sfence.sel $0x180000  }
0x40: {  	s2 =	simm.s32 $0x1;
	[bflag:$0x0] =	sbarrier.arrive $0xFFFF  }
0x41: {  	s31 =	simm.s32 $0x2;
	[sflag:s2] =	ssyncpa.u1 $0x1  }
0x42: {  	[sflag:s31] =	ssyncpa.u1 $0x1  }
0x43: {  	p0 =	sne.s32 s0, $0x0;
	_ =	strace $0x9000004D  }
0x44: {  	s0 =	sadd.s32 @!p0 $0x100000, s1;
	[bflag:$0x2] =	sbarrier.arrive $0xFFFF  }
0x45: {  	[sflag:s0] =	ssyncadd.tile.s32 @!p0 $0x1;
	_ =	shalt  }
.Lfunc_end1:
_tile_overlayer_lowered:
.L_overlay_start_2:
0x46: {  	(tag) =	ssettag $0x2  }
0x47: {  	s0 =	rddreg [dreg:$0x0];
	s2 =	stileid.u32  }
0x48: {  	s1 =	rddreg [dreg:$0x1];
	p0 =	sne.s32 s2, $0x0  }
0x49: {  	s3 =	rddreg [dreg:$0x2];
	[bflag:$0x3] =	sbarrier.arrive $0xFFFF;
	s2 =	simm.s32 @!p0 $0x1C01  }
0x4a: {  	[timem:s3], [sflag:s2] =	dma.local @!p0 [hbm:s0], s1  }
0x4b: {  	s0 =	simm.s32 @!p0 $0x1  }
0x4c: {  	_ =	swait.ge @!p0 [sflag:s0], s1  }
0x4d: {  	s1 =	ssub.s32 @!p0 $0x0, s1;
	[sflag:s0] =	ssyncset.done @!p0 $0x0  }
0x4e: {  	[sflag:s0] =	ssyncadd.s32 @!p0 s1  }
0x4f: {  	[bflag:$0x3] =	sbarrier.arrive $0xFFFF  }
0x50: {  	_ =	shalt  }

</sc_bundles>
